<compile_context>
chip_gen: v7x
topology: tpu7x:2x2x1
jax: 0.10.2.dev20260603
libtpu: 0.0.44.dev20260713+nightly
codegen_flags: <defaults>
</compile_context>

<pallas_src>
import functools

import jax
import jax.numpy as jnp
from jax import lax
from jax.experimental import pallas as pl
from jax.experimental.pallas import tpu as pltpu
from jax.experimental.pallas import tpu_sc as plsc

_NC = 2
_NS = 16
_L = 16
_CH = 128


def _tc_transform(x, w_all):
    n, d = x.shape
    rr = w_all.shape[0]
    nb = 10
    bn = n // nb

    def body(x_ref, w_ref, o_ref):
        for r2 in range(rr):
            o_ref[r2] = jnp.dot(x_ref[...], w_ref[r2],
                                preferred_element_type=jnp.float32)

    return pl.pallas_call(
        body,
        grid=(nb,),
        in_specs=[
            pl.BlockSpec((bn, d), lambda b: (b, 0)),
            pl.BlockSpec((rr, d, d), lambda b: (0, 0, 0)),
        ],
        out_specs=pl.BlockSpec((rr, bn, d), lambda b: (0, b, 0)),
        out_shape=jax.ShapeDtypeStruct((rr, n, d), jnp.float32),
    )(x, w_all)


def _tc_finish(xw, partial, b, r):
    _, n, d = xw.shape
    nb = 10
    bn = n // nb

    def body(xw_ref, p_ref, b_ref, o_ref):
        t = xw_ref[0] + p_ref[0] + p_ref[1] + b_ref[...]
        o_ref[...] = jnp.where(t >= 0.0, t, 0.2 * t)

    return pl.pallas_call(
        body,
        grid=(nb,),
        in_specs=[
            pl.BlockSpec((1, bn, d), lambda bb: (r, bb, 0)),
            pl.BlockSpec((2, bn, d), lambda bb: (0, bb, 0)),
            pl.BlockSpec((d,), lambda bb: (0,)),
        ],
        out_specs=pl.BlockSpec((bn, d), lambda bb: (bb, 0)),
        out_shape=jax.ShapeDtypeStruct((n, d), jnp.float32),
    )(xw, partial, b)


def _hist_pad(bins):
    return ((bins + 16 * 32 - 1) // (16 * 32)) * (16 * 32)


def _sc_counts(eidx, et, e, n, r):
    nt = _NC * _NS
    nct = e // _CH
    nc_, remc = nct // nt, nct % nt
    hp = _hist_pad(r * n)
    cpt = hp // _NS
    zcw = cpt // 2

    mesh = plsc.VectorSubcoreMesh(core_axis_name="c", subcore_axis_name="s")
    chb = _CH * 4

    @functools.partial(
        pl.kernel,
        mesh=mesh,
        out_type=jax.ShapeDtypeStruct((_NC * hp,), jnp.float32),
        scratch_types=[
            pltpu.VMEM_SHARED((hp,), jnp.float32),
            pltpu.VMEM((3, 2, _CH), jnp.int32),
            pltpu.VMEM((3, _CH), jnp.int32),
            pltpu.VMEM((3, _CH), jnp.int32),
            pltpu.VMEM((_CH,), jnp.float32),
            pltpu.VMEM((zcw,), jnp.float32),
            pltpu.SemaphoreType.DMA((3,)),
            pltpu.SemaphoreType.DMA((2,)),
        ],
    )
    def k(eidx_hbm, et_hbm, out_hbm,
          cnt, eb, etb, cidxb, ones, zrow, sem_idx, sem_sca):
        c = lax.axis_index("c")
        s = lax.axis_index("s")
        gt = c * _NS + s

        def z_zrow(g, _):
            zrow[pl.ds(g * _L, _L)] = jnp.zeros((_L,), jnp.float32)
            return 0
        lax.fori_loop(0, zcw // _L, z_zrow, 0)

        def f_ones(g, _):
            ones[pl.ds(g * _L, _L)] = jnp.ones((_L,), jnp.float32)
            return 0
        lax.fori_loop(0, _CH // _L, f_ones, 0)

        for kk in range(2):
            pltpu.sync_copy(zrow.at[pl.ds(0, zcw)],
                            cnt.at[pl.ds(s * cpt + kk * zcw, zcw)])
        plsc.subcore_barrier()

        nr = nc_ + (gt < remc).astype(jnp.int32)

        def load(j, u):
            off = (j * nt + gt) * _CH
            pltpu.async_copy(eidx_hbm.at[:, pl.ds(off, _CH)], eb.at[u],
                             sem_idx.at[u])
            pltpu.async_copy(et_hbm.at[pl.ds(off, _CH)], etb.at[u],
                             sem_idx.at[u])

        def wait_load(j, u):
            off = (j * nt + gt) * _CH
            pltpu.make_async_copy(eidx_hbm.at[:, pl.ds(off, _CH)], eb.at[u],
                                  sem_idx.at[u]).wait()
            pltpu.make_async_copy(et_hbm.at[pl.ds(off, _CH)], etb.at[u],
                                  sem_idx.at[u]).wait()

        def cidx(u):
            def cb(g):
                sl = pl.ds(g * _L, _L)
                cidxb[u, sl] = etb[u, sl] * n + eb[u, 1, sl]
            plsc.parallel_loop(0, _CH // _L, 1, unroll=8)(cb)

        load(0, 0)
        load(1, 1)
        wait_load(0, 0)
        cidx(0)

        def body(j, _):
            u0 = j % 3
            u1 = (j + 1) % 3
            u2 = (j + 2) % 3
            p = j % 2
            q = (j + 1) % 2

            @pl.when(j >= 1)
            def _():
                pltpu.make_async_copy(ones, cnt.at[cidxb.at[u2]],
                                      sem_sca.at[q]).wait()

            @pl.when(j + 2 < nr)
            def _():
                load(j + 2, u2)

            @pl.when(j + 1 < nr)
            def _():
                wait_load(j + 1, u1)
                cidx(u1)

            pltpu.async_copy(ones, cnt.at[cidxb.at[u0]], sem_sca.at[p],
                             add=True)
            return 0
        lax.fori_loop(0, nr, body, 0)
        pltpu.make_async_copy(ones, cnt.at[cidxb.at[(nr + 2) % 3]],
                              sem_sca.at[(nr + 1) % 2]).wait()
        plsc.subcore_barrier()

        for kk in range(2):
            woff = pl.multiple_of(c * hp + s * cpt + kk * zcw, 8)
            pltpu.sync_copy(cnt.at[pl.ds(s * cpt + kk * zcw, zcw)], zrow)
            pltpu.sync_copy(zrow, out_hbm.at[pl.ds(woff, zcw)])

    return k(eidx, et)


def _sc_aggregate(xw2, eidx, et, e, cntp, n, d, r):
    nt = _NC * _NS
    nct = e // _CH
    n2, rem2 = nct // nt, nct % nt
    npad = ((n + 1279) // 1280) * 1280
    rpt = npad // _NS
    zc = _CH
    hp = cntp.shape[0] // _NC
    cpt = hp // _NS
    ccw = cpt // 2

    mesh = plsc.VectorSubcoreMesh(core_axis_name="c", subcore_axis_name="s")
    chb = _CH * 4
    rowb = _CH * d * 4

    @functools.partial(
        pl.kernel,
        mesh=mesh,
        out_type=jax.ShapeDtypeStruct((_NC, npad, d), jnp.float32),
        scratch_types=[
            pltpu.VMEM_SHARED((npad, d), jnp.float32),
            pltpu.VMEM_SHARED((hp,), jnp.float32),
            pltpu.VMEM((3, 2, _CH), jnp.int32),
            pltpu.VMEM((3, _CH), jnp.int32),
            pltpu.VMEM((3, _CH), jnp.int32),
            pltpu.VMEM((3, _CH), jnp.int32),
            pltpu.VMEM((3, _CH), jnp.int32),
            pltpu.VMEM((2, _CH), jnp.float32),
            pltpu.VMEM((ccw,), jnp.float32),
            pltpu.VMEM((ccw,), jnp.float32),
            pltpu.VMEM((2, _CH, d), jnp.float32),
            pltpu.SemaphoreType.DMA((3,)),
            pltpu.SemaphoreType.DMA((2,)),
            pltpu.SemaphoreType.DMA((2,)),
            pltpu.SemaphoreType.DMA((2,)),
        ],
    )
    def k(xw_hbm, eidx_hbm, et_hbm, cntp_hbm, out_hbm,
          accum, cnt, eb, etb, dstb, gidxb, cidxb, cntvb, ca, cb2,
          rows, sem_idx, sem_cnt, sem_row, sem_sca):
        c = lax.axis_index("c")
        s = lax.axis_index("s")
        gt = c * _NS + s

        def z_rows(i, _):
            for q in range(d // _L):
                rows[0, i, pl.ds(q * _L, _L)] = jnp.zeros((_L,), jnp.float32)
            return 0
        lax.fori_loop(0, _CH, z_rows, 0)

        for kk in range(rpt // zc):
            pltpu.async_copy(rows.at[0, pl.ds(0, zc)],
                             accum.at[pl.ds(s * rpt + kk * zc, zc)],
                             sem_sca.at[0])

        for kk in range(2):
            base = pl.multiple_of(s * cpt + kk * ccw, 8)
            pltpu.async_copy(cntp_hbm.at[pl.ds(base, ccw)], ca,
                             sem_cnt.at[0])
            pltpu.async_copy(cntp_hbm.at[pl.ds(hp + base, ccw)], cb2,
                             sem_cnt.at[1])
            pltpu.make_async_copy(cntp_hbm.at[pl.ds(base, ccw)], ca,
                                  sem_cnt.at[0]).wait()
            pltpu.make_async_copy(cntp_hbm.at[pl.ds(hp + base, ccw)], cb2,
                                  sem_cnt.at[1]).wait()

            def addc(g, _):
                sl = pl.ds(g * _L, _L)
                ca[sl] = 1.0 / jnp.maximum(ca[sl] + cb2[sl], 1.0)
                return 0
            lax.fori_loop(0, ccw // _L, addc, 0)
            pltpu.sync_copy(ca, cnt.at[pl.ds(base, ccw)])

        for kk in range(rpt // zc):
            pltpu.make_async_copy(rows.at[0, pl.ds(0, zc)],
                                  accum.at[pl.ds(s * rpt + kk * zc, zc)],
                                  sem_sca.at[0]).wait()
        plsc.subcore_barrier()

        nr2 = n2 + (gt < rem2).astype(jnp.int32)

        def p2_load(i, u):
            off = (i * nt + gt) * _CH
            pltpu.async_copy(eidx_hbm.at[:, pl.ds(off, _CH)], eb.at[u],
                             sem_idx.at[u])
            pltpu.async_copy(et_hbm.at[pl.ds(off, _CH)], etb.at[u],
                             sem_idx.at[u])

        def p2_wait(i, u):
            off = (i * nt + gt) * _CH
            pltpu.make_async_copy(eidx_hbm.at[:, pl.ds(off, _CH)], eb.at[u],
                                  sem_idx.at[u]).wait()
            pltpu.make_async_copy(et_hbm.at[pl.ds(off, _CH)], etb.at[u],
                                  sem_idx.at[u]).wait()

        def p2_idx(u):
            def cb(g):
                sl = pl.ds(g * _L, _L)
                ev = etb[u, sl]
                gidxb[u, sl] = ev * n + eb[u, 0, sl]
                cidxb[u, sl] = ev * n + eb[u, 1, sl]
                dstb[u, sl] = eb[u, 1, sl]
            plsc.parallel_loop(0, _CH // _L, 1, unroll=8)(cb)

        def p2_gather(u, p):
            pltpu.async_copy(cnt.at[cidxb.at[u]], cntvb.at[p], sem_cnt.at[p])
            pltpu.async_copy(xw_hbm.at[gidxb.at[u]], rows.at[p],
                             sem_row.at[p])

        p2_load(0, 0)
        p2_load(1, 1)
        p2_wait(0, 0)
        p2_idx(0)
        p2_gather(0, 0)

        dn = lax.GatherDimensionNumbers(
            offset_dims=(), collapsed_slice_dims=(0,), start_index_map=(0,))

        def p2(i, _):
            u0 = i % 3
            u1 = (i + 1) % 3
            u2 = (i + 2) % 3
            p = i % 2
            q = (i + 1) % 2

            @pl.when(i >= 1)
            def _():
                pltpu.make_async_copy(rows.at[q], accum.at[dstb.at[u2]],
                                      sem_sca.at[q]).wait()

            @pl.when(i + 2 < nr2)
            def _():
                p2_load(i + 2, u2)

            @pl.when(i + 1 < nr2)
            def _():
                p2_wait(i + 1, u1)
                p2_idx(u1)
                p2_gather(u1, q)

            pltpu.make_async_copy(cnt.at[cidxb.at[u0]], cntvb.at[p],
                                  sem_cnt.at[p]).wait()
            pltpu.make_async_copy(xw_hbm.at[gidxb.at[u0]], rows.at[p],
                                  sem_row.at[p]).wait()

            def mg(ee):
                cv = cntvb[p, pl.ds((ee // _L) * _L, _L)]
                srow = lax.gather(
                    cv, jnp.full((_L, 1), ee % _L, jnp.int32), dn, (1,),
                    mode=lax.GatherScatterMode.PROMISE_IN_BOUNDS)
                vals = [rows[p, ee, pl.ds(q2 * _L, _L)] * srow
                        for q2 in range(d // _L)]
                for q2 in range(d // _L):
                    rows[p, ee, pl.ds(q2 * _L, _L)] = vals[q2]
            plsc.parallel_loop(0, _CH, 1, unroll=8)(mg)

            pltpu.async_copy(rows.at[p], accum.at[dstb.at[u0]],
                             sem_sca.at[p], add=True)
            return 0
        lax.fori_loop(0, nr2, p2, 0)
        pltpu.make_async_copy(rows.at[(nr2 + 1) % 2],
                              accum.at[dstb.at[(nr2 + 2) % 3]],
                              sem_sca.at[(nr2 + 1) % 2]).wait()
        plsc.subcore_barrier()

        pltpu.sync_copy(accum.at[pl.ds(s * rpt, rpt)],
                        out_hbm.at[c, pl.ds(s * rpt, rpt)])

    return k(xw2, eidx, et, cntp)


def kernel(x, edge_index, edge_type, W, W_root, b):
    x = x.astype(jnp.float32)
    n, d = x.shape
    r = W.shape[0]
    e = edge_type.shape[0]
    eidx = edge_index.astype(jnp.int32)
    et = edge_type.astype(jnp.int32)
    w_all = jnp.concatenate([W.astype(jnp.float32),
                             W_root.astype(jnp.float32)[None]], axis=0)
    xw = _tc_transform(x, w_all)
    cntp = _sc_counts(eidx, et, e, n, r)
    partial = _sc_aggregate(xw.reshape((r + 1) * n, d), eidx, et, e, cntp,
                            n, d, r)
    return _tc_finish(xw, partial, b.astype(jnp.float32), r)

# --- scband reference (transcript-rebuilt; emitter-appended) ---
"""Pipeline reference for scband-relational-rgcn-86303072846108 (READ-ONLY COPY).

The authoritative reference and input builder live on the scoring server;
editing this copy changes nothing except your own understanding.
"""

import jax, jax.numpy as jnp
import numpy as np

N_NODES = 10000
N_EDGES = 320000
D = 128
R = 8

def setup_inputs(seed: int = 0) -> dict:
    key = jax.random.key(seed)
    k1, k2, k3, k4, k5, k6 = jax.random.split(key, 6)
    x = jax.random.normal(k1, (N_NODES, D), dtype=jnp.float32)
    edge_index = jax.random.randint(k2, (2, N_EDGES), 0, N_NODES, dtype=jnp.int64)
    edge_type = jax.random.randint(k3, (N_EDGES,), 0, R, dtype=jnp.int64)
    # RGCNConv parameters (no bases: full per-relation weights), Glorot-like scale
    W = jax.random.normal(k4, (R, D, D), dtype=jnp.float32) * (1.0 / np.sqrt(D))
    W_root = jax.random.normal(k5, (D, D), dtype=jnp.float32) * (1.0 / np.sqrt(D))
    b = jnp.zeros((D,), dtype=jnp.float32)
    return {"x": x, "edge_index": edge_index, "edge_type": edge_type, "W": W, "W_root": W_root, "b": b}

def reference(x, edge_index, edge_type, W, W_root, b):
    # RelationalRGCN with h_channels_dims=[]: single RGCNConv(aggr='mean') + LeakyReLU(0.2)
    # (Dropout is identity at inference.)
    N = x.shape[0]
    src = edge_index[0]
    dst = edge_index[1]
    out = x @ W_root + b  # root/self transform
    for r in range(R):
        xw = x @ W[r]                                   # [N, D] relation-transformed features
        wmask = (edge_type == r).astype(x.dtype)        # [E]
        msgs = jnp.take(xw, src, axis=0) * wmask[:, None]  # gather + mask
        sums = jax.ops.segment_sum(msgs, dst, num_segments=N)
        cnt = jax.ops.segment_sum(wmask, dst, num_segments=N)
        out = out + sums / jnp.clip(cnt, 1.0)[:, None]  # per-relation mean aggregation
    return jax.nn.leaky_relu(out, negative_slope=0.2)

if __name__ == "__main__":
    import jax
    _d = setup_inputs()
    print(jax.jit(kernel)(*tuple(_d.values())))

</pallas_src>

<mosaic_0001>
#map = affine_map<(d0, d1) -> (0, 0)>
#map1 = affine_map<(d0, d1) -> (0)>
module attributes {stable_mosaic.version = 14 : i64} {
  func.func @k(%arg0: i32, %arg1: i32, %arg2: memref<2x320000xi32, #tpu.memory_space<hbm>>, %arg3: memref<320000xi32, #tpu.memory_space<hbm>>, %arg4: memref<160768xf32, #tpu.memory_space<hbm>>, %arg5: memref<80384xf32, #tpu.memory_space<vmem_shared>>, %arg6: memref<3x2x128xi32, #tpu.memory_space<vmem>>, %arg7: memref<3x128xi32, #tpu.memory_space<vmem>>, %arg8: memref<3x128xi32, #tpu.memory_space<vmem>>, %arg9: memref<128xf32, #tpu.memory_space<vmem>>, %arg10: memref<2512xf32, #tpu.memory_space<vmem>>, %arg11: memref<3x!tpu.dma_semaphore, #tpu.memory_space<semaphore_mem>>, %arg12: memref<2x!tpu.dma_semaphore, #tpu.memory_space<semaphore_mem>>) attributes {dimension_semantics = [#tpu.dimension_semantics<core_parallel>, #tpu.dimension_semantics<subcore_parallel>], iteration_bounds = array<i64: 2, 16>, scalar_prefetch = 0 : i64, scratch_operands = 8 : i64, tpu.core_type = #tpu.core_type<sc_vector_subcore>, window_params = [{transform_indices = #map}, {transform_indices = #map1}, {transform_indices = #map1}]} {
    %mul3A = arith.constant 16 : i32
    %mul3A_0 = arith.muli %arg0, %mul3A : i32
    %add3A = arith.addi %mul3A_0, %arg1 : i32
    %scan3A = arith.constant 0 : i32
    %scan3A_1 = arith.constant 0 : i32
    %scan3A_2 = arith.constant 157 : i32
    %scan3A_3 = arith.addi %scan3A_1, %scan3A_2 : i32
    %scan3A_4 = arith.constant 1 : i32
    %scan3A_5 = scf.for %scan3A_193 = %scan3A_1 to %scan3A_3 step %scan3A_4 iter_args(%scan3A_194 = %scan3A) -> (i32)  : i32 {
      %broadcast_in_dim3A = arith.constant 0.000000e+00 : f32
      %broadcast_in_dim3A_195 = vector.broadcast %broadcast_in_dim3A : f32 to vector<16xf32>
      %mul3A_196 = arith.constant 16 : i32
      %mul3A_197 = arith.muli %scan3A_193, %mul3A_196 : i32
      %swap3A = arith.index_cast %mul3A_197 : i32 to index
      %swap3A_198 = tpu.vector_load %arg10[%swap3A] {strides = array<i32>} : memref<2512xf32, #tpu.memory_space<vmem>>, vector<16xf32>,
      %swap3A_199 = vector.shape_cast %swap3A_198 : vector<16xf32> to vector<16xf32>
      %swap3A_200 = vector.shape_cast %broadcast_in_dim3A_195 : vector<16xf32> to vector<16xf32>
      tpu.vector_store %arg10[%swap3A], %swap3A_200 {strides = array<i32>} : memref<2512xf32, #tpu.memory_space<vmem>>, vector<16xf32>,
      %scan3A_201 = arith.constant 0 : i32
      scf.yield %scan3A_201 : i32
    }
    %scan3A_6 = arith.constant 157 : i32
    %scan3A_7 = arith.constant 0 : i32
    %scan3A_8 = arith.constant 0 : i32
    %scan3A_9 = arith.constant 8 : i32
    %scan3A_10 = arith.addi %scan3A_8, %scan3A_9 : i32
    %scan3A_11 = arith.constant 1 : i32
    %scan3A_12 = scf.for %scan3A_193 = %scan3A_8 to %scan3A_10 step %scan3A_11 iter_args(%scan3A_194 = %scan3A_7) -> (i32)  : i32 {
      %broadcast_in_dim3A = arith.constant 1.000000e+00 : f32
      %broadcast_in_dim3A_195 = vector.broadcast %broadcast_in_dim3A : f32 to vector<16xf32>
      %mul3A_196 = arith.constant 16 : i32
      %mul3A_197 = arith.muli %scan3A_193, %mul3A_196 : i32
      %swap3A = arith.index_cast %mul3A_197 : i32 to index
      %swap3A_198 = tpu.vector_load %arg9[%swap3A] {strides = array<i32>} : memref<128xf32, #tpu.memory_space<vmem>>, vector<16xf32>,
      %swap3A_199 = vector.shape_cast %swap3A_198 : vector<16xf32> to vector<16xf32>
      %swap3A_200 = vector.shape_cast %broadcast_in_dim3A_195 : vector<16xf32> to vector<16xf32>
      tpu.vector_store %arg9[%swap3A], %swap3A_200 {strides = array<i32>} : memref<128xf32, #tpu.memory_space<vmem>>, vector<16xf32>,
      %scan3A_201 = arith.constant 0 : i32
      scf.yield %scan3A_201 : i32
    }
    %scan3A_13 = arith.constant 8 : i32
    %mul3A_14 = arith.constant 5024 : i32
    %mul3A_15 = arith.muli %arg1, %mul3A_14 : i32
    %add3A_16 = arith.constant 0 : i32
    %add3A_17 = arith.addi %mul3A_15, %add3A_16 : i32
    "tpu.region"() ({
      %run_scoped3A = tpu.sem_alloc : memref<!tpu.dma_semaphore, #tpu.memory_space<semaphore_mem>>
      %dma_start3A_193 = arith.constant 0 : i32
      %dma_start3A_194 = tpu.memref_slice %arg10[%dma_start3A_193] : memref<2512xf32, #tpu.memory_space<vmem>> -> memref<2512xf32, #tpu.memory_space<vmem>>
      %dma_start3A_195 = tpu.memref_slice %arg5[%add3A_17] : memref<80384xf32, #tpu.memory_space<vmem_shared>> -> memref<2512xf32, #tpu.memory_space<vmem_shared>>
      %dma_start3A_196 = tpu.memref_slice %arg5[%add3A_17] : memref<80384xf32, #tpu.memory_space<vmem_shared>> -> memref<2512xf32, #tpu.memory_space<vmem_shared>>
      %dma_start3A_197 = arith.constant 0 : i32
      %dma_start3A_198 = tpu.memref_slice %arg10[%dma_start3A_197] : memref<2512xf32, #tpu.memory_space<vmem>> -> memref<2512xf32, #tpu.memory_space<vmem>>
      tpu.enqueue_dma source(%dma_start3A_198 : memref<2512xf32, #tpu.memory_space<vmem>>) target(%dma_start3A_196 : memref<2512xf32, #tpu.memory_space<vmem_shared>>) target_semaphore(%run_scoped3A : memref<!tpu.dma_semaphore, #tpu.memory_space<semaphore_mem>>)
      %dma_wait3A_199 = arith.constant 0 : i32
      %dma_wait3A_200 = tpu.memref_slice %arg10[%dma_wait3A_199] : memref<2512xf32, #tpu.memory_space<vmem>> -> memref<2512xf32, #tpu.memory_space<vmem>>
      %dma_wait3A_201 = tpu.memref_slice %arg5[%add3A_17] : memref<80384xf32, #tpu.memory_space<vmem_shared>> -> memref<2512xf32, #tpu.memory_space<vmem_shared>>
      %dma_wait3A_202 = tpu.memref_slice %arg5[%add3A_17] : memref<80384xf32, #tpu.memory_space<vmem_shared>> -> memref<2512xf32, #tpu.memory_space<vmem_shared>>
      %dma_wait3A_203 = arith.constant 0 : i32
      %dma_wait3A_204 = tpu.memref_slice %arg10[%dma_wait3A_203] : memref<2512xf32, #tpu.memory_space<vmem>> -> memref<2512xf32, #tpu.memory_space<vmem>>
      tpu.wait_dma2 semaphore(%run_scoped3A : memref<!tpu.dma_semaphore, #tpu.memory_space<semaphore_mem>>) src(%dma_wait3A_204 : memref<2512xf32, #tpu.memory_space<vmem>>) dst(%dma_wait3A_202 : memref<2512xf32, #tpu.memory_space<vmem_shared>>)
      tpu.yield
    }) : () -> ()
    %mul3A_18 = arith.constant 5024 : i32
    %mul3A_19 = arith.muli %arg1, %mul3A_18 : i32
    %add3A_20 = arith.constant 2512 : i32
    %add3A_21 = arith.addi %mul3A_19, %add3A_20 : i32
    "tpu.region"() ({
      %run_scoped3A = tpu.sem_alloc : memref<!tpu.dma_semaphore, #tpu.memory_space<semaphore_mem>>
      %dma_start3A_193 = arith.constant 0 : i32
      %dma_start3A_194 = tpu.memref_slice %arg10[%dma_start3A_193] : memref<2512xf32, #tpu.memory_space<vmem>> -> memref<2512xf32, #tpu.memory_space<vmem>>
      %dma_start3A_195 = tpu.memref_slice %arg5[%add3A_21] : memref<80384xf32, #tpu.memory_space<vmem_shared>> -> memref<2512xf32, #tpu.memory_space<vmem_shared>>
      %dma_start3A_196 = tpu.memref_slice %arg5[%add3A_21] : memref<80384xf32, #tpu.memory_space<vmem_shared>> -> memref<2512xf32, #tpu.memory_space<vmem_shared>>
      %dma_start3A_197 = arith.constant 0 : i32
      %dma_start3A_198 = tpu.memref_slice %arg10[%dma_start3A_197] : memref<2512xf32, #tpu.memory_space<vmem>> -> memref<2512xf32, #tpu.memory_space<vmem>>
      tpu.enqueue_dma source(%dma_start3A_198 : memref<2512xf32, #tpu.memory_space<vmem>>) target(%dma_start3A_196 : memref<2512xf32, #tpu.memory_space<vmem_shared>>) target_semaphore(%run_scoped3A : memref<!tpu.dma_semaphore, #tpu.memory_space<semaphore_mem>>)
      %dma_wait3A_199 = arith.constant 0 : i32
      %dma_wait3A_200 = tpu.memref_slice %arg10[%dma_wait3A_199] : memref<2512xf32, #tpu.memory_space<vmem>> -> memref<2512xf32, #tpu.memory_space<vmem>>
      %dma_wait3A_201 = tpu.memref_slice %arg5[%add3A_21] : memref<80384xf32, #tpu.memory_space<vmem_shared>> -> memref<2512xf32, #tpu.memory_space<vmem_shared>>
      %dma_wait3A_202 = tpu.memref_slice %arg5[%add3A_21] : memref<80384xf32, #tpu.memory_space<vmem_shared>> -> memref<2512xf32, #tpu.memory_space<vmem_shared>>
      %dma_wait3A_203 = arith.constant 0 : i32
      %dma_wait3A_204 = tpu.memref_slice %arg10[%dma_wait3A_203] : memref<2512xf32, #tpu.memory_space<vmem>> -> memref<2512xf32, #tpu.memory_space<vmem>>
      tpu.wait_dma2 semaphore(%run_scoped3A : memref<!tpu.dma_semaphore, #tpu.memory_space<semaphore_mem>>) src(%dma_wait3A_204 : memref<2512xf32, #tpu.memory_space<vmem>>) dst(%dma_wait3A_202 : memref<2512xf32, #tpu.memory_space<vmem_shared>>)
      tpu.yield
    }) : () -> ()
    %barrier3A = arith.constant 0 : index
    tpu.barrier barrier_id(%barrier3A)
    %lt3A = arith.constant 4 : i32
    %lt3A_22 = arith.cmpi slt, %add3A, %lt3A : i32
    %convert_element_type3A = arith.extui %lt3A_22 : i1 to i32
    %add3A_23 = arith.constant 78 : i32
    %add3A_24 = arith.addi %add3A_23, %convert_element_type3A : i32
    %add3A_25 = arith.constant 0 : i32
    %add3A_26 = arith.addi %add3A_25, %add3A : i32
    %mul3A_27 = arith.constant 128 : i32
    %mul3A_28 = arith.muli %add3A_26, %mul3A_27 : i32
    %dma_start3A = arith.constant 0 : i32
    %dma_start3A_29 = arith.constant 0 : i32
    %dma_start3A_30 = arith.constant 0 : i32
    %dma_start3A_31 = arith.constant 0 : i32
    %dma_start3A_32 = tpu.memref_slice %arg6[%dma_start3A, %dma_start3A_30, %dma_start3A_31] : memref<3x2x128xi32, #tpu.memory_space<vmem>> -> memref<1x2x128xi32, #tpu.memory_space<vmem>>
    %dma_start3A_33 = tpu.memref_squeeze %dma_start3A_32 : memref<1x2x128xi32, #tpu.memory_space<vmem>> -> memref<2x128xi32, #tpu.memory_space<vmem>>
    %dma_start3A_34 = arith.constant 0 : i32
    %dma_start3A_35 = tpu.memref_slice %arg2[%dma_start3A_34, %mul3A_28] : memref<2x320000xi32, #tpu.memory_space<hbm>> -> memref<2x128xi32, #tpu.memory_space<hbm>>
    %dma_start3A_36 = tpu.memref_slice %arg11[%dma_start3A_29] : memref<3x!tpu.dma_semaphore, #tpu.memory_space<semaphore_mem>> -> memref<1x!tpu.dma_semaphore, #tpu.memory_space<semaphore_mem>>
    %dma_start3A_37 = tpu.memref_squeeze %dma_start3A_36 : memref<1x!tpu.dma_semaphore, #tpu.memory_space<semaphore_mem>> -> memref<!tpu.dma_semaphore, #tpu.memory_space<semaphore_mem>>
    %dma_start3A_38 = arith.constant 0 : i32
    %dma_start3A_39 = arith.constant 0 : i32
    %dma_start3A_40 = tpu.memref_slice %arg6[%dma_start3A, %dma_start3A_38, %dma_start3A_39] : memref<3x2x128xi32, #tpu.memory_space<vmem>> -> memref<1x2x128xi32, #tpu.memory_space<vmem>>
    %dma_start3A_41 = tpu.memref_squeeze %dma_start3A_40 : memref<1x2x128xi32, #tpu.memory_space<vmem>> -> memref<2x128xi32, #tpu.memory_space<vmem>>
    %dma_start3A_42 = arith.constant 0 : i32
    %dma_start3A_43 = tpu.memref_slice %arg2[%dma_start3A_42, %mul3A_28] : memref<2x320000xi32, #tpu.memory_space<hbm>> -> memref<2x128xi32, #tpu.memory_space<hbm>>
    tpu.enqueue_dma source(%dma_start3A_43 : memref<2x128xi32, #tpu.memory_space<hbm>>) target(%dma_start3A_41 : memref<2x128xi32, #tpu.memory_space<vmem>>) target_semaphore(%dma_start3A_37 : memref<!tpu.dma_semaphore, #tpu.memory_space<semaphore_mem>>)
    %dma_start3A_44 = arith.constant 0 : i32
    %dma_start3A_45 = arith.constant 0 : i32
    %dma_start3A_46 = arith.constant 0 : i32
    %dma_start3A_47 = tpu.memref_slice %arg7[%dma_start3A_44, %dma_start3A_46] : memref<3x128xi32, #tpu.memory_space<vmem>> -> memref<1x128xi32, #tpu.memory_space<vmem>>
    %dma_start3A_48 = tpu.memref_squeeze %dma_start3A_47 : memref<1x128xi32, #tpu.memory_space<vmem>> -> memref<128xi32, #tpu.memory_space<vmem>>
    %dma_start3A_49 = tpu.memref_slice %arg3[%mul3A_28] : memref<320000xi32, #tpu.memory_space<hbm>> -> memref<128xi32, #tpu.memory_space<hbm>>
    %dma_start3A_50 = tpu.memref_slice %arg11[%dma_start3A_45] : memref<3x!tpu.dma_semaphore, #tpu.memory_space<semaphore_mem>> -> memref<1x!tpu.dma_semaphore, #tpu.memory_space<semaphore_mem>>
    %dma_start3A_51 = tpu.memref_squeeze %dma_start3A_50 : memref<1x!tpu.dma_semaphore, #tpu.memory_space<semaphore_mem>> -> memref<!tpu.dma_semaphore, #tpu.memory_space<semaphore_mem>>
    %dma_start3A_52 = arith.constant 0 : i32
    %dma_start3A_53 = tpu.memref_slice %arg7[%dma_start3A_44, %dma_start3A_52] : memref<3x128xi32, #tpu.memory_space<vmem>> -> memref<1x128xi32, #tpu.memory_space<vmem>>
    %dma_start3A_54 = tpu.memref_squeeze %dma_start3A_53 : memref<1x128xi32, #tpu.memory_space<vmem>> -> memref<128xi32, #tpu.memory_space<vmem>>
    %dma_start3A_55 = tpu.memref_slice %arg3[%mul3A_28] : memref<320000xi32, #tpu.memory_space<hbm>> -> memref<128xi32, #tpu.memory_space<hbm>>
    tpu.enqueue_dma source(%dma_start3A_55 : memref<128xi32, #tpu.memory_space<hbm>>) target(%dma_start3A_54 : memref<128xi32, #tpu.memory_space<vmem>>) target_semaphore(%dma_start3A_51 : memref<!tpu.dma_semaphore, #tpu.memory_space<semaphore_mem>>)
    %add3A_56 = arith.constant 32 : i32
    %add3A_57 = arith.addi %add3A_56, %add3A : i32
    %mul3A_58 = arith.constant 128 : i32
    %mul3A_59 = arith.muli %add3A_57, %mul3A_58 : i32
    %dma_start3A_60 = arith.constant 1 : i32
    %dma_start3A_61 = arith.constant 1 : i32
    %dma_start3A_62 = arith.constant 0 : i32
    %dma_start3A_63 = arith.constant 0 : i32
    %dma_start3A_64 = tpu.memref_slice %arg6[%dma_start3A_60, %dma_start3A_62, %dma_start3A_63] : memref<3x2x128xi32, #tpu.memory_space<vmem>> -> memref<1x2x128xi32, #tpu.memory_space<vmem>>
    %dma_start3A_65 = tpu.memref_squeeze %dma_start3A_64 : memref<1x2x128xi32, #tpu.memory_space<vmem>> -> memref<2x128xi32, #tpu.memory_space<vmem>>
    %dma_start3A_66 = arith.constant 0 : i32
    %dma_start3A_67 = tpu.memref_slice %arg2[%dma_start3A_66, %mul3A_59] : memref<2x320000xi32, #tpu.memory_space<hbm>> -> memref<2x128xi32, #tpu.memory_space<hbm>>
    %dma_start3A_68 = tpu.memref_slice %arg11[%dma_start3A_61] : memref<3x!tpu.dma_semaphore, #tpu.memory_space<semaphore_mem>> -> memref<1x!tpu.dma_semaphore, #tpu.memory_space<semaphore_mem>>
    %dma_start3A_69 = tpu.memref_squeeze %dma_start3A_68 : memref<1x!tpu.dma_semaphore, #tpu.memory_space<semaphore_mem>> -> memref<!tpu.dma_semaphore, #tpu.memory_space<semaphore_mem>>
    %dma_start3A_70 = arith.constant 0 : i32
    %dma_start3A_71 = arith.constant 0 : i32
    %dma_start3A_72 = tpu.memref_slice %arg6[%dma_start3A_60, %dma_start3A_70, %dma_start3A_71] : memref<3x2x128xi32, #tpu.memory_space<vmem>> -> memref<1x2x128xi32, #tpu.memory_space<vmem>>
    %dma_start3A_73 = tpu.memref_squeeze %dma_start3A_72 : memref<1x2x128xi32, #tpu.memory_space<vmem>> -> memref<2x128xi32, #tpu.memory_space<vmem>>
    %dma_start3A_74 = arith.constant 0 : i32
    %dma_start3A_75 = tpu.memref_slice %arg2[%dma_start3A_74, %mul3A_59] : memref<2x320000xi32, #tpu.memory_space<hbm>> -> memref<2x128xi32, #tpu.memory_space<hbm>>
    tpu.enqueue_dma source(%dma_start3A_75 : memref<2x128xi32, #tpu.memory_space<hbm>>) target(%dma_start3A_73 : memref<2x128xi32, #tpu.memory_space<vmem>>) target_semaphore(%dma_start3A_69 : memref<!tpu.dma_semaphore, #tpu.memory_space<semaphore_mem>>)
    %dma_start3A_76 = arith.constant 1 : i32
    %dma_start3A_77 = arith.constant 1 : i32
    %dma_start3A_78 = arith.constant 0 : i32
    %dma_start3A_79 = tpu.memref_slice %arg7[%dma_start3A_76, %dma_start3A_78] : memref<3x128xi32, #tpu.memory_space<vmem>> -> memref<1x128xi32, #tpu.memory_space<vmem>>
    %dma_start3A_80 = tpu.memref_squeeze %dma_start3A_79 : memref<1x128xi32, #tpu.memory_space<vmem>> -> memref<128xi32, #tpu.memory_space<vmem>>
    %dma_start3A_81 = tpu.memref_slice %arg3[%mul3A_59] : memref<320000xi32, #tpu.memory_space<hbm>> -> memref<128xi32, #tpu.memory_space<hbm>>
    %dma_start3A_82 = tpu.memref_slice %arg11[%dma_start3A_77] : memref<3x!tpu.dma_semaphore, #tpu.memory_space<semaphore_mem>> -> memref<1x!tpu.dma_semaphore, #tpu.memory_space<semaphore_mem>>
    %dma_start3A_83 = tpu.memref_squeeze %dma_start3A_82 : memref<1x!tpu.dma_semaphore, #tpu.memory_space<semaphore_mem>> -> memref<!tpu.dma_semaphore, #tpu.memory_space<semaphore_mem>>
    %dma_start3A_84 = arith.constant 0 : i32
    %dma_start3A_85 = tpu.memref_slice %arg7[%dma_start3A_76, %dma_start3A_84] : memref<3x128xi32, #tpu.memory_space<vmem>> -> memref<1x128xi32, #tpu.memory_space<vmem>>
    %dma_start3A_86 = tpu.memref_squeeze %dma_start3A_85 : memref<1x128xi32, #tpu.memory_space<vmem>> -> memref<128xi32, #tpu.memory_space<vmem>>
    %dma_start3A_87 = tpu.memref_slice %arg3[%mul3A_59] : memref<320000xi32, #tpu.memory_space<hbm>> -> memref<128xi32, #tpu.memory_space<hbm>>
    tpu.enqueue_dma source(%dma_start3A_87 : memref<128xi32, #tpu.memory_space<hbm>>) target(%dma_start3A_86 : memref<128xi32, #tpu.memory_space<vmem>>) target_semaphore(%dma_start3A_83 : memref<!tpu.dma_semaphore, #tpu.memory_space<semaphore_mem>>)
    %add3A_88 = arith.constant 0 : i32
    %add3A_89 = arith.addi %add3A_88, %add3A : i32
    %mul3A_90 = arith.constant 128 : i32
    %mul3A_91 = arith.muli %add3A_89, %mul3A_90 : i32
    %dma_wait3A = arith.constant 0 : i32
    %dma_wait3A_92 = arith.constant 0 : i32
    %dma_wait3A_93 = arith.constant 0 : i32
    %dma_wait3A_94 = arith.constant 0 : i32
    %dma_wait3A_95 = tpu.memref_slice %arg6[%dma_wait3A, %dma_wait3A_93, %dma_wait3A_94] : memref<3x2x128xi32, #tpu.memory_space<vmem>> -> memref<1x2x128xi32, #tpu.memory_space<vmem>>
    %dma_wait3A_96 = tpu.memref_squeeze %dma_wait3A_95 : memref<1x2x128xi32, #tpu.memory_space<vmem>> -> memref<2x128xi32, #tpu.memory_space<vmem>>
    %dma_wait3A_97 = arith.constant 0 : i32
    %dma_wait3A_98 = tpu.memref_slice %arg2[%dma_wait3A_97, %mul3A_91] : memref<2x320000xi32, #tpu.memory_space<hbm>> -> memref<2x128xi32, #tpu.memory_space<hbm>>
    %dma_wait3A_99 = tpu.memref_slice %arg11[%dma_wait3A_92] : memref<3x!tpu.dma_semaphore, #tpu.memory_space<semaphore_mem>> -> memref<1x!tpu.dma_semaphore, #tpu.memory_space<semaphore_mem>>
    %dma_wait3A_100 = tpu.memref_squeeze %dma_wait3A_99 : memref<1x!tpu.dma_semaphore, #tpu.memory_space<semaphore_mem>> -> memref<!tpu.dma_semaphore, #tpu.memory_space<semaphore_mem>>
    %dma_wait3A_101 = arith.constant 0 : i32
    %dma_wait3A_102 = arith.constant 0 : i32
    %dma_wait3A_103 = tpu.memref_slice %arg6[%dma_wait3A, %dma_wait3A_101, %dma_wait3A_102] : memref<3x2x128xi32, #tpu.memory_space<vmem>> -> memref<1x2x128xi32, #tpu.memory_space<vmem>>
    %dma_wait3A_104 = tpu.memref_squeeze %dma_wait3A_103 : memref<1x2x128xi32, #tpu.memory_space<vmem>> -> memref<2x128xi32, #tpu.memory_space<vmem>>
    %dma_wait3A_105 = arith.constant 0 : i32
    %dma_wait3A_106 = tpu.memref_slice %arg2[%dma_wait3A_105, %mul3A_91] : memref<2x320000xi32, #tpu.memory_space<hbm>> -> memref<2x128xi32, #tpu.memory_space<hbm>>
    tpu.wait_dma2 semaphore(%dma_wait3A_100 : memref<!tpu.dma_semaphore, #tpu.memory_space<semaphore_mem>>) src(%dma_wait3A_106 : memref<2x128xi32, #tpu.memory_space<hbm>>) dst(%dma_wait3A_104 : memref<2x128xi32, #tpu.memory_space<vmem>>)
    %dma_wait3A_107 = arith.constant 0 : i32
    %dma_wait3A_108 = arith.constant 0 : i32
    %dma_wait3A_109 = arith.constant 0 : i32
    %dma_wait3A_110 = tpu.memref_slice %arg7[%dma_wait3A_107, %dma_wait3A_109] : memref<3x128xi32, #tpu.memory_space<vmem>> -> memref<1x128xi32, #tpu.memory_space<vmem>>
    %dma_wait3A_111 = tpu.memref_squeeze %dma_wait3A_110 : memref<1x128xi32, #tpu.memory_space<vmem>> -> memref<128xi32, #tpu.memory_space<vmem>>
    %dma_wait3A_112 = tpu.memref_slice %arg3[%mul3A_91] : memref<320000xi32, #tpu.memory_space<hbm>> -> memref<128xi32, #tpu.memory_space<hbm>>
    %dma_wait3A_113 = tpu.memref_slice %arg11[%dma_wait3A_108] : memref<3x!tpu.dma_semaphore, #tpu.memory_space<semaphore_mem>> -> memref<1x!tpu.dma_semaphore, #tpu.memory_space<semaphore_mem>>
    %dma_wait3A_114 = tpu.memref_squeeze %dma_wait3A_113 : memref<1x!tpu.dma_semaphore, #tpu.memory_space<semaphore_mem>> -> memref<!tpu.dma_semaphore, #tpu.memory_space<semaphore_mem>>
    %dma_wait3A_115 = arith.constant 0 : i32
    %dma_wait3A_116 = tpu.memref_slice %arg7[%dma_wait3A_107, %dma_wait3A_115] : memref<3x128xi32, #tpu.memory_space<vmem>> -> memref<1x128xi32, #tpu.memory_space<vmem>>
    %dma_wait3A_117 = tpu.memref_squeeze %dma_wait3A_116 : memref<1x128xi32, #tpu.memory_space<vmem>> -> memref<128xi32, #tpu.memory_space<vmem>>
    %dma_wait3A_118 = tpu.memref_slice %arg3[%mul3A_91] : memref<320000xi32, #tpu.memory_space<hbm>> -> memref<128xi32, #tpu.memory_space<hbm>>
    tpu.wait_dma2 semaphore(%dma_wait3A_114 : memref<!tpu.dma_semaphore, #tpu.memory_space<semaphore_mem>>) src(%dma_wait3A_118 : memref<128xi32, #tpu.memory_space<hbm>>) dst(%dma_wait3A_117 : memref<128xi32, #tpu.memory_space<vmem>>)
    %parallel_loop3A = arith.constant 0 : i32
    %parallel_loop3A_119 = arith.constant 8 : i32
    %parallel_loop3A_120 = arith.constant 1 : i32
    scf.for %parallel_loop3A_193 = %parallel_loop3A to %parallel_loop3A_119 step %parallel_loop3A_120  : i32 {
      %parallel_loop3A_194 = arith.constant 16 : i32
      %parallel_loop3A_195 = arith.muli %parallel_loop3A_193, %parallel_loop3A_194 : i32
      %parallel_loop3A_196 = arith.constant 0 : i32
      %parallel_loop3A_197 = arith.index_cast %parallel_loop3A_196 : i32 to index
      %parallel_loop3A_198 = arith.index_cast %parallel_loop3A_195 : i32 to index
      %parallel_loop3A_199 = tpu.vector_load %arg7[%parallel_loop3A_197, %parallel_loop3A_198] {strides = array<i32>} : memref<3x128xi32, #tpu.memory_space<vmem>>, vector<1x16xi32>,
      %parallel_loop3A_200 = vector.shape_cast %parallel_loop3A_199 : vector<1x16xi32> to vector<16xi32>
      %parallel_loop3A_201 = arith.constant 10000 : i32
      %parallel_loop3A_202 = vector.broadcast %parallel_loop3A_201 : i32 to vector<16xi32>
      %parallel_loop3A_203 = arith.muli %parallel_loop3A_200, %parallel_loop3A_202 : vector<16xi32>
      %parallel_loop3A_204 = arith.constant 0 : i32
      %parallel_loop3A_205 = arith.constant 1 : i32
      %parallel_loop3A_206 = arith.index_cast %parallel_loop3A_204 : i32 to index
      %parallel_loop3A_207 = arith.index_cast %parallel_loop3A_205 : i32 to index
      %parallel_loop3A_208 = arith.index_cast %parallel_loop3A_195 : i32 to index
      %parallel_loop3A_209 = tpu.vector_load %arg6[%parallel_loop3A_206, %parallel_loop3A_207, %parallel_loop3A_208] {strides = array<i32>} : memref<3x2x128xi32, #tpu.memory_space<vmem>>, vector<1x1x16xi32>,
      %parallel_loop3A_210 = vector.shape_cast %parallel_loop3A_209 : vector<1x1x16xi32> to vector<16xi32>
      %parallel_loop3A_211 = arith.addi %parallel_loop3A_203, %parallel_loop3A_210 : vector<16xi32>
      %parallel_loop3A_212 = arith.constant 0 : i32
      %parallel_loop3A_213 = arith.index_cast %parallel_loop3A_212 : i32 to index
      %parallel_loop3A_214 = arith.index_cast %parallel_loop3A_195 : i32 to index
      %parallel_loop3A_215 = tpu.vector_load %arg8[%parallel_loop3A_213, %parallel_loop3A_214] {strides = array<i32>} : memref<3x128xi32, #tpu.memory_space<vmem>>, vector<1x16xi32>,
      %parallel_loop3A_216 = vector.shape_cast %parallel_loop3A_215 : vector<1x16xi32> to vector<16xi32>
      %parallel_loop3A_217 = vector.shape_cast %parallel_loop3A_211 : vector<16xi32> to vector<1x16xi32>
      tpu.vector_store %arg8[%parallel_loop3A_213, %parallel_loop3A_214], %parallel_loop3A_217 {strides = array<i32>} : memref<3x128xi32, #tpu.memory_space<vmem>>, vector<1x16xi32>,
    } {sc.loop_unroll_factor = 8 : i64, sc.parallel_access}
    %while3A = arith.constant 0 : i32
    %while3A_121 = arith.constant 0 : i32
    %while3A_122 = arith.subi %add3A_24, %while3A : i32
    %while3A_123 = arith.addi %while3A, %while3A_122 : i32
    %while3A_124 = arith.constant 1 : i32
    %while3A_125 = arith.divsi %while3A_122, %while3A_124 : i32
    %while3A_126 = arith.muli %while3A_125, %while3A_124 : i32
    %while3A_127 = arith.addi %while3A, %while3A_126 : i32
    %while3A_128 = arith.constant 1 : i32
    %while3A_129 = scf.for %while3A_193 = %while3A to %while3A_127 step %while3A_128 iter_args(%while3A_194 = %while3A_121) -> (i32)  : i32 {
      %jit3A_195 = arith.constant 3 : i32
      %eq3A_196 = arith.constant 0 : i32
      %eq3A_197 = arith.cmpi eq, %jit3A_195, %eq3A_196 : i32
      %jit3A_198 = arith.constant 1 : i32
      %select_n3A_199 = arith.select %eq3A_197, %jit3A_198, %jit3A_195 : i32
      %rem3A_200 = arith.remsi %while3A_193, %select_n3A_199 : i32
      %ne3A_201 = arith.constant 0 : i32
      %ne3A_202 = arith.cmpi ne, %rem3A_200, %ne3A_201 : i32
      %lt3A_203 = arith.constant 0 : i32
      %lt3A_204 = arith.cmpi slt, %rem3A_200, %lt3A_203 : i32
      %lt3A_205 = arith.constant 0 : i32
      %lt3A_206 = arith.cmpi slt, %select_n3A_199, %lt3A_205 : i32
      %ne3A_207 = arith.xori %lt3A_204, %lt3A_206 : i1
      %and3A_208 = arith.andi %ne3A_207, %ne3A_202 : i1
      %add3A_209 = arith.addi %rem3A_200, %select_n3A_199 : i32
      %select_n3A_210 = arith.select %and3A_208, %add3A_209, %rem3A_200 : i32
      %add3A_211 = arith.constant 1 : i32
      %add3A_212 = arith.addi %while3A_193, %add3A_211 : i32
      %jit3A_213 = arith.constant 3 : i32
      %eq3A_214 = arith.constant 0 : i32
      %eq3A_215 = arith.cmpi eq, %jit3A_213, %eq3A_214 : i32
      %jit3A_216 = arith.constant 1 : i32
      %select_n3A_217 = arith.select %eq3A_215, %jit3A_216, %jit3A_213 : i32
      %rem3A_218 = arith.remsi %add3A_212, %select_n3A_217 : i32
      %ne3A_219 = arith.constant 0 : i32
      %ne3A_220 = arith.cmpi ne, %rem3A_218, %ne3A_219 : i32
      %lt3A_221 = arith.constant 0 : i32
      %lt3A_222 = arith.cmpi slt, %rem3A_218, %lt3A_221 : i32
      %lt3A_223 = arith.constant 0 : i32
      %lt3A_224 = arith.cmpi slt, %select_n3A_217, %lt3A_223 : i32
      %ne3A_225 = arith.xori %lt3A_222, %lt3A_224 : i1
      %and3A_226 = arith.andi %ne3A_225, %ne3A_220 : i1
      %add3A_227 = arith.addi %rem3A_218, %select_n3A_217 : i32
      %select_n3A_228 = arith.select %and3A_226, %add3A_227, %rem3A_218 : i32
      %add3A_229 = arith.constant 2 : i32
      %add3A_230 = arith.addi %while3A_193, %add3A_229 : i32
      %jit3A_231 = arith.constant 3 : i32
      %eq3A_232 = arith.constant 0 : i32
      %eq3A_233 = arith.cmpi eq, %jit3A_231, %eq3A_232 : i32
      %jit3A_234 = arith.constant 1 : i32
      %select_n3A_235 = arith.select %eq3A_233, %jit3A_234, %jit3A_231 : i32
      %rem3A_236 = arith.remsi %add3A_230, %select_n3A_235 : i32
      %ne3A_237 = arith.constant 0 : i32
      %ne3A_238 = arith.cmpi ne, %rem3A_236, %ne3A_237 : i32
      %lt3A_239 = arith.constant 0 : i32
      %lt3A_240 = arith.cmpi slt, %rem3A_236, %lt3A_239 : i32
      %lt3A_241 = arith.constant 0 : i32
      %lt3A_242 = arith.cmpi slt, %select_n3A_235, %lt3A_241 : i32
      %ne3A_243 = arith.xori %lt3A_240, %lt3A_242 : i1
      %and3A_244 = arith.andi %ne3A_243, %ne3A_238 : i1
      %add3A_245 = arith.addi %rem3A_236, %select_n3A_235 : i32
      %select_n3A_246 = arith.select %and3A_244, %add3A_245, %rem3A_236 : i32
      %jit3A_247 = arith.constant 2 : i32
      %eq3A_248 = arith.constant 0 : i32
      %eq3A_249 = arith.cmpi eq, %jit3A_247, %eq3A_248 : i32
      %jit3A_250 = arith.constant 1 : i32
      %select_n3A_251 = arith.select %eq3A_249, %jit3A_250, %jit3A_247 : i32
      %rem3A_252 = arith.remsi %while3A_193, %select_n3A_251 : i32
      %ne3A_253 = arith.constant 0 : i32
      %ne3A_254 = arith.cmpi ne, %rem3A_252, %ne3A_253 : i32
      %lt3A_255 = arith.constant 0 : i32
      %lt3A_256 = arith.cmpi slt, %rem3A_252, %lt3A_255 : i32
      %lt3A_257 = arith.constant 0 : i32
      %lt3A_258 = arith.cmpi slt, %select_n3A_251, %lt3A_257 : i32
      %ne3A_259 = arith.xori %lt3A_256, %lt3A_258 : i1
      %and3A_260 = arith.andi %ne3A_259, %ne3A_254 : i1
      %add3A_261 = arith.addi %rem3A_252, %select_n3A_251 : i32
      %select_n3A_262 = arith.select %and3A_260, %add3A_261, %rem3A_252 : i32
      %add3A_263 = arith.constant 1 : i32
      %add3A_264 = arith.addi %while3A_193, %add3A_263 : i32
      %jit3A_265 = arith.constant 2 : i32
      %eq3A_266 = arith.constant 0 : i32
      %eq3A_267 = arith.cmpi eq, %jit3A_265, %eq3A_266 : i32
      %jit3A_268 = arith.constant 1 : i32
      %select_n3A_269 = arith.select %eq3A_267, %jit3A_268, %jit3A_265 : i32
      %rem3A_270 = arith.remsi %add3A_264, %select_n3A_269 : i32
      %ne3A_271 = arith.constant 0 : i32
      %ne3A_272 = arith.cmpi ne, %rem3A_270, %ne3A_271 : i32
      %lt3A_273 = arith.constant 0 : i32
      %lt3A_274 = arith.cmpi slt, %rem3A_270, %lt3A_273 : i32
      %lt3A_275 = arith.constant 0 : i32
      %lt3A_276 = arith.cmpi slt, %select_n3A_269, %lt3A_275 : i32
      %ne3A_277 = arith.xori %lt3A_274, %lt3A_276 : i1
      %and3A_278 = arith.andi %ne3A_277, %ne3A_272 : i1
      %add3A_279 = arith.addi %rem3A_270, %select_n3A_269 : i32
      %select_n3A_280 = arith.select %and3A_278, %add3A_279, %rem3A_270 : i32
      %ge3A = arith.constant 1 : i32
      %ge3A_281 = arith.cmpi sge, %while3A_193, %ge3A : i32
      %convert_element_type3A_282 = arith.extui %ge3A_281 : i1 to i32
      %cond3A = arith.constant 0 : i32
      %cond3A_283 = arith.cmpi ne, %convert_element_type3A_282, %cond3A : i32
      scf.if %cond3A_283 {
        %dma_wait3A_304 = arith.constant 0 : i32
        %dma_wait3A_305 = tpu.memref_slice %arg8[%select_n3A_246, %dma_wait3A_304] : memref<3x128xi32, #tpu.memory_space<vmem>> -> memref<1x128xi32, #tpu.memory_space<vmem>>
        %dma_wait3A_306 = tpu.memref_squeeze %dma_wait3A_305 : memref<1x128xi32, #tpu.memory_space<vmem>> -> memref<128xi32, #tpu.memory_space<vmem>>
        %dma_wait3A_307 = arith.constant 0 : i32
        %dma_wait3A_308 = tpu.memref_slice %arg5[%dma_wait3A_307] : memref<80384xf32, #tpu.memory_space<vmem_shared>> -> memref<80384xf32, #tpu.memory_space<vmem_shared>>
        %dma_wait3A_309 = tpu.memref_slice %arg12[%select_n3A_280] : memref<2x!tpu.dma_semaphore, #tpu.memory_space<semaphore_mem>> -> memref<1x!tpu.dma_semaphore, #tpu.memory_space<semaphore_mem>>
        %dma_wait3A_310 = tpu.memref_squeeze %dma_wait3A_309 : memref<1x!tpu.dma_semaphore, #tpu.memory_space<semaphore_mem>> -> memref<!tpu.dma_semaphore, #tpu.memory_space<semaphore_mem>>
        tpu.wait_indirect_dma semaphore(%dma_wait3A_310 : memref<!tpu.dma_semaphore, #tpu.memory_space<semaphore_mem>>) src(%arg9 : memref<128xf32, #tpu.memory_space<vmem>>) dst(%dma_wait3A_308 : memref<80384xf32, #tpu.memory_space<vmem_shared>>)
      } else {
      }
      %add3A_284 = arith.constant 2 : i32
      %add3A_285 = arith.addi %while3A_193, %add3A_284 : i32
      %lt3A_286 = arith.cmpi slt, %add3A_285, %add3A_24 : i32
      %convert_element_type3A_287 = arith.extui %lt3A_286 : i1 to i32
      %cond3A_288 = arith.constant 0 : i32
      %cond3A_289 = arith.cmpi ne, %convert_element_type3A_287, %cond3A_288 : i32
      scf.if %cond3A_289 {
        %add3A_304 = arith.constant 2 : i32
        %add3A_305 = arith.addi %while3A_193, %add3A_304 : i32
        %mul3A_306 = arith.constant 32 : i32
        %mul3A_307 = arith.muli %add3A_305, %mul3A_306 : i32
        %add3A_308 = arith.addi %mul3A_307, %add3A : i32
        %mul3A_309 = arith.constant 128 : i32
        %mul3A_310 = arith.muli %add3A_308, %mul3A_309 : i32
        %dma_start3A_311 = arith.constant 0 : i32
        %dma_start3A_312 = arith.constant 0 : i32
        %dma_start3A_313 = tpu.memref_slice %arg6[%select_n3A_246, %dma_start3A_311, %dma_start3A_312] : memref<3x2x128xi32, #tpu.memory_space<vmem>> -> memref<1x2x128xi32, #tpu.memory_space<vmem>>
        %dma_start3A_314 = tpu.memref_squeeze %dma_start3A_313 : memref<1x2x128xi32, #tpu.memory_space<vmem>> -> memref<2x128xi32, #tpu.memory_space<vmem>>
        %dma_start3A_315 = arith.constant 0 : i32
        %dma_start3A_316 = tpu.memref_slice %arg2[%dma_start3A_315, %mul3A_310] : memref<2x320000xi32, #tpu.memory_space<hbm>> -> memref<2x128xi32, #tpu.memory_space<hbm>>
        %dma_start3A_317 = tpu.memref_slice %arg11[%select_n3A_246] : memref<3x!tpu.dma_semaphore, #tpu.memory_space<semaphore_mem>> -> memref<1x!tpu.dma_semaphore, #tpu.memory_space<semaphore_mem>>
        %dma_start3A_318 = tpu.memref_squeeze %dma_start3A_317 : memref<1x!tpu.dma_semaphore, #tpu.memory_space<semaphore_mem>> -> memref<!tpu.dma_semaphore, #tpu.memory_space<semaphore_mem>>
        %dma_start3A_319 = arith.constant 0 : i32
        %dma_start3A_320 = arith.constant 0 : i32
        %dma_start3A_321 = tpu.memref_slice %arg6[%select_n3A_246, %dma_start3A_319, %dma_start3A_320] : memref<3x2x128xi32, #tpu.memory_space<vmem>> -> memref<1x2x128xi32, #tpu.memory_space<vmem>>
        %dma_start3A_322 = tpu.memref_squeeze %dma_start3A_321 : memref<1x2x128xi32, #tpu.memory_space<vmem>> -> memref<2x128xi32, #tpu.memory_space<vmem>>
        %dma_start3A_323 = arith.constant 0 : i32
        %dma_start3A_324 = tpu.memref_slice %arg2[%dma_start3A_323, %mul3A_310] : memref<2x320000xi32, #tpu.memory_space<hbm>> -> memref<2x128xi32, #tpu.memory_space<hbm>>
        tpu.enqueue_dma source(%dma_start3A_324 : memref<2x128xi32, #tpu.memory_space<hbm>>) target(%dma_start3A_322 : memref<2x128xi32, #tpu.memory_space<vmem>>) target_semaphore(%dma_start3A_318 : memref<!tpu.dma_semaphore, #tpu.memory_space<semaphore_mem>>)
        %dma_start3A_325 = arith.constant 0 : i32
        %dma_start3A_326 = tpu.memref_slice %arg7[%select_n3A_246, %dma_start3A_325] : memref<3x128xi32, #tpu.memory_space<vmem>> -> memref<1x128xi32, #tpu.memory_space<vmem>>
        %dma_start3A_327 = tpu.memref_squeeze %dma_start3A_326 : memref<1x128xi32, #tpu.memory_space<vmem>> -> memref<128xi32, #tpu.memory_space<vmem>>
        %dma_start3A_328 = tpu.memref_slice %arg3[%mul3A_310] : memref<320000xi32, #tpu.memory_space<hbm>> -> memref<128xi32, #tpu.memory_space<hbm>>
        %dma_start3A_329 = tpu.memref_slice %arg11[%select_n3A_246] : memref<3x!tpu.dma_semaphore, #tpu.memory_space<semaphore_mem>> -> memref<1x!tpu.dma_semaphore, #tpu.memory_space<semaphore_mem>>
        %dma_start3A_330 = tpu.memref_squeeze %dma_start3A_329 : memref<1x!tpu.dma_semaphore, #tpu.memory_space<semaphore_mem>> -> memref<!tpu.dma_semaphore, #tpu.memory_space<semaphore_mem>>
        %dma_start3A_331 = arith.constant 0 : i32
        %dma_start3A_332 = tpu.memref_slice %arg7[%select_n3A_246, %dma_start3A_331] : memref<3x128xi32, #tpu.memory_space<vmem>> -> memref<1x128xi32, #tpu.memory_space<vmem>>
        %dma_start3A_333 = tpu.memref_squeeze %dma_start3A_332 : memref<1x128xi32, #tpu.memory_space<vmem>> -> memref<128xi32, #tpu.memory_space<vmem>>
        %dma_start3A_334 = tpu.memref_slice %arg3[%mul3A_310] : memref<320000xi32, #tpu.memory_space<hbm>> -> memref<128xi32, #tpu.memory_space<hbm>>
        tpu.enqueue_dma source(%dma_start3A_334 : memref<128xi32, #tpu.memory_space<hbm>>) target(%dma_start3A_333 : memref<128xi32, #tpu.memory_space<vmem>>) target_semaphore(%dma_start3A_330 : memref<!tpu.dma_semaphore, #tpu.memory_space<semaphore_mem>>)
      } else {
      }
      %add3A_290 = arith.constant 1 : i32
      %add3A_291 = arith.addi %while3A_193, %add3A_290 : i32
      %lt3A_292 = arith.cmpi slt, %add3A_291, %add3A_24 : i32
      %convert_element_type3A_293 = arith.extui %lt3A_292 : i1 to i32
      %cond3A_294 = arith.constant 0 : i32
      %cond3A_295 = arith.cmpi ne, %convert_element_type3A_293, %cond3A_294 : i32
      scf.if %cond3A_295 {
        %add3A_304 = arith.constant 1 : i32
        %add3A_305 = arith.addi %while3A_193, %add3A_304 : i32
        %mul3A_306 = arith.constant 32 : i32
        %mul3A_307 = arith.muli %add3A_305, %mul3A_306 : i32
        %add3A_308 = arith.addi %mul3A_307, %add3A : i32
        %mul3A_309 = arith.constant 128 : i32
        %mul3A_310 = arith.muli %add3A_308, %mul3A_309 : i32
        %dma_wait3A_311 = arith.constant 0 : i32
        %dma_wait3A_312 = arith.constant 0 : i32
        %dma_wait3A_313 = tpu.memref_slice %arg6[%select_n3A_228, %dma_wait3A_311, %dma_wait3A_312] : memref<3x2x128xi32, #tpu.memory_space<vmem>> -> memref<1x2x128xi32, #tpu.memory_space<vmem>>
        %dma_wait3A_314 = tpu.memref_squeeze %dma_wait3A_313 : memref<1x2x128xi32, #tpu.memory_space<vmem>> -> memref<2x128xi32, #tpu.memory_space<vmem>>
        %dma_wait3A_315 = arith.constant 0 : i32
        %dma_wait3A_316 = tpu.memref_slice %arg2[%dma_wait3A_315, %mul3A_310] : memref<2x320000xi32, #tpu.memory_space<hbm>> -> memref<2x128xi32, #tpu.memory_space<hbm>>
        %dma_wait3A_317 = tpu.memref_slice %arg11[%select_n3A_228] : memref<3x!tpu.dma_semaphore, #tpu.memory_space<semaphore_mem>> -> memref<1x!tpu.dma_semaphore, #tpu.memory_space<semaphore_mem>>
        %dma_wait3A_318 = tpu.memref_squeeze %dma_wait3A_317 : memref<1x!tpu.dma_semaphore, #tpu.memory_space<semaphore_mem>> -> memref<!tpu.dma_semaphore, #tpu.memory_space<semaphore_mem>>
        %dma_wait3A_319 = arith.constant 0 : i32
        %dma_wait3A_320 = arith.constant 0 : i32
        %dma_wait3A_321 = tpu.memref_slice %arg6[%select_n3A_228, %dma_wait3A_319, %dma_wait3A_320] : memref<3x2x128xi32, #tpu.memory_space<vmem>> -> memref<1x2x128xi32, #tpu.memory_space<vmem>>
        %dma_wait3A_322 = tpu.memref_squeeze %dma_wait3A_321 : memref<1x2x128xi32, #tpu.memory_space<vmem>> -> memref<2x128xi32, #tpu.memory_space<vmem>>
        %dma_wait3A_323 = arith.constant 0 : i32
        %dma_wait3A_324 = tpu.memref_slice %arg2[%dma_wait3A_323, %mul3A_310] : memref<2x320000xi32, #tpu.memory_space<hbm>> -> memref<2x128xi32, #tpu.memory_space<hbm>>
        tpu.wait_dma2 semaphore(%dma_wait3A_318 : memref<!tpu.dma_semaphore, #tpu.memory_space<semaphore_mem>>) src(%dma_wait3A_324 : memref<2x128xi32, #tpu.memory_space<hbm>>) dst(%dma_wait3A_322 : memref<2x128xi32, #tpu.memory_space<vmem>>)
        %dma_wait3A_325 = arith.constant 0 : i32
        %dma_wait3A_326 = tpu.memref_slice %arg7[%select_n3A_228, %dma_wait3A_325] : memref<3x128xi32, #tpu.memory_space<vmem>> -> memref<1x128xi32, #tpu.memory_space<vmem>>
        %dma_wait3A_327 = tpu.memref_squeeze %dma_wait3A_326 : memref<1x128xi32, #tpu.memory_space<vmem>> -> memref<128xi32, #tpu.memory_space<vmem>>
        %dma_wait3A_328 = tpu.memref_slice %arg3[%mul3A_310] : memref<320000xi32, #tpu.memory_space<hbm>> -> memref<128xi32, #tpu.memory_space<hbm>>
        %dma_wait3A_329 = tpu.memref_slice %arg11[%select_n3A_228] : memref<3x!tpu.dma_semaphore, #tpu.memory_space<semaphore_mem>> -> memref<1x!tpu.dma_semaphore, #tpu.memory_space<semaphore_mem>>
        %dma_wait3A_330 = tpu.memref_squeeze %dma_wait3A_329 : memref<1x!tpu.dma_semaphore, #tpu.memory_space<semaphore_mem>> -> memref<!tpu.dma_semaphore, #tpu.memory_space<semaphore_mem>>
        %dma_wait3A_331 = arith.constant 0 : i32
        %dma_wait3A_332 = tpu.memref_slice %arg7[%select_n3A_228, %dma_wait3A_331] : memref<3x128xi32, #tpu.memory_space<vmem>> -> memref<1x128xi32, #tpu.memory_space<vmem>>
        %dma_wait3A_333 = tpu.memref_squeeze %dma_wait3A_332 : memref<1x128xi32, #tpu.memory_space<vmem>> -> memref<128xi32, #tpu.memory_space<vmem>>
        %dma_wait3A_334 = tpu.memref_slice %arg3[%mul3A_310] : memref<320000xi32, #tpu.memory_space<hbm>> -> memref<128xi32, #tpu.memory_space<hbm>>
        tpu.wait_dma2 semaphore(%dma_wait3A_330 : memref<!tpu.dma_semaphore, #tpu.memory_space<semaphore_mem>>) src(%dma_wait3A_334 : memref<128xi32, #tpu.memory_space<hbm>>) dst(%dma_wait3A_333 : memref<128xi32, #tpu.memory_space<vmem>>)
        %parallel_loop3A_335 = arith.constant 0 : i32
        %parallel_loop3A_336 = arith.constant 8 : i32
        %parallel_loop3A_337 = arith.constant 1 : i32
        scf.for %parallel_loop3A_338 = %parallel_loop3A_335 to %parallel_loop3A_336 step %parallel_loop3A_337  : i32 {
          %parallel_loop3A_339 = arith.constant 16 : i32
          %parallel_loop3A_340 = arith.muli %parallel_loop3A_338, %parallel_loop3A_339 : i32
          %parallel_loop3A_341 = arith.index_cast %select_n3A_228 : i32 to index
          %parallel_loop3A_342 = arith.index_cast %parallel_loop3A_340 : i32 to index
          %parallel_loop3A_343 = tpu.vector_load %arg7[%parallel_loop3A_341, %parallel_loop3A_342] {strides = array<i32>} : memref<3x128xi32, #tpu.memory_space<vmem>>, vector<1x16xi32>,
          %parallel_loop3A_344 = vector.shape_cast %parallel_loop3A_343 : vector<1x16xi32> to vector<16xi32>
          %parallel_loop3A_345 = arith.constant 10000 : i32
          %parallel_loop3A_346 = vector.broadcast %parallel_loop3A_345 : i32 to vector<16xi32>
          %parallel_loop3A_347 = arith.muli %parallel_loop3A_344, %parallel_loop3A_346 : vector<16xi32>
          %parallel_loop3A_348 = arith.constant 1 : i32
          %parallel_loop3A_349 = arith.index_cast %select_n3A_228 : i32 to index
          %parallel_loop3A_350 = arith.index_cast %parallel_loop3A_348 : i32 to index
          %parallel_loop3A_351 = arith.index_cast %parallel_loop3A_340 : i32 to index
          %parallel_loop3A_352 = tpu.vector_load %arg6[%parallel_loop3A_349, %parallel_loop3A_350, %parallel_loop3A_351] {strides = array<i32>} : memref<3x2x128xi32, #tpu.memory_space<vmem>>, vector<1x1x16xi32>,
          %parallel_loop3A_353 = vector.shape_cast %parallel_loop3A_352 : vector<1x1x16xi32> to vector<16xi32>
          %parallel_loop3A_354 = arith.addi %parallel_loop3A_347, %parallel_loop3A_353 : vector<16xi32>
          %parallel_loop3A_355 = arith.index_cast %select_n3A_228 : i32 to index
          %parallel_loop3A_356 = arith.index_cast %parallel_loop3A_340 : i32 to index
          %parallel_loop3A_357 = tpu.vector_load %arg8[%parallel_loop3A_355, %parallel_loop3A_356] {strides = array<i32>} : memref<3x128xi32, #tpu.memory_space<vmem>>, vector<1x16xi32>,
          %parallel_loop3A_358 = vector.shape_cast %parallel_loop3A_357 : vector<1x16xi32> to vector<16xi32>
          %parallel_loop3A_359 = vector.shape_cast %parallel_loop3A_354 : vector<16xi32> to vector<1x16xi32>
          tpu.vector_store %arg8[%parallel_loop3A_355, %parallel_loop3A_356], %parallel_loop3A_359 {strides = array<i32>} : memref<3x128xi32, #tpu.memory_space<vmem>>, vector<1x16xi32>,
        } {sc.loop_unroll_factor = 8 : i64, sc.parallel_access}
      } else {
      }
      %dma_start3A_296 = arith.constant 0 : i32
      %dma_start3A_297 = tpu.memref_slice %arg8[%select_n3A_210, %dma_start3A_296] : memref<3x128xi32, #tpu.memory_space<vmem>> -> memref<1x128xi32, #tpu.memory_space<vmem>>
      %dma_start3A_298 = tpu.memref_squeeze %dma_start3A_297 : memref<1x128xi32, #tpu.memory_space<vmem>> -> memref<128xi32, #tpu.memory_space<vmem>>
      %dma_start3A_299 = arith.constant 0 : i32
      %dma_start3A_300 = tpu.memref_slice %arg5[%dma_start3A_299] : memref<80384xf32, #tpu.memory_space<vmem_shared>> -> memref<80384xf32, #tpu.memory_space<vmem_shared>>
      %dma_start3A_301 = tpu.memref_slice %arg12[%select_n3A_262] : memref<2x!tpu.dma_semaphore, #tpu.memory_space<semaphore_mem>> -> memref<1x!tpu.dma_semaphore, #tpu.memory_space<semaphore_mem>>
      %dma_start3A_302 = tpu.memref_squeeze %dma_start3A_301 : memref<1x!tpu.dma_semaphore, #tpu.memory_space<semaphore_mem>> -> memref<!tpu.dma_semaphore, #tpu.memory_space<semaphore_mem>>
      tpu.enqueue_indirect_dma source(%arg9 : memref<128xf32, #tpu.memory_space<vmem>>) target(%dma_start3A_300 : memref<80384xf32, #tpu.memory_space<vmem_shared>>) offsets(%dma_start3A_298 : memref<128xi32, #tpu.memory_space<vmem>>) semaphore(%dma_start3A_302 : memref<!tpu.dma_semaphore, #tpu.memory_space<semaphore_mem>>) {add = true}
      %while3A_303 = arith.constant 0 : i32
      scf.yield %while3A_303 : i32
    }
    %while3A_130 = arith.constant 1 : i32
    %while3A_131 = scf.for %while3A_193 = %while3A_127 to %while3A_123 step %while3A_130 iter_args(%while3A_194 = %while3A_129) -> (i32)  : i32 {
      %jit3A_195 = arith.constant 3 : i32
      %eq3A_196 = arith.constant 0 : i32
      %eq3A_197 = arith.cmpi eq, %jit3A_195, %eq3A_196 : i32
      %jit3A_198 = arith.constant 1 : i32
      %select_n3A_199 = arith.select %eq3A_197, %jit3A_198, %jit3A_195 : i32
      %rem3A_200 = arith.remsi %while3A_193, %select_n3A_199 : i32
      %ne3A_201 = arith.constant 0 : i32
      %ne3A_202 = arith.cmpi ne, %rem3A_200, %ne3A_201 : i32
      %lt3A_203 = arith.constant 0 : i32
      %lt3A_204 = arith.cmpi slt, %rem3A_200, %lt3A_203 : i32
      %lt3A_205 = arith.constant 0 : i32
      %lt3A_206 = arith.cmpi slt, %select_n3A_199, %lt3A_205 : i32
      %ne3A_207 = arith.xori %lt3A_204, %lt3A_206 : i1
      %and3A_208 = arith.andi %ne3A_207, %ne3A_202 : i1
      %add3A_209 = arith.addi %rem3A_200, %select_n3A_199 : i32
      %select_n3A_210 = arith.select %and3A_208, %add3A_209, %rem3A_200 : i32
      %add3A_211 = arith.constant 1 : i32
      %add3A_212 = arith.addi %while3A_193, %add3A_211 : i32
      %jit3A_213 = arith.constant 3 : i32
      %eq3A_214 = arith.constant 0 : i32
      %eq3A_215 = arith.cmpi eq, %jit3A_213, %eq3A_214 : i32
      %jit3A_216 = arith.constant 1 : i32
      %select_n3A_217 = arith.select %eq3A_215, %jit3A_216, %jit3A_213 : i32
      %rem3A_218 = arith.remsi %add3A_212, %select_n3A_217 : i32
      %ne3A_219 = arith.constant 0 : i32
      %ne3A_220 = arith.cmpi ne, %rem3A_218, %ne3A_219 : i32
      %lt3A_221 = arith.constant 0 : i32
      %lt3A_222 = arith.cmpi slt, %rem3A_218, %lt3A_221 : i32
      %lt3A_223 = arith.constant 0 : i32
      %lt3A_224 = arith.cmpi slt, %select_n3A_217, %lt3A_223 : i32
      %ne3A_225 = arith.xori %lt3A_222, %lt3A_224 : i1
      %and3A_226 = arith.andi %ne3A_225, %ne3A_220 : i1
      %add3A_227 = arith.addi %rem3A_218, %select_n3A_217 : i32
      %select_n3A_228 = arith.select %and3A_226, %add3A_227, %rem3A_218 : i32
      %add3A_229 = arith.constant 2 : i32
      %add3A_230 = arith.addi %while3A_193, %add3A_229 : i32
      %jit3A_231 = arith.constant 3 : i32
      %eq3A_232 = arith.constant 0 : i32
      %eq3A_233 = arith.cmpi eq, %jit3A_231, %eq3A_232 : i32
      %jit3A_234 = arith.constant 1 : i32
      %select_n3A_235 = arith.select %eq3A_233, %jit3A_234, %jit3A_231 : i32
      %rem3A_236 = arith.remsi %add3A_230, %select_n3A_235 : i32
      %ne3A_237 = arith.constant 0 : i32
      %ne3A_238 = arith.cmpi ne, %rem3A_236, %ne3A_237 : i32
      %lt3A_239 = arith.constant 0 : i32
      %lt3A_240 = arith.cmpi slt, %rem3A_236, %lt3A_239 : i32
      %lt3A_241 = arith.constant 0 : i32
      %lt3A_242 = arith.cmpi slt, %select_n3A_235, %lt3A_241 : i32
      %ne3A_243 = arith.xori %lt3A_240, %lt3A_242 : i1
      %and3A_244 = arith.andi %ne3A_243, %ne3A_238 : i1
      %add3A_245 = arith.addi %rem3A_236, %select_n3A_235 : i32
      %select_n3A_246 = arith.select %and3A_244, %add3A_245, %rem3A_236 : i32
      %jit3A_247 = arith.constant 2 : i32
      %eq3A_248 = arith.constant 0 : i32
      %eq3A_249 = arith.cmpi eq, %jit3A_247, %eq3A_248 : i32
      %jit3A_250 = arith.constant 1 : i32
      %select_n3A_251 = arith.select %eq3A_249, %jit3A_250, %jit3A_247 : i32
      %rem3A_252 = arith.remsi %while3A_193, %select_n3A_251 : i32
      %ne3A_253 = arith.constant 0 : i32
      %ne3A_254 = arith.cmpi ne, %rem3A_252, %ne3A_253 : i32
      %lt3A_255 = arith.constant 0 : i32
      %lt3A_256 = arith.cmpi slt, %rem3A_252, %lt3A_255 : i32
      %lt3A_257 = arith.constant 0 : i32
      %lt3A_258 = arith.cmpi slt, %select_n3A_251, %lt3A_257 : i32
      %ne3A_259 = arith.xori %lt3A_256, %lt3A_258 : i1
      %and3A_260 = arith.andi %ne3A_259, %ne3A_254 : i1
      %add3A_261 = arith.addi %rem3A_252, %select_n3A_251 : i32
      %select_n3A_262 = arith.select %and3A_260, %add3A_261, %rem3A_252 : i32
      %add3A_263 = arith.constant 1 : i32
      %add3A_264 = arith.addi %while3A_193, %add3A_263 : i32
      %jit3A_265 = arith.constant 2 : i32
      %eq3A_266 = arith.constant 0 : i32
      %eq3A_267 = arith.cmpi eq, %jit3A_265, %eq3A_266 : i32
      %jit3A_268 = arith.constant 1 : i32
      %select_n3A_269 = arith.select %eq3A_267, %jit3A_268, %jit3A_265 : i32
      %rem3A_270 = arith.remsi %add3A_264, %select_n3A_269 : i32
      %ne3A_271 = arith.constant 0 : i32
      %ne3A_272 = arith.cmpi ne, %rem3A_270, %ne3A_271 : i32
      %lt3A_273 = arith.constant 0 : i32
      %lt3A_274 = arith.cmpi slt, %rem3A_270, %lt3A_273 : i32
      %lt3A_275 = arith.constant 0 : i32
      %lt3A_276 = arith.cmpi slt, %select_n3A_269, %lt3A_275 : i32
      %ne3A_277 = arith.xori %lt3A_274, %lt3A_276 : i1
      %and3A_278 = arith.andi %ne3A_277, %ne3A_272 : i1
      %add3A_279 = arith.addi %rem3A_270, %select_n3A_269 : i32
      %select_n3A_280 = arith.select %and3A_278, %add3A_279, %rem3A_270 : i32
      %ge3A = arith.constant 1 : i32
      %ge3A_281 = arith.cmpi sge, %while3A_193, %ge3A : i32
      %convert_element_type3A_282 = arith.extui %ge3A_281 : i1 to i32
      %cond3A = arith.constant 0 : i32
      %cond3A_283 = arith.cmpi ne, %convert_element_type3A_282, %cond3A : i32
      scf.if %cond3A_283 {
        %dma_wait3A_304 = arith.constant 0 : i32
        %dma_wait3A_305 = tpu.memref_slice %arg8[%select_n3A_246, %dma_wait3A_304] : memref<3x128xi32, #tpu.memory_space<vmem>> -> memref<1x128xi32, #tpu.memory_space<vmem>>
        %dma_wait3A_306 = tpu.memref_squeeze %dma_wait3A_305 : memref<1x128xi32, #tpu.memory_space<vmem>> -> memref<128xi32, #tpu.memory_space<vmem>>
        %dma_wait3A_307 = arith.constant 0 : i32
        %dma_wait3A_308 = tpu.memref_slice %arg5[%dma_wait3A_307] : memref<80384xf32, #tpu.memory_space<vmem_shared>> -> memref<80384xf32, #tpu.memory_space<vmem_shared>>
        %dma_wait3A_309 = tpu.memref_slice %arg12[%select_n3A_280] : memref<2x!tpu.dma_semaphore, #tpu.memory_space<semaphore_mem>> -> memref<1x!tpu.dma_semaphore, #tpu.memory_space<semaphore_mem>>
        %dma_wait3A_310 = tpu.memref_squeeze %dma_wait3A_309 : memref<1x!tpu.dma_semaphore, #tpu.memory_space<semaphore_mem>> -> memref<!tpu.dma_semaphore, #tpu.memory_space<semaphore_mem>>
        tpu.wait_indirect_dma semaphore(%dma_wait3A_310 : memref<!tpu.dma_semaphore, #tpu.memory_space<semaphore_mem>>) src(%arg9 : memref<128xf32, #tpu.memory_space<vmem>>) dst(%dma_wait3A_308 : memref<80384xf32, #tpu.memory_space<vmem_shared>>)
      } else {
      }
      %add3A_284 = arith.constant 2 : i32
      %add3A_285 = arith.addi %while3A_193, %add3A_284 : i32
      %lt3A_286 = arith.cmpi slt, %add3A_285, %add3A_24 : i32
      %convert_element_type3A_287 = arith.extui %lt3A_286 : i1 to i32
      %cond3A_288 = arith.constant 0 : i32
      %cond3A_289 = arith.cmpi ne, %convert_element_type3A_287, %cond3A_288 : i32
      scf.if %cond3A_289 {
        %add3A_304 = arith.constant 2 : i32
        %add3A_305 = arith.addi %while3A_193, %add3A_304 : i32
        %mul3A_306 = arith.constant 32 : i32
        %mul3A_307 = arith.muli %add3A_305, %mul3A_306 : i32
        %add3A_308 = arith.addi %mul3A_307, %add3A : i32
        %mul3A_309 = arith.constant 128 : i32
        %mul3A_310 = arith.muli %add3A_308, %mul3A_309 : i32
        %dma_start3A_311 = arith.constant 0 : i32
        %dma_start3A_312 = arith.constant 0 : i32
        %dma_start3A_313 = tpu.memref_slice %arg6[%select_n3A_246, %dma_start3A_311, %dma_start3A_312] : memref<3x2x128xi32, #tpu.memory_space<vmem>> -> memref<1x2x128xi32, #tpu.memory_space<vmem>>
        %dma_start3A_314 = tpu.memref_squeeze %dma_start3A_313 : memref<1x2x128xi32, #tpu.memory_space<vmem>> -> memref<2x128xi32, #tpu.memory_space<vmem>>
        %dma_start3A_315 = arith.constant 0 : i32
        %dma_start3A_316 = tpu.memref_slice %arg2[%dma_start3A_315, %mul3A_310] : memref<2x320000xi32, #tpu.memory_space<hbm>> -> memref<2x128xi32, #tpu.memory_space<hbm>>
        %dma_start3A_317 = tpu.memref_slice %arg11[%select_n3A_246] : memref<3x!tpu.dma_semaphore, #tpu.memory_space<semaphore_mem>> -> memref<1x!tpu.dma_semaphore, #tpu.memory_space<semaphore_mem>>
        %dma_start3A_318 = tpu.memref_squeeze %dma_start3A_317 : memref<1x!tpu.dma_semaphore, #tpu.memory_space<semaphore_mem>> -> memref<!tpu.dma_semaphore, #tpu.memory_space<semaphore_mem>>
        %dma_start3A_319 = arith.constant 0 : i32
        %dma_start3A_320 = arith.constant 0 : i32
        %dma_start3A_321 = tpu.memref_slice %arg6[%select_n3A_246, %dma_start3A_319, %dma_start3A_320] : memref<3x2x128xi32, #tpu.memory_space<vmem>> -> memref<1x2x128xi32, #tpu.memory_space<vmem>>
        %dma_start3A_322 = tpu.memref_squeeze %dma_start3A_321 : memref<1x2x128xi32, #tpu.memory_space<vmem>> -> memref<2x128xi32, #tpu.memory_space<vmem>>
        %dma_start3A_323 = arith.constant 0 : i32
        %dma_start3A_324 = tpu.memref_slice %arg2[%dma_start3A_323, %mul3A_310] : memref<2x320000xi32, #tpu.memory_space<hbm>> -> memref<2x128xi32, #tpu.memory_space<hbm>>
        tpu.enqueue_dma source(%dma_start3A_324 : memref<2x128xi32, #tpu.memory_space<hbm>>) target(%dma_start3A_322 : memref<2x128xi32, #tpu.memory_space<vmem>>) target_semaphore(%dma_start3A_318 : memref<!tpu.dma_semaphore, #tpu.memory_space<semaphore_mem>>)
        %dma_start3A_325 = arith.constant 0 : i32
        %dma_start3A_326 = tpu.memref_slice %arg7[%select_n3A_246, %dma_start3A_325] : memref<3x128xi32, #tpu.memory_space<vmem>> -> memref<1x128xi32, #tpu.memory_space<vmem>>
        %dma_start3A_327 = tpu.memref_squeeze %dma_start3A_326 : memref<1x128xi32, #tpu.memory_space<vmem>> -> memref<128xi32, #tpu.memory_space<vmem>>
        %dma_start3A_328 = tpu.memref_slice %arg3[%mul3A_310] : memref<320000xi32, #tpu.memory_space<hbm>> -> memref<128xi32, #tpu.memory_space<hbm>>
        %dma_start3A_329 = tpu.memref_slice %arg11[%select_n3A_246] : memref<3x!tpu.dma_semaphore, #tpu.memory_space<semaphore_mem>> -> memref<1x!tpu.dma_semaphore, #tpu.memory_space<semaphore_mem>>
        %dma_start3A_330 = tpu.memref_squeeze %dma_start3A_329 : memref<1x!tpu.dma_semaphore, #tpu.memory_space<semaphore_mem>> -> memref<!tpu.dma_semaphore, #tpu.memory_space<semaphore_mem>>
        %dma_start3A_331 = arith.constant 0 : i32
        %dma_start3A_332 = tpu.memref_slice %arg7[%select_n3A_246, %dma_start3A_331] : memref<3x128xi32, #tpu.memory_space<vmem>> -> memref<1x128xi32, #tpu.memory_space<vmem>>
        %dma_start3A_333 = tpu.memref_squeeze %dma_start3A_332 : memref<1x128xi32, #tpu.memory_space<vmem>> -> memref<128xi32, #tpu.memory_space<vmem>>
        %dma_start3A_334 = tpu.memref_slice %arg3[%mul3A_310] : memref<320000xi32, #tpu.memory_space<hbm>> -> memref<128xi32, #tpu.memory_space<hbm>>
        tpu.enqueue_dma source(%dma_start3A_334 : memref<128xi32, #tpu.memory_space<hbm>>) target(%dma_start3A_333 : memref<128xi32, #tpu.memory_space<vmem>>) target_semaphore(%dma_start3A_330 : memref<!tpu.dma_semaphore, #tpu.memory_space<semaphore_mem>>)
      } else {
      }
      %add3A_290 = arith.constant 1 : i32
      %add3A_291 = arith.addi %while3A_193, %add3A_290 : i32
      %lt3A_292 = arith.cmpi slt, %add3A_291, %add3A_24 : i32
      %convert_element_type3A_293 = arith.extui %lt3A_292 : i1 to i32
      %cond3A_294 = arith.constant 0 : i32
      %cond3A_295 = arith.cmpi ne, %convert_element_type3A_293, %cond3A_294 : i32
      scf.if %cond3A_295 {
        %add3A_304 = arith.constant 1 : i32
        %add3A_305 = arith.addi %while3A_193, %add3A_304 : i32
        %mul3A_306 = arith.constant 32 : i32
        %mul3A_307 = arith.muli %add3A_305, %mul3A_306 : i32
        %add3A_308 = arith.addi %mul3A_307, %add3A : i32
        %mul3A_309 = arith.constant 128 : i32
        %mul3A_310 = arith.muli %add3A_308, %mul3A_309 : i32
        %dma_wait3A_311 = arith.constant 0 : i32
        %dma_wait3A_312 = arith.constant 0 : i32
        %dma_wait3A_313 = tpu.memref_slice %arg6[%select_n3A_228, %dma_wait3A_311, %dma_wait3A_312] : memref<3x2x128xi32, #tpu.memory_space<vmem>> -> memref<1x2x128xi32, #tpu.memory_space<vmem>>
        %dma_wait3A_314 = tpu.memref_squeeze %dma_wait3A_313 : memref<1x2x128xi32, #tpu.memory_space<vmem>> -> memref<2x128xi32, #tpu.memory_space<vmem>>
        %dma_wait3A_315 = arith.constant 0 : i32
        %dma_wait3A_316 = tpu.memref_slice %arg2[%dma_wait3A_315, %mul3A_310] : memref<2x320000xi32, #tpu.memory_space<hbm>> -> memref<2x128xi32, #tpu.memory_space<hbm>>
        %dma_wait3A_317 = tpu.memref_slice %arg11[%select_n3A_228] : memref<3x!tpu.dma_semaphore, #tpu.memory_space<semaphore_mem>> -> memref<1x!tpu.dma_semaphore, #tpu.memory_space<semaphore_mem>>
        %dma_wait3A_318 = tpu.memref_squeeze %dma_wait3A_317 : memref<1x!tpu.dma_semaphore, #tpu.memory_space<semaphore_mem>> -> memref<!tpu.dma_semaphore, #tpu.memory_space<semaphore_mem>>
        %dma_wait3A_319 = arith.constant 0 : i32
        %dma_wait3A_320 = arith.constant 0 : i32
        %dma_wait3A_321 = tpu.memref_slice %arg6[%select_n3A_228, %dma_wait3A_319, %dma_wait3A_320] : memref<3x2x128xi32, #tpu.memory_space<vmem>> -> memref<1x2x128xi32, #tpu.memory_space<vmem>>
        %dma_wait3A_322 = tpu.memref_squeeze %dma_wait3A_321 : memref<1x2x128xi32, #tpu.memory_space<vmem>> -> memref<2x128xi32, #tpu.memory_space<vmem>>
        %dma_wait3A_323 = arith.constant 0 : i32
        %dma_wait3A_324 = tpu.memref_slice %arg2[%dma_wait3A_323, %mul3A_310] : memref<2x320000xi32, #tpu.memory_space<hbm>> -> memref<2x128xi32, #tpu.memory_space<hbm>>
        tpu.wait_dma2 semaphore(%dma_wait3A_318 : memref<!tpu.dma_semaphore, #tpu.memory_space<semaphore_mem>>) src(%dma_wait3A_324 : memref<2x128xi32, #tpu.memory_space<hbm>>) dst(%dma_wait3A_322 : memref<2x128xi32, #tpu.memory_space<vmem>>)
        %dma_wait3A_325 = arith.constant 0 : i32
        %dma_wait3A_326 = tpu.memref_slice %arg7[%select_n3A_228, %dma_wait3A_325] : memref<3x128xi32, #tpu.memory_space<vmem>> -> memref<1x128xi32, #tpu.memory_space<vmem>>
        %dma_wait3A_327 = tpu.memref_squeeze %dma_wait3A_326 : memref<1x128xi32, #tpu.memory_space<vmem>> -> memref<128xi32, #tpu.memory_space<vmem>>
        %dma_wait3A_328 = tpu.memref_slice %arg3[%mul3A_310] : memref<320000xi32, #tpu.memory_space<hbm>> -> memref<128xi32, #tpu.memory_space<hbm>>
        %dma_wait3A_329 = tpu.memref_slice %arg11[%select_n3A_228] : memref<3x!tpu.dma_semaphore, #tpu.memory_space<semaphore_mem>> -> memref<1x!tpu.dma_semaphore, #tpu.memory_space<semaphore_mem>>
        %dma_wait3A_330 = tpu.memref_squeeze %dma_wait3A_329 : memref<1x!tpu.dma_semaphore, #tpu.memory_space<semaphore_mem>> -> memref<!tpu.dma_semaphore, #tpu.memory_space<semaphore_mem>>
        %dma_wait3A_331 = arith.constant 0 : i32
        %dma_wait3A_332 = tpu.memref_slice %arg7[%select_n3A_228, %dma_wait3A_331] : memref<3x128xi32, #tpu.memory_space<vmem>> -> memref<1x128xi32, #tpu.memory_space<vmem>>
        %dma_wait3A_333 = tpu.memref_squeeze %dma_wait3A_332 : memref<1x128xi32, #tpu.memory_space<vmem>> -> memref<128xi32, #tpu.memory_space<vmem>>
        %dma_wait3A_334 = tpu.memref_slice %arg3[%mul3A_310] : memref<320000xi32, #tpu.memory_space<hbm>> -> memref<128xi32, #tpu.memory_space<hbm>>
        tpu.wait_dma2 semaphore(%dma_wait3A_330 : memref<!tpu.dma_semaphore, #tpu.memory_space<semaphore_mem>>) src(%dma_wait3A_334 : memref<128xi32, #tpu.memory_space<hbm>>) dst(%dma_wait3A_333 : memref<128xi32, #tpu.memory_space<vmem>>)
        %parallel_loop3A_335 = arith.constant 0 : i32
        %parallel_loop3A_336 = arith.constant 8 : i32
        %parallel_loop3A_337 = arith.constant 1 : i32
        scf.for %parallel_loop3A_338 = %parallel_loop3A_335 to %parallel_loop3A_336 step %parallel_loop3A_337  : i32 {
          %parallel_loop3A_339 = arith.constant 16 : i32
          %parallel_loop3A_340 = arith.muli %parallel_loop3A_338, %parallel_loop3A_339 : i32
          %parallel_loop3A_341 = arith.index_cast %select_n3A_228 : i32 to index
          %parallel_loop3A_342 = arith.index_cast %parallel_loop3A_340 : i32 to index
          %parallel_loop3A_343 = tpu.vector_load %arg7[%parallel_loop3A_341, %parallel_loop3A_342] {strides = array<i32>} : memref<3x128xi32, #tpu.memory_space<vmem>>, vector<1x16xi32>,
          %parallel_loop3A_344 = vector.shape_cast %parallel_loop3A_343 : vector<1x16xi32> to vector<16xi32>
          %parallel_loop3A_345 = arith.constant 10000 : i32
          %parallel_loop3A_346 = vector.broadcast %parallel_loop3A_345 : i32 to vector<16xi32>
          %parallel_loop3A_347 = arith.muli %parallel_loop3A_344, %parallel_loop3A_346 : vector<16xi32>
          %parallel_loop3A_348 = arith.constant 1 : i32
          %parallel_loop3A_349 = arith.index_cast %select_n3A_228 : i32 to index
          %parallel_loop3A_350 = arith.index_cast %parallel_loop3A_348 : i32 to index
          %parallel_loop3A_351 = arith.index_cast %parallel_loop3A_340 : i32 to index
          %parallel_loop3A_352 = tpu.vector_load %arg6[%parallel_loop3A_349, %parallel_loop3A_350, %parallel_loop3A_351] {strides = array<i32>} : memref<3x2x128xi32, #tpu.memory_space<vmem>>, vector<1x1x16xi32>,
          %parallel_loop3A_353 = vector.shape_cast %parallel_loop3A_352 : vector<1x1x16xi32> to vector<16xi32>
          %parallel_loop3A_354 = arith.addi %parallel_loop3A_347, %parallel_loop3A_353 : vector<16xi32>
          %parallel_loop3A_355 = arith.index_cast %select_n3A_228 : i32 to index
          %parallel_loop3A_356 = arith.index_cast %parallel_loop3A_340 : i32 to index
          %parallel_loop3A_357 = tpu.vector_load %arg8[%parallel_loop3A_355, %parallel_loop3A_356] {strides = array<i32>} : memref<3x128xi32, #tpu.memory_space<vmem>>, vector<1x16xi32>,
          %parallel_loop3A_358 = vector.shape_cast %parallel_loop3A_357 : vector<1x16xi32> to vector<16xi32>
          %parallel_loop3A_359 = vector.shape_cast %parallel_loop3A_354 : vector<16xi32> to vector<1x16xi32>
          tpu.vector_store %arg8[%parallel_loop3A_355, %parallel_loop3A_356], %parallel_loop3A_359 {strides = array<i32>} : memref<3x128xi32, #tpu.memory_space<vmem>>, vector<1x16xi32>,
        } {sc.loop_unroll_factor = 8 : i64, sc.parallel_access}
      } else {
      }
      %dma_start3A_296 = arith.constant 0 : i32
      %dma_start3A_297 = tpu.memref_slice %arg8[%select_n3A_210, %dma_start3A_296] : memref<3x128xi32, #tpu.memory_space<vmem>> -> memref<1x128xi32, #tpu.memory_space<vmem>>
      %dma_start3A_298 = tpu.memref_squeeze %dma_start3A_297 : memref<1x128xi32, #tpu.memory_space<vmem>> -> memref<128xi32, #tpu.memory_space<vmem>>
      %dma_start3A_299 = arith.constant 0 : i32
      %dma_start3A_300 = tpu.memref_slice %arg5[%dma_start3A_299] : memref<80384xf32, #tpu.memory_space<vmem_shared>> -> memref<80384xf32, #tpu.memory_space<vmem_shared>>
      %dma_start3A_301 = tpu.memref_slice %arg12[%select_n3A_262] : memref<2x!tpu.dma_semaphore, #tpu.memory_space<semaphore_mem>> -> memref<1x!tpu.dma_semaphore, #tpu.memory_space<semaphore_mem>>
      %dma_start3A_302 = tpu.memref_squeeze %dma_start3A_301 : memref<1x!tpu.dma_semaphore, #tpu.memory_space<semaphore_mem>> -> memref<!tpu.dma_semaphore, #tpu.memory_space<semaphore_mem>>
      tpu.enqueue_indirect_dma source(%arg9 : memref<128xf32, #tpu.memory_space<vmem>>) target(%dma_start3A_300 : memref<80384xf32, #tpu.memory_space<vmem_shared>>) offsets(%dma_start3A_298 : memref<128xi32, #tpu.memory_space<vmem>>) semaphore(%dma_start3A_302 : memref<!tpu.dma_semaphore, #tpu.memory_space<semaphore_mem>>) {add = true}
      %while3A_303 = arith.constant 0 : i32
      scf.yield %while3A_303 : i32
    }
    %add3A_132 = arith.constant 2 : i32
    %add3A_133 = arith.addi %add3A_24, %add3A_132 : i32
    %jit3A = arith.constant 3 : i32
    %eq3A = arith.constant 0 : i32
    %eq3A_134 = arith.cmpi eq, %jit3A, %eq3A : i32
    %jit3A_135 = arith.constant 1 : i32
    %select_n3A = arith.select %eq3A_134, %jit3A_135, %jit3A : i32
    %rem3A = arith.remsi %add3A_133, %select_n3A : i32
    %ne3A = arith.constant 0 : i32
    %ne3A_136 = arith.cmpi ne, %rem3A, %ne3A : i32
    %lt3A_137 = arith.constant 0 : i32
    %lt3A_138 = arith.cmpi slt, %rem3A, %lt3A_137 : i32
    %lt3A_139 = arith.constant 0 : i32
    %lt3A_140 = arith.cmpi slt, %select_n3A, %lt3A_139 : i32
    %ne3A_141 = arith.xori %lt3A_138, %lt3A_140 : i1
    %and3A = arith.andi %ne3A_141, %ne3A_136 : i1
    %add3A_142 = arith.addi %rem3A, %select_n3A : i32
    %select_n3A_143 = arith.select %and3A, %add3A_142, %rem3A : i32
    %add3A_144 = arith.constant 1 : i32
    %add3A_145 = arith.addi %add3A_24, %add3A_144 : i32
    %jit3A_146 = arith.constant 2 : i32
    %eq3A_147 = arith.constant 0 : i32
    %eq3A_148 = arith.cmpi eq, %jit3A_146, %eq3A_147 : i32
    %jit3A_149 = arith.constant 1 : i32
    %select_n3A_150 = arith.select %eq3A_148, %jit3A_149, %jit3A_146 : i32
    %rem3A_151 = arith.remsi %add3A_145, %select_n3A_150 : i32
    %ne3A_152 = arith.constant 0 : i32
    %ne3A_153 = arith.cmpi ne, %rem3A_151, %ne3A_152 : i32
    %lt3A_154 = arith.constant 0 : i32
    %lt3A_155 = arith.cmpi slt, %rem3A_151, %lt3A_154 : i32
    %lt3A_156 = arith.constant 0 : i32
    %lt3A_157 = arith.cmpi slt, %select_n3A_150, %lt3A_156 : i32
    %ne3A_158 = arith.xori %lt3A_155, %lt3A_157 : i1
    %and3A_159 = arith.andi %ne3A_158, %ne3A_153 : i1
    %add3A_160 = arith.addi %rem3A_151, %select_n3A_150 : i32
    %select_n3A_161 = arith.select %and3A_159, %add3A_160, %rem3A_151 : i32
    %dma_wait3A_162 = arith.constant 0 : i32
    %dma_wait3A_163 = tpu.memref_slice %arg8[%select_n3A_143, %dma_wait3A_162] : memref<3x128xi32, #tpu.memory_space<vmem>> -> memref<1x128xi32, #tpu.memory_space<vmem>>
    %dma_wait3A_164 = tpu.memref_squeeze %dma_wait3A_163 : memref<1x128xi32, #tpu.memory_space<vmem>> -> memref<128xi32, #tpu.memory_space<vmem>>
    %dma_wait3A_165 = arith.constant 0 : i32
    %dma_wait3A_166 = tpu.memref_slice %arg5[%dma_wait3A_165] : memref<80384xf32, #tpu.memory_space<vmem_shared>> -> memref<80384xf32, #tpu.memory_space<vmem_shared>>
    %dma_wait3A_167 = tpu.memref_slice %arg12[%select_n3A_161] : memref<2x!tpu.dma_semaphore, #tpu.memory_space<semaphore_mem>> -> memref<1x!tpu.dma_semaphore, #tpu.memory_space<semaphore_mem>>
    %dma_wait3A_168 = tpu.memref_squeeze %dma_wait3A_167 : memref<1x!tpu.dma_semaphore, #tpu.memory_space<semaphore_mem>> -> memref<!tpu.dma_semaphore, #tpu.memory_space<semaphore_mem>>
    tpu.wait_indirect_dma semaphore(%dma_wait3A_168 : memref<!tpu.dma_semaphore, #tpu.memory_space<semaphore_mem>>) src(%arg9 : memref<128xf32, #tpu.memory_space<vmem>>) dst(%dma_wait3A_166 : memref<80384xf32, #tpu.memory_space<vmem_shared>>)
    %barrier3A_169 = arith.constant 0 : index
    tpu.barrier barrier_id(%barrier3A_169)
    %mul3A_170 = arith.constant 80384 : i32
    %mul3A_171 = arith.muli %arg0, %mul3A_170 : i32
    %mul3A_172 = arith.constant 5024 : i32
    %mul3A_173 = arith.muli %arg1, %mul3A_172 : i32
    %add3A_174 = arith.addi %mul3A_171, %mul3A_173 : i32
    %add3A_175 = arith.constant 0 : i32
    %add3A_176 = arith.addi %add3A_174, %add3A_175 : i32
    %multiple_of3A = tpu.assume_multiple %add3A_176, 8 : i32
    %mul3A_177 = arith.constant 5024 : i32
    %mul3A_178 = arith.muli %arg1, %mul3A_177 : i32
    %add3A_179 = arith.constant 0 : i32
    %add3A_180 = arith.addi %mul3A_178, %add3A_179 : i32
    "tpu.region"() ({
      %run_scoped3A = tpu.sem_alloc : memref<!tpu.dma_semaphore, #tpu.memory_space<semaphore_mem>>
      %dma_start3A_193 = tpu.memref_slice %arg5[%add3A_180] : memref<80384xf32, #tpu.memory_space<vmem_shared>> -> memref<2512xf32, #tpu.memory_space<vmem_shared>>
      %dma_start3A_194 = tpu.memref_slice %arg5[%add3A_180] : memref<80384xf32, #tpu.memory_space<vmem_shared>> -> memref<2512xf32, #tpu.memory_space<vmem_shared>>
      tpu.enqueue_dma source(%dma_start3A_194 : memref<2512xf32, #tpu.memory_space<vmem_shared>>) target(%arg10 : memref<2512xf32, #tpu.memory_space<vmem>>) target_semaphore(%run_scoped3A : memref<!tpu.dma_semaphore, #tpu.memory_space<semaphore_mem>>)
      %dma_wait3A_195 = tpu.memref_slice %arg5[%add3A_180] : memref<80384xf32, #tpu.memory_space<vmem_shared>> -> memref<2512xf32, #tpu.memory_space<vmem_shared>>
      %dma_wait3A_196 = tpu.memref_slice %arg5[%add3A_180] : memref<80384xf32, #tpu.memory_space<vmem_shared>> -> memref<2512xf32, #tpu.memory_space<vmem_shared>>
      tpu.wait_dma2 semaphore(%run_scoped3A : memref<!tpu.dma_semaphore, #tpu.memory_space<semaphore_mem>>) src(%dma_wait3A_196 : memref<2512xf32, #tpu.memory_space<vmem_shared>>) dst(%arg10 : memref<2512xf32, #tpu.memory_space<vmem>>)
      tpu.yield
    }) : () -> ()
    "tpu.region"() ({
      %run_scoped3A = tpu.sem_alloc : memref<!tpu.dma_semaphore, #tpu.memory_space<semaphore_mem>>
      %dma_start3A_193 = tpu.memref_slice %arg4[%multiple_of3A] : memref<160768xf32, #tpu.memory_space<hbm>> -> memref<2512xf32, #tpu.memory_space<hbm>>
      %dma_start3A_194 = tpu.memref_slice %arg4[%multiple_of3A] : memref<160768xf32, #tpu.memory_space<hbm>> -> memref<2512xf32, #tpu.memory_space<hbm>>
      tpu.enqueue_dma source(%arg10 : memref<2512xf32, #tpu.memory_space<vmem>>) target(%dma_start3A_194 : memref<2512xf32, #tpu.memory_space<hbm>>) target_semaphore(%run_scoped3A : memref<!tpu.dma_semaphore, #tpu.memory_space<semaphore_mem>>)
      %dma_wait3A_195 = tpu.memref_slice %arg4[%multiple_of3A] : memref<160768xf32, #tpu.memory_space<hbm>> -> memref<2512xf32, #tpu.memory_space<hbm>>
      %dma_wait3A_196 = tpu.memref_slice %arg4[%multiple_of3A] : memref<160768xf32, #tpu.memory_space<hbm>> -> memref<2512xf32, #tpu.memory_space<hbm>>
      tpu.wait_dma2 semaphore(%run_scoped3A : memref<!tpu.dma_semaphore, #tpu.memory_space<semaphore_mem>>) src(%arg10 : memref<2512xf32, #tpu.memory_space<vmem>>) dst(%dma_wait3A_196 : memref<2512xf32, #tpu.memory_space<hbm>>)
      tpu.yield
    }) : () -> ()
    %mul3A_181 = arith.constant 80384 : i32
    %mul3A_182 = arith.muli %arg0, %mul3A_181 : i32
    %mul3A_183 = arith.constant 5024 : i32
    %mul3A_184 = arith.muli %arg1, %mul3A_183 : i32
    %add3A_185 = arith.addi %mul3A_182, %mul3A_184 : i32
    %add3A_186 = arith.constant 2512 : i32
    %add3A_187 = arith.addi %add3A_185, %add3A_186 : i32
    %multiple_of3A_188 = tpu.assume_multiple %add3A_187, 8 : i32
    %mul3A_189 = arith.constant 5024 : i32
    %mul3A_190 = arith.muli %arg1, %mul3A_189 : i32
    %add3A_191 = arith.constant 2512 : i32
    %add3A_192 = arith.addi %mul3A_190, %add3A_191 : i32
    "tpu.region"() ({
      %run_scoped3A = tpu.sem_alloc : memref<!tpu.dma_semaphore, #tpu.memory_space<semaphore_mem>>
      %dma_start3A_193 = tpu.memref_slice %arg5[%add3A_192] : memref<80384xf32, #tpu.memory_space<vmem_shared>> -> memref<2512xf32, #tpu.memory_space<vmem_shared>>
      %dma_start3A_194 = tpu.memref_slice %arg5[%add3A_192] : memref<80384xf32, #tpu.memory_space<vmem_shared>> -> memref<2512xf32, #tpu.memory_space<vmem_shared>>
      tpu.enqueue_dma source(%dma_start3A_194 : memref<2512xf32, #tpu.memory_space<vmem_shared>>) target(%arg10 : memref<2512xf32, #tpu.memory_space<vmem>>) target_semaphore(%run_scoped3A : memref<!tpu.dma_semaphore, #tpu.memory_space<semaphore_mem>>)
      %dma_wait3A_195 = tpu.memref_slice %arg5[%add3A_192] : memref<80384xf32, #tpu.memory_space<vmem_shared>> -> memref<2512xf32, #tpu.memory_space<vmem_shared>>
      %dma_wait3A_196 = tpu.memref_slice %arg5[%add3A_192] : memref<80384xf32, #tpu.memory_space<vmem_shared>> -> memref<2512xf32, #tpu.memory_space<vmem_shared>>
      tpu.wait_dma2 semaphore(%run_scoped3A : memref<!tpu.dma_semaphore, #tpu.memory_space<semaphore_mem>>) src(%dma_wait3A_196 : memref<2512xf32, #tpu.memory_space<vmem_shared>>) dst(%arg10 : memref<2512xf32, #tpu.memory_space<vmem>>)
      tpu.yield
    }) : () -> ()
    "tpu.region"() ({
      %run_scoped3A = tpu.sem_alloc : memref<!tpu.dma_semaphore, #tpu.memory_space<semaphore_mem>>
      %dma_start3A_193 = tpu.memref_slice %arg4[%multiple_of3A_188] : memref<160768xf32, #tpu.memory_space<hbm>> -> memref<2512xf32, #tpu.memory_space<hbm>>
      %dma_start3A_194 = tpu.memref_slice %arg4[%multiple_of3A_188] : memref<160768xf32, #tpu.memory_space<hbm>> -> memref<2512xf32, #tpu.memory_space<hbm>>
      tpu.enqueue_dma source(%arg10 : memref<2512xf32, #tpu.memory_space<vmem>>) target(%dma_start3A_194 : memref<2512xf32, #tpu.memory_space<hbm>>) target_semaphore(%run_scoped3A : memref<!tpu.dma_semaphore, #tpu.memory_space<semaphore_mem>>)
      %dma_wait3A_195 = tpu.memref_slice %arg4[%multiple_of3A_188] : memref<160768xf32, #tpu.memory_space<hbm>> -> memref<2512xf32, #tpu.memory_space<hbm>>
      %dma_wait3A_196 = tpu.memref_slice %arg4[%multiple_of3A_188] : memref<160768xf32, #tpu.memory_space<hbm>> -> memref<2512xf32, #tpu.memory_space<hbm>>
      tpu.wait_dma2 semaphore(%run_scoped3A : memref<!tpu.dma_semaphore, #tpu.memory_space<semaphore_mem>>) src(%arg10 : memref<2512xf32, #tpu.memory_space<vmem>>) dst(%dma_wait3A_196 : memref<2512xf32, #tpu.memory_space<hbm>>)
      tpu.yield
    }) : () -> ()
    return
  }
}

#map = affine_map<(d0, d1) -> (0, 0)>
#map1 = affine_map<(d0, d1) -> (0)>
#map2 = affine_map<(d0, d1) -> (0, 0, 0)>
module attributes {stable_mosaic.version = 14 : i64} {
  func.func @k(%arg0: i32, %arg1: i32, %arg2: memref<90000x128xf32, #tpu.memory_space<hbm>>, %arg3: memref<2x320000xi32, #tpu.memory_space<hbm>>, %arg4: memref<320000xi32, #tpu.memory_space<hbm>>, %arg5: memref<160768xf32, #tpu.memory_space<hbm>>, %arg6: memref<2x10240x128xf32, #tpu.memory_space<hbm>>, %arg7: memref<10240x128xf32, #tpu.memory_space<vmem_shared>>, %arg8: memref<80384xf32, #tpu.memory_space<vmem_shared>>, %arg9: memref<3x2x128xi32, #tpu.memory_space<vmem>>, %arg10: memref<3x128xi32, #tpu.memory_space<vmem>>, %arg11: memref<3x128xi32, #tpu.memory_space<vmem>>, %arg12: memref<3x128xi32, #tpu.memory_space<vmem>>, %arg13: memref<3x128xi32, #tpu.memory_space<vmem>>, %arg14: memref<2x128xf32, #tpu.memory_space<vmem>>, %arg15: memref<2512xf32, #tpu.memory_space<vmem>>, %arg16: memref<2512xf32, #tpu.memory_space<vmem>>, %arg17: memref<2x128x128xf32, #tpu.memory_space<vmem>>, %arg18: memref<3x!tpu.dma_semaphore, #tpu.memory_space<semaphore_mem>>, %arg19: memref<2x!tpu.dma_semaphore, #tpu.memory_space<semaphore_mem>>, %arg20: memref<2x!tpu.dma_semaphore, #tpu.memory_space<semaphore_mem>>, %arg21: memref<2x!tpu.dma_semaphore, #tpu.memory_space<semaphore_mem>>) attributes {dimension_semantics = [#tpu.dimension_semantics<core_parallel>, #tpu.dimension_semantics<subcore_parallel>], iteration_bounds = array<i64: 2, 16>, scalar_prefetch = 0 : i64, scratch_operands = 15 : i64, tpu.core_type = #tpu.core_type<sc_vector_subcore>, window_params = [{transform_indices = #map}, {transform_indices = #map}, {transform_indices = #map1}, {transform_indices = #map1}, {transform_indices = #map2}]} {
    %mul3A = arith.constant 16 : i32
    %mul3A_0 = arith.muli %arg0, %mul3A : i32
    %add3A = arith.addi %mul3A_0, %arg1 : i32
    %scan3A = arith.constant 0 : i32
    %scan3A_1 = arith.constant 0 : i32
    %scan3A_2 = arith.constant 128 : i32
    %scan3A_3 = arith.addi %scan3A_1, %scan3A_2 : i32
    %scan3A_4 = arith.constant 1 : i32
    %scan3A_5 = scf.for %scan3A_481 = %scan3A_1 to %scan3A_3 step %scan3A_4 iter_args(%scan3A_482 = %scan3A) -> (i32)  : i32 {
      %broadcast_in_dim3A = arith.constant 0.000000e+00 : f32
      %broadcast_in_dim3A_483 = vector.broadcast %broadcast_in_dim3A : f32 to vector<16xf32>
      %swap3A = arith.constant 0 : i32
      %swap3A_484 = arith.index_cast %swap3A : i32 to index
      %swap3A_485 = arith.index_cast %scan3A_481 : i32 to index
      %swap3A_486 = arith.constant 0 : index
      %swap3A_487 = tpu.vector_load %arg17[%swap3A_484, %swap3A_485, %swap3A_486] {strides = array<i32>} : memref<2x128x128xf32, #tpu.memory_space<vmem>>, vector<1x1x16xf32>,
      %swap3A_488 = vector.shape_cast %swap3A_487 : vector<1x1x16xf32> to vector<16xf32>
      %swap3A_489 = vector.shape_cast %broadcast_in_dim3A_483 : vector<16xf32> to vector<1x1x16xf32>
      tpu.vector_store %arg17[%swap3A_484, %swap3A_485, %swap3A_486], %swap3A_489 {strides = array<i32>} : memref<2x128x128xf32, #tpu.memory_space<vmem>>, vector<1x1x16xf32>,
      %broadcast_in_dim3A_490 = arith.constant 0.000000e+00 : f32
      %broadcast_in_dim3A_491 = vector.broadcast %broadcast_in_dim3A_490 : f32 to vector<16xf32>
      %swap3A_492 = arith.constant 0 : i32
      %swap3A_493 = arith.index_cast %swap3A_492 : i32 to index
      %swap3A_494 = arith.index_cast %scan3A_481 : i32 to index
      %swap3A_495 = arith.constant 16 : index
      %swap3A_496 = tpu.vector_load %arg17[%swap3A_493, %swap3A_494, %swap3A_495] {strides = array<i32>} : memref<2x128x128xf32, #tpu.memory_space<vmem>>, vector<1x1x16xf32>,
      %swap3A_497 = vector.shape_cast %swap3A_496 : vector<1x1x16xf32> to vector<16xf32>
      %swap3A_498 = vector.shape_cast %broadcast_in_dim3A_491 : vector<16xf32> to vector<1x1x16xf32>
      tpu.vector_store %arg17[%swap3A_493, %swap3A_494, %swap3A_495], %swap3A_498 {strides = array<i32>} : memref<2x128x128xf32, #tpu.memory_space<vmem>>, vector<1x1x16xf32>,
      %broadcast_in_dim3A_499 = arith.constant 0.000000e+00 : f32
      %broadcast_in_dim3A_500 = vector.broadcast %broadcast_in_dim3A_499 : f32 to vector<16xf32>
      %swap3A_501 = arith.constant 0 : i32
      %swap3A_502 = arith.index_cast %swap3A_501 : i32 to index
      %swap3A_503 = arith.index_cast %scan3A_481 : i32 to index
      %swap3A_504 = arith.constant 32 : index
      %swap3A_505 = tpu.vector_load %arg17[%swap3A_502, %swap3A_503, %swap3A_504] {strides = array<i32>} : memref<2x128x128xf32, #tpu.memory_space<vmem>>, vector<1x1x16xf32>,
      %swap3A_506 = vector.shape_cast %swap3A_505 : vector<1x1x16xf32> to vector<16xf32>
      %swap3A_507 = vector.shape_cast %broadcast_in_dim3A_500 : vector<16xf32> to vector<1x1x16xf32>
      tpu.vector_store %arg17[%swap3A_502, %swap3A_503, %swap3A_504], %swap3A_507 {strides = array<i32>} : memref<2x128x128xf32, #tpu.memory_space<vmem>>, vector<1x1x16xf32>,
      %broadcast_in_dim3A_508 = arith.constant 0.000000e+00 : f32
      %broadcast_in_dim3A_509 = vector.broadcast %broadcast_in_dim3A_508 : f32 to vector<16xf32>
      %swap3A_510 = arith.constant 0 : i32
      %swap3A_511 = arith.index_cast %swap3A_510 : i32 to index
      %swap3A_512 = arith.index_cast %scan3A_481 : i32 to index
      %swap3A_513 = arith.constant 48 : index
      %swap3A_514 = tpu.vector_load %arg17[%swap3A_511, %swap3A_512, %swap3A_513] {strides = array<i32>} : memref<2x128x128xf32, #tpu.memory_space<vmem>>, vector<1x1x16xf32>,
      %swap3A_515 = vector.shape_cast %swap3A_514 : vector<1x1x16xf32> to vector<16xf32>
      %swap3A_516 = vector.shape_cast %broadcast_in_dim3A_509 : vector<16xf32> to vector<1x1x16xf32>
      tpu.vector_store %arg17[%swap3A_511, %swap3A_512, %swap3A_513], %swap3A_516 {strides = array<i32>} : memref<2x128x128xf32, #tpu.memory_space<vmem>>, vector<1x1x16xf32>,
      %broadcast_in_dim3A_517 = arith.constant 0.000000e+00 : f32
      %broadcast_in_dim3A_518 = vector.broadcast %broadcast_in_dim3A_517 : f32 to vector<16xf32>
      %swap3A_519 = arith.constant 0 : i32
      %swap3A_520 = arith.index_cast %swap3A_519 : i32 to index
      %swap3A_521 = arith.index_cast %scan3A_481 : i32 to index
      %swap3A_522 = arith.constant 64 : index
      %swap3A_523 = tpu.vector_load %arg17[%swap3A_520, %swap3A_521, %swap3A_522] {strides = array<i32>} : memref<2x128x128xf32, #tpu.memory_space<vmem>>, vector<1x1x16xf32>,
      %swap3A_524 = vector.shape_cast %swap3A_523 : vector<1x1x16xf32> to vector<16xf32>
      %swap3A_525 = vector.shape_cast %broadcast_in_dim3A_518 : vector<16xf32> to vector<1x1x16xf32>
      tpu.vector_store %arg17[%swap3A_520, %swap3A_521, %swap3A_522], %swap3A_525 {strides = array<i32>} : memref<2x128x128xf32, #tpu.memory_space<vmem>>, vector<1x1x16xf32>,
      %broadcast_in_dim3A_526 = arith.constant 0.000000e+00 : f32
      %broadcast_in_dim3A_527 = vector.broadcast %broadcast_in_dim3A_526 : f32 to vector<16xf32>
      %swap3A_528 = arith.constant 0 : i32
      %swap3A_529 = arith.index_cast %swap3A_528 : i32 to index
      %swap3A_530 = arith.index_cast %scan3A_481 : i32 to index
      %swap3A_531 = arith.constant 80 : index
      %swap3A_532 = tpu.vector_load %arg17[%swap3A_529, %swap3A_530, %swap3A_531] {strides = array<i32>} : memref<2x128x128xf32, #tpu.memory_space<vmem>>, vector<1x1x16xf32>,
      %swap3A_533 = vector.shape_cast %swap3A_532 : vector<1x1x16xf32> to vector<16xf32>
      %swap3A_534 = vector.shape_cast %broadcast_in_dim3A_527 : vector<16xf32> to vector<1x1x16xf32>
      tpu.vector_store %arg17[%swap3A_529, %swap3A_530, %swap3A_531], %swap3A_534 {strides = array<i32>} : memref<2x128x128xf32, #tpu.memory_space<vmem>>, vector<1x1x16xf32>,
      %broadcast_in_dim3A_535 = arith.constant 0.000000e+00 : f32
      %broadcast_in_dim3A_536 = vector.broadcast %broadcast_in_dim3A_535 : f32 to vector<16xf32>
      %swap3A_537 = arith.constant 0 : i32
      %swap3A_538 = arith.index_cast %swap3A_537 : i32 to index
      %swap3A_539 = arith.index_cast %scan3A_481 : i32 to index
      %swap3A_540 = arith.constant 96 : index
      %swap3A_541 = tpu.vector_load %arg17[%swap3A_538, %swap3A_539, %swap3A_540] {strides = array<i32>} : memref<2x128x128xf32, #tpu.memory_space<vmem>>, vector<1x1x16xf32>,
      %swap3A_542 = vector.shape_cast %swap3A_541 : vector<1x1x16xf32> to vector<16xf32>
      %swap3A_543 = vector.shape_cast %broadcast_in_dim3A_536 : vector<16xf32> to vector<1x1x16xf32>
      tpu.vector_store %arg17[%swap3A_538, %swap3A_539, %swap3A_540], %swap3A_543 {strides = array<i32>} : memref<2x128x128xf32, #tpu.memory_space<vmem>>, vector<1x1x16xf32>,
      %broadcast_in_dim3A_544 = arith.constant 0.000000e+00 : f32
      %broadcast_in_dim3A_545 = vector.broadcast %broadcast_in_dim3A_544 : f32 to vector<16xf32>
      %swap3A_546 = arith.constant 0 : i32
      %swap3A_547 = arith.index_cast %swap3A_546 : i32 to index
      %swap3A_548 = arith.index_cast %scan3A_481 : i32 to index
      %swap3A_549 = arith.constant 112 : index
      %swap3A_550 = tpu.vector_load %arg17[%swap3A_547, %swap3A_548, %swap3A_549] {strides = array<i32>} : memref<2x128x128xf32, #tpu.memory_space<vmem>>, vector<1x1x16xf32>,
      %swap3A_551 = vector.shape_cast %swap3A_550 : vector<1x1x16xf32> to vector<16xf32>
      %swap3A_552 = vector.shape_cast %broadcast_in_dim3A_545 : vector<16xf32> to vector<1x1x16xf32>
      tpu.vector_store %arg17[%swap3A_547, %swap3A_548, %swap3A_549], %swap3A_552 {strides = array<i32>} : memref<2x128x128xf32, #tpu.memory_space<vmem>>, vector<1x1x16xf32>,
      %scan3A_553 = arith.constant 0 : i32
      scf.yield %scan3A_553 : i32
    }
    %scan3A_6 = arith.constant 128 : i32
    %mul3A_7 = arith.constant 640 : i32
    %mul3A_8 = arith.muli %arg1, %mul3A_7 : i32
    %add3A_9 = arith.constant 0 : i32
    %add3A_10 = arith.addi %mul3A_8, %add3A_9 : i32
    %dma_start3A = arith.constant 0 : i32
    %dma_start3A_11 = arith.constant 0 : i32
    %dma_start3A_12 = arith.constant 0 : i32
    %dma_start3A_13 = arith.constant 0 : i32
    %dma_start3A_14 = tpu.memref_slice %arg17[%dma_start3A, %dma_start3A_12, %dma_start3A_13] : memref<2x128x128xf32, #tpu.memory_space<vmem>> -> memref<1x128x128xf32, #tpu.memory_space<vmem>>
    %dma_start3A_15 = tpu.memref_squeeze %dma_start3A_14 : memref<1x128x128xf32, #tpu.memory_space<vmem>> -> memref<128x128xf32, #tpu.memory_space<vmem>>
    %dma_start3A_16 = arith.constant 0 : i32
    %dma_start3A_17 = tpu.memref_slice %arg7[%add3A_10, %dma_start3A_16] : memref<10240x128xf32, #tpu.memory_space<vmem_shared>> -> memref<128x128xf32, #tpu.memory_space<vmem_shared>>
    %dma_start3A_18 = tpu.memref_slice %arg21[%dma_start3A_11] : memref<2x!tpu.dma_semaphore, #tpu.memory_space<semaphore_mem>> -> memref<1x!tpu.dma_semaphore, #tpu.memory_space<semaphore_mem>>
    %dma_start3A_19 = tpu.memref_squeeze %dma_start3A_18 : memref<1x!tpu.dma_semaphore, #tpu.memory_space<semaphore_mem>> -> memref<!tpu.dma_semaphore, #tpu.memory_space<semaphore_mem>>
    %dma_start3A_20 = arith.constant 0 : i32
    %dma_start3A_21 = tpu.memref_slice %arg7[%add3A_10, %dma_start3A_20] : memref<10240x128xf32, #tpu.memory_space<vmem_shared>> -> memref<128x128xf32, #tpu.memory_space<vmem_shared>>
    %dma_start3A_22 = arith.constant 0 : i32
    %dma_start3A_23 = arith.constant 0 : i32
    %dma_start3A_24 = tpu.memref_slice %arg17[%dma_start3A, %dma_start3A_22, %dma_start3A_23] : memref<2x128x128xf32, #tpu.memory_space<vmem>> -> memref<1x128x128xf32, #tpu.memory_space<vmem>>
    %dma_start3A_25 = tpu.memref_squeeze %dma_start3A_24 : memref<1x128x128xf32, #tpu.memory_space<vmem>> -> memref<128x128xf32, #tpu.memory_space<vmem>>
    tpu.enqueue_dma source(%dma_start3A_25 : memref<128x128xf32, #tpu.memory_space<vmem>>) target(%dma_start3A_21 : memref<128x128xf32, #tpu.memory_space<vmem_shared>>) target_semaphore(%dma_start3A_19 : memref<!tpu.dma_semaphore, #tpu.memory_space<semaphore_mem>>)
    %mul3A_26 = arith.constant 640 : i32
    %mul3A_27 = arith.muli %arg1, %mul3A_26 : i32
    %add3A_28 = arith.constant 128 : i32
    %add3A_29 = arith.addi %mul3A_27, %add3A_28 : i32
    %dma_start3A_30 = arith.constant 0 : i32
    %dma_start3A_31 = arith.constant 0 : i32
    %dma_start3A_32 = arith.constant 0 : i32
    %dma_start3A_33 = arith.constant 0 : i32
    %dma_start3A_34 = tpu.memref_slice %arg17[%dma_start3A_30, %dma_start3A_32, %dma_start3A_33] : memref<2x128x128xf32, #tpu.memory_space<vmem>> -> memref<1x128x128xf32, #tpu.memory_space<vmem>>
    %dma_start3A_35 = tpu.memref_squeeze %dma_start3A_34 : memref<1x128x128xf32, #tpu.memory_space<vmem>> -> memref<128x128xf32, #tpu.memory_space<vmem>>
    %dma_start3A_36 = arith.constant 0 : i32
    %dma_start3A_37 = tpu.memref_slice %arg7[%add3A_29, %dma_start3A_36] : memref<10240x128xf32, #tpu.memory_space<vmem_shared>> -> memref<128x128xf32, #tpu.memory_space<vmem_shared>>
    %dma_start3A_38 = tpu.memref_slice %arg21[%dma_start3A_31] : memref<2x!tpu.dma_semaphore, #tpu.memory_space<semaphore_mem>> -> memref<1x!tpu.dma_semaphore, #tpu.memory_space<semaphore_mem>>
    %dma_start3A_39 = tpu.memref_squeeze %dma_start3A_38 : memref<1x!tpu.dma_semaphore, #tpu.memory_space<semaphore_mem>> -> memref<!tpu.dma_semaphore, #tpu.memory_space<semaphore_mem>>
    %dma_start3A_40 = arith.constant 0 : i32
    %dma_start3A_41 = tpu.memref_slice %arg7[%add3A_29, %dma_start3A_40] : memref<10240x128xf32, #tpu.memory_space<vmem_shared>> -> memref<128x128xf32, #tpu.memory_space<vmem_shared>>
    %dma_start3A_42 = arith.constant 0 : i32
    %dma_start3A_43 = arith.constant 0 : i32
    %dma_start3A_44 = tpu.memref_slice %arg17[%dma_start3A_30, %dma_start3A_42, %dma_start3A_43] : memref<2x128x128xf32, #tpu.memory_space<vmem>> -> memref<1x128x128xf32, #tpu.memory_space<vmem>>
    %dma_start3A_45 = tpu.memref_squeeze %dma_start3A_44 : memref<1x128x128xf32, #tpu.memory_space<vmem>> -> memref<128x128xf32, #tpu.memory_space<vmem>>
    tpu.enqueue_dma source(%dma_start3A_45 : memref<128x128xf32, #tpu.memory_space<vmem>>) target(%dma_start3A_41 : memref<128x128xf32, #tpu.memory_space<vmem_shared>>) target_semaphore(%dma_start3A_39 : memref<!tpu.dma_semaphore, #tpu.memory_space<semaphore_mem>>)
    %mul3A_46 = arith.constant 640 : i32
    %mul3A_47 = arith.muli %arg1, %mul3A_46 : i32
    %add3A_48 = arith.constant 256 : i32
    %add3A_49 = arith.addi %mul3A_47, %add3A_48 : i32
    %dma_start3A_50 = arith.constant 0 : i32
    %dma_start3A_51 = arith.constant 0 : i32
    %dma_start3A_52 = arith.constant 0 : i32
    %dma_start3A_53 = arith.constant 0 : i32
    %dma_start3A_54 = tpu.memref_slice %arg17[%dma_start3A_50, %dma_start3A_52, %dma_start3A_53] : memref<2x128x128xf32, #tpu.memory_space<vmem>> -> memref<1x128x128xf32, #tpu.memory_space<vmem>>
    %dma_start3A_55 = tpu.memref_squeeze %dma_start3A_54 : memref<1x128x128xf32, #tpu.memory_space<vmem>> -> memref<128x128xf32, #tpu.memory_space<vmem>>
    %dma_start3A_56 = arith.constant 0 : i32
    %dma_start3A_57 = tpu.memref_slice %arg7[%add3A_49, %dma_start3A_56] : memref<10240x128xf32, #tpu.memory_space<vmem_shared>> -> memref<128x128xf32, #tpu.memory_space<vmem_shared>>
    %dma_start3A_58 = tpu.memref_slice %arg21[%dma_start3A_51] : memref<2x!tpu.dma_semaphore, #tpu.memory_space<semaphore_mem>> -> memref<1x!tpu.dma_semaphore, #tpu.memory_space<semaphore_mem>>
    %dma_start3A_59 = tpu.memref_squeeze %dma_start3A_58 : memref<1x!tpu.dma_semaphore, #tpu.memory_space<semaphore_mem>> -> memref<!tpu.dma_semaphore, #tpu.memory_space<semaphore_mem>>
    %dma_start3A_60 = arith.constant 0 : i32
    %dma_start3A_61 = tpu.memref_slice %arg7[%add3A_49, %dma_start3A_60] : memref<10240x128xf32, #tpu.memory_space<vmem_shared>> -> memref<128x128xf32, #tpu.memory_space<vmem_shared>>
    %dma_start3A_62 = arith.constant 0 : i32
    %dma_start3A_63 = arith.constant 0 : i32
    %dma_start3A_64 = tpu.memref_slice %arg17[%dma_start3A_50, %dma_start3A_62, %dma_start3A_63] : memref<2x128x128xf32, #tpu.memory_space<vmem>> -> memref<1x128x128xf32, #tpu.memory_space<vmem>>
    %dma_start3A_65 = tpu.memref_squeeze %dma_start3A_64 : memref<1x128x128xf32, #tpu.memory_space<vmem>> -> memref<128x128xf32, #tpu.memory_space<vmem>>
    tpu.enqueue_dma source(%dma_start3A_65 : memref<128x128xf32, #tpu.memory_space<vmem>>) target(%dma_start3A_61 : memref<128x128xf32, #tpu.memory_space<vmem_shared>>) target_semaphore(%dma_start3A_59 : memref<!tpu.dma_semaphore, #tpu.memory_space<semaphore_mem>>)
    %mul3A_66 = arith.constant 640 : i32
    %mul3A_67 = arith.muli %arg1, %mul3A_66 : i32
    %add3A_68 = arith.constant 384 : i32
    %add3A_69 = arith.addi %mul3A_67, %add3A_68 : i32
    %dma_start3A_70 = arith.constant 0 : i32
    %dma_start3A_71 = arith.constant 0 : i32
    %dma_start3A_72 = arith.constant 0 : i32
    %dma_start3A_73 = arith.constant 0 : i32
    %dma_start3A_74 = tpu.memref_slice %arg17[%dma_start3A_70, %dma_start3A_72, %dma_start3A_73] : memref<2x128x128xf32, #tpu.memory_space<vmem>> -> memref<1x128x128xf32, #tpu.memory_space<vmem>>
    %dma_start3A_75 = tpu.memref_squeeze %dma_start3A_74 : memref<1x128x128xf32, #tpu.memory_space<vmem>> -> memref<128x128xf32, #tpu.memory_space<vmem>>
    %dma_start3A_76 = arith.constant 0 : i32
    %dma_start3A_77 = tpu.memref_slice %arg7[%add3A_69, %dma_start3A_76] : memref<10240x128xf32, #tpu.memory_space<vmem_shared>> -> memref<128x128xf32, #tpu.memory_space<vmem_shared>>
    %dma_start3A_78 = tpu.memref_slice %arg21[%dma_start3A_71] : memref<2x!tpu.dma_semaphore, #tpu.memory_space<semaphore_mem>> -> memref<1x!tpu.dma_semaphore, #tpu.memory_space<semaphore_mem>>
    %dma_start3A_79 = tpu.memref_squeeze %dma_start3A_78 : memref<1x!tpu.dma_semaphore, #tpu.memory_space<semaphore_mem>> -> memref<!tpu.dma_semaphore, #tpu.memory_space<semaphore_mem>>
    %dma_start3A_80 = arith.constant 0 : i32
    %dma_start3A_81 = tpu.memref_slice %arg7[%add3A_69, %dma_start3A_80] : memref<10240x128xf32, #tpu.memory_space<vmem_shared>> -> memref<128x128xf32, #tpu.memory_space<vmem_shared>>
    %dma_start3A_82 = arith.constant 0 : i32
    %dma_start3A_83 = arith.constant 0 : i32
    %dma_start3A_84 = tpu.memref_slice %arg17[%dma_start3A_70, %dma_start3A_82, %dma_start3A_83] : memref<2x128x128xf32, #tpu.memory_space<vmem>> -> memref<1x128x128xf32, #tpu.memory_space<vmem>>
    %dma_start3A_85 = tpu.memref_squeeze %dma_start3A_84 : memref<1x128x128xf32, #tpu.memory_space<vmem>> -> memref<128x128xf32, #tpu.memory_space<vmem>>
    tpu.enqueue_dma source(%dma_start3A_85 : memref<128x128xf32, #tpu.memory_space<vmem>>) target(%dma_start3A_81 : memref<128x128xf32, #tpu.memory_space<vmem_shared>>) target_semaphore(%dma_start3A_79 : memref<!tpu.dma_semaphore, #tpu.memory_space<semaphore_mem>>)
    %mul3A_86 = arith.constant 640 : i32
    %mul3A_87 = arith.muli %arg1, %mul3A_86 : i32
    %add3A_88 = arith.constant 512 : i32
    %add3A_89 = arith.addi %mul3A_87, %add3A_88 : i32
    %dma_start3A_90 = arith.constant 0 : i32
    %dma_start3A_91 = arith.constant 0 : i32
    %dma_start3A_92 = arith.constant 0 : i32
    %dma_start3A_93 = arith.constant 0 : i32
    %dma_start3A_94 = tpu.memref_slice %arg17[%dma_start3A_90, %dma_start3A_92, %dma_start3A_93] : memref<2x128x128xf32, #tpu.memory_space<vmem>> -> memref<1x128x128xf32, #tpu.memory_space<vmem>>
    %dma_start3A_95 = tpu.memref_squeeze %dma_start3A_94 : memref<1x128x128xf32, #tpu.memory_space<vmem>> -> memref<128x128xf32, #tpu.memory_space<vmem>>
    %dma_start3A_96 = arith.constant 0 : i32
    %dma_start3A_97 = tpu.memref_slice %arg7[%add3A_89, %dma_start3A_96] : memref<10240x128xf32, #tpu.memory_space<vmem_shared>> -> memref<128x128xf32, #tpu.memory_space<vmem_shared>>
    %dma_start3A_98 = tpu.memref_slice %arg21[%dma_start3A_91] : memref<2x!tpu.dma_semaphore, #tpu.memory_space<semaphore_mem>> -> memref<1x!tpu.dma_semaphore, #tpu.memory_space<semaphore_mem>>
    %dma_start3A_99 = tpu.memref_squeeze %dma_start3A_98 : memref<1x!tpu.dma_semaphore, #tpu.memory_space<semaphore_mem>> -> memref<!tpu.dma_semaphore, #tpu.memory_space<semaphore_mem>>
    %dma_start3A_100 = arith.constant 0 : i32
    %dma_start3A_101 = tpu.memref_slice %arg7[%add3A_89, %dma_start3A_100] : memref<10240x128xf32, #tpu.memory_space<vmem_shared>> -> memref<128x128xf32, #tpu.memory_space<vmem_shared>>
    %dma_start3A_102 = arith.constant 0 : i32
    %dma_start3A_103 = arith.constant 0 : i32
    %dma_start3A_104 = tpu.memref_slice %arg17[%dma_start3A_90, %dma_start3A_102, %dma_start3A_103] : memref<2x128x128xf32, #tpu.memory_space<vmem>> -> memref<1x128x128xf32, #tpu.memory_space<vmem>>
    %dma_start3A_105 = tpu.memref_squeeze %dma_start3A_104 : memref<1x128x128xf32, #tpu.memory_space<vmem>> -> memref<128x128xf32, #tpu.memory_space<vmem>>
    tpu.enqueue_dma source(%dma_start3A_105 : memref<128x128xf32, #tpu.memory_space<vmem>>) target(%dma_start3A_101 : memref<128x128xf32, #tpu.memory_space<vmem_shared>>) target_semaphore(%dma_start3A_99 : memref<!tpu.dma_semaphore, #tpu.memory_space<semaphore_mem>>)
    %mul3A_106 = arith.constant 5024 : i32
    %mul3A_107 = arith.muli %arg1, %mul3A_106 : i32
    %add3A_108 = arith.constant 0 : i32
    %add3A_109 = arith.addi %mul3A_107, %add3A_108 : i32
    %multiple_of3A = tpu.assume_multiple %add3A_109, 8 : i32
    %dma_start3A_110 = arith.constant 0 : i32
    %dma_start3A_111 = tpu.memref_slice %arg5[%multiple_of3A] : memref<160768xf32, #tpu.memory_space<hbm>> -> memref<2512xf32, #tpu.memory_space<hbm>>
    %dma_start3A_112 = tpu.memref_slice %arg19[%dma_start3A_110] : memref<2x!tpu.dma_semaphore, #tpu.memory_space<semaphore_mem>> -> memref<1x!tpu.dma_semaphore, #tpu.memory_space<semaphore_mem>>
    %dma_start3A_113 = tpu.memref_squeeze %dma_start3A_112 : memref<1x!tpu.dma_semaphore, #tpu.memory_space<semaphore_mem>> -> memref<!tpu.dma_semaphore, #tpu.memory_space<semaphore_mem>>
    %dma_start3A_114 = tpu.memref_slice %arg5[%multiple_of3A] : memref<160768xf32, #tpu.memory_space<hbm>> -> memref<2512xf32, #tpu.memory_space<hbm>>
    tpu.enqueue_dma source(%dma_start3A_114 : memref<2512xf32, #tpu.memory_space<hbm>>) target(%arg15 : memref<2512xf32, #tpu.memory_space<vmem>>) target_semaphore(%dma_start3A_113 : memref<!tpu.dma_semaphore, #tpu.memory_space<semaphore_mem>>)
    %add3A_115 = arith.constant 80384 : i32
    %add3A_116 = arith.addi %add3A_115, %multiple_of3A : i32
    %dma_start3A_117 = arith.constant 1 : i32
    %dma_start3A_118 = tpu.memref_slice %arg5[%add3A_116] : memref<160768xf32, #tpu.memory_space<hbm>> -> memref<2512xf32, #tpu.memory_space<hbm>>
    %dma_start3A_119 = tpu.memref_slice %arg19[%dma_start3A_117] : memref<2x!tpu.dma_semaphore, #tpu.memory_space<semaphore_mem>> -> memref<1x!tpu.dma_semaphore, #tpu.memory_space<semaphore_mem>>
    %dma_start3A_120 = tpu.memref_squeeze %dma_start3A_119 : memref<1x!tpu.dma_semaphore, #tpu.memory_space<semaphore_mem>> -> memref<!tpu.dma_semaphore, #tpu.memory_space<semaphore_mem>>
    %dma_start3A_121 = tpu.memref_slice %arg5[%add3A_116] : memref<160768xf32, #tpu.memory_space<hbm>> -> memref<2512xf32, #tpu.memory_space<hbm>>
    tpu.enqueue_dma source(%dma_start3A_121 : memref<2512xf32, #tpu.memory_space<hbm>>) target(%arg16 : memref<2512xf32, #tpu.memory_space<vmem>>) target_semaphore(%dma_start3A_120 : memref<!tpu.dma_semaphore, #tpu.memory_space<semaphore_mem>>)
    %dma_wait3A = arith.constant 0 : i32
    %dma_wait3A_122 = tpu.memref_slice %arg5[%multiple_of3A] : memref<160768xf32, #tpu.memory_space<hbm>> -> memref<2512xf32, #tpu.memory_space<hbm>>
    %dma_wait3A_123 = tpu.memref_slice %arg19[%dma_wait3A] : memref<2x!tpu.dma_semaphore, #tpu.memory_space<semaphore_mem>> -> memref<1x!tpu.dma_semaphore, #tpu.memory_space<semaphore_mem>>
    %dma_wait3A_124 = tpu.memref_squeeze %dma_wait3A_123 : memref<1x!tpu.dma_semaphore, #tpu.memory_space<semaphore_mem>> -> memref<!tpu.dma_semaphore, #tpu.memory_space<semaphore_mem>>
    %dma_wait3A_125 = tpu.memref_slice %arg5[%multiple_of3A] : memref<160768xf32, #tpu.memory_space<hbm>> -> memref<2512xf32, #tpu.memory_space<hbm>>
    tpu.wait_dma2 semaphore(%dma_wait3A_124 : memref<!tpu.dma_semaphore, #tpu.memory_space<semaphore_mem>>) src(%dma_wait3A_125 : memref<2512xf32, #tpu.memory_space<hbm>>) dst(%arg15 : memref<2512xf32, #tpu.memory_space<vmem>>)
    %add3A_126 = arith.constant 80384 : i32
    %add3A_127 = arith.addi %add3A_126, %multiple_of3A : i32
    %dma_wait3A_128 = arith.constant 1 : i32
    %dma_wait3A_129 = tpu.memref_slice %arg5[%add3A_127] : memref<160768xf32, #tpu.memory_space<hbm>> -> memref<2512xf32, #tpu.memory_space<hbm>>
    %dma_wait3A_130 = tpu.memref_slice %arg19[%dma_wait3A_128] : memref<2x!tpu.dma_semaphore, #tpu.memory_space<semaphore_mem>> -> memref<1x!tpu.dma_semaphore, #tpu.memory_space<semaphore_mem>>
    %dma_wait3A_131 = tpu.memref_squeeze %dma_wait3A_130 : memref<1x!tpu.dma_semaphore, #tpu.memory_space<semaphore_mem>> -> memref<!tpu.dma_semaphore, #tpu.memory_space<semaphore_mem>>
    %dma_wait3A_132 = tpu.memref_slice %arg5[%add3A_127] : memref<160768xf32, #tpu.memory_space<hbm>> -> memref<2512xf32, #tpu.memory_space<hbm>>
    tpu.wait_dma2 semaphore(%dma_wait3A_131 : memref<!tpu.dma_semaphore, #tpu.memory_space<semaphore_mem>>) src(%dma_wait3A_132 : memref<2512xf32, #tpu.memory_space<hbm>>) dst(%arg16 : memref<2512xf32, #tpu.memory_space<vmem>>)
    %scan3A_133 = arith.constant 0 : i32
    %scan3A_134 = arith.constant 0 : i32
    %scan3A_135 = arith.constant 157 : i32
    %scan3A_136 = arith.addi %scan3A_134, %scan3A_135 : i32
    %scan3A_137 = arith.constant 1 : i32
    %scan3A_138 = scf.for %scan3A_481 = %scan3A_134 to %scan3A_136 step %scan3A_137 iter_args(%scan3A_482 = %scan3A_133) -> (i32)  : i32 {
      %mul3A_483 = arith.constant 16 : i32
      %mul3A_484 = arith.muli %scan3A_481, %mul3A_483 : i32
      %get3A = arith.index_cast %mul3A_484 : i32 to index
      %get3A_485 = tpu.vector_load %arg15[%get3A] {strides = array<i32>} : memref<2512xf32, #tpu.memory_space<vmem>>, vector<16xf32>,
      %get3A_486 = vector.shape_cast %get3A_485 : vector<16xf32> to vector<16xf32>
      %get3A_487 = arith.index_cast %mul3A_484 : i32 to index
      %get3A_488 = tpu.vector_load %arg16[%get3A_487] {strides = array<i32>} : memref<2512xf32, #tpu.memory_space<vmem>>, vector<16xf32>,
      %get3A_489 = vector.shape_cast %get3A_488 : vector<16xf32> to vector<16xf32>
      %add3A_490 = arith.addf %get3A_486, %get3A_489 : vector<16xf32>
      %max3A = arith.constant 1.000000e+00 : f32
      %max3A_491 = vector.broadcast %max3A : f32 to vector<16xf32>
      %max3A_492 = arith.maximumf %add3A_490, %max3A_491 : vector<16xf32>
      %div3A = arith.constant 1.000000e+00 : f32
      %div3A_493 = vector.broadcast %div3A : f32 to vector<16xf32>
      %div3A_494 = arith.divf %div3A_493, %max3A_492 : vector<16xf32>
      %swap3A = arith.index_cast %mul3A_484 : i32 to index
      %swap3A_495 = tpu.vector_load %arg15[%swap3A] {strides = array<i32>} : memref<2512xf32, #tpu.memory_space<vmem>>, vector<16xf32>,
      %swap3A_496 = vector.shape_cast %swap3A_495 : vector<16xf32> to vector<16xf32>
      %swap3A_497 = vector.shape_cast %div3A_494 : vector<16xf32> to vector<16xf32>
      tpu.vector_store %arg15[%swap3A], %swap3A_497 {strides = array<i32>} : memref<2512xf32, #tpu.memory_space<vmem>>, vector<16xf32>,
      %scan3A_498 = arith.constant 0 : i32
      scf.yield %scan3A_498 : i32
    }
    %scan3A_139 = arith.constant 157 : i32
    "tpu.region"() ({
      %run_scoped3A = tpu.sem_alloc : memref<!tpu.dma_semaphore, #tpu.memory_space<semaphore_mem>>
      %dma_start3A_481 = tpu.memref_slice %arg8[%multiple_of3A] : memref<80384xf32, #tpu.memory_space<vmem_shared>> -> memref<2512xf32, #tpu.memory_space<vmem_shared>>
      %dma_start3A_482 = tpu.memref_slice %arg8[%multiple_of3A] : memref<80384xf32, #tpu.memory_space<vmem_shared>> -> memref<2512xf32, #tpu.memory_space<vmem_shared>>
      tpu.enqueue_dma source(%arg15 : memref<2512xf32, #tpu.memory_space<vmem>>) target(%dma_start3A_482 : memref<2512xf32, #tpu.memory_space<vmem_shared>>) target_semaphore(%run_scoped3A : memref<!tpu.dma_semaphore, #tpu.memory_space<semaphore_mem>>)
      %dma_wait3A_483 = tpu.memref_slice %arg8[%multiple_of3A] : memref<80384xf32, #tpu.memory_space<vmem_shared>> -> memref<2512xf32, #tpu.memory_space<vmem_shared>>
      %dma_wait3A_484 = tpu.memref_slice %arg8[%multiple_of3A] : memref<80384xf32, #tpu.memory_space<vmem_shared>> -> memref<2512xf32, #tpu.memory_space<vmem_shared>>
      tpu.wait_dma2 semaphore(%run_scoped3A : memref<!tpu.dma_semaphore, #tpu.memory_space<semaphore_mem>>) src(%arg15 : memref<2512xf32, #tpu.memory_space<vmem>>) dst(%dma_wait3A_484 : memref<2512xf32, #tpu.memory_space<vmem_shared>>)
      tpu.yield
    }) : () -> ()
    %mul3A_140 = arith.constant 5024 : i32
    %mul3A_141 = arith.muli %arg1, %mul3A_140 : i32
    %add3A_142 = arith.constant 2512 : i32
    %add3A_143 = arith.addi %mul3A_141, %add3A_142 : i32
    %multiple_of3A_144 = tpu.assume_multiple %add3A_143, 8 : i32
    %dma_start3A_145 = arith.constant 0 : i32
    %dma_start3A_146 = tpu.memref_slice %arg5[%multiple_of3A_144] : memref<160768xf32, #tpu.memory_space<hbm>> -> memref<2512xf32, #tpu.memory_space<hbm>>
    %dma_start3A_147 = tpu.memref_slice %arg19[%dma_start3A_145] : memref<2x!tpu.dma_semaphore, #tpu.memory_space<semaphore_mem>> -> memref<1x!tpu.dma_semaphore, #tpu.memory_space<semaphore_mem>>
    %dma_start3A_148 = tpu.memref_squeeze %dma_start3A_147 : memref<1x!tpu.dma_semaphore, #tpu.memory_space<semaphore_mem>> -> memref<!tpu.dma_semaphore, #tpu.memory_space<semaphore_mem>>
    %dma_start3A_149 = tpu.memref_slice %arg5[%multiple_of3A_144] : memref<160768xf32, #tpu.memory_space<hbm>> -> memref<2512xf32, #tpu.memory_space<hbm>>
    tpu.enqueue_dma source(%dma_start3A_149 : memref<2512xf32, #tpu.memory_space<hbm>>) target(%arg15 : memref<2512xf32, #tpu.memory_space<vmem>>) target_semaphore(%dma_start3A_148 : memref<!tpu.dma_semaphore, #tpu.memory_space<semaphore_mem>>)
    %add3A_150 = arith.constant 80384 : i32
    %add3A_151 = arith.addi %add3A_150, %multiple_of3A_144 : i32
    %dma_start3A_152 = arith.constant 1 : i32
    %dma_start3A_153 = tpu.memref_slice %arg5[%add3A_151] : memref<160768xf32, #tpu.memory_space<hbm>> -> memref<2512xf32, #tpu.memory_space<hbm>>
    %dma_start3A_154 = tpu.memref_slice %arg19[%dma_start3A_152] : memref<2x!tpu.dma_semaphore, #tpu.memory_space<semaphore_mem>> -> memref<1x!tpu.dma_semaphore, #tpu.memory_space<semaphore_mem>>
    %dma_start3A_155 = tpu.memref_squeeze %dma_start3A_154 : memref<1x!tpu.dma_semaphore, #tpu.memory_space<semaphore_mem>> -> memref<!tpu.dma_semaphore, #tpu.memory_space<semaphore_mem>>
    %dma_start3A_156 = tpu.memref_slice %arg5[%add3A_151] : memref<160768xf32, #tpu.memory_space<hbm>> -> memref<2512xf32, #tpu.memory_space<hbm>>
    tpu.enqueue_dma source(%dma_start3A_156 : memref<2512xf32, #tpu.memory_space<hbm>>) target(%arg16 : memref<2512xf32, #tpu.memory_space<vmem>>) target_semaphore(%dma_start3A_155 : memref<!tpu.dma_semaphore, #tpu.memory_space<semaphore_mem>>)
    %dma_wait3A_157 = arith.constant 0 : i32
    %dma_wait3A_158 = tpu.memref_slice %arg5[%multiple_of3A_144] : memref<160768xf32, #tpu.memory_space<hbm>> -> memref<2512xf32, #tpu.memory_space<hbm>>
    %dma_wait3A_159 = tpu.memref_slice %arg19[%dma_wait3A_157] : memref<2x!tpu.dma_semaphore, #tpu.memory_space<semaphore_mem>> -> memref<1x!tpu.dma_semaphore, #tpu.memory_space<semaphore_mem>>
    %dma_wait3A_160 = tpu.memref_squeeze %dma_wait3A_159 : memref<1x!tpu.dma_semaphore, #tpu.memory_space<semaphore_mem>> -> memref<!tpu.dma_semaphore, #tpu.memory_space<semaphore_mem>>
    %dma_wait3A_161 = tpu.memref_slice %arg5[%multiple_of3A_144] : memref<160768xf32, #tpu.memory_space<hbm>> -> memref<2512xf32, #tpu.memory_space<hbm>>
    tpu.wait_dma2 semaphore(%dma_wait3A_160 : memref<!tpu.dma_semaphore, #tpu.memory_space<semaphore_mem>>) src(%dma_wait3A_161 : memref<2512xf32, #tpu.memory_space<hbm>>) dst(%arg15 : memref<2512xf32, #tpu.memory_space<vmem>>)
    %add3A_162 = arith.constant 80384 : i32
    %add3A_163 = arith.addi %add3A_162, %multiple_of3A_144 : i32
    %dma_wait3A_164 = arith.constant 1 : i32
    %dma_wait3A_165 = tpu.memref_slice %arg5[%add3A_163] : memref<160768xf32, #tpu.memory_space<hbm>> -> memref<2512xf32, #tpu.memory_space<hbm>>
    %dma_wait3A_166 = tpu.memref_slice %arg19[%dma_wait3A_164] : memref<2x!tpu.dma_semaphore, #tpu.memory_space<semaphore_mem>> -> memref<1x!tpu.dma_semaphore, #tpu.memory_space<semaphore_mem>>
    %dma_wait3A_167 = tpu.memref_squeeze %dma_wait3A_166 : memref<1x!tpu.dma_semaphore, #tpu.memory_space<semaphore_mem>> -> memref<!tpu.dma_semaphore, #tpu.memory_space<semaphore_mem>>
    %dma_wait3A_168 = tpu.memref_slice %arg5[%add3A_163] : memref<160768xf32, #tpu.memory_space<hbm>> -> memref<2512xf32, #tpu.memory_space<hbm>>
    tpu.wait_dma2 semaphore(%dma_wait3A_167 : memref<!tpu.dma_semaphore, #tpu.memory_space<semaphore_mem>>) src(%dma_wait3A_168 : memref<2512xf32, #tpu.memory_space<hbm>>) dst(%arg16 : memref<2512xf32, #tpu.memory_space<vmem>>)
    %scan3A_169 = arith.constant 0 : i32
    %scan3A_170 = arith.constant 0 : i32
    %scan3A_171 = arith.constant 157 : i32
    %scan3A_172 = arith.addi %scan3A_170, %scan3A_171 : i32
    %scan3A_173 = arith.constant 1 : i32
    %scan3A_174 = scf.for %scan3A_481 = %scan3A_170 to %scan3A_172 step %scan3A_173 iter_args(%scan3A_482 = %scan3A_169) -> (i32)  : i32 {
      %mul3A_483 = arith.constant 16 : i32
      %mul3A_484 = arith.muli %scan3A_481, %mul3A_483 : i32
      %get3A = arith.index_cast %mul3A_484 : i32 to index
      %get3A_485 = tpu.vector_load %arg15[%get3A] {strides = array<i32>} : memref<2512xf32, #tpu.memory_space<vmem>>, vector<16xf32>,
      %get3A_486 = vector.shape_cast %get3A_485 : vector<16xf32> to vector<16xf32>
      %get3A_487 = arith.index_cast %mul3A_484 : i32 to index
      %get3A_488 = tpu.vector_load %arg16[%get3A_487] {strides = array<i32>} : memref<2512xf32, #tpu.memory_space<vmem>>, vector<16xf32>,
      %get3A_489 = vector.shape_cast %get3A_488 : vector<16xf32> to vector<16xf32>
      %add3A_490 = arith.addf %get3A_486, %get3A_489 : vector<16xf32>
      %max3A = arith.constant 1.000000e+00 : f32
      %max3A_491 = vector.broadcast %max3A : f32 to vector<16xf32>
      %max3A_492 = arith.maximumf %add3A_490, %max3A_491 : vector<16xf32>
      %div3A = arith.constant 1.000000e+00 : f32
      %div3A_493 = vector.broadcast %div3A : f32 to vector<16xf32>
      %div3A_494 = arith.divf %div3A_493, %max3A_492 : vector<16xf32>
      %swap3A = arith.index_cast %mul3A_484 : i32 to index
      %swap3A_495 = tpu.vector_load %arg15[%swap3A] {strides = array<i32>} : memref<2512xf32, #tpu.memory_space<vmem>>, vector<16xf32>,
      %swap3A_496 = vector.shape_cast %swap3A_495 : vector<16xf32> to vector<16xf32>
      %swap3A_497 = vector.shape_cast %div3A_494 : vector<16xf32> to vector<16xf32>
      tpu.vector_store %arg15[%swap3A], %swap3A_497 {strides = array<i32>} : memref<2512xf32, #tpu.memory_space<vmem>>, vector<16xf32>,
      %scan3A_498 = arith.constant 0 : i32
      scf.yield %scan3A_498 : i32
    }
    %scan3A_175 = arith.constant 157 : i32
    "tpu.region"() ({
      %run_scoped3A = tpu.sem_alloc : memref<!tpu.dma_semaphore, #tpu.memory_space<semaphore_mem>>
      %dma_start3A_481 = tpu.memref_slice %arg8[%multiple_of3A_144] : memref<80384xf32, #tpu.memory_space<vmem_shared>> -> memref<2512xf32, #tpu.memory_space<vmem_shared>>
      %dma_start3A_482 = tpu.memref_slice %arg8[%multiple_of3A_144] : memref<80384xf32, #tpu.memory_space<vmem_shared>> -> memref<2512xf32, #tpu.memory_space<vmem_shared>>
      tpu.enqueue_dma source(%arg15 : memref<2512xf32, #tpu.memory_space<vmem>>) target(%dma_start3A_482 : memref<2512xf32, #tpu.memory_space<vmem_shared>>) target_semaphore(%run_scoped3A : memref<!tpu.dma_semaphore, #tpu.memory_space<semaphore_mem>>)
      %dma_wait3A_483 = tpu.memref_slice %arg8[%multiple_of3A_144] : memref<80384xf32, #tpu.memory_space<vmem_shared>> -> memref<2512xf32, #tpu.memory_space<vmem_shared>>
      %dma_wait3A_484 = tpu.memref_slice %arg8[%multiple_of3A_144] : memref<80384xf32, #tpu.memory_space<vmem_shared>> -> memref<2512xf32, #tpu.memory_space<vmem_shared>>
      tpu.wait_dma2 semaphore(%run_scoped3A : memref<!tpu.dma_semaphore, #tpu.memory_space<semaphore_mem>>) src(%arg15 : memref<2512xf32, #tpu.memory_space<vmem>>) dst(%dma_wait3A_484 : memref<2512xf32, #tpu.memory_space<vmem_shared>>)
      tpu.yield
    }) : () -> ()
    %mul3A_176 = arith.constant 640 : i32
    %mul3A_177 = arith.muli %arg1, %mul3A_176 : i32
    %add3A_178 = arith.constant 0 : i32
    %add3A_179 = arith.addi %mul3A_177, %add3A_178 : i32
    %dma_wait3A_180 = arith.constant 0 : i32
    %dma_wait3A_181 = arith.constant 0 : i32
    %dma_wait3A_182 = arith.constant 0 : i32
    %dma_wait3A_183 = arith.constant 0 : i32
    %dma_wait3A_184 = tpu.memref_slice %arg17[%dma_wait3A_180, %dma_wait3A_182, %dma_wait3A_183] : memref<2x128x128xf32, #tpu.memory_space<vmem>> -> memref<1x128x128xf32, #tpu.memory_space<vmem>>
    %dma_wait3A_185 = tpu.memref_squeeze %dma_wait3A_184 : memref<1x128x128xf32, #tpu.memory_space<vmem>> -> memref<128x128xf32, #tpu.memory_space<vmem>>
    %dma_wait3A_186 = arith.constant 0 : i32
    %dma_wait3A_187 = tpu.memref_slice %arg7[%add3A_179, %dma_wait3A_186] : memref<10240x128xf32, #tpu.memory_space<vmem_shared>> -> memref<128x128xf32, #tpu.memory_space<vmem_shared>>
    %dma_wait3A_188 = tpu.memref_slice %arg21[%dma_wait3A_181] : memref<2x!tpu.dma_semaphore, #tpu.memory_space<semaphore_mem>> -> memref<1x!tpu.dma_semaphore, #tpu.memory_space<semaphore_mem>>
    %dma_wait3A_189 = tpu.memref_squeeze %dma_wait3A_188 : memref<1x!tpu.dma_semaphore, #tpu.memory_space<semaphore_mem>> -> memref<!tpu.dma_semaphore, #tpu.memory_space<semaphore_mem>>
    %dma_wait3A_190 = arith.constant 0 : i32
    %dma_wait3A_191 = tpu.memref_slice %arg7[%add3A_179, %dma_wait3A_190] : memref<10240x128xf32, #tpu.memory_space<vmem_shared>> -> memref<128x128xf32, #tpu.memory_space<vmem_shared>>
    %dma_wait3A_192 = arith.constant 0 : i32
    %dma_wait3A_193 = arith.constant 0 : i32
    %dma_wait3A_194 = tpu.memref_slice %arg17[%dma_wait3A_180, %dma_wait3A_192, %dma_wait3A_193] : memref<2x128x128xf32, #tpu.memory_space<vmem>> -> memref<1x128x128xf32, #tpu.memory_space<vmem>>
    %dma_wait3A_195 = tpu.memref_squeeze %dma_wait3A_194 : memref<1x128x128xf32, #tpu.memory_space<vmem>> -> memref<128x128xf32, #tpu.memory_space<vmem>>
    tpu.wait_dma2 semaphore(%dma_wait3A_189 : memref<!tpu.dma_semaphore, #tpu.memory_space<semaphore_mem>>) src(%dma_wait3A_195 : memref<128x128xf32, #tpu.memory_space<vmem>>) dst(%dma_wait3A_191 : memref<128x128xf32, #tpu.memory_space<vmem_shared>>)
    %mul3A_196 = arith.constant 640 : i32
    %mul3A_197 = arith.muli %arg1, %mul3A_196 : i32
    %add3A_198 = arith.constant 128 : i32
    %add3A_199 = arith.addi %mul3A_197, %add3A_198 : i32
    %dma_wait3A_200 = arith.constant 0 : i32
    %dma_wait3A_201 = arith.constant 0 : i32
    %dma_wait3A_202 = arith.constant 0 : i32
    %dma_wait3A_203 = arith.constant 0 : i32
    %dma_wait3A_204 = tpu.memref_slice %arg17[%dma_wait3A_200, %dma_wait3A_202, %dma_wait3A_203] : memref<2x128x128xf32, #tpu.memory_space<vmem>> -> memref<1x128x128xf32, #tpu.memory_space<vmem>>
    %dma_wait3A_205 = tpu.memref_squeeze %dma_wait3A_204 : memref<1x128x128xf32, #tpu.memory_space<vmem>> -> memref<128x128xf32, #tpu.memory_space<vmem>>
    %dma_wait3A_206 = arith.constant 0 : i32
    %dma_wait3A_207 = tpu.memref_slice %arg7[%add3A_199, %dma_wait3A_206] : memref<10240x128xf32, #tpu.memory_space<vmem_shared>> -> memref<128x128xf32, #tpu.memory_space<vmem_shared>>
    %dma_wait3A_208 = tpu.memref_slice %arg21[%dma_wait3A_201] : memref<2x!tpu.dma_semaphore, #tpu.memory_space<semaphore_mem>> -> memref<1x!tpu.dma_semaphore, #tpu.memory_space<semaphore_mem>>
    %dma_wait3A_209 = tpu.memref_squeeze %dma_wait3A_208 : memref<1x!tpu.dma_semaphore, #tpu.memory_space<semaphore_mem>> -> memref<!tpu.dma_semaphore, #tpu.memory_space<semaphore_mem>>
    %dma_wait3A_210 = arith.constant 0 : i32
    %dma_wait3A_211 = tpu.memref_slice %arg7[%add3A_199, %dma_wait3A_210] : memref<10240x128xf32, #tpu.memory_space<vmem_shared>> -> memref<128x128xf32, #tpu.memory_space<vmem_shared>>
    %dma_wait3A_212 = arith.constant 0 : i32
    %dma_wait3A_213 = arith.constant 0 : i32
    %dma_wait3A_214 = tpu.memref_slice %arg17[%dma_wait3A_200, %dma_wait3A_212, %dma_wait3A_213] : memref<2x128x128xf32, #tpu.memory_space<vmem>> -> memref<1x128x128xf32, #tpu.memory_space<vmem>>
    %dma_wait3A_215 = tpu.memref_squeeze %dma_wait3A_214 : memref<1x128x128xf32, #tpu.memory_space<vmem>> -> memref<128x128xf32, #tpu.memory_space<vmem>>
    tpu.wait_dma2 semaphore(%dma_wait3A_209 : memref<!tpu.dma_semaphore, #tpu.memory_space<semaphore_mem>>) src(%dma_wait3A_215 : memref<128x128xf32, #tpu.memory_space<vmem>>) dst(%dma_wait3A_211 : memref<128x128xf32, #tpu.memory_space<vmem_shared>>)
    %mul3A_216 = arith.constant 640 : i32
    %mul3A_217 = arith.muli %arg1, %mul3A_216 : i32
    %add3A_218 = arith.constant 256 : i32
    %add3A_219 = arith.addi %mul3A_217, %add3A_218 : i32
    %dma_wait3A_220 = arith.constant 0 : i32
    %dma_wait3A_221 = arith.constant 0 : i32
    %dma_wait3A_222 = arith.constant 0 : i32
    %dma_wait3A_223 = arith.constant 0 : i32
    %dma_wait3A_224 = tpu.memref_slice %arg17[%dma_wait3A_220, %dma_wait3A_222, %dma_wait3A_223] : memref<2x128x128xf32, #tpu.memory_space<vmem>> -> memref<1x128x128xf32, #tpu.memory_space<vmem>>
    %dma_wait3A_225 = tpu.memref_squeeze %dma_wait3A_224 : memref<1x128x128xf32, #tpu.memory_space<vmem>> -> memref<128x128xf32, #tpu.memory_space<vmem>>
    %dma_wait3A_226 = arith.constant 0 : i32
    %dma_wait3A_227 = tpu.memref_slice %arg7[%add3A_219, %dma_wait3A_226] : memref<10240x128xf32, #tpu.memory_space<vmem_shared>> -> memref<128x128xf32, #tpu.memory_space<vmem_shared>>
    %dma_wait3A_228 = tpu.memref_slice %arg21[%dma_wait3A_221] : memref<2x!tpu.dma_semaphore, #tpu.memory_space<semaphore_mem>> -> memref<1x!tpu.dma_semaphore, #tpu.memory_space<semaphore_mem>>
    %dma_wait3A_229 = tpu.memref_squeeze %dma_wait3A_228 : memref<1x!tpu.dma_semaphore, #tpu.memory_space<semaphore_mem>> -> memref<!tpu.dma_semaphore, #tpu.memory_space<semaphore_mem>>
    %dma_wait3A_230 = arith.constant 0 : i32
    %dma_wait3A_231 = tpu.memref_slice %arg7[%add3A_219, %dma_wait3A_230] : memref<10240x128xf32, #tpu.memory_space<vmem_shared>> -> memref<128x128xf32, #tpu.memory_space<vmem_shared>>
    %dma_wait3A_232 = arith.constant 0 : i32
    %dma_wait3A_233 = arith.constant 0 : i32
    %dma_wait3A_234 = tpu.memref_slice %arg17[%dma_wait3A_220, %dma_wait3A_232, %dma_wait3A_233] : memref<2x128x128xf32, #tpu.memory_space<vmem>> -> memref<1x128x128xf32, #tpu.memory_space<vmem>>
    %dma_wait3A_235 = tpu.memref_squeeze %dma_wait3A_234 : memref<1x128x128xf32, #tpu.memory_space<vmem>> -> memref<128x128xf32, #tpu.memory_space<vmem>>
    tpu.wait_dma2 semaphore(%dma_wait3A_229 : memref<!tpu.dma_semaphore, #tpu.memory_space<semaphore_mem>>) src(%dma_wait3A_235 : memref<128x128xf32, #tpu.memory_space<vmem>>) dst(%dma_wait3A_231 : memref<128x128xf32, #tpu.memory_space<vmem_shared>>)
    %mul3A_236 = arith.constant 640 : i32
    %mul3A_237 = arith.muli %arg1, %mul3A_236 : i32
    %add3A_238 = arith.constant 384 : i32
    %add3A_239 = arith.addi %mul3A_237, %add3A_238 : i32
    %dma_wait3A_240 = arith.constant 0 : i32
    %dma_wait3A_241 = arith.constant 0 : i32
    %dma_wait3A_242 = arith.constant 0 : i32
    %dma_wait3A_243 = arith.constant 0 : i32
    %dma_wait3A_244 = tpu.memref_slice %arg17[%dma_wait3A_240, %dma_wait3A_242, %dma_wait3A_243] : memref<2x128x128xf32, #tpu.memory_space<vmem>> -> memref<1x128x128xf32, #tpu.memory_space<vmem>>
    %dma_wait3A_245 = tpu.memref_squeeze %dma_wait3A_244 : memref<1x128x128xf32, #tpu.memory_space<vmem>> -> memref<128x128xf32, #tpu.memory_space<vmem>>
    %dma_wait3A_246 = arith.constant 0 : i32
    %dma_wait3A_247 = tpu.memref_slice %arg7[%add3A_239, %dma_wait3A_246] : memref<10240x128xf32, #tpu.memory_space<vmem_shared>> -> memref<128x128xf32, #tpu.memory_space<vmem_shared>>
    %dma_wait3A_248 = tpu.memref_slice %arg21[%dma_wait3A_241] : memref<2x!tpu.dma_semaphore, #tpu.memory_space<semaphore_mem>> -> memref<1x!tpu.dma_semaphore, #tpu.memory_space<semaphore_mem>>
    %dma_wait3A_249 = tpu.memref_squeeze %dma_wait3A_248 : memref<1x!tpu.dma_semaphore, #tpu.memory_space<semaphore_mem>> -> memref<!tpu.dma_semaphore, #tpu.memory_space<semaphore_mem>>
    %dma_wait3A_250 = arith.constant 0 : i32
    %dma_wait3A_251 = tpu.memref_slice %arg7[%add3A_239, %dma_wait3A_250] : memref<10240x128xf32, #tpu.memory_space<vmem_shared>> -> memref<128x128xf32, #tpu.memory_space<vmem_shared>>
    %dma_wait3A_252 = arith.constant 0 : i32
    %dma_wait3A_253 = arith.constant 0 : i32
    %dma_wait3A_254 = tpu.memref_slice %arg17[%dma_wait3A_240, %dma_wait3A_252, %dma_wait3A_253] : memref<2x128x128xf32, #tpu.memory_space<vmem>> -> memref<1x128x128xf32, #tpu.memory_space<vmem>>
    %dma_wait3A_255 = tpu.memref_squeeze %dma_wait3A_254 : memref<1x128x128xf32, #tpu.memory_space<vmem>> -> memref<128x128xf32, #tpu.memory_space<vmem>>
    tpu.wait_dma2 semaphore(%dma_wait3A_249 : memref<!tpu.dma_semaphore, #tpu.memory_space<semaphore_mem>>) src(%dma_wait3A_255 : memref<128x128xf32, #tpu.memory_space<vmem>>) dst(%dma_wait3A_251 : memref<128x128xf32, #tpu.memory_space<vmem_shared>>)
    %mul3A_256 = arith.constant 640 : i32
    %mul3A_257 = arith.muli %arg1, %mul3A_256 : i32
    %add3A_258 = arith.constant 512 : i32
    %add3A_259 = arith.addi %mul3A_257, %add3A_258 : i32
    %dma_wait3A_260 = arith.constant 0 : i32
    %dma_wait3A_261 = arith.constant 0 : i32
    %dma_wait3A_262 = arith.constant 0 : i32
    %dma_wait3A_263 = arith.constant 0 : i32
    %dma_wait3A_264 = tpu.memref_slice %arg17[%dma_wait3A_260, %dma_wait3A_262, %dma_wait3A_263] : memref<2x128x128xf32, #tpu.memory_space<vmem>> -> memref<1x128x128xf32, #tpu.memory_space<vmem>>
    %dma_wait3A_265 = tpu.memref_squeeze %dma_wait3A_264 : memref<1x128x128xf32, #tpu.memory_space<vmem>> -> memref<128x128xf32, #tpu.memory_space<vmem>>
    %dma_wait3A_266 = arith.constant 0 : i32
    %dma_wait3A_267 = tpu.memref_slice %arg7[%add3A_259, %dma_wait3A_266] : memref<10240x128xf32, #tpu.memory_space<vmem_shared>> -> memref<128x128xf32, #tpu.memory_space<vmem_shared>>
    %dma_wait3A_268 = tpu.memref_slice %arg21[%dma_wait3A_261] : memref<2x!tpu.dma_semaphore, #tpu.memory_space<semaphore_mem>> -> memref<1x!tpu.dma_semaphore, #tpu.memory_space<semaphore_mem>>
    %dma_wait3A_269 = tpu.memref_squeeze %dma_wait3A_268 : memref<1x!tpu.dma_semaphore, #tpu.memory_space<semaphore_mem>> -> memref<!tpu.dma_semaphore, #tpu.memory_space<semaphore_mem>>
    %dma_wait3A_270 = arith.constant 0 : i32
    %dma_wait3A_271 = tpu.memref_slice %arg7[%add3A_259, %dma_wait3A_270] : memref<10240x128xf32, #tpu.memory_space<vmem_shared>> -> memref<128x128xf32, #tpu.memory_space<vmem_shared>>
    %dma_wait3A_272 = arith.constant 0 : i32
    %dma_wait3A_273 = arith.constant 0 : i32
    %dma_wait3A_274 = tpu.memref_slice %arg17[%dma_wait3A_260, %dma_wait3A_272, %dma_wait3A_273] : memref<2x128x128xf32, #tpu.memory_space<vmem>> -> memref<1x128x128xf32, #tpu.memory_space<vmem>>
    %dma_wait3A_275 = tpu.memref_squeeze %dma_wait3A_274 : memref<1x128x128xf32, #tpu.memory_space<vmem>> -> memref<128x128xf32, #tpu.memory_space<vmem>>
    tpu.wait_dma2 semaphore(%dma_wait3A_269 : memref<!tpu.dma_semaphore, #tpu.memory_space<semaphore_mem>>) src(%dma_wait3A_275 : memref<128x128xf32, #tpu.memory_space<vmem>>) dst(%dma_wait3A_271 : memref<128x128xf32, #tpu.memory_space<vmem_shared>>)
    %barrier3A = arith.constant 0 : index
    tpu.barrier barrier_id(%barrier3A)
    %lt3A = arith.constant 4 : i32
    %lt3A_276 = arith.cmpi slt, %add3A, %lt3A : i32
    %convert_element_type3A = arith.extui %lt3A_276 : i1 to i32
    %add3A_277 = arith.constant 78 : i32
    %add3A_278 = arith.addi %add3A_277, %convert_element_type3A : i32
    %add3A_279 = arith.constant 0 : i32
    %add3A_280 = arith.addi %add3A_279, %add3A : i32
    %mul3A_281 = arith.constant 128 : i32
    %mul3A_282 = arith.muli %add3A_280, %mul3A_281 : i32
    %dma_start3A_283 = arith.constant 0 : i32
    %dma_start3A_284 = arith.constant 0 : i32
    %dma_start3A_285 = arith.constant 0 : i32
    %dma_start3A_286 = arith.constant 0 : i32
    %dma_start3A_287 = tpu.memref_slice %arg9[%dma_start3A_283, %dma_start3A_285, %dma_start3A_286] : memref<3x2x128xi32, #tpu.memory_space<vmem>> -> memref<1x2x128xi32, #tpu.memory_space<vmem>>
    %dma_start3A_288 = tpu.memref_squeeze %dma_start3A_287 : memref<1x2x128xi32, #tpu.memory_space<vmem>> -> memref<2x128xi32, #tpu.memory_space<vmem>>
    %dma_start3A_289 = arith.constant 0 : i32
    %dma_start3A_290 = tpu.memref_slice %arg3[%dma_start3A_289, %mul3A_282] : memref<2x320000xi32, #tpu.memory_space<hbm>> -> memref<2x128xi32, #tpu.memory_space<hbm>>
    %dma_start3A_291 = tpu.memref_slice %arg18[%dma_start3A_284] : memref<3x!tpu.dma_semaphore, #tpu.memory_space<semaphore_mem>> -> memref<1x!tpu.dma_semaphore, #tpu.memory_space<semaphore_mem>>
    %dma_start3A_292 = tpu.memref_squeeze %dma_start3A_291 : memref<1x!tpu.dma_semaphore, #tpu.memory_space<semaphore_mem>> -> memref<!tpu.dma_semaphore, #tpu.memory_space<semaphore_mem>>
    %dma_start3A_293 = arith.constant 0 : i32
    %dma_start3A_294 = arith.constant 0 : i32
    %dma_start3A_295 = tpu.memref_slice %arg9[%dma_start3A_283, %dma_start3A_293, %dma_start3A_294] : memref<3x2x128xi32, #tpu.memory_space<vmem>> -> memref<1x2x128xi32, #tpu.memory_space<vmem>>
    %dma_start3A_296 = tpu.memref_squeeze %dma_start3A_295 : memref<1x2x128xi32, #tpu.memory_space<vmem>> -> memref<2x128xi32, #tpu.memory_space<vmem>>
    %dma_start3A_297 = arith.constant 0 : i32
    %dma_start3A_298 = tpu.memref_slice %arg3[%dma_start3A_297, %mul3A_282] : memref<2x320000xi32, #tpu.memory_space<hbm>> -> memref<2x128xi32, #tpu.memory_space<hbm>>
    tpu.enqueue_dma source(%dma_start3A_298 : memref<2x128xi32, #tpu.memory_space<hbm>>) target(%dma_start3A_296 : memref<2x128xi32, #tpu.memory_space<vmem>>) target_semaphore(%dma_start3A_292 : memref<!tpu.dma_semaphore, #tpu.memory_space<semaphore_mem>>)
    %dma_start3A_299 = arith.constant 0 : i32
    %dma_start3A_300 = arith.constant 0 : i32
    %dma_start3A_301 = arith.constant 0 : i32
    %dma_start3A_302 = tpu.memref_slice %arg10[%dma_start3A_299, %dma_start3A_301] : memref<3x128xi32, #tpu.memory_space<vmem>> -> memref<1x128xi32, #tpu.memory_space<vmem>>
    %dma_start3A_303 = tpu.memref_squeeze %dma_start3A_302 : memref<1x128xi32, #tpu.memory_space<vmem>> -> memref<128xi32, #tpu.memory_space<vmem>>
    %dma_start3A_304 = tpu.memref_slice %arg4[%mul3A_282] : memref<320000xi32, #tpu.memory_space<hbm>> -> memref<128xi32, #tpu.memory_space<hbm>>
    %dma_start3A_305 = tpu.memref_slice %arg18[%dma_start3A_300] : memref<3x!tpu.dma_semaphore, #tpu.memory_space<semaphore_mem>> -> memref<1x!tpu.dma_semaphore, #tpu.memory_space<semaphore_mem>>
    %dma_start3A_306 = tpu.memref_squeeze %dma_start3A_305 : memref<1x!tpu.dma_semaphore, #tpu.memory_space<semaphore_mem>> -> memref<!tpu.dma_semaphore, #tpu.memory_space<semaphore_mem>>
    %dma_start3A_307 = arith.constant 0 : i32
    %dma_start3A_308 = tpu.memref_slice %arg10[%dma_start3A_299, %dma_start3A_307] : memref<3x128xi32, #tpu.memory_space<vmem>> -> memref<1x128xi32, #tpu.memory_space<vmem>>
    %dma_start3A_309 = tpu.memref_squeeze %dma_start3A_308 : memref<1x128xi32, #tpu.memory_space<vmem>> -> memref<128xi32, #tpu.memory_space<vmem>>
    %dma_start3A_310 = tpu.memref_slice %arg4[%mul3A_282] : memref<320000xi32, #tpu.memory_space<hbm>> -> memref<128xi32, #tpu.memory_space<hbm>>
    tpu.enqueue_dma source(%dma_start3A_310 : memref<128xi32, #tpu.memory_space<hbm>>) target(%dma_start3A_309 : memref<128xi32, #tpu.memory_space<vmem>>) target_semaphore(%dma_start3A_306 : memref<!tpu.dma_semaphore, #tpu.memory_space<semaphore_mem>>)
    %add3A_311 = arith.constant 32 : i32
    %add3A_312 = arith.addi %add3A_311, %add3A : i32
    %mul3A_313 = arith.constant 128 : i32
    %mul3A_314 = arith.muli %add3A_312, %mul3A_313 : i32
    %dma_start3A_315 = arith.constant 1 : i32
    %dma_start3A_316 = arith.constant 1 : i32
    %dma_start3A_317 = arith.constant 0 : i32
    %dma_start3A_318 = arith.constant 0 : i32
    %dma_start3A_319 = tpu.memref_slice %arg9[%dma_start3A_315, %dma_start3A_317, %dma_start3A_318] : memref<3x2x128xi32, #tpu.memory_space<vmem>> -> memref<1x2x128xi32, #tpu.memory_space<vmem>>
    %dma_start3A_320 = tpu.memref_squeeze %dma_start3A_319 : memref<1x2x128xi32, #tpu.memory_space<vmem>> -> memref<2x128xi32, #tpu.memory_space<vmem>>
    %dma_start3A_321 = arith.constant 0 : i32
    %dma_start3A_322 = tpu.memref_slice %arg3[%dma_start3A_321, %mul3A_314] : memref<2x320000xi32, #tpu.memory_space<hbm>> -> memref<2x128xi32, #tpu.memory_space<hbm>>
    %dma_start3A_323 = tpu.memref_slice %arg18[%dma_start3A_316] : memref<3x!tpu.dma_semaphore, #tpu.memory_space<semaphore_mem>> -> memref<1x!tpu.dma_semaphore, #tpu.memory_space<semaphore_mem>>
    %dma_start3A_324 = tpu.memref_squeeze %dma_start3A_323 : memref<1x!tpu.dma_semaphore, #tpu.memory_space<semaphore_mem>> -> memref<!tpu.dma_semaphore, #tpu.memory_space<semaphore_mem>>
    %dma_start3A_325 = arith.constant 0 : i32
    %dma_start3A_326 = arith.constant 0 : i32
    %dma_start3A_327 = tpu.memref_slice %arg9[%dma_start3A_315, %dma_start3A_325, %dma_start3A_326] : memref<3x2x128xi32, #tpu.memory_space<vmem>> -> memref<1x2x128xi32, #tpu.memory_space<vmem>>
    %dma_start3A_328 = tpu.memref_squeeze %dma_start3A_327 : memref<1x2x128xi32, #tpu.memory_space<vmem>> -> memref<2x128xi32, #tpu.memory_space<vmem>>
    %dma_start3A_329 = arith.constant 0 : i32
    %dma_start3A_330 = tpu.memref_slice %arg3[%dma_start3A_329, %mul3A_314] : memref<2x320000xi32, #tpu.memory_space<hbm>> -> memref<2x128xi32, #tpu.memory_space<hbm>>
    tpu.enqueue_dma source(%dma_start3A_330 : memref<2x128xi32, #tpu.memory_space<hbm>>) target(%dma_start3A_328 : memref<2x128xi32, #tpu.memory_space<vmem>>) target_semaphore(%dma_start3A_324 : memref<!tpu.dma_semaphore, #tpu.memory_space<semaphore_mem>>)
    %dma_start3A_331 = arith.constant 1 : i32
    %dma_start3A_332 = arith.constant 1 : i32
    %dma_start3A_333 = arith.constant 0 : i32
    %dma_start3A_334 = tpu.memref_slice %arg10[%dma_start3A_331, %dma_start3A_333] : memref<3x128xi32, #tpu.memory_space<vmem>> -> memref<1x128xi32, #tpu.memory_space<vmem>>
    %dma_start3A_335 = tpu.memref_squeeze %dma_start3A_334 : memref<1x128xi32, #tpu.memory_space<vmem>> -> memref<128xi32, #tpu.memory_space<vmem>>
    %dma_start3A_336 = tpu.memref_slice %arg4[%mul3A_314] : memref<320000xi32, #tpu.memory_space<hbm>> -> memref<128xi32, #tpu.memory_space<hbm>>
    %dma_start3A_337 = tpu.memref_slice %arg18[%dma_start3A_332] : memref<3x!tpu.dma_semaphore, #tpu.memory_space<semaphore_mem>> -> memref<1x!tpu.dma_semaphore, #tpu.memory_space<semaphore_mem>>
    %dma_start3A_338 = tpu.memref_squeeze %dma_start3A_337 : memref<1x!tpu.dma_semaphore, #tpu.memory_space<semaphore_mem>> -> memref<!tpu.dma_semaphore, #tpu.memory_space<semaphore_mem>>
    %dma_start3A_339 = arith.constant 0 : i32
    %dma_start3A_340 = tpu.memref_slice %arg10[%dma_start3A_331, %dma_start3A_339] : memref<3x128xi32, #tpu.memory_space<vmem>> -> memref<1x128xi32, #tpu.memory_space<vmem>>
    %dma_start3A_341 = tpu.memref_squeeze %dma_start3A_340 : memref<1x128xi32, #tpu.memory_space<vmem>> -> memref<128xi32, #tpu.memory_space<vmem>>
    %dma_start3A_342 = tpu.memref_slice %arg4[%mul3A_314] : memref<320000xi32, #tpu.memory_space<hbm>> -> memref<128xi32, #tpu.memory_space<hbm>>
    tpu.enqueue_dma source(%dma_start3A_342 : memref<128xi32, #tpu.memory_space<hbm>>) target(%dma_start3A_341 : memref<128xi32, #tpu.memory_space<vmem>>) target_semaphore(%dma_start3A_338 : memref<!tpu.dma_semaphore, #tpu.memory_space<semaphore_mem>>)
    %add3A_343 = arith.constant 0 : i32
    %add3A_344 = arith.addi %add3A_343, %add3A : i32
    %mul3A_345 = arith.constant 128 : i32
    %mul3A_346 = arith.muli %add3A_344, %mul3A_345 : i32
    %dma_wait3A_347 = arith.constant 0 : i32
    %dma_wait3A_348 = arith.constant 0 : i32
    %dma_wait3A_349 = arith.constant 0 : i32
    %dma_wait3A_350 = arith.constant 0 : i32
    %dma_wait3A_351 = tpu.memref_slice %arg9[%dma_wait3A_347, %dma_wait3A_349, %dma_wait3A_350] : memref<3x2x128xi32, #tpu.memory_space<vmem>> -> memref<1x2x128xi32, #tpu.memory_space<vmem>>
    %dma_wait3A_352 = tpu.memref_squeeze %dma_wait3A_351 : memref<1x2x128xi32, #tpu.memory_space<vmem>> -> memref<2x128xi32, #tpu.memory_space<vmem>>
    %dma_wait3A_353 = arith.constant 0 : i32
    %dma_wait3A_354 = tpu.memref_slice %arg3[%dma_wait3A_353, %mul3A_346] : memref<2x320000xi32, #tpu.memory_space<hbm>> -> memref<2x128xi32, #tpu.memory_space<hbm>>
    %dma_wait3A_355 = tpu.memref_slice %arg18[%dma_wait3A_348] : memref<3x!tpu.dma_semaphore, #tpu.memory_space<semaphore_mem>> -> memref<1x!tpu.dma_semaphore, #tpu.memory_space<semaphore_mem>>
    %dma_wait3A_356 = tpu.memref_squeeze %dma_wait3A_355 : memref<1x!tpu.dma_semaphore, #tpu.memory_space<semaphore_mem>> -> memref<!tpu.dma_semaphore, #tpu.memory_space<semaphore_mem>>
    %dma_wait3A_357 = arith.constant 0 : i32
    %dma_wait3A_358 = arith.constant 0 : i32
    %dma_wait3A_359 = tpu.memref_slice %arg9[%dma_wait3A_347, %dma_wait3A_357, %dma_wait3A_358] : memref<3x2x128xi32, #tpu.memory_space<vmem>> -> memref<1x2x128xi32, #tpu.memory_space<vmem>>
    %dma_wait3A_360 = tpu.memref_squeeze %dma_wait3A_359 : memref<1x2x128xi32, #tpu.memory_space<vmem>> -> memref<2x128xi32, #tpu.memory_space<vmem>>
    %dma_wait3A_361 = arith.constant 0 : i32
    %dma_wait3A_362 = tpu.memref_slice %arg3[%dma_wait3A_361, %mul3A_346] : memref<2x320000xi32, #tpu.memory_space<hbm>> -> memref<2x128xi32, #tpu.memory_space<hbm>>
    tpu.wait_dma2 semaphore(%dma_wait3A_356 : memref<!tpu.dma_semaphore, #tpu.memory_space<semaphore_mem>>) src(%dma_wait3A_362 : memref<2x128xi32, #tpu.memory_space<hbm>>) dst(%dma_wait3A_360 : memref<2x128xi32, #tpu.memory_space<vmem>>)
    %dma_wait3A_363 = arith.constant 0 : i32
    %dma_wait3A_364 = arith.constant 0 : i32
    %dma_wait3A_365 = arith.constant 0 : i32
    %dma_wait3A_366 = tpu.memref_slice %arg10[%dma_wait3A_363, %dma_wait3A_365] : memref<3x128xi32, #tpu.memory_space<vmem>> -> memref<1x128xi32, #tpu.memory_space<vmem>>
    %dma_wait3A_367 = tpu.memref_squeeze %dma_wait3A_366 : memref<1x128xi32, #tpu.memory_space<vmem>> -> memref<128xi32, #tpu.memory_space<vmem>>
    %dma_wait3A_368 = tpu.memref_slice %arg4[%mul3A_346] : memref<320000xi32, #tpu.memory_space<hbm>> -> memref<128xi32, #tpu.memory_space<hbm>>
    %dma_wait3A_369 = tpu.memref_slice %arg18[%dma_wait3A_364] : memref<3x!tpu.dma_semaphore, #tpu.memory_space<semaphore_mem>> -> memref<1x!tpu.dma_semaphore, #tpu.memory_space<semaphore_mem>>
    %dma_wait3A_370 = tpu.memref_squeeze %dma_wait3A_369 : memref<1x!tpu.dma_semaphore, #tpu.memory_space<semaphore_mem>> -> memref<!tpu.dma_semaphore, #tpu.memory_space<semaphore_mem>>
    %dma_wait3A_371 = arith.constant 0 : i32
    %dma_wait3A_372 = tpu.memref_slice %arg10[%dma_wait3A_363, %dma_wait3A_371] : memref<3x128xi32, #tpu.memory_space<vmem>> -> memref<1x128xi32, #tpu.memory_space<vmem>>
    %dma_wait3A_373 = tpu.memref_squeeze %dma_wait3A_372 : memref<1x128xi32, #tpu.memory_space<vmem>> -> memref<128xi32, #tpu.memory_space<vmem>>
    %dma_wait3A_374 = tpu.memref_slice %arg4[%mul3A_346] : memref<320000xi32, #tpu.memory_space<hbm>> -> memref<128xi32, #tpu.memory_space<hbm>>
    tpu.wait_dma2 semaphore(%dma_wait3A_370 : memref<!tpu.dma_semaphore, #tpu.memory_space<semaphore_mem>>) src(%dma_wait3A_374 : memref<128xi32, #tpu.memory_space<hbm>>) dst(%dma_wait3A_373 : memref<128xi32, #tpu.memory_space<vmem>>)
    %parallel_loop3A = arith.constant 0 : i32
    %parallel_loop3A_375 = arith.constant 8 : i32
    %parallel_loop3A_376 = arith.constant 1 : i32
    scf.for %parallel_loop3A_481 = %parallel_loop3A to %parallel_loop3A_375 step %parallel_loop3A_376  : i32 {
      %parallel_loop3A_482 = arith.constant 16 : i32
      %parallel_loop3A_483 = arith.muli %parallel_loop3A_481, %parallel_loop3A_482 : i32
      %parallel_loop3A_484 = arith.constant 0 : i32
      %parallel_loop3A_485 = arith.index_cast %parallel_loop3A_484 : i32 to index
      %parallel_loop3A_486 = arith.index_cast %parallel_loop3A_483 : i32 to index
      %parallel_loop3A_487 = tpu.vector_load %arg10[%parallel_loop3A_485, %parallel_loop3A_486] {strides = array<i32>} : memref<3x128xi32, #tpu.memory_space<vmem>>, vector<1x16xi32>,
      %parallel_loop3A_488 = vector.shape_cast %parallel_loop3A_487 : vector<1x16xi32> to vector<16xi32>
      %parallel_loop3A_489 = arith.constant 10000 : i32
      %parallel_loop3A_490 = vector.broadcast %parallel_loop3A_489 : i32 to vector<16xi32>
      %parallel_loop3A_491 = arith.muli %parallel_loop3A_488, %parallel_loop3A_490 : vector<16xi32>
      %parallel_loop3A_492 = arith.constant 0 : i32
      %parallel_loop3A_493 = arith.constant 0 : i32
      %parallel_loop3A_494 = arith.index_cast %parallel_loop3A_492 : i32 to index
      %parallel_loop3A_495 = arith.index_cast %parallel_loop3A_493 : i32 to index
      %parallel_loop3A_496 = arith.index_cast %parallel_loop3A_483 : i32 to index
      %parallel_loop3A_497 = tpu.vector_load %arg9[%parallel_loop3A_494, %parallel_loop3A_495, %parallel_loop3A_496] {strides = array<i32>} : memref<3x2x128xi32, #tpu.memory_space<vmem>>, vector<1x1x16xi32>,
      %parallel_loop3A_498 = vector.shape_cast %parallel_loop3A_497 : vector<1x1x16xi32> to vector<16xi32>
      %parallel_loop3A_499 = arith.addi %parallel_loop3A_491, %parallel_loop3A_498 : vector<16xi32>
      %parallel_loop3A_500 = arith.constant 0 : i32
      %parallel_loop3A_501 = arith.index_cast %parallel_loop3A_500 : i32 to index
      %parallel_loop3A_502 = arith.index_cast %parallel_loop3A_483 : i32 to index
      %parallel_loop3A_503 = tpu.vector_load %arg12[%parallel_loop3A_501, %parallel_loop3A_502] {strides = array<i32>} : memref<3x128xi32, #tpu.memory_space<vmem>>, vector<1x16xi32>,
      %parallel_loop3A_504 = vector.shape_cast %parallel_loop3A_503 : vector<1x16xi32> to vector<16xi32>
      %parallel_loop3A_505 = vector.shape_cast %parallel_loop3A_499 : vector<16xi32> to vector<1x16xi32>
      tpu.vector_store %arg12[%parallel_loop3A_501, %parallel_loop3A_502], %parallel_loop3A_505 {strides = array<i32>} : memref<3x128xi32, #tpu.memory_space<vmem>>, vector<1x16xi32>,
      %parallel_loop3A_506 = arith.constant 10000 : i32
      %parallel_loop3A_507 = vector.broadcast %parallel_loop3A_506 : i32 to vector<16xi32>
      %parallel_loop3A_508 = arith.muli %parallel_loop3A_488, %parallel_loop3A_507 : vector<16xi32>
      %parallel_loop3A_509 = arith.constant 0 : i32
      %parallel_loop3A_510 = arith.constant 1 : i32
      %parallel_loop3A_511 = arith.index_cast %parallel_loop3A_509 : i32 to index
      %parallel_loop3A_512 = arith.index_cast %parallel_loop3A_510 : i32 to index
      %parallel_loop3A_513 = arith.index_cast %parallel_loop3A_483 : i32 to index
      %parallel_loop3A_514 = tpu.vector_load %arg9[%parallel_loop3A_511, %parallel_loop3A_512, %parallel_loop3A_513] {strides = array<i32>} : memref<3x2x128xi32, #tpu.memory_space<vmem>>, vector<1x1x16xi32>,
      %parallel_loop3A_515 = vector.shape_cast %parallel_loop3A_514 : vector<1x1x16xi32> to vector<16xi32>
      %parallel_loop3A_516 = arith.addi %parallel_loop3A_508, %parallel_loop3A_515 : vector<16xi32>
      %parallel_loop3A_517 = arith.constant 0 : i32
      %parallel_loop3A_518 = arith.index_cast %parallel_loop3A_517 : i32 to index
      %parallel_loop3A_519 = arith.index_cast %parallel_loop3A_483 : i32 to index
      %parallel_loop3A_520 = tpu.vector_load %arg13[%parallel_loop3A_518, %parallel_loop3A_519] {strides = array<i32>} : memref<3x128xi32, #tpu.memory_space<vmem>>, vector<1x16xi32>,
      %parallel_loop3A_521 = vector.shape_cast %parallel_loop3A_520 : vector<1x16xi32> to vector<16xi32>
      %parallel_loop3A_522 = vector.shape_cast %parallel_loop3A_516 : vector<16xi32> to vector<1x16xi32>
      tpu.vector_store %arg13[%parallel_loop3A_518, %parallel_loop3A_519], %parallel_loop3A_522 {strides = array<i32>} : memref<3x128xi32, #tpu.memory_space<vmem>>, vector<1x16xi32>,
      %parallel_loop3A_523 = arith.constant 0 : i32
      %parallel_loop3A_524 = arith.constant 1 : i32
      %parallel_loop3A_525 = arith.index_cast %parallel_loop3A_523 : i32 to index
      %parallel_loop3A_526 = arith.index_cast %parallel_loop3A_524 : i32 to index
      %parallel_loop3A_527 = arith.index_cast %parallel_loop3A_483 : i32 to index
      %parallel_loop3A_528 = tpu.vector_load %arg9[%parallel_loop3A_525, %parallel_loop3A_526, %parallel_loop3A_527] {strides = array<i32>} : memref<3x2x128xi32, #tpu.memory_space<vmem>>, vector<1x1x16xi32>,
      %parallel_loop3A_529 = vector.shape_cast %parallel_loop3A_528 : vector<1x1x16xi32> to vector<16xi32>
      %parallel_loop3A_530 = arith.constant 0 : i32
      %parallel_loop3A_531 = arith.index_cast %parallel_loop3A_530 : i32 to index
      %parallel_loop3A_532 = arith.index_cast %parallel_loop3A_483 : i32 to index
      %parallel_loop3A_533 = tpu.vector_load %arg11[%parallel_loop3A_531, %parallel_loop3A_532] {strides = array<i32>} : memref<3x128xi32, #tpu.memory_space<vmem>>, vector<1x16xi32>,
      %parallel_loop3A_534 = vector.shape_cast %parallel_loop3A_533 : vector<1x16xi32> to vector<16xi32>
      %parallel_loop3A_535 = vector.shape_cast %parallel_loop3A_529 : vector<16xi32> to vector<1x16xi32>
      tpu.vector_store %arg11[%parallel_loop3A_531, %parallel_loop3A_532], %parallel_loop3A_535 {strides = array<i32>} : memref<3x128xi32, #tpu.memory_space<vmem>>, vector<1x16xi32>,
    } {sc.loop_unroll_factor = 8 : i64, sc.parallel_access}
    %dma_start3A_377 = arith.constant 0 : i32
    %dma_start3A_378 = arith.constant 0 : i32
    %dma_start3A_379 = arith.constant 0 : i32
    %dma_start3A_380 = arith.constant 0 : i32
    %dma_start3A_381 = tpu.memref_slice %arg14[%dma_start3A_378, %dma_start3A_380] : memref<2x128xf32, #tpu.memory_space<vmem>> -> memref<1x128xf32, #tpu.memory_space<vmem>>
    %dma_start3A_382 = tpu.memref_squeeze %dma_start3A_381 : memref<1x128xf32, #tpu.memory_space<vmem>> -> memref<128xf32, #tpu.memory_space<vmem>>
    %dma_start3A_383 = arith.constant 0 : i32
    %dma_start3A_384 = tpu.memref_slice %arg13[%dma_start3A_377, %dma_start3A_383] : memref<3x128xi32, #tpu.memory_space<vmem>> -> memref<1x128xi32, #tpu.memory_space<vmem>>
    %dma_start3A_385 = tpu.memref_squeeze %dma_start3A_384 : memref<1x128xi32, #tpu.memory_space<vmem>> -> memref<128xi32, #tpu.memory_space<vmem>>
    %dma_start3A_386 = arith.constant 0 : i32
    %dma_start3A_387 = tpu.memref_slice %arg8[%dma_start3A_386] : memref<80384xf32, #tpu.memory_space<vmem_shared>> -> memref<80384xf32, #tpu.memory_space<vmem_shared>>
    %dma_start3A_388 = tpu.memref_slice %arg19[%dma_start3A_379] : memref<2x!tpu.dma_semaphore, #tpu.memory_space<semaphore_mem>> -> memref<1x!tpu.dma_semaphore, #tpu.memory_space<semaphore_mem>>
    %dma_start3A_389 = tpu.memref_squeeze %dma_start3A_388 : memref<1x!tpu.dma_semaphore, #tpu.memory_space<semaphore_mem>> -> memref<!tpu.dma_semaphore, #tpu.memory_space<semaphore_mem>>
    tpu.enqueue_indirect_dma source(%dma_start3A_387 : memref<80384xf32, #tpu.memory_space<vmem_shared>>) target(%dma_start3A_382 : memref<128xf32, #tpu.memory_space<vmem>>) offsets(%dma_start3A_385 : memref<128xi32, #tpu.memory_space<vmem>>) semaphore(%dma_start3A_389 : memref<!tpu.dma_semaphore, #tpu.memory_space<semaphore_mem>>)
    %dma_start3A_390 = arith.constant 0 : i32
    %dma_start3A_391 = arith.constant 0 : i32
    %dma_start3A_392 = arith.constant 0 : i32
    %dma_start3A_393 = arith.constant 0 : i32
    %dma_start3A_394 = arith.constant 0 : i32
    %dma_start3A_395 = tpu.memref_slice %arg17[%dma_start3A_391, %dma_start3A_393, %dma_start3A_394] : memref<2x128x128xf32, #tpu.memory_space<vmem>> -> memref<1x128x128xf32, #tpu.memory_space<vmem>>
    %dma_start3A_396 = tpu.memref_squeeze %dma_start3A_395 : memref<1x128x128xf32, #tpu.memory_space<vmem>> -> memref<128x128xf32, #tpu.memory_space<vmem>>
    %dma_start3A_397 = arith.constant 0 : i32
    %dma_start3A_398 = tpu.memref_slice %arg12[%dma_start3A_390, %dma_start3A_397] : memref<3x128xi32, #tpu.memory_space<vmem>> -> memref<1x128xi32, #tpu.memory_space<vmem>>
    %dma_start3A_399 = tpu.memref_squeeze %dma_start3A_398 : memref<1x128xi32, #tpu.memory_space<vmem>> -> memref<128xi32, #tpu.memory_space<vmem>>
    %dma_start3A_400 = arith.constant 0 : i32
    %dma_start3A_401 = arith.constant 0 : i32
    %dma_start3A_402 = tpu.memref_slice %arg2[%dma_start3A_400, %dma_start3A_401] : memref<90000x128xf32, #tpu.memory_space<hbm>> -> memref<90000x128xf32, #tpu.memory_space<hbm>>
    %dma_start3A_403 = tpu.memref_slice %arg20[%dma_start3A_392] : memref<2x!tpu.dma_semaphore, #tpu.memory_space<semaphore_mem>> -> memref<1x!tpu.dma_semaphore, #tpu.memory_space<semaphore_mem>>
    %dma_start3A_404 = tpu.memref_squeeze %dma_start3A_403 : memref<1x!tpu.dma_semaphore, #tpu.memory_space<semaphore_mem>> -> memref<!tpu.dma_semaphore, #tpu.memory_space<semaphore_mem>>
    tpu.enqueue_indirect_dma source(%dma_start3A_402 : memref<90000x128xf32, #tpu.memory_space<hbm>>) target(%dma_start3A_396 : memref<128x128xf32, #tpu.memory_space<vmem>>) offsets(%dma_start3A_399 : memref<128xi32, #tpu.memory_space<vmem>>) semaphore(%dma_start3A_404 : memref<!tpu.dma_semaphore, #tpu.memory_space<semaphore_mem>>)
    %while3A = arith.constant 0 : i32
    %while3A_405 = arith.constant 0 : i32
    %while3A_406 = arith.subi %add3A_278, %while3A : i32
    %while3A_407 = arith.addi %while3A, %while3A_406 : i32
    %while3A_408 = arith.constant 1 : i32
    %while3A_409 = arith.divsi %while3A_406, %while3A_408 : i32
    %while3A_410 = arith.muli %while3A_409, %while3A_408 : i32
    %while3A_411 = arith.addi %while3A, %while3A_410 : i32
    %while3A_412 = arith.constant 1 : i32
    %while3A_413 = scf.for %while3A_481 = %while3A to %while3A_411 step %while3A_412 iter_args(%while3A_482 = %while3A_405) -> (i32)  : i32 {
      %jit3A_483 = arith.constant 3 : i32
      %eq3A_484 = arith.constant 0 : i32
      %eq3A_485 = arith.cmpi eq, %jit3A_483, %eq3A_484 : i32
      %jit3A_486 = arith.constant 1 : i32
      %select_n3A_487 = arith.select %eq3A_485, %jit3A_486, %jit3A_483 : i32
      %rem3A_488 = arith.remsi %while3A_481, %select_n3A_487 : i32
      %ne3A_489 = arith.constant 0 : i32
      %ne3A_490 = arith.cmpi ne, %rem3A_488, %ne3A_489 : i32
      %lt3A_491 = arith.constant 0 : i32
      %lt3A_492 = arith.cmpi slt, %rem3A_488, %lt3A_491 : i32
      %lt3A_493 = arith.constant 0 : i32
      %lt3A_494 = arith.cmpi slt, %select_n3A_487, %lt3A_493 : i32
      %ne3A_495 = arith.xori %lt3A_492, %lt3A_494 : i1
      %and3A_496 = arith.andi %ne3A_495, %ne3A_490 : i1
      %add3A_497 = arith.addi %rem3A_488, %select_n3A_487 : i32
      %select_n3A_498 = arith.select %and3A_496, %add3A_497, %rem3A_488 : i32
      %add3A_499 = arith.constant 1 : i32
      %add3A_500 = arith.addi %while3A_481, %add3A_499 : i32
      %jit3A_501 = arith.constant 3 : i32
      %eq3A_502 = arith.constant 0 : i32
      %eq3A_503 = arith.cmpi eq, %jit3A_501, %eq3A_502 : i32
      %jit3A_504 = arith.constant 1 : i32
      %select_n3A_505 = arith.select %eq3A_503, %jit3A_504, %jit3A_501 : i32
      %rem3A_506 = arith.remsi %add3A_500, %select_n3A_505 : i32
      %ne3A_507 = arith.constant 0 : i32
      %ne3A_508 = arith.cmpi ne, %rem3A_506, %ne3A_507 : i32
      %lt3A_509 = arith.constant 0 : i32
      %lt3A_510 = arith.cmpi slt, %rem3A_506, %lt3A_509 : i32
      %lt3A_511 = arith.constant 0 : i32
      %lt3A_512 = arith.cmpi slt, %select_n3A_505, %lt3A_511 : i32
      %ne3A_513 = arith.xori %lt3A_510, %lt3A_512 : i1
      %and3A_514 = arith.andi %ne3A_513, %ne3A_508 : i1
      %add3A_515 = arith.addi %rem3A_506, %select_n3A_505 : i32
      %select_n3A_516 = arith.select %and3A_514, %add3A_515, %rem3A_506 : i32
      %add3A_517 = arith.constant 2 : i32
      %add3A_518 = arith.addi %while3A_481, %add3A_517 : i32
      %jit3A_519 = arith.constant 3 : i32
      %eq3A_520 = arith.constant 0 : i32
      %eq3A_521 = arith.cmpi eq, %jit3A_519, %eq3A_520 : i32
      %jit3A_522 = arith.constant 1 : i32
      %select_n3A_523 = arith.select %eq3A_521, %jit3A_522, %jit3A_519 : i32
      %rem3A_524 = arith.remsi %add3A_518, %select_n3A_523 : i32
      %ne3A_525 = arith.constant 0 : i32
      %ne3A_526 = arith.cmpi ne, %rem3A_524, %ne3A_525 : i32
      %lt3A_527 = arith.constant 0 : i32
      %lt3A_528 = arith.cmpi slt, %rem3A_524, %lt3A_527 : i32
      %lt3A_529 = arith.constant 0 : i32
      %lt3A_530 = arith.cmpi slt, %select_n3A_523, %lt3A_529 : i32
      %ne3A_531 = arith.xori %lt3A_528, %lt3A_530 : i1
      %and3A_532 = arith.andi %ne3A_531, %ne3A_526 : i1
      %add3A_533 = arith.addi %rem3A_524, %select_n3A_523 : i32
      %select_n3A_534 = arith.select %and3A_532, %add3A_533, %rem3A_524 : i32
      %jit3A_535 = arith.constant 2 : i32
      %eq3A_536 = arith.constant 0 : i32
      %eq3A_537 = arith.cmpi eq, %jit3A_535, %eq3A_536 : i32
      %jit3A_538 = arith.constant 1 : i32
      %select_n3A_539 = arith.select %eq3A_537, %jit3A_538, %jit3A_535 : i32
      %rem3A_540 = arith.remsi %while3A_481, %select_n3A_539 : i32
      %ne3A_541 = arith.constant 0 : i32
      %ne3A_542 = arith.cmpi ne, %rem3A_540, %ne3A_541 : i32
      %lt3A_543 = arith.constant 0 : i32
      %lt3A_544 = arith.cmpi slt, %rem3A_540, %lt3A_543 : i32
      %lt3A_545 = arith.constant 0 : i32
      %lt3A_546 = arith.cmpi slt, %select_n3A_539, %lt3A_545 : i32
      %ne3A_547 = arith.xori %lt3A_544, %lt3A_546 : i1
      %and3A_548 = arith.andi %ne3A_547, %ne3A_542 : i1
      %add3A_549 = arith.addi %rem3A_540, %select_n3A_539 : i32
      %select_n3A_550 = arith.select %and3A_548, %add3A_549, %rem3A_540 : i32
      %add3A_551 = arith.constant 1 : i32
      %add3A_552 = arith.addi %while3A_481, %add3A_551 : i32
      %jit3A_553 = arith.constant 2 : i32
      %eq3A_554 = arith.constant 0 : i32
      %eq3A_555 = arith.cmpi eq, %jit3A_553, %eq3A_554 : i32
      %jit3A_556 = arith.constant 1 : i32
      %select_n3A_557 = arith.select %eq3A_555, %jit3A_556, %jit3A_553 : i32
      %rem3A_558 = arith.remsi %add3A_552, %select_n3A_557 : i32
      %ne3A_559 = arith.constant 0 : i32
      %ne3A_560 = arith.cmpi ne, %rem3A_558, %ne3A_559 : i32
      %lt3A_561 = arith.constant 0 : i32
      %lt3A_562 = arith.cmpi slt, %rem3A_558, %lt3A_561 : i32
      %lt3A_563 = arith.constant 0 : i32
      %lt3A_564 = arith.cmpi slt, %select_n3A_557, %lt3A_563 : i32
      %ne3A_565 = arith.xori %lt3A_562, %lt3A_564 : i1
      %and3A_566 = arith.andi %ne3A_565, %ne3A_560 : i1
      %add3A_567 = arith.addi %rem3A_558, %select_n3A_557 : i32
      %select_n3A_568 = arith.select %and3A_566, %add3A_567, %rem3A_558 : i32
      %ge3A = arith.constant 1 : i32
      %ge3A_569 = arith.cmpi sge, %while3A_481, %ge3A : i32
      %convert_element_type3A_570 = arith.extui %ge3A_569 : i1 to i32
      %cond3A = arith.constant 0 : i32
      %cond3A_571 = arith.cmpi ne, %convert_element_type3A_570, %cond3A : i32
      scf.if %cond3A_571 {
        %dma_wait3A_622 = arith.constant 0 : i32
        %dma_wait3A_623 = arith.constant 0 : i32
        %dma_wait3A_624 = tpu.memref_slice %arg17[%select_n3A_568, %dma_wait3A_622, %dma_wait3A_623] : memref<2x128x128xf32, #tpu.memory_space<vmem>> -> memref<1x128x128xf32, #tpu.memory_space<vmem>>
        %dma_wait3A_625 = tpu.memref_squeeze %dma_wait3A_624 : memref<1x128x128xf32, #tpu.memory_space<vmem>> -> memref<128x128xf32, #tpu.memory_space<vmem>>
        %dma_wait3A_626 = arith.constant 0 : i32
        %dma_wait3A_627 = tpu.memref_slice %arg11[%select_n3A_534, %dma_wait3A_626] : memref<3x128xi32, #tpu.memory_space<vmem>> -> memref<1x128xi32, #tpu.memory_space<vmem>>
        %dma_wait3A_628 = tpu.memref_squeeze %dma_wait3A_627 : memref<1x128xi32, #tpu.memory_space<vmem>> -> memref<128xi32, #tpu.memory_space<vmem>>
        %dma_wait3A_629 = arith.constant 0 : i32
        %dma_wait3A_630 = arith.constant 0 : i32
        %dma_wait3A_631 = tpu.memref_slice %arg7[%dma_wait3A_629, %dma_wait3A_630] : memref<10240x128xf32, #tpu.memory_space<vmem_shared>> -> memref<10240x128xf32, #tpu.memory_space<vmem_shared>>
        %dma_wait3A_632 = tpu.memref_slice %arg21[%select_n3A_568] : memref<2x!tpu.dma_semaphore, #tpu.memory_space<semaphore_mem>> -> memref<1x!tpu.dma_semaphore, #tpu.memory_space<semaphore_mem>>
        %dma_wait3A_633 = tpu.memref_squeeze %dma_wait3A_632 : memref<1x!tpu.dma_semaphore, #tpu.memory_space<semaphore_mem>> -> memref<!tpu.dma_semaphore, #tpu.memory_space<semaphore_mem>>
        tpu.wait_indirect_dma semaphore(%dma_wait3A_633 : memref<!tpu.dma_semaphore, #tpu.memory_space<semaphore_mem>>) src(%dma_wait3A_625 : memref<128x128xf32, #tpu.memory_space<vmem>>) dst(%dma_wait3A_631 : memref<10240x128xf32, #tpu.memory_space<vmem_shared>>)
      } else {
      }
      %add3A_572 = arith.constant 2 : i32
      %add3A_573 = arith.addi %while3A_481, %add3A_572 : i32
      %lt3A_574 = arith.cmpi slt, %add3A_573, %add3A_278 : i32
      %convert_element_type3A_575 = arith.extui %lt3A_574 : i1 to i32
      %cond3A_576 = arith.constant 0 : i32
      %cond3A_577 = arith.cmpi ne, %convert_element_type3A_575, %cond3A_576 : i32
      scf.if %cond3A_577 {
        %add3A_622 = arith.constant 2 : i32
        %add3A_623 = arith.addi %while3A_481, %add3A_622 : i32
        %mul3A_624 = arith.constant 32 : i32
        %mul3A_625 = arith.muli %add3A_623, %mul3A_624 : i32
        %add3A_626 = arith.addi %mul3A_625, %add3A : i32
        %mul3A_627 = arith.constant 128 : i32
        %mul3A_628 = arith.muli %add3A_626, %mul3A_627 : i32
        %dma_start3A_629 = arith.constant 0 : i32
        %dma_start3A_630 = arith.constant 0 : i32
        %dma_start3A_631 = tpu.memref_slice %arg9[%select_n3A_534, %dma_start3A_629, %dma_start3A_630] : memref<3x2x128xi32, #tpu.memory_space<vmem>> -> memref<1x2x128xi32, #tpu.memory_space<vmem>>
        %dma_start3A_632 = tpu.memref_squeeze %dma_start3A_631 : memref<1x2x128xi32, #tpu.memory_space<vmem>> -> memref<2x128xi32, #tpu.memory_space<vmem>>
        %dma_start3A_633 = arith.constant 0 : i32
        %dma_start3A_634 = tpu.memref_slice %arg3[%dma_start3A_633, %mul3A_628] : memref<2x320000xi32, #tpu.memory_space<hbm>> -> memref<2x128xi32, #tpu.memory_space<hbm>>
        %dma_start3A_635 = tpu.memref_slice %arg18[%select_n3A_534] : memref<3x!tpu.dma_semaphore, #tpu.memory_space<semaphore_mem>> -> memref<1x!tpu.dma_semaphore, #tpu.memory_space<semaphore_mem>>
        %dma_start3A_636 = tpu.memref_squeeze %dma_start3A_635 : memref<1x!tpu.dma_semaphore, #tpu.memory_space<semaphore_mem>> -> memref<!tpu.dma_semaphore, #tpu.memory_space<semaphore_mem>>
        %dma_start3A_637 = arith.constant 0 : i32
        %dma_start3A_638 = arith.constant 0 : i32
        %dma_start3A_639 = tpu.memref_slice %arg9[%select_n3A_534, %dma_start3A_637, %dma_start3A_638] : memref<3x2x128xi32, #tpu.memory_space<vmem>> -> memref<1x2x128xi32, #tpu.memory_space<vmem>>
        %dma_start3A_640 = tpu.memref_squeeze %dma_start3A_639 : memref<1x2x128xi32, #tpu.memory_space<vmem>> -> memref<2x128xi32, #tpu.memory_space<vmem>>
        %dma_start3A_641 = arith.constant 0 : i32
        %dma_start3A_642 = tpu.memref_slice %arg3[%dma_start3A_641, %mul3A_628] : memref<2x320000xi32, #tpu.memory_space<hbm>> -> memref<2x128xi32, #tpu.memory_space<hbm>>
        tpu.enqueue_dma source(%dma_start3A_642 : memref<2x128xi32, #tpu.memory_space<hbm>>) target(%dma_start3A_640 : memref<2x128xi32, #tpu.memory_space<vmem>>) target_semaphore(%dma_start3A_636 : memref<!tpu.dma_semaphore, #tpu.memory_space<semaphore_mem>>)
        %dma_start3A_643 = arith.constant 0 : i32
        %dma_start3A_644 = tpu.memref_slice %arg10[%select_n3A_534, %dma_start3A_643] : memref<3x128xi32, #tpu.memory_space<vmem>> -> memref<1x128xi32, #tpu.memory_space<vmem>>
        %dma_start3A_645 = tpu.memref_squeeze %dma_start3A_644 : memref<1x128xi32, #tpu.memory_space<vmem>> -> memref<128xi32, #tpu.memory_space<vmem>>
        %dma_start3A_646 = tpu.memref_slice %arg4[%mul3A_628] : memref<320000xi32, #tpu.memory_space<hbm>> -> memref<128xi32, #tpu.memory_space<hbm>>
        %dma_start3A_647 = tpu.memref_slice %arg18[%select_n3A_534] : memref<3x!tpu.dma_semaphore, #tpu.memory_space<semaphore_mem>> -> memref<1x!tpu.dma_semaphore, #tpu.memory_space<semaphore_mem>>
        %dma_start3A_648 = tpu.memref_squeeze %dma_start3A_647 : memref<1x!tpu.dma_semaphore, #tpu.memory_space<semaphore_mem>> -> memref<!tpu.dma_semaphore, #tpu.memory_space<semaphore_mem>>
        %dma_start3A_649 = arith.constant 0 : i32
        %dma_start3A_650 = tpu.memref_slice %arg10[%select_n3A_534, %dma_start3A_649] : memref<3x128xi32, #tpu.memory_space<vmem>> -> memref<1x128xi32, #tpu.memory_space<vmem>>
        %dma_start3A_651 = tpu.memref_squeeze %dma_start3A_650 : memref<1x128xi32, #tpu.memory_space<vmem>> -> memref<128xi32, #tpu.memory_space<vmem>>
        %dma_start3A_652 = tpu.memref_slice %arg4[%mul3A_628] : memref<320000xi32, #tpu.memory_space<hbm>> -> memref<128xi32, #tpu.memory_space<hbm>>
        tpu.enqueue_dma source(%dma_start3A_652 : memref<128xi32, #tpu.memory_space<hbm>>) target(%dma_start3A_651 : memref<128xi32, #tpu.memory_space<vmem>>) target_semaphore(%dma_start3A_648 : memref<!tpu.dma_semaphore, #tpu.memory_space<semaphore_mem>>)
      } else {
      }
      %add3A_578 = arith.constant 1 : i32
      %add3A_579 = arith.addi %while3A_481, %add3A_578 : i32
      %lt3A_580 = arith.cmpi slt, %add3A_579, %add3A_278 : i32
      %convert_element_type3A_581 = arith.extui %lt3A_580 : i1 to i32
      %cond3A_582 = arith.constant 0 : i32
      %cond3A_583 = arith.cmpi ne, %convert_element_type3A_581, %cond3A_582 : i32
      scf.if %cond3A_583 {
        %add3A_622 = arith.constant 1 : i32
        %add3A_623 = arith.addi %while3A_481, %add3A_622 : i32
        %mul3A_624 = arith.constant 32 : i32
        %mul3A_625 = arith.muli %add3A_623, %mul3A_624 : i32
        %add3A_626 = arith.addi %mul3A_625, %add3A : i32
        %mul3A_627 = arith.constant 128 : i32
        %mul3A_628 = arith.muli %add3A_626, %mul3A_627 : i32
        %dma_wait3A_629 = arith.constant 0 : i32
        %dma_wait3A_630 = arith.constant 0 : i32
        %dma_wait3A_631 = tpu.memref_slice %arg9[%select_n3A_516, %dma_wait3A_629, %dma_wait3A_630] : memref<3x2x128xi32, #tpu.memory_space<vmem>> -> memref<1x2x128xi32, #tpu.memory_space<vmem>>
        %dma_wait3A_632 = tpu.memref_squeeze %dma_wait3A_631 : memref<1x2x128xi32, #tpu.memory_space<vmem>> -> memref<2x128xi32, #tpu.memory_space<vmem>>
        %dma_wait3A_633 = arith.constant 0 : i32
        %dma_wait3A_634 = tpu.memref_slice %arg3[%dma_wait3A_633, %mul3A_628] : memref<2x320000xi32, #tpu.memory_space<hbm>> -> memref<2x128xi32, #tpu.memory_space<hbm>>
        %dma_wait3A_635 = tpu.memref_slice %arg18[%select_n3A_516] : memref<3x!tpu.dma_semaphore, #tpu.memory_space<semaphore_mem>> -> memref<1x!tpu.dma_semaphore, #tpu.memory_space<semaphore_mem>>
        %dma_wait3A_636 = tpu.memref_squeeze %dma_wait3A_635 : memref<1x!tpu.dma_semaphore, #tpu.memory_space<semaphore_mem>> -> memref<!tpu.dma_semaphore, #tpu.memory_space<semaphore_mem>>
        %dma_wait3A_637 = arith.constant 0 : i32
        %dma_wait3A_638 = arith.constant 0 : i32
        %dma_wait3A_639 = tpu.memref_slice %arg9[%select_n3A_516, %dma_wait3A_637, %dma_wait3A_638] : memref<3x2x128xi32, #tpu.memory_space<vmem>> -> memref<1x2x128xi32, #tpu.memory_space<vmem>>
        %dma_wait3A_640 = tpu.memref_squeeze %dma_wait3A_639 : memref<1x2x128xi32, #tpu.memory_space<vmem>> -> memref<2x128xi32, #tpu.memory_space<vmem>>
        %dma_wait3A_641 = arith.constant 0 : i32
        %dma_wait3A_642 = tpu.memref_slice %arg3[%dma_wait3A_641, %mul3A_628] : memref<2x320000xi32, #tpu.memory_space<hbm>> -> memref<2x128xi32, #tpu.memory_space<hbm>>
        tpu.wait_dma2 semaphore(%dma_wait3A_636 : memref<!tpu.dma_semaphore, #tpu.memory_space<semaphore_mem>>) src(%dma_wait3A_642 : memref<2x128xi32, #tpu.memory_space<hbm>>) dst(%dma_wait3A_640 : memref<2x128xi32, #tpu.memory_space<vmem>>)
        %dma_wait3A_643 = arith.constant 0 : i32
        %dma_wait3A_644 = tpu.memref_slice %arg10[%select_n3A_516, %dma_wait3A_643] : memref<3x128xi32, #tpu.memory_space<vmem>> -> memref<1x128xi32, #tpu.memory_space<vmem>>
        %dma_wait3A_645 = tpu.memref_squeeze %dma_wait3A_644 : memref<1x128xi32, #tpu.memory_space<vmem>> -> memref<128xi32, #tpu.memory_space<vmem>>
        %dma_wait3A_646 = tpu.memref_slice %arg4[%mul3A_628] : memref<320000xi32, #tpu.memory_space<hbm>> -> memref<128xi32, #tpu.memory_space<hbm>>
        %dma_wait3A_647 = tpu.memref_slice %arg18[%select_n3A_516] : memref<3x!tpu.dma_semaphore, #tpu.memory_space<semaphore_mem>> -> memref<1x!tpu.dma_semaphore, #tpu.memory_space<semaphore_mem>>
        %dma_wait3A_648 = tpu.memref_squeeze %dma_wait3A_647 : memref<1x!tpu.dma_semaphore, #tpu.memory_space<semaphore_mem>> -> memref<!tpu.dma_semaphore, #tpu.memory_space<semaphore_mem>>
        %dma_wait3A_649 = arith.constant 0 : i32
        %dma_wait3A_650 = tpu.memref_slice %arg10[%select_n3A_516, %dma_wait3A_649] : memref<3x128xi32, #tpu.memory_space<vmem>> -> memref<1x128xi32, #tpu.memory_space<vmem>>
        %dma_wait3A_651 = tpu.memref_squeeze %dma_wait3A_650 : memref<1x128xi32, #tpu.memory_space<vmem>> -> memref<128xi32, #tpu.memory_space<vmem>>
        %dma_wait3A_652 = tpu.memref_slice %arg4[%mul3A_628] : memref<320000xi32, #tpu.memory_space<hbm>> -> memref<128xi32, #tpu.memory_space<hbm>>
        tpu.wait_dma2 semaphore(%dma_wait3A_648 : memref<!tpu.dma_semaphore, #tpu.memory_space<semaphore_mem>>) src(%dma_wait3A_652 : memref<128xi32, #tpu.memory_space<hbm>>) dst(%dma_wait3A_651 : memref<128xi32, #tpu.memory_space<vmem>>)
        %parallel_loop3A_653 = arith.constant 0 : i32
        %parallel_loop3A_654 = arith.constant 8 : i32
        %parallel_loop3A_655 = arith.constant 1 : i32
        scf.for %parallel_loop3A_678 = %parallel_loop3A_653 to %parallel_loop3A_654 step %parallel_loop3A_655  : i32 {
          %parallel_loop3A_679 = arith.constant 16 : i32
          %parallel_loop3A_680 = arith.muli %parallel_loop3A_678, %parallel_loop3A_679 : i32
          %parallel_loop3A_681 = arith.index_cast %select_n3A_516 : i32 to index
          %parallel_loop3A_682 = arith.index_cast %parallel_loop3A_680 : i32 to index
          %parallel_loop3A_683 = tpu.vector_load %arg10[%parallel_loop3A_681, %parallel_loop3A_682] {strides = array<i32>} : memref<3x128xi32, #tpu.memory_space<vmem>>, vector<1x16xi32>,
          %parallel_loop3A_684 = vector.shape_cast %parallel_loop3A_683 : vector<1x16xi32> to vector<16xi32>
          %parallel_loop3A_685 = arith.constant 10000 : i32
          %parallel_loop3A_686 = vector.broadcast %parallel_loop3A_685 : i32 to vector<16xi32>
          %parallel_loop3A_687 = arith.muli %parallel_loop3A_684, %parallel_loop3A_686 : vector<16xi32>
          %parallel_loop3A_688 = arith.constant 0 : i32
          %parallel_loop3A_689 = arith.index_cast %select_n3A_516 : i32 to index
          %parallel_loop3A_690 = arith.index_cast %parallel_loop3A_688 : i32 to index
          %parallel_loop3A_691 = arith.index_cast %parallel_loop3A_680 : i32 to index
          %parallel_loop3A_692 = tpu.vector_load %arg9[%parallel_loop3A_689, %parallel_loop3A_690, %parallel_loop3A_691] {strides = array<i32>} : memref<3x2x128xi32, #tpu.memory_space<vmem>>, vector<1x1x16xi32>,
          %parallel_loop3A_693 = vector.shape_cast %parallel_loop3A_692 : vector<1x1x16xi32> to vector<16xi32>
          %parallel_loop3A_694 = arith.addi %parallel_loop3A_687, %parallel_loop3A_693 : vector<16xi32>
          %parallel_loop3A_695 = arith.index_cast %select_n3A_516 : i32 to index
          %parallel_loop3A_696 = arith.index_cast %parallel_loop3A_680 : i32 to index
          %parallel_loop3A_697 = tpu.vector_load %arg12[%parallel_loop3A_695, %parallel_loop3A_696] {strides = array<i32>} : memref<3x128xi32, #tpu.memory_space<vmem>>, vector<1x16xi32>,
          %parallel_loop3A_698 = vector.shape_cast %parallel_loop3A_697 : vector<1x16xi32> to vector<16xi32>
          %parallel_loop3A_699 = vector.shape_cast %parallel_loop3A_694 : vector<16xi32> to vector<1x16xi32>
          tpu.vector_store %arg12[%parallel_loop3A_695, %parallel_loop3A_696], %parallel_loop3A_699 {strides = array<i32>} : memref<3x128xi32, #tpu.memory_space<vmem>>, vector<1x16xi32>,
          %parallel_loop3A_700 = arith.constant 10000 : i32
          %parallel_loop3A_701 = vector.broadcast %parallel_loop3A_700 : i32 to vector<16xi32>
          %parallel_loop3A_702 = arith.muli %parallel_loop3A_684, %parallel_loop3A_701 : vector<16xi32>
          %parallel_loop3A_703 = arith.constant 1 : i32
          %parallel_loop3A_704 = arith.index_cast %select_n3A_516 : i32 to index
          %parallel_loop3A_705 = arith.index_cast %parallel_loop3A_703 : i32 to index
          %parallel_loop3A_706 = arith.index_cast %parallel_loop3A_680 : i32 to index
          %parallel_loop3A_707 = tpu.vector_load %arg9[%parallel_loop3A_704, %parallel_loop3A_705, %parallel_loop3A_706] {strides = array<i32>} : memref<3x2x128xi32, #tpu.memory_space<vmem>>, vector<1x1x16xi32>,
          %parallel_loop3A_708 = vector.shape_cast %parallel_loop3A_707 : vector<1x1x16xi32> to vector<16xi32>
          %parallel_loop3A_709 = arith.addi %parallel_loop3A_702, %parallel_loop3A_708 : vector<16xi32>
          %parallel_loop3A_710 = arith.index_cast %select_n3A_516 : i32 to index
          %parallel_loop3A_711 = arith.index_cast %parallel_loop3A_680 : i32 to index
          %parallel_loop3A_712 = tpu.vector_load %arg13[%parallel_loop3A_710, %parallel_loop3A_711] {strides = array<i32>} : memref<3x128xi32, #tpu.memory_space<vmem>>, vector<1x16xi32>,
          %parallel_loop3A_713 = vector.shape_cast %parallel_loop3A_712 : vector<1x16xi32> to vector<16xi32>
          %parallel_loop3A_714 = vector.shape_cast %parallel_loop3A_709 : vector<16xi32> to vector<1x16xi32>
          tpu.vector_store %arg13[%parallel_loop3A_710, %parallel_loop3A_711], %parallel_loop3A_714 {strides = array<i32>} : memref<3x128xi32, #tpu.memory_space<vmem>>, vector<1x16xi32>,
          %parallel_loop3A_715 = arith.constant 1 : i32
          %parallel_loop3A_716 = arith.index_cast %select_n3A_516 : i32 to index
          %parallel_loop3A_717 = arith.index_cast %parallel_loop3A_715 : i32 to index
          %parallel_loop3A_718 = arith.index_cast %parallel_loop3A_680 : i32 to index
          %parallel_loop3A_719 = tpu.vector_load %arg9[%parallel_loop3A_716, %parallel_loop3A_717, %parallel_loop3A_718] {strides = array<i32>} : memref<3x2x128xi32, #tpu.memory_space<vmem>>, vector<1x1x16xi32>,
          %parallel_loop3A_720 = vector.shape_cast %parallel_loop3A_719 : vector<1x1x16xi32> to vector<16xi32>
          %parallel_loop3A_721 = arith.index_cast %select_n3A_516 : i32 to index
          %parallel_loop3A_722 = arith.index_cast %parallel_loop3A_680 : i32 to index
          %parallel_loop3A_723 = tpu.vector_load %arg11[%parallel_loop3A_721, %parallel_loop3A_722] {strides = array<i32>} : memref<3x128xi32, #tpu.memory_space<vmem>>, vector<1x16xi32>,
          %parallel_loop3A_724 = vector.shape_cast %parallel_loop3A_723 : vector<1x16xi32> to vector<16xi32>
          %parallel_loop3A_725 = vector.shape_cast %parallel_loop3A_720 : vector<16xi32> to vector<1x16xi32>
          tpu.vector_store %arg11[%parallel_loop3A_721, %parallel_loop3A_722], %parallel_loop3A_725 {strides = array<i32>} : memref<3x128xi32, #tpu.memory_space<vmem>>, vector<1x16xi32>,
        } {sc.loop_unroll_factor = 8 : i64, sc.parallel_access}
        %dma_start3A_656 = arith.constant 0 : i32
        %dma_start3A_657 = tpu.memref_slice %arg14[%select_n3A_568, %dma_start3A_656] : memref<2x128xf32, #tpu.memory_space<vmem>> -> memref<1x128xf32, #tpu.memory_space<vmem>>
        %dma_start3A_658 = tpu.memref_squeeze %dma_start3A_657 : memref<1x128xf32, #tpu.memory_space<vmem>> -> memref<128xf32, #tpu.memory_space<vmem>>
        %dma_start3A_659 = arith.constant 0 : i32
        %dma_start3A_660 = tpu.memref_slice %arg13[%select_n3A_516, %dma_start3A_659] : memref<3x128xi32, #tpu.memory_space<vmem>> -> memref<1x128xi32, #tpu.memory_space<vmem>>
        %dma_start3A_661 = tpu.memref_squeeze %dma_start3A_660 : memref<1x128xi32, #tpu.memory_space<vmem>> -> memref<128xi32, #tpu.memory_space<vmem>>
        %dma_start3A_662 = arith.constant 0 : i32
        %dma_start3A_663 = tpu.memref_slice %arg8[%dma_start3A_662] : memref<80384xf32, #tpu.memory_space<vmem_shared>> -> memref<80384xf32, #tpu.memory_space<vmem_shared>>
        %dma_start3A_664 = tpu.memref_slice %arg19[%select_n3A_568] : memref<2x!tpu.dma_semaphore, #tpu.memory_space<semaphore_mem>> -> memref<1x!tpu.dma_semaphore, #tpu.memory_space<semaphore_mem>>
        %dma_start3A_665 = tpu.memref_squeeze %dma_start3A_664 : memref<1x!tpu.dma_semaphore, #tpu.memory_space<semaphore_mem>> -> memref<!tpu.dma_semaphore, #tpu.memory_space<semaphore_mem>>
        tpu.enqueue_indirect_dma source(%dma_start3A_663 : memref<80384xf32, #tpu.memory_space<vmem_shared>>) target(%dma_start3A_658 : memref<128xf32, #tpu.memory_space<vmem>>) offsets(%dma_start3A_661 : memref<128xi32, #tpu.memory_space<vmem>>) semaphore(%dma_start3A_665 : memref<!tpu.dma_semaphore, #tpu.memory_space<semaphore_mem>>)
        %dma_start3A_666 = arith.constant 0 : i32
        %dma_start3A_667 = arith.constant 0 : i32
        %dma_start3A_668 = tpu.memref_slice %arg17[%select_n3A_568, %dma_start3A_666, %dma_start3A_667] : memref<2x128x128xf32, #tpu.memory_space<vmem>> -> memref<1x128x128xf32, #tpu.memory_space<vmem>>
        %dma_start3A_669 = tpu.memref_squeeze %dma_start3A_668 : memref<1x128x128xf32, #tpu.memory_space<vmem>> -> memref<128x128xf32, #tpu.memory_space<vmem>>
        %dma_start3A_670 = arith.constant 0 : i32
        %dma_start3A_671 = tpu.memref_slice %arg12[%select_n3A_516, %dma_start3A_670] : memref<3x128xi32, #tpu.memory_space<vmem>> -> memref<1x128xi32, #tpu.memory_space<vmem>>
        %dma_start3A_672 = tpu.memref_squeeze %dma_start3A_671 : memref<1x128xi32, #tpu.memory_space<vmem>> -> memref<128xi32, #tpu.memory_space<vmem>>
        %dma_start3A_673 = arith.constant 0 : i32
        %dma_start3A_674 = arith.constant 0 : i32
        %dma_start3A_675 = tpu.memref_slice %arg2[%dma_start3A_673, %dma_start3A_674] : memref<90000x128xf32, #tpu.memory_space<hbm>> -> memref<90000x128xf32, #tpu.memory_space<hbm>>
        %dma_start3A_676 = tpu.memref_slice %arg20[%select_n3A_568] : memref<2x!tpu.dma_semaphore, #tpu.memory_space<semaphore_mem>> -> memref<1x!tpu.dma_semaphore, #tpu.memory_space<semaphore_mem>>
        %dma_start3A_677 = tpu.memref_squeeze %dma_start3A_676 : memref<1x!tpu.dma_semaphore, #tpu.memory_space<semaphore_mem>> -> memref<!tpu.dma_semaphore, #tpu.memory_space<semaphore_mem>>
        tpu.enqueue_indirect_dma source(%dma_start3A_675 : memref<90000x128xf32, #tpu.memory_space<hbm>>) target(%dma_start3A_669 : memref<128x128xf32, #tpu.memory_space<vmem>>) offsets(%dma_start3A_672 : memref<128xi32, #tpu.memory_space<vmem>>) semaphore(%dma_start3A_677 : memref<!tpu.dma_semaphore, #tpu.memory_space<semaphore_mem>>)
      } else {
      }
      %dma_wait3A_584 = arith.constant 0 : i32
      %dma_wait3A_585 = tpu.memref_slice %arg14[%select_n3A_550, %dma_wait3A_584] : memref<2x128xf32, #tpu.memory_space<vmem>> -> memref<1x128xf32, #tpu.memory_space<vmem>>
      %dma_wait3A_586 = tpu.memref_squeeze %dma_wait3A_585 : memref<1x128xf32, #tpu.memory_space<vmem>> -> memref<128xf32, #tpu.memory_space<vmem>>
      %dma_wait3A_587 = arith.constant 0 : i32
      %dma_wait3A_588 = tpu.memref_slice %arg13[%select_n3A_498, %dma_wait3A_587] : memref<3x128xi32, #tpu.memory_space<vmem>> -> memref<1x128xi32, #tpu.memory_space<vmem>>
      %dma_wait3A_589 = tpu.memref_squeeze %dma_wait3A_588 : memref<1x128xi32, #tpu.memory_space<vmem>> -> memref<128xi32, #tpu.memory_space<vmem>>
      %dma_wait3A_590 = arith.constant 0 : i32
      %dma_wait3A_591 = tpu.memref_slice %arg8[%dma_wait3A_590] : memref<80384xf32, #tpu.memory_space<vmem_shared>> -> memref<80384xf32, #tpu.memory_space<vmem_shared>>
      %dma_wait3A_592 = tpu.memref_slice %arg19[%select_n3A_550] : memref<2x!tpu.dma_semaphore, #tpu.memory_space<semaphore_mem>> -> memref<1x!tpu.dma_semaphore, #tpu.memory_space<semaphore_mem>>
      %dma_wait3A_593 = tpu.memref_squeeze %dma_wait3A_592 : memref<1x!tpu.dma_semaphore, #tpu.memory_space<semaphore_mem>> -> memref<!tpu.dma_semaphore, #tpu.memory_space<semaphore_mem>>
      tpu.wait_indirect_dma semaphore(%dma_wait3A_593 : memref<!tpu.dma_semaphore, #tpu.memory_space<semaphore_mem>>) src(%dma_wait3A_591 : memref<80384xf32, #tpu.memory_space<vmem_shared>>) dst(%dma_wait3A_586 : memref<128xf32, #tpu.memory_space<vmem>>)
      %dma_wait3A_594 = arith.constant 0 : i32
      %dma_wait3A_595 = arith.constant 0 : i32
      %dma_wait3A_596 = tpu.memref_slice %arg17[%select_n3A_550, %dma_wait3A_594, %dma_wait3A_595] : memref<2x128x128xf32, #tpu.memory_space<vmem>> -> memref<1x128x128xf32, #tpu.memory_space<vmem>>
      %dma_wait3A_597 = tpu.memref_squeeze %dma_wait3A_596 : memref<1x128x128xf32, #tpu.memory_space<vmem>> -> memref<128x128xf32, #tpu.memory_space<vmem>>
      %dma_wait3A_598 = arith.constant 0 : i32
      %dma_wait3A_599 = tpu.memref_slice %arg12[%select_n3A_498, %dma_wait3A_598] : memref<3x128xi32, #tpu.memory_space<vmem>> -> memref<1x128xi32, #tpu.memory_space<vmem>>
      %dma_wait3A_600 = tpu.memref_squeeze %dma_wait3A_599 : memref<1x128xi32, #tpu.memory_space<vmem>> -> memref<128xi32, #tpu.memory_space<vmem>>
      %dma_wait3A_601 = arith.constant 0 : i32
      %dma_wait3A_602 = arith.constant 0 : i32
      %dma_wait3A_603 = tpu.memref_slice %arg2[%dma_wait3A_601, %dma_wait3A_602] : memref<90000x128xf32, #tpu.memory_space<hbm>> -> memref<90000x128xf32, #tpu.memory_space<hbm>>
      %dma_wait3A_604 = tpu.memref_slice %arg20[%select_n3A_550] : memref<2x!tpu.dma_semaphore, #tpu.memory_space<semaphore_mem>> -> memref<1x!tpu.dma_semaphore, #tpu.memory_space<semaphore_mem>>
      %dma_wait3A_605 = tpu.memref_squeeze %dma_wait3A_604 : memref<1x!tpu.dma_semaphore, #tpu.memory_space<semaphore_mem>> -> memref<!tpu.dma_semaphore, #tpu.memory_space<semaphore_mem>>
      tpu.wait_indirect_dma semaphore(%dma_wait3A_605 : memref<!tpu.dma_semaphore, #tpu.memory_space<semaphore_mem>>) src(%dma_wait3A_603 : memref<90000x128xf32, #tpu.memory_space<hbm>>) dst(%dma_wait3A_597 : memref<128x128xf32, #tpu.memory_space<vmem>>)
      %parallel_loop3A_606 = arith.constant 0 : i32
      %parallel_loop3A_607 = arith.constant 128 : i32
      %parallel_loop3A_608 = arith.constant 1 : i32
      scf.for %parallel_loop3A_622 = %parallel_loop3A_606 to %parallel_loop3A_607 step %parallel_loop3A_608  : i32 {
        %parallel_loop3A_623 = arith.constant 16 : i32
        %parallel_loop3A_624 = arith.divsi %parallel_loop3A_622, %parallel_loop3A_623 : i32
        %parallel_loop3A_625 = arith.constant 0 : i32
        %parallel_loop3A_626 = arith.cmpi sgt, %parallel_loop3A_622, %parallel_loop3A_625 : i32
        %parallel_loop3A_627 = arith.extui %parallel_loop3A_626 : i1 to i32
        %parallel_loop3A_628 = arith.constant 0 : i32
        %parallel_loop3A_629 = arith.cmpi slt, %parallel_loop3A_622, %parallel_loop3A_628 : i32
        %parallel_loop3A_630 = arith.extui %parallel_loop3A_629 : i1 to i32
        %parallel_loop3A_631 = arith.subi %parallel_loop3A_627, %parallel_loop3A_630 : i32
        %parallel_loop3A_632 = arith.constant 0 : i32
        %parallel_loop3A_633 = arith.cmpi sgt, %parallel_loop3A_623, %parallel_loop3A_632 : i32
        %parallel_loop3A_634 = arith.extui %parallel_loop3A_633 : i1 to i32
        %parallel_loop3A_635 = arith.constant 0 : i32
        %parallel_loop3A_636 = arith.cmpi slt, %parallel_loop3A_623, %parallel_loop3A_635 : i32
        %parallel_loop3A_637 = arith.extui %parallel_loop3A_636 : i1 to i32
        %parallel_loop3A_638 = arith.subi %parallel_loop3A_634, %parallel_loop3A_637 : i32
        %parallel_loop3A_639 = arith.cmpi ne, %parallel_loop3A_631, %parallel_loop3A_638 : i32
        %parallel_loop3A_640 = arith.remsi %parallel_loop3A_622, %parallel_loop3A_623 : i32
        %parallel_loop3A_641 = arith.constant 0 : i32
        %parallel_loop3A_642 = arith.cmpi ne, %parallel_loop3A_640, %parallel_loop3A_641 : i32
        %parallel_loop3A_643 = arith.andi %parallel_loop3A_639, %parallel_loop3A_642 : i1
        %parallel_loop3A_644 = arith.constant 1 : i32
        %parallel_loop3A_645 = arith.subi %parallel_loop3A_624, %parallel_loop3A_644 : i32
        %parallel_loop3A_646 = arith.select %parallel_loop3A_643, %parallel_loop3A_645, %parallel_loop3A_624 : i32
        %parallel_loop3A_647 = arith.constant 16 : i32
        %parallel_loop3A_648 = arith.muli %parallel_loop3A_646, %parallel_loop3A_647 : i32
        %parallel_loop3A_649 = arith.index_cast %select_n3A_550 : i32 to index
        %parallel_loop3A_650 = arith.index_cast %parallel_loop3A_648 : i32 to index
        %parallel_loop3A_651 = tpu.vector_load %arg14[%parallel_loop3A_649, %parallel_loop3A_650] {strides = array<i32>} : memref<2x128xf32, #tpu.memory_space<vmem>>, vector<1x16xf32>,
        %parallel_loop3A_652 = vector.shape_cast %parallel_loop3A_651 : vector<1x16xf32> to vector<16xf32>
        %parallel_loop3A_653 = arith.constant 16 : i32
        %parallel_loop3A_654 = arith.constant 0 : i32
        %parallel_loop3A_655 = arith.cmpi eq, %parallel_loop3A_653, %parallel_loop3A_654 : i32
        %parallel_loop3A_656 = arith.constant 1 : i32
        %parallel_loop3A_657 = arith.select %parallel_loop3A_655, %parallel_loop3A_656, %parallel_loop3A_653 : i32
        %parallel_loop3A_658 = arith.remsi %parallel_loop3A_622, %parallel_loop3A_657 : i32
        %parallel_loop3A_659 = arith.constant 0 : i32
        %parallel_loop3A_660 = arith.cmpi ne, %parallel_loop3A_658, %parallel_loop3A_659 : i32
        %parallel_loop3A_661 = arith.constant 0 : i32
        %parallel_loop3A_662 = arith.cmpi slt, %parallel_loop3A_658, %parallel_loop3A_661 : i32
        %parallel_loop3A_663 = arith.constant 0 : i32
        %parallel_loop3A_664 = arith.cmpi slt, %parallel_loop3A_657, %parallel_loop3A_663 : i32
        %parallel_loop3A_665 = arith.xori %parallel_loop3A_662, %parallel_loop3A_664 : i1
        %parallel_loop3A_666 = arith.andi %parallel_loop3A_665, %parallel_loop3A_660 : i1
        %parallel_loop3A_667 = arith.addi %parallel_loop3A_658, %parallel_loop3A_657 : i32
        %parallel_loop3A_668 = arith.select %parallel_loop3A_666, %parallel_loop3A_667, %parallel_loop3A_658 : i32
        %parallel_loop3A_669 = vector.broadcast %parallel_loop3A_668 : i32 to vector<16x1xi32>
        %parallel_loop3A_670 = vector.shape_cast %parallel_loop3A_669 : vector<16x1xi32> to vector<16xi32>
        %parallel_loop3A_671 = tpu.dynamic_gather %parallel_loop3A_652[%parallel_loop3A_670] in [0] : vector<16xf32>, vector<16xi32> -> vector<16xf32>
        %parallel_loop3A_672 = arith.index_cast %select_n3A_550 : i32 to index
        %parallel_loop3A_673 = arith.index_cast %parallel_loop3A_622 : i32 to index
        %parallel_loop3A_674 = arith.constant 0 : index
        %parallel_loop3A_675 = tpu.vector_load %arg17[%parallel_loop3A_672, %parallel_loop3A_673, %parallel_loop3A_674] {strides = array<i32>} : memref<2x128x128xf32, #tpu.memory_space<vmem>>, vector<1x1x16xf32>,
        %parallel_loop3A_676 = vector.shape_cast %parallel_loop3A_675 : vector<1x1x16xf32> to vector<16xf32>
        %parallel_loop3A_677 = arith.mulf %parallel_loop3A_676, %parallel_loop3A_671 : vector<16xf32>
        %parallel_loop3A_678 = arith.index_cast %select_n3A_550 : i32 to index
        %parallel_loop3A_679 = arith.index_cast %parallel_loop3A_622 : i32 to index
        %parallel_loop3A_680 = arith.constant 16 : index
        %parallel_loop3A_681 = tpu.vector_load %arg17[%parallel_loop3A_678, %parallel_loop3A_679, %parallel_loop3A_680] {strides = array<i32>} : memref<2x128x128xf32, #tpu.memory_space<vmem>>, vector<1x1x16xf32>,
        %parallel_loop3A_682 = vector.shape_cast %parallel_loop3A_681 : vector<1x1x16xf32> to vector<16xf32>
        %parallel_loop3A_683 = arith.mulf %parallel_loop3A_682, %parallel_loop3A_671 : vector<16xf32>
        %parallel_loop3A_684 = arith.index_cast %select_n3A_550 : i32 to index
        %parallel_loop3A_685 = arith.index_cast %parallel_loop3A_622 : i32 to index
        %parallel_loop3A_686 = arith.constant 32 : index
        %parallel_loop3A_687 = tpu.vector_load %arg17[%parallel_loop3A_684, %parallel_loop3A_685, %parallel_loop3A_686] {strides = array<i32>} : memref<2x128x128xf32, #tpu.memory_space<vmem>>, vector<1x1x16xf32>,
        %parallel_loop3A_688 = vector.shape_cast %parallel_loop3A_687 : vector<1x1x16xf32> to vector<16xf32>
        %parallel_loop3A_689 = arith.mulf %parallel_loop3A_688, %parallel_loop3A_671 : vector<16xf32>
        %parallel_loop3A_690 = arith.index_cast %select_n3A_550 : i32 to index
        %parallel_loop3A_691 = arith.index_cast %parallel_loop3A_622 : i32 to index
        %parallel_loop3A_692 = arith.constant 48 : index
        %parallel_loop3A_693 = tpu.vector_load %arg17[%parallel_loop3A_690, %parallel_loop3A_691, %parallel_loop3A_692] {strides = array<i32>} : memref<2x128x128xf32, #tpu.memory_space<vmem>>, vector<1x1x16xf32>,
        %parallel_loop3A_694 = vector.shape_cast %parallel_loop3A_693 : vector<1x1x16xf32> to vector<16xf32>
        %parallel_loop3A_695 = arith.mulf %parallel_loop3A_694, %parallel_loop3A_671 : vector<16xf32>
        %parallel_loop3A_696 = arith.index_cast %select_n3A_550 : i32 to index
        %parallel_loop3A_697 = arith.index_cast %parallel_loop3A_622 : i32 to index
        %parallel_loop3A_698 = arith.constant 64 : index
        %parallel_loop3A_699 = tpu.vector_load %arg17[%parallel_loop3A_696, %parallel_loop3A_697, %parallel_loop3A_698] {strides = array<i32>} : memref<2x128x128xf32, #tpu.memory_space<vmem>>, vector<1x1x16xf32>,
        %parallel_loop3A_700 = vector.shape_cast %parallel_loop3A_699 : vector<1x1x16xf32> to vector<16xf32>
        %parallel_loop3A_701 = arith.mulf %parallel_loop3A_700, %parallel_loop3A_671 : vector<16xf32>
        %parallel_loop3A_702 = arith.index_cast %select_n3A_550 : i32 to index
        %parallel_loop3A_703 = arith.index_cast %parallel_loop3A_622 : i32 to index
        %parallel_loop3A_704 = arith.constant 80 : index
        %parallel_loop3A_705 = tpu.vector_load %arg17[%parallel_loop3A_702, %parallel_loop3A_703, %parallel_loop3A_704] {strides = array<i32>} : memref<2x128x128xf32, #tpu.memory_space<vmem>>, vector<1x1x16xf32>,
        %parallel_loop3A_706 = vector.shape_cast %parallel_loop3A_705 : vector<1x1x16xf32> to vector<16xf32>
        %parallel_loop3A_707 = arith.mulf %parallel_loop3A_706, %parallel_loop3A_671 : vector<16xf32>
        %parallel_loop3A_708 = arith.index_cast %select_n3A_550 : i32 to index
        %parallel_loop3A_709 = arith.index_cast %parallel_loop3A_622 : i32 to index
        %parallel_loop3A_710 = arith.constant 96 : index
        %parallel_loop3A_711 = tpu.vector_load %arg17[%parallel_loop3A_708, %parallel_loop3A_709, %parallel_loop3A_710] {strides = array<i32>} : memref<2x128x128xf32, #tpu.memory_space<vmem>>, vector<1x1x16xf32>,
        %parallel_loop3A_712 = vector.shape_cast %parallel_loop3A_711 : vector<1x1x16xf32> to vector<16xf32>
        %parallel_loop3A_713 = arith.mulf %parallel_loop3A_712, %parallel_loop3A_671 : vector<16xf32>
        %parallel_loop3A_714 = arith.index_cast %select_n3A_550 : i32 to index
        %parallel_loop3A_715 = arith.index_cast %parallel_loop3A_622 : i32 to index
        %parallel_loop3A_716 = arith.constant 112 : index
        %parallel_loop3A_717 = tpu.vector_load %arg17[%parallel_loop3A_714, %parallel_loop3A_715, %parallel_loop3A_716] {strides = array<i32>} : memref<2x128x128xf32, #tpu.memory_space<vmem>>, vector<1x1x16xf32>,
        %parallel_loop3A_718 = vector.shape_cast %parallel_loop3A_717 : vector<1x1x16xf32> to vector<16xf32>
        %parallel_loop3A_719 = arith.mulf %parallel_loop3A_718, %parallel_loop3A_671 : vector<16xf32>
        %parallel_loop3A_720 = arith.index_cast %select_n3A_550 : i32 to index
        %parallel_loop3A_721 = arith.index_cast %parallel_loop3A_622 : i32 to index
        %parallel_loop3A_722 = arith.constant 0 : index
        %parallel_loop3A_723 = tpu.vector_load %arg17[%parallel_loop3A_720, %parallel_loop3A_721, %parallel_loop3A_722] {strides = array<i32>} : memref<2x128x128xf32, #tpu.memory_space<vmem>>, vector<1x1x16xf32>,
        %parallel_loop3A_724 = vector.shape_cast %parallel_loop3A_723 : vector<1x1x16xf32> to vector<16xf32>
        %parallel_loop3A_725 = vector.shape_cast %parallel_loop3A_677 : vector<16xf32> to vector<1x1x16xf32>
        tpu.vector_store %arg17[%parallel_loop3A_720, %parallel_loop3A_721, %parallel_loop3A_722], %parallel_loop3A_725 {strides = array<i32>} : memref<2x128x128xf32, #tpu.memory_space<vmem>>, vector<1x1x16xf32>,
        %parallel_loop3A_726 = arith.index_cast %select_n3A_550 : i32 to index
        %parallel_loop3A_727 = arith.index_cast %parallel_loop3A_622 : i32 to index
        %parallel_loop3A_728 = arith.constant 16 : index
        %parallel_loop3A_729 = tpu.vector_load %arg17[%parallel_loop3A_726, %parallel_loop3A_727, %parallel_loop3A_728] {strides = array<i32>} : memref<2x128x128xf32, #tpu.memory_space<vmem>>, vector<1x1x16xf32>,
        %parallel_loop3A_730 = vector.shape_cast %parallel_loop3A_729 : vector<1x1x16xf32> to vector<16xf32>
        %parallel_loop3A_731 = vector.shape_cast %parallel_loop3A_683 : vector<16xf32> to vector<1x1x16xf32>
        tpu.vector_store %arg17[%parallel_loop3A_726, %parallel_loop3A_727, %parallel_loop3A_728], %parallel_loop3A_731 {strides = array<i32>} : memref<2x128x128xf32, #tpu.memory_space<vmem>>, vector<1x1x16xf32>,
        %parallel_loop3A_732 = arith.index_cast %select_n3A_550 : i32 to index
        %parallel_loop3A_733 = arith.index_cast %parallel_loop3A_622 : i32 to index
        %parallel_loop3A_734 = arith.constant 32 : index
        %parallel_loop3A_735 = tpu.vector_load %arg17[%parallel_loop3A_732, %parallel_loop3A_733, %parallel_loop3A_734] {strides = array<i32>} : memref<2x128x128xf32, #tpu.memory_space<vmem>>, vector<1x1x16xf32>,
        %parallel_loop3A_736 = vector.shape_cast %parallel_loop3A_735 : vector<1x1x16xf32> to vector<16xf32>
        %parallel_loop3A_737 = vector.shape_cast %parallel_loop3A_689 : vector<16xf32> to vector<1x1x16xf32>
        tpu.vector_store %arg17[%parallel_loop3A_732, %parallel_loop3A_733, %parallel_loop3A_734], %parallel_loop3A_737 {strides = array<i32>} : memref<2x128x128xf32, #tpu.memory_space<vmem>>, vector<1x1x16xf32>,
        %parallel_loop3A_738 = arith.index_cast %select_n3A_550 : i32 to index
        %parallel_loop3A_739 = arith.index_cast %parallel_loop3A_622 : i32 to index
        %parallel_loop3A_740 = arith.constant 48 : index
        %parallel_loop3A_741 = tpu.vector_load %arg17[%parallel_loop3A_738, %parallel_loop3A_739, %parallel_loop3A_740] {strides = array<i32>} : memref<2x128x128xf32, #tpu.memory_space<vmem>>, vector<1x1x16xf32>,
        %parallel_loop3A_742 = vector.shape_cast %parallel_loop3A_741 : vector<1x1x16xf32> to vector<16xf32>
        %parallel_loop3A_743 = vector.shape_cast %parallel_loop3A_695 : vector<16xf32> to vector<1x1x16xf32>
        tpu.vector_store %arg17[%parallel_loop3A_738, %parallel_loop3A_739, %parallel_loop3A_740], %parallel_loop3A_743 {strides = array<i32>} : memref<2x128x128xf32, #tpu.memory_space<vmem>>, vector<1x1x16xf32>,
        %parallel_loop3A_744 = arith.index_cast %select_n3A_550 : i32 to index
        %parallel_loop3A_745 = arith.index_cast %parallel_loop3A_622 : i32 to index
        %parallel_loop3A_746 = arith.constant 64 : index
        %parallel_loop3A_747 = tpu.vector_load %arg17[%parallel_loop3A_744, %parallel_loop3A_745, %parallel_loop3A_746] {strides = array<i32>} : memref<2x128x128xf32, #tpu.memory_space<vmem>>, vector<1x1x16xf32>,
        %parallel_loop3A_748 = vector.shape_cast %parallel_loop3A_747 : vector<1x1x16xf32> to vector<16xf32>
        %parallel_loop3A_749 = vector.shape_cast %parallel_loop3A_701 : vector<16xf32> to vector<1x1x16xf32>
        tpu.vector_store %arg17[%parallel_loop3A_744, %parallel_loop3A_745, %parallel_loop3A_746], %parallel_loop3A_749 {strides = array<i32>} : memref<2x128x128xf32, #tpu.memory_space<vmem>>, vector<1x1x16xf32>,
        %parallel_loop3A_750 = arith.index_cast %select_n3A_550 : i32 to index
        %parallel_loop3A_751 = arith.index_cast %parallel_loop3A_622 : i32 to index
        %parallel_loop3A_752 = arith.constant 80 : index
        %parallel_loop3A_753 = tpu.vector_load %arg17[%parallel_loop3A_750, %parallel_loop3A_751, %parallel_loop3A_752] {strides = array<i32>} : memref<2x128x128xf32, #tpu.memory_space<vmem>>, vector<1x1x16xf32>,
        %parallel_loop3A_754 = vector.shape_cast %parallel_loop3A_753 : vector<1x1x16xf32> to vector<16xf32>
        %parallel_loop3A_755 = vector.shape_cast %parallel_loop3A_707 : vector<16xf32> to vector<1x1x16xf32>
        tpu.vector_store %arg17[%parallel_loop3A_750, %parallel_loop3A_751, %parallel_loop3A_752], %parallel_loop3A_755 {strides = array<i32>} : memref<2x128x128xf32, #tpu.memory_space<vmem>>, vector<1x1x16xf32>,
        %parallel_loop3A_756 = arith.index_cast %select_n3A_550 : i32 to index
        %parallel_loop3A_757 = arith.index_cast %parallel_loop3A_622 : i32 to index
        %parallel_loop3A_758 = arith.constant 96 : index
        %parallel_loop3A_759 = tpu.vector_load %arg17[%parallel_loop3A_756, %parallel_loop3A_757, %parallel_loop3A_758] {strides = array<i32>} : memref<2x128x128xf32, #tpu.memory_space<vmem>>, vector<1x1x16xf32>,
        %parallel_loop3A_760 = vector.shape_cast %parallel_loop3A_759 : vector<1x1x16xf32> to vector<16xf32>
        %parallel_loop3A_761 = vector.shape_cast %parallel_loop3A_713 : vector<16xf32> to vector<1x1x16xf32>
        tpu.vector_store %arg17[%parallel_loop3A_756, %parallel_loop3A_757, %parallel_loop3A_758], %parallel_loop3A_761 {strides = array<i32>} : memref<2x128x128xf32, #tpu.memory_space<vmem>>, vector<1x1x16xf32>,
        %parallel_loop3A_762 = arith.index_cast %select_n3A_550 : i32 to index
        %parallel_loop3A_763 = arith.index_cast %parallel_loop3A_622 : i32 to index
        %parallel_loop3A_764 = arith.constant 112 : index
        %parallel_loop3A_765 = tpu.vector_load %arg17[%parallel_loop3A_762, %parallel_loop3A_763, %parallel_loop3A_764] {strides = array<i32>} : memref<2x128x128xf32, #tpu.memory_space<vmem>>, vector<1x1x16xf32>,
        %parallel_loop3A_766 = vector.shape_cast %parallel_loop3A_765 : vector<1x1x16xf32> to vector<16xf32>
        %parallel_loop3A_767 = vector.shape_cast %parallel_loop3A_719 : vector<16xf32> to vector<1x1x16xf32>
        tpu.vector_store %arg17[%parallel_loop3A_762, %parallel_loop3A_763, %parallel_loop3A_764], %parallel_loop3A_767 {strides = array<i32>} : memref<2x128x128xf32, #tpu.memory_space<vmem>>, vector<1x1x16xf32>,
      } {sc.loop_unroll_factor = 8 : i64, sc.parallel_access}
      %dma_start3A_609 = arith.constant 0 : i32
      %dma_start3A_610 = arith.constant 0 : i32
      %dma_start3A_611 = tpu.memref_slice %arg17[%select_n3A_550, %dma_start3A_609, %dma_start3A_610] : memref<2x128x128xf32, #tpu.memory_space<vmem>> -> memref<1x128x128xf32, #tpu.memory_space<vmem>>
      %dma_start3A_612 = tpu.memref_squeeze %dma_start3A_611 : memref<1x128x128xf32, #tpu.memory_space<vmem>> -> memref<128x128xf32, #tpu.memory_space<vmem>>
      %dma_start3A_613 = arith.constant 0 : i32
      %dma_start3A_614 = tpu.memref_slice %arg11[%select_n3A_498, %dma_start3A_613] : memref<3x128xi32, #tpu.memory_space<vmem>> -> memref<1x128xi32, #tpu.memory_space<vmem>>
      %dma_start3A_615 = tpu.memref_squeeze %dma_start3A_614 : memref<1x128xi32, #tpu.memory_space<vmem>> -> memref<128xi32, #tpu.memory_space<vmem>>
      %dma_start3A_616 = arith.constant 0 : i32
      %dma_start3A_617 = arith.constant 0 : i32
      %dma_start3A_618 = tpu.memref_slice %arg7[%dma_start3A_616, %dma_start3A_617] : memref<10240x128xf32, #tpu.memory_space<vmem_shared>> -> memref<10240x128xf32, #tpu.memory_space<vmem_shared>>
      %dma_start3A_619 = tpu.memref_slice %arg21[%select_n3A_550] : memref<2x!tpu.dma_semaphore, #tpu.memory_space<semaphore_mem>> -> memref<1x!tpu.dma_semaphore, #tpu.memory_space<semaphore_mem>>
      %dma_start3A_620 = tpu.memref_squeeze %dma_start3A_619 : memref<1x!tpu.dma_semaphore, #tpu.memory_space<semaphore_mem>> -> memref<!tpu.dma_semaphore, #tpu.memory_space<semaphore_mem>>
      tpu.enqueue_indirect_dma source(%dma_start3A_612 : memref<128x128xf32, #tpu.memory_space<vmem>>) target(%dma_start3A_618 : memref<10240x128xf32, #tpu.memory_space<vmem_shared>>) offsets(%dma_start3A_615 : memref<128xi32, #tpu.memory_space<vmem>>) semaphore(%dma_start3A_620 : memref<!tpu.dma_semaphore, #tpu.memory_space<semaphore_mem>>) {add = true}
      %while3A_621 = arith.constant 0 : i32
      scf.yield %while3A_621 : i32
    }
    %while3A_414 = arith.constant 1 : i32
    %while3A_415 = scf.for %while3A_481 = %while3A_411 to %while3A_407 step %while3A_414 iter_args(%while3A_482 = %while3A_413) -> (i32)  : i32 {
      %jit3A_483 = arith.constant 3 : i32
      %eq3A_484 = arith.constant 0 : i32
      %eq3A_485 = arith.cmpi eq, %jit3A_483, %eq3A_484 : i32
      %jit3A_486 = arith.constant 1 : i32
      %select_n3A_487 = arith.select %eq3A_485, %jit3A_486, %jit3A_483 : i32
      %rem3A_488 = arith.remsi %while3A_481, %select_n3A_487 : i32
      %ne3A_489 = arith.constant 0 : i32
      %ne3A_490 = arith.cmpi ne, %rem3A_488, %ne3A_489 : i32
      %lt3A_491 = arith.constant 0 : i32
      %lt3A_492 = arith.cmpi slt, %rem3A_488, %lt3A_491 : i32
      %lt3A_493 = arith.constant 0 : i32
      %lt3A_494 = arith.cmpi slt, %select_n3A_487, %lt3A_493 : i32
      %ne3A_495 = arith.xori %lt3A_492, %lt3A_494 : i1
      %and3A_496 = arith.andi %ne3A_495, %ne3A_490 : i1
      %add3A_497 = arith.addi %rem3A_488, %select_n3A_487 : i32
      %select_n3A_498 = arith.select %and3A_496, %add3A_497, %rem3A_488 : i32
      %add3A_499 = arith.constant 1 : i32
      %add3A_500 = arith.addi %while3A_481, %add3A_499 : i32
      %jit3A_501 = arith.constant 3 : i32
      %eq3A_502 = arith.constant 0 : i32
      %eq3A_503 = arith.cmpi eq, %jit3A_501, %eq3A_502 : i32
      %jit3A_504 = arith.constant 1 : i32
      %select_n3A_505 = arith.select %eq3A_503, %jit3A_504, %jit3A_501 : i32
      %rem3A_506 = arith.remsi %add3A_500, %select_n3A_505 : i32
      %ne3A_507 = arith.constant 0 : i32
      %ne3A_508 = arith.cmpi ne, %rem3A_506, %ne3A_507 : i32
      %lt3A_509 = arith.constant 0 : i32
      %lt3A_510 = arith.cmpi slt, %rem3A_506, %lt3A_509 : i32
      %lt3A_511 = arith.constant 0 : i32
      %lt3A_512 = arith.cmpi slt, %select_n3A_505, %lt3A_511 : i32
      %ne3A_513 = arith.xori %lt3A_510, %lt3A_512 : i1
      %and3A_514 = arith.andi %ne3A_513, %ne3A_508 : i1
      %add3A_515 = arith.addi %rem3A_506, %select_n3A_505 : i32
      %select_n3A_516 = arith.select %and3A_514, %add3A_515, %rem3A_506 : i32
      %add3A_517 = arith.constant 2 : i32
      %add3A_518 = arith.addi %while3A_481, %add3A_517 : i32
      %jit3A_519 = arith.constant 3 : i32
      %eq3A_520 = arith.constant 0 : i32
      %eq3A_521 = arith.cmpi eq, %jit3A_519, %eq3A_520 : i32
      %jit3A_522 = arith.constant 1 : i32
      %select_n3A_523 = arith.select %eq3A_521, %jit3A_522, %jit3A_519 : i32
      %rem3A_524 = arith.remsi %add3A_518, %select_n3A_523 : i32
      %ne3A_525 = arith.constant 0 : i32
      %ne3A_526 = arith.cmpi ne, %rem3A_524, %ne3A_525 : i32
      %lt3A_527 = arith.constant 0 : i32
      %lt3A_528 = arith.cmpi slt, %rem3A_524, %lt3A_527 : i32
      %lt3A_529 = arith.constant 0 : i32
      %lt3A_530 = arith.cmpi slt, %select_n3A_523, %lt3A_529 : i32
      %ne3A_531 = arith.xori %lt3A_528, %lt3A_530 : i1
      %and3A_532 = arith.andi %ne3A_531, %ne3A_526 : i1
      %add3A_533 = arith.addi %rem3A_524, %select_n3A_523 : i32
      %select_n3A_534 = arith.select %and3A_532, %add3A_533, %rem3A_524 : i32
      %jit3A_535 = arith.constant 2 : i32
      %eq3A_536 = arith.constant 0 : i32
      %eq3A_537 = arith.cmpi eq, %jit3A_535, %eq3A_536 : i32
      %jit3A_538 = arith.constant 1 : i32
      %select_n3A_539 = arith.select %eq3A_537, %jit3A_538, %jit3A_535 : i32
      %rem3A_540 = arith.remsi %while3A_481, %select_n3A_539 : i32
      %ne3A_541 = arith.constant 0 : i32
      %ne3A_542 = arith.cmpi ne, %rem3A_540, %ne3A_541 : i32
      %lt3A_543 = arith.constant 0 : i32
      %lt3A_544 = arith.cmpi slt, %rem3A_540, %lt3A_543 : i32
      %lt3A_545 = arith.constant 0 : i32
      %lt3A_546 = arith.cmpi slt, %select_n3A_539, %lt3A_545 : i32
      %ne3A_547 = arith.xori %lt3A_544, %lt3A_546 : i1
      %and3A_548 = arith.andi %ne3A_547, %ne3A_542 : i1
      %add3A_549 = arith.addi %rem3A_540, %select_n3A_539 : i32
      %select_n3A_550 = arith.select %and3A_548, %add3A_549, %rem3A_540 : i32
      %add3A_551 = arith.constant 1 : i32
      %add3A_552 = arith.addi %while3A_481, %add3A_551 : i32
      %jit3A_553 = arith.constant 2 : i32
      %eq3A_554 = arith.constant 0 : i32
      %eq3A_555 = arith.cmpi eq, %jit3A_553, %eq3A_554 : i32
      %jit3A_556 = arith.constant 1 : i32
      %select_n3A_557 = arith.select %eq3A_555, %jit3A_556, %jit3A_553 : i32
      %rem3A_558 = arith.remsi %add3A_552, %select_n3A_557 : i32
      %ne3A_559 = arith.constant 0 : i32
      %ne3A_560 = arith.cmpi ne, %rem3A_558, %ne3A_559 : i32
      %lt3A_561 = arith.constant 0 : i32
      %lt3A_562 = arith.cmpi slt, %rem3A_558, %lt3A_561 : i32
      %lt3A_563 = arith.constant 0 : i32
      %lt3A_564 = arith.cmpi slt, %select_n3A_557, %lt3A_563 : i32
      %ne3A_565 = arith.xori %lt3A_562, %lt3A_564 : i1
      %and3A_566 = arith.andi %ne3A_565, %ne3A_560 : i1
      %add3A_567 = arith.addi %rem3A_558, %select_n3A_557 : i32
      %select_n3A_568 = arith.select %and3A_566, %add3A_567, %rem3A_558 : i32
      %ge3A = arith.constant 1 : i32
      %ge3A_569 = arith.cmpi sge, %while3A_481, %ge3A : i32
      %convert_element_type3A_570 = arith.extui %ge3A_569 : i1 to i32
      %cond3A = arith.constant 0 : i32
      %cond3A_571 = arith.cmpi ne, %convert_element_type3A_570, %cond3A : i32
      scf.if %cond3A_571 {
        %dma_wait3A_622 = arith.constant 0 : i32
        %dma_wait3A_623 = arith.constant 0 : i32
        %dma_wait3A_624 = tpu.memref_slice %arg17[%select_n3A_568, %dma_wait3A_622, %dma_wait3A_623] : memref<2x128x128xf32, #tpu.memory_space<vmem>> -> memref<1x128x128xf32, #tpu.memory_space<vmem>>
        %dma_wait3A_625 = tpu.memref_squeeze %dma_wait3A_624 : memref<1x128x128xf32, #tpu.memory_space<vmem>> -> memref<128x128xf32, #tpu.memory_space<vmem>>
        %dma_wait3A_626 = arith.constant 0 : i32
        %dma_wait3A_627 = tpu.memref_slice %arg11[%select_n3A_534, %dma_wait3A_626] : memref<3x128xi32, #tpu.memory_space<vmem>> -> memref<1x128xi32, #tpu.memory_space<vmem>>
        %dma_wait3A_628 = tpu.memref_squeeze %dma_wait3A_627 : memref<1x128xi32, #tpu.memory_space<vmem>> -> memref<128xi32, #tpu.memory_space<vmem>>
        %dma_wait3A_629 = arith.constant 0 : i32
        %dma_wait3A_630 = arith.constant 0 : i32
        %dma_wait3A_631 = tpu.memref_slice %arg7[%dma_wait3A_629, %dma_wait3A_630] : memref<10240x128xf32, #tpu.memory_space<vmem_shared>> -> memref<10240x128xf32, #tpu.memory_space<vmem_shared>>
        %dma_wait3A_632 = tpu.memref_slice %arg21[%select_n3A_568] : memref<2x!tpu.dma_semaphore, #tpu.memory_space<semaphore_mem>> -> memref<1x!tpu.dma_semaphore, #tpu.memory_space<semaphore_mem>>
        %dma_wait3A_633 = tpu.memref_squeeze %dma_wait3A_632 : memref<1x!tpu.dma_semaphore, #tpu.memory_space<semaphore_mem>> -> memref<!tpu.dma_semaphore, #tpu.memory_space<semaphore_mem>>
        tpu.wait_indirect_dma semaphore(%dma_wait3A_633 : memref<!tpu.dma_semaphore, #tpu.memory_space<semaphore_mem>>) src(%dma_wait3A_625 : memref<128x128xf32, #tpu.memory_space<vmem>>) dst(%dma_wait3A_631 : memref<10240x128xf32, #tpu.memory_space<vmem_shared>>)
      } else {
      }
      %add3A_572 = arith.constant 2 : i32
      %add3A_573 = arith.addi %while3A_481, %add3A_572 : i32
      %lt3A_574 = arith.cmpi slt, %add3A_573, %add3A_278 : i32
      %convert_element_type3A_575 = arith.extui %lt3A_574 : i1 to i32
      %cond3A_576 = arith.constant 0 : i32
      %cond3A_577 = arith.cmpi ne, %convert_element_type3A_575, %cond3A_576 : i32
      scf.if %cond3A_577 {
        %add3A_622 = arith.constant 2 : i32
        %add3A_623 = arith.addi %while3A_481, %add3A_622 : i32
        %mul3A_624 = arith.constant 32 : i32
        %mul3A_625 = arith.muli %add3A_623, %mul3A_624 : i32
        %add3A_626 = arith.addi %mul3A_625, %add3A : i32
        %mul3A_627 = arith.constant 128 : i32
        %mul3A_628 = arith.muli %add3A_626, %mul3A_627 : i32
        %dma_start3A_629 = arith.constant 0 : i32
        %dma_start3A_630 = arith.constant 0 : i32
        %dma_start3A_631 = tpu.memref_slice %arg9[%select_n3A_534, %dma_start3A_629, %dma_start3A_630] : memref<3x2x128xi32, #tpu.memory_space<vmem>> -> memref<1x2x128xi32, #tpu.memory_space<vmem>>
        %dma_start3A_632 = tpu.memref_squeeze %dma_start3A_631 : memref<1x2x128xi32, #tpu.memory_space<vmem>> -> memref<2x128xi32, #tpu.memory_space<vmem>>
        %dma_start3A_633 = arith.constant 0 : i32
        %dma_start3A_634 = tpu.memref_slice %arg3[%dma_start3A_633, %mul3A_628] : memref<2x320000xi32, #tpu.memory_space<hbm>> -> memref<2x128xi32, #tpu.memory_space<hbm>>
        %dma_start3A_635 = tpu.memref_slice %arg18[%select_n3A_534] : memref<3x!tpu.dma_semaphore, #tpu.memory_space<semaphore_mem>> -> memref<1x!tpu.dma_semaphore, #tpu.memory_space<semaphore_mem>>
        %dma_start3A_636 = tpu.memref_squeeze %dma_start3A_635 : memref<1x!tpu.dma_semaphore, #tpu.memory_space<semaphore_mem>> -> memref<!tpu.dma_semaphore, #tpu.memory_space<semaphore_mem>>
        %dma_start3A_637 = arith.constant 0 : i32
        %dma_start3A_638 = arith.constant 0 : i32
        %dma_start3A_639 = tpu.memref_slice %arg9[%select_n3A_534, %dma_start3A_637, %dma_start3A_638] : memref<3x2x128xi32, #tpu.memory_space<vmem>> -> memref<1x2x128xi32, #tpu.memory_space<vmem>>
        %dma_start3A_640 = tpu.memref_squeeze %dma_start3A_639 : memref<1x2x128xi32, #tpu.memory_space<vmem>> -> memref<2x128xi32, #tpu.memory_space<vmem>>
        %dma_start3A_641 = arith.constant 0 : i32
        %dma_start3A_642 = tpu.memref_slice %arg3[%dma_start3A_641, %mul3A_628] : memref<2x320000xi32, #tpu.memory_space<hbm>> -> memref<2x128xi32, #tpu.memory_space<hbm>>
        tpu.enqueue_dma source(%dma_start3A_642 : memref<2x128xi32, #tpu.memory_space<hbm>>) target(%dma_start3A_640 : memref<2x128xi32, #tpu.memory_space<vmem>>) target_semaphore(%dma_start3A_636 : memref<!tpu.dma_semaphore, #tpu.memory_space<semaphore_mem>>)
        %dma_start3A_643 = arith.constant 0 : i32
        %dma_start3A_644 = tpu.memref_slice %arg10[%select_n3A_534, %dma_start3A_643] : memref<3x128xi32, #tpu.memory_space<vmem>> -> memref<1x128xi32, #tpu.memory_space<vmem>>
        %dma_start3A_645 = tpu.memref_squeeze %dma_start3A_644 : memref<1x128xi32, #tpu.memory_space<vmem>> -> memref<128xi32, #tpu.memory_space<vmem>>
        %dma_start3A_646 = tpu.memref_slice %arg4[%mul3A_628] : memref<320000xi32, #tpu.memory_space<hbm>> -> memref<128xi32, #tpu.memory_space<hbm>>
        %dma_start3A_647 = tpu.memref_slice %arg18[%select_n3A_534] : memref<3x!tpu.dma_semaphore, #tpu.memory_space<semaphore_mem>> -> memref<1x!tpu.dma_semaphore, #tpu.memory_space<semaphore_mem>>
        %dma_start3A_648 = tpu.memref_squeeze %dma_start3A_647 : memref<1x!tpu.dma_semaphore, #tpu.memory_space<semaphore_mem>> -> memref<!tpu.dma_semaphore, #tpu.memory_space<semaphore_mem>>
        %dma_start3A_649 = arith.constant 0 : i32
        %dma_start3A_650 = tpu.memref_slice %arg10[%select_n3A_534, %dma_start3A_649] : memref<3x128xi32, #tpu.memory_space<vmem>> -> memref<1x128xi32, #tpu.memory_space<vmem>>
        %dma_start3A_651 = tpu.memref_squeeze %dma_start3A_650 : memref<1x128xi32, #tpu.memory_space<vmem>> -> memref<128xi32, #tpu.memory_space<vmem>>
        %dma_start3A_652 = tpu.memref_slice %arg4[%mul3A_628] : memref<320000xi32, #tpu.memory_space<hbm>> -> memref<128xi32, #tpu.memory_space<hbm>>
        tpu.enqueue_dma source(%dma_start3A_652 : memref<128xi32, #tpu.memory_space<hbm>>) target(%dma_start3A_651 : memref<128xi32, #tpu.memory_space<vmem>>) target_semaphore(%dma_start3A_648 : memref<!tpu.dma_semaphore, #tpu.memory_space<semaphore_mem>>)
      } else {
      }
      %add3A_578 = arith.constant 1 : i32
      %add3A_579 = arith.addi %while3A_481, %add3A_578 : i32
      %lt3A_580 = arith.cmpi slt, %add3A_579, %add3A_278 : i32
      %convert_element_type3A_581 = arith.extui %lt3A_580 : i1 to i32
      %cond3A_582 = arith.constant 0 : i32
      %cond3A_583 = arith.cmpi ne, %convert_element_type3A_581, %cond3A_582 : i32
      scf.if %cond3A_583 {
        %add3A_622 = arith.constant 1 : i32
        %add3A_623 = arith.addi %while3A_481, %add3A_622 : i32
        %mul3A_624 = arith.constant 32 : i32
        %mul3A_625 = arith.muli %add3A_623, %mul3A_624 : i32
        %add3A_626 = arith.addi %mul3A_625, %add3A : i32
        %mul3A_627 = arith.constant 128 : i32
        %mul3A_628 = arith.muli %add3A_626, %mul3A_627 : i32
        %dma_wait3A_629 = arith.constant 0 : i32
        %dma_wait3A_630 = arith.constant 0 : i32
        %dma_wait3A_631 = tpu.memref_slice %arg9[%select_n3A_516, %dma_wait3A_629, %dma_wait3A_630] : memref<3x2x128xi32, #tpu.memory_space<vmem>> -> memref<1x2x128xi32, #tpu.memory_space<vmem>>
        %dma_wait3A_632 = tpu.memref_squeeze %dma_wait3A_631 : memref<1x2x128xi32, #tpu.memory_space<vmem>> -> memref<2x128xi32, #tpu.memory_space<vmem>>
        %dma_wait3A_633 = arith.constant 0 : i32
        %dma_wait3A_634 = tpu.memref_slice %arg3[%dma_wait3A_633, %mul3A_628] : memref<2x320000xi32, #tpu.memory_space<hbm>> -> memref<2x128xi32, #tpu.memory_space<hbm>>
        %dma_wait3A_635 = tpu.memref_slice %arg18[%select_n3A_516] : memref<3x!tpu.dma_semaphore, #tpu.memory_space<semaphore_mem>> -> memref<1x!tpu.dma_semaphore, #tpu.memory_space<semaphore_mem>>
        %dma_wait3A_636 = tpu.memref_squeeze %dma_wait3A_635 : memref<1x!tpu.dma_semaphore, #tpu.memory_space<semaphore_mem>> -> memref<!tpu.dma_semaphore, #tpu.memory_space<semaphore_mem>>
        %dma_wait3A_637 = arith.constant 0 : i32
        %dma_wait3A_638 = arith.constant 0 : i32
        %dma_wait3A_639 = tpu.memref_slice %arg9[%select_n3A_516, %dma_wait3A_637, %dma_wait3A_638] : memref<3x2x128xi32, #tpu.memory_space<vmem>> -> memref<1x2x128xi32, #tpu.memory_space<vmem>>
        %dma_wait3A_640 = tpu.memref_squeeze %dma_wait3A_639 : memref<1x2x128xi32, #tpu.memory_space<vmem>> -> memref<2x128xi32, #tpu.memory_space<vmem>>
        %dma_wait3A_641 = arith.constant 0 : i32
        %dma_wait3A_642 = tpu.memref_slice %arg3[%dma_wait3A_641, %mul3A_628] : memref<2x320000xi32, #tpu.memory_space<hbm>> -> memref<2x128xi32, #tpu.memory_space<hbm>>
        tpu.wait_dma2 semaphore(%dma_wait3A_636 : memref<!tpu.dma_semaphore, #tpu.memory_space<semaphore_mem>>) src(%dma_wait3A_642 : memref<2x128xi32, #tpu.memory_space<hbm>>) dst(%dma_wait3A_640 : memref<2x128xi32, #tpu.memory_space<vmem>>)
        %dma_wait3A_643 = arith.constant 0 : i32
        %dma_wait3A_644 = tpu.memref_slice %arg10[%select_n3A_516, %dma_wait3A_643] : memref<3x128xi32, #tpu.memory_space<vmem>> -> memref<1x128xi32, #tpu.memory_space<vmem>>
        %dma_wait3A_645 = tpu.memref_squeeze %dma_wait3A_644 : memref<1x128xi32, #tpu.memory_space<vmem>> -> memref<128xi32, #tpu.memory_space<vmem>>
        %dma_wait3A_646 = tpu.memref_slice %arg4[%mul3A_628] : memref<320000xi32, #tpu.memory_space<hbm>> -> memref<128xi32, #tpu.memory_space<hbm>>
        %dma_wait3A_647 = tpu.memref_slice %arg18[%select_n3A_516] : memref<3x!tpu.dma_semaphore, #tpu.memory_space<semaphore_mem>> -> memref<1x!tpu.dma_semaphore, #tpu.memory_space<semaphore_mem>>
        %dma_wait3A_648 = tpu.memref_squeeze %dma_wait3A_647 : memref<1x!tpu.dma_semaphore, #tpu.memory_space<semaphore_mem>> -> memref<!tpu.dma_semaphore, #tpu.memory_space<semaphore_mem>>
        %dma_wait3A_649 = arith.constant 0 : i32
        %dma_wait3A_650 = tpu.memref_slice %arg10[%select_n3A_516, %dma_wait3A_649] : memref<3x128xi32, #tpu.memory_space<vmem>> -> memref<1x128xi32, #tpu.memory_space<vmem>>
        %dma_wait3A_651 = tpu.memref_squeeze %dma_wait3A_650 : memref<1x128xi32, #tpu.memory_space<vmem>> -> memref<128xi32, #tpu.memory_space<vmem>>
        %dma_wait3A_652 = tpu.memref_slice %arg4[%mul3A_628] : memref<320000xi32, #tpu.memory_space<hbm>> -> memref<128xi32, #tpu.memory_space<hbm>>
        tpu.wait_dma2 semaphore(%dma_wait3A_648 : memref<!tpu.dma_semaphore, #tpu.memory_space<semaphore_mem>>) src(%dma_wait3A_652 : memref<128xi32, #tpu.memory_space<hbm>>) dst(%dma_wait3A_651 : memref<128xi32, #tpu.memory_space<vmem>>)
        %parallel_loop3A_653 = arith.constant 0 : i32
        %parallel_loop3A_654 = arith.constant 8 : i32
        %parallel_loop3A_655 = arith.constant 1 : i32
        scf.for %parallel_loop3A_678 = %parallel_loop3A_653 to %parallel_loop3A_654 step %parallel_loop3A_655  : i32 {
          %parallel_loop3A_679 = arith.constant 16 : i32
          %parallel_loop3A_680 = arith.muli %parallel_loop3A_678, %parallel_loop3A_679 : i32
          %parallel_loop3A_681 = arith.index_cast %select_n3A_516 : i32 to index
          %parallel_loop3A_682 = arith.index_cast %parallel_loop3A_680 : i32 to index
          %parallel_loop3A_683 = tpu.vector_load %arg10[%parallel_loop3A_681, %parallel_loop3A_682] {strides = array<i32>} : memref<3x128xi32, #tpu.memory_space<vmem>>, vector<1x16xi32>,
          %parallel_loop3A_684 = vector.shape_cast %parallel_loop3A_683 : vector<1x16xi32> to vector<16xi32>
          %parallel_loop3A_685 = arith.constant 10000 : i32
          %parallel_loop3A_686 = vector.broadcast %parallel_loop3A_685 : i32 to vector<16xi32>
          %parallel_loop3A_687 = arith.muli %parallel_loop3A_684, %parallel_loop3A_686 : vector<16xi32>
          %parallel_loop3A_688 = arith.constant 0 : i32
          %parallel_loop3A_689 = arith.index_cast %select_n3A_516 : i32 to index
          %parallel_loop3A_690 = arith.index_cast %parallel_loop3A_688 : i32 to index
          %parallel_loop3A_691 = arith.index_cast %parallel_loop3A_680 : i32 to index
          %parallel_loop3A_692 = tpu.vector_load %arg9[%parallel_loop3A_689, %parallel_loop3A_690, %parallel_loop3A_691] {strides = array<i32>} : memref<3x2x128xi32, #tpu.memory_space<vmem>>, vector<1x1x16xi32>,
          %parallel_loop3A_693 = vector.shape_cast %parallel_loop3A_692 : vector<1x1x16xi32> to vector<16xi32>
          %parallel_loop3A_694 = arith.addi %parallel_loop3A_687, %parallel_loop3A_693 : vector<16xi32>
          %parallel_loop3A_695 = arith.index_cast %select_n3A_516 : i32 to index
          %parallel_loop3A_696 = arith.index_cast %parallel_loop3A_680 : i32 to index
          %parallel_loop3A_697 = tpu.vector_load %arg12[%parallel_loop3A_695, %parallel_loop3A_696] {strides = array<i32>} : memref<3x128xi32, #tpu.memory_space<vmem>>, vector<1x16xi32>,
          %parallel_loop3A_698 = vector.shape_cast %parallel_loop3A_697 : vector<1x16xi32> to vector<16xi32>
          %parallel_loop3A_699 = vector.shape_cast %parallel_loop3A_694 : vector<16xi32> to vector<1x16xi32>
          tpu.vector_store %arg12[%parallel_loop3A_695, %parallel_loop3A_696], %parallel_loop3A_699 {strides = array<i32>} : memref<3x128xi32, #tpu.memory_space<vmem>>, vector<1x16xi32>,
          %parallel_loop3A_700 = arith.constant 10000 : i32
          %parallel_loop3A_701 = vector.broadcast %parallel_loop3A_700 : i32 to vector<16xi32>
          %parallel_loop3A_702 = arith.muli %parallel_loop3A_684, %parallel_loop3A_701 : vector<16xi32>
          %parallel_loop3A_703 = arith.constant 1 : i32
          %parallel_loop3A_704 = arith.index_cast %select_n3A_516 : i32 to index
          %parallel_loop3A_705 = arith.index_cast %parallel_loop3A_703 : i32 to index
          %parallel_loop3A_706 = arith.index_cast %parallel_loop3A_680 : i32 to index
          %parallel_loop3A_707 = tpu.vector_load %arg9[%parallel_loop3A_704, %parallel_loop3A_705, %parallel_loop3A_706] {strides = array<i32>} : memref<3x2x128xi32, #tpu.memory_space<vmem>>, vector<1x1x16xi32>,
          %parallel_loop3A_708 = vector.shape_cast %parallel_loop3A_707 : vector<1x1x16xi32> to vector<16xi32>
          %parallel_loop3A_709 = arith.addi %parallel_loop3A_702, %parallel_loop3A_708 : vector<16xi32>
          %parallel_loop3A_710 = arith.index_cast %select_n3A_516 : i32 to index
          %parallel_loop3A_711 = arith.index_cast %parallel_loop3A_680 : i32 to index
          %parallel_loop3A_712 = tpu.vector_load %arg13[%parallel_loop3A_710, %parallel_loop3A_711] {strides = array<i32>} : memref<3x128xi32, #tpu.memory_space<vmem>>, vector<1x16xi32>,
          %parallel_loop3A_713 = vector.shape_cast %parallel_loop3A_712 : vector<1x16xi32> to vector<16xi32>
          %parallel_loop3A_714 = vector.shape_cast %parallel_loop3A_709 : vector<16xi32> to vector<1x16xi32>
          tpu.vector_store %arg13[%parallel_loop3A_710, %parallel_loop3A_711], %parallel_loop3A_714 {strides = array<i32>} : memref<3x128xi32, #tpu.memory_space<vmem>>, vector<1x16xi32>,
          %parallel_loop3A_715 = arith.constant 1 : i32
          %parallel_loop3A_716 = arith.index_cast %select_n3A_516 : i32 to index
          %parallel_loop3A_717 = arith.index_cast %parallel_loop3A_715 : i32 to index
          %parallel_loop3A_718 = arith.index_cast %parallel_loop3A_680 : i32 to index
          %parallel_loop3A_719 = tpu.vector_load %arg9[%parallel_loop3A_716, %parallel_loop3A_717, %parallel_loop3A_718] {strides = array<i32>} : memref<3x2x128xi32, #tpu.memory_space<vmem>>, vector<1x1x16xi32>,
          %parallel_loop3A_720 = vector.shape_cast %parallel_loop3A_719 : vector<1x1x16xi32> to vector<16xi32>
          %parallel_loop3A_721 = arith.index_cast %select_n3A_516 : i32 to index
          %parallel_loop3A_722 = arith.index_cast %parallel_loop3A_680 : i32 to index
          %parallel_loop3A_723 = tpu.vector_load %arg11[%parallel_loop3A_721, %parallel_loop3A_722] {strides = array<i32>} : memref<3x128xi32, #tpu.memory_space<vmem>>, vector<1x16xi32>,
          %parallel_loop3A_724 = vector.shape_cast %parallel_loop3A_723 : vector<1x16xi32> to vector<16xi32>
          %parallel_loop3A_725 = vector.shape_cast %parallel_loop3A_720 : vector<16xi32> to vector<1x16xi32>
          tpu.vector_store %arg11[%parallel_loop3A_721, %parallel_loop3A_722], %parallel_loop3A_725 {strides = array<i32>} : memref<3x128xi32, #tpu.memory_space<vmem>>, vector<1x16xi32>,
        } {sc.loop_unroll_factor = 8 : i64, sc.parallel_access}
        %dma_start3A_656 = arith.constant 0 : i32
        %dma_start3A_657 = tpu.memref_slice %arg14[%select_n3A_568, %dma_start3A_656] : memref<2x128xf32, #tpu.memory_space<vmem>> -> memref<1x128xf32, #tpu.memory_space<vmem>>
        %dma_start3A_658 = tpu.memref_squeeze %dma_start3A_657 : memref<1x128xf32, #tpu.memory_space<vmem>> -> memref<128xf32, #tpu.memory_space<vmem>>
        %dma_start3A_659 = arith.constant 0 : i32
        %dma_start3A_660 = tpu.memref_slice %arg13[%select_n3A_516, %dma_start3A_659] : memref<3x128xi32, #tpu.memory_space<vmem>> -> memref<1x128xi32, #tpu.memory_space<vmem>>
        %dma_start3A_661 = tpu.memref_squeeze %dma_start3A_660 : memref<1x128xi32, #tpu.memory_space<vmem>> -> memref<128xi32, #tpu.memory_space<vmem>>
        %dma_start3A_662 = arith.constant 0 : i32
        %dma_start3A_663 = tpu.memref_slice %arg8[%dma_start3A_662] : memref<80384xf32, #tpu.memory_space<vmem_shared>> -> memref<80384xf32, #tpu.memory_space<vmem_shared>>
        %dma_start3A_664 = tpu.memref_slice %arg19[%select_n3A_568] : memref<2x!tpu.dma_semaphore, #tpu.memory_space<semaphore_mem>> -> memref<1x!tpu.dma_semaphore, #tpu.memory_space<semaphore_mem>>
        %dma_start3A_665 = tpu.memref_squeeze %dma_start3A_664 : memref<1x!tpu.dma_semaphore, #tpu.memory_space<semaphore_mem>> -> memref<!tpu.dma_semaphore, #tpu.memory_space<semaphore_mem>>
        tpu.enqueue_indirect_dma source(%dma_start3A_663 : memref<80384xf32, #tpu.memory_space<vmem_shared>>) target(%dma_start3A_658 : memref<128xf32, #tpu.memory_space<vmem>>) offsets(%dma_start3A_661 : memref<128xi32, #tpu.memory_space<vmem>>) semaphore(%dma_start3A_665 : memref<!tpu.dma_semaphore, #tpu.memory_space<semaphore_mem>>)
        %dma_start3A_666 = arith.constant 0 : i32
        %dma_start3A_667 = arith.constant 0 : i32
        %dma_start3A_668 = tpu.memref_slice %arg17[%select_n3A_568, %dma_start3A_666, %dma_start3A_667] : memref<2x128x128xf32, #tpu.memory_space<vmem>> -> memref<1x128x128xf32, #tpu.memory_space<vmem>>
        %dma_start3A_669 = tpu.memref_squeeze %dma_start3A_668 : memref<1x128x128xf32, #tpu.memory_space<vmem>> -> memref<128x128xf32, #tpu.memory_space<vmem>>
        %dma_start3A_670 = arith.constant 0 : i32
        %dma_start3A_671 = tpu.memref_slice %arg12[%select_n3A_516, %dma_start3A_670] : memref<3x128xi32, #tpu.memory_space<vmem>> -> memref<1x128xi32, #tpu.memory_space<vmem>>
        %dma_start3A_672 = tpu.memref_squeeze %dma_start3A_671 : memref<1x128xi32, #tpu.memory_space<vmem>> -> memref<128xi32, #tpu.memory_space<vmem>>
        %dma_start3A_673 = arith.constant 0 : i32
        %dma_start3A_674 = arith.constant 0 : i32
        %dma_start3A_675 = tpu.memref_slice %arg2[%dma_start3A_673, %dma_start3A_674] : memref<90000x128xf32, #tpu.memory_space<hbm>> -> memref<90000x128xf32, #tpu.memory_space<hbm>>
        %dma_start3A_676 = tpu.memref_slice %arg20[%select_n3A_568] : memref<2x!tpu.dma_semaphore, #tpu.memory_space<semaphore_mem>> -> memref<1x!tpu.dma_semaphore, #tpu.memory_space<semaphore_mem>>
        %dma_start3A_677 = tpu.memref_squeeze %dma_start3A_676 : memref<1x!tpu.dma_semaphore, #tpu.memory_space<semaphore_mem>> -> memref<!tpu.dma_semaphore, #tpu.memory_space<semaphore_mem>>
        tpu.enqueue_indirect_dma source(%dma_start3A_675 : memref<90000x128xf32, #tpu.memory_space<hbm>>) target(%dma_start3A_669 : memref<128x128xf32, #tpu.memory_space<vmem>>) offsets(%dma_start3A_672 : memref<128xi32, #tpu.memory_space<vmem>>) semaphore(%dma_start3A_677 : memref<!tpu.dma_semaphore, #tpu.memory_space<semaphore_mem>>)
      } else {
      }
      %dma_wait3A_584 = arith.constant 0 : i32
      %dma_wait3A_585 = tpu.memref_slice %arg14[%select_n3A_550, %dma_wait3A_584] : memref<2x128xf32, #tpu.memory_space<vmem>> -> memref<1x128xf32, #tpu.memory_space<vmem>>
      %dma_wait3A_586 = tpu.memref_squeeze %dma_wait3A_585 : memref<1x128xf32, #tpu.memory_space<vmem>> -> memref<128xf32, #tpu.memory_space<vmem>>
      %dma_wait3A_587 = arith.constant 0 : i32
      %dma_wait3A_588 = tpu.memref_slice %arg13[%select_n3A_498, %dma_wait3A_587] : memref<3x128xi32, #tpu.memory_space<vmem>> -> memref<1x128xi32, #tpu.memory_space<vmem>>
      %dma_wait3A_589 = tpu.memref_squeeze %dma_wait3A_588 : memref<1x128xi32, #tpu.memory_space<vmem>> -> memref<128xi32, #tpu.memory_space<vmem>>
      %dma_wait3A_590 = arith.constant 0 : i32
      %dma_wait3A_591 = tpu.memref_slice %arg8[%dma_wait3A_590] : memref<80384xf32, #tpu.memory_space<vmem_shared>> -> memref<80384xf32, #tpu.memory_space<vmem_shared>>
      %dma_wait3A_592 = tpu.memref_slice %arg19[%select_n3A_550] : memref<2x!tpu.dma_semaphore, #tpu.memory_space<semaphore_mem>> -> memref<1x!tpu.dma_semaphore, #tpu.memory_space<semaphore_mem>>
      %dma_wait3A_593 = tpu.memref_squeeze %dma_wait3A_592 : memref<1x!tpu.dma_semaphore, #tpu.memory_space<semaphore_mem>> -> memref<!tpu.dma_semaphore, #tpu.memory_space<semaphore_mem>>
      tpu.wait_indirect_dma semaphore(%dma_wait3A_593 : memref<!tpu.dma_semaphore, #tpu.memory_space<semaphore_mem>>) src(%dma_wait3A_591 : memref<80384xf32, #tpu.memory_space<vmem_shared>>) dst(%dma_wait3A_586 : memref<128xf32, #tpu.memory_space<vmem>>)
      %dma_wait3A_594 = arith.constant 0 : i32
      %dma_wait3A_595 = arith.constant 0 : i32
      %dma_wait3A_596 = tpu.memref_slice %arg17[%select_n3A_550, %dma_wait3A_594, %dma_wait3A_595] : memref<2x128x128xf32, #tpu.memory_space<vmem>> -> memref<1x128x128xf32, #tpu.memory_space<vmem>>
      %dma_wait3A_597 = tpu.memref_squeeze %dma_wait3A_596 : memref<1x128x128xf32, #tpu.memory_space<vmem>> -> memref<128x128xf32, #tpu.memory_space<vmem>>
      %dma_wait3A_598 = arith.constant 0 : i32
      %dma_wait3A_599 = tpu.memref_slice %arg12[%select_n3A_498, %dma_wait3A_598] : memref<3x128xi32, #tpu.memory_space<vmem>> -> memref<1x128xi32, #tpu.memory_space<vmem>>
      %dma_wait3A_600 = tpu.memref_squeeze %dma_wait3A_599 : memref<1x128xi32, #tpu.memory_space<vmem>> -> memref<128xi32, #tpu.memory_space<vmem>>
      %dma_wait3A_601 = arith.constant 0 : i32
      %dma_wait3A_602 = arith.constant 0 : i32
      %dma_wait3A_603 = tpu.memref_slice %arg2[%dma_wait3A_601, %dma_wait3A_602] : memref<90000x128xf32, #tpu.memory_space<hbm>> -> memref<90000x128xf32, #tpu.memory_space<hbm>>
      %dma_wait3A_604 = tpu.memref_slice %arg20[%select_n3A_550] : memref<2x!tpu.dma_semaphore, #tpu.memory_space<semaphore_mem>> -> memref<1x!tpu.dma_semaphore, #tpu.memory_space<semaphore_mem>>
      %dma_wait3A_605 = tpu.memref_squeeze %dma_wait3A_604 : memref<1x!tpu.dma_semaphore, #tpu.memory_space<semaphore_mem>> -> memref<!tpu.dma_semaphore, #tpu.memory_space<semaphore_mem>>
      tpu.wait_indirect_dma semaphore(%dma_wait3A_605 : memref<!tpu.dma_semaphore, #tpu.memory_space<semaphore_mem>>) src(%dma_wait3A_603 : memref<90000x128xf32, #tpu.memory_space<hbm>>) dst(%dma_wait3A_597 : memref<128x128xf32, #tpu.memory_space<vmem>>)
      %parallel_loop3A_606 = arith.constant 0 : i32
      %parallel_loop3A_607 = arith.constant 128 : i32
      %parallel_loop3A_608 = arith.constant 1 : i32
      scf.for %parallel_loop3A_622 = %parallel_loop3A_606 to %parallel_loop3A_607 step %parallel_loop3A_608  : i32 {
        %parallel_loop3A_623 = arith.constant 16 : i32
        %parallel_loop3A_624 = arith.divsi %parallel_loop3A_622, %parallel_loop3A_623 : i32
        %parallel_loop3A_625 = arith.constant 0 : i32
        %parallel_loop3A_626 = arith.cmpi sgt, %parallel_loop3A_622, %parallel_loop3A_625 : i32
        %parallel_loop3A_627 = arith.extui %parallel_loop3A_626 : i1 to i32
        %parallel_loop3A_628 = arith.constant 0 : i32
        %parallel_loop3A_629 = arith.cmpi slt, %parallel_loop3A_622, %parallel_loop3A_628 : i32
        %parallel_loop3A_630 = arith.extui %parallel_loop3A_629 : i1 to i32
        %parallel_loop3A_631 = arith.subi %parallel_loop3A_627, %parallel_loop3A_630 : i32
        %parallel_loop3A_632 = arith.constant 0 : i32
        %parallel_loop3A_633 = arith.cmpi sgt, %parallel_loop3A_623, %parallel_loop3A_632 : i32
        %parallel_loop3A_634 = arith.extui %parallel_loop3A_633 : i1 to i32
        %parallel_loop3A_635 = arith.constant 0 : i32
        %parallel_loop3A_636 = arith.cmpi slt, %parallel_loop3A_623, %parallel_loop3A_635 : i32
        %parallel_loop3A_637 = arith.extui %parallel_loop3A_636 : i1 to i32
        %parallel_loop3A_638 = arith.subi %parallel_loop3A_634, %parallel_loop3A_637 : i32
        %parallel_loop3A_639 = arith.cmpi ne, %parallel_loop3A_631, %parallel_loop3A_638 : i32
        %parallel_loop3A_640 = arith.remsi %parallel_loop3A_622, %parallel_loop3A_623 : i32
        %parallel_loop3A_641 = arith.constant 0 : i32
        %parallel_loop3A_642 = arith.cmpi ne, %parallel_loop3A_640, %parallel_loop3A_641 : i32
        %parallel_loop3A_643 = arith.andi %parallel_loop3A_639, %parallel_loop3A_642 : i1
        %parallel_loop3A_644 = arith.constant 1 : i32
        %parallel_loop3A_645 = arith.subi %parallel_loop3A_624, %parallel_loop3A_644 : i32
        %parallel_loop3A_646 = arith.select %parallel_loop3A_643, %parallel_loop3A_645, %parallel_loop3A_624 : i32
        %parallel_loop3A_647 = arith.constant 16 : i32
        %parallel_loop3A_648 = arith.muli %parallel_loop3A_646, %parallel_loop3A_647 : i32
        %parallel_loop3A_649 = arith.index_cast %select_n3A_550 : i32 to index
        %parallel_loop3A_650 = arith.index_cast %parallel_loop3A_648 : i32 to index
        %parallel_loop3A_651 = tpu.vector_load %arg14[%parallel_loop3A_649, %parallel_loop3A_650] {strides = array<i32>} : memref<2x128xf32, #tpu.memory_space<vmem>>, vector<1x16xf32>,
        %parallel_loop3A_652 = vector.shape_cast %parallel_loop3A_651 : vector<1x16xf32> to vector<16xf32>
        %parallel_loop3A_653 = arith.constant 16 : i32
        %parallel_loop3A_654 = arith.constant 0 : i32
        %parallel_loop3A_655 = arith.cmpi eq, %parallel_loop3A_653, %parallel_loop3A_654 : i32
        %parallel_loop3A_656 = arith.constant 1 : i32
        %parallel_loop3A_657 = arith.select %parallel_loop3A_655, %parallel_loop3A_656, %parallel_loop3A_653 : i32
        %parallel_loop3A_658 = arith.remsi %parallel_loop3A_622, %parallel_loop3A_657 : i32
        %parallel_loop3A_659 = arith.constant 0 : i32
        %parallel_loop3A_660 = arith.cmpi ne, %parallel_loop3A_658, %parallel_loop3A_659 : i32
        %parallel_loop3A_661 = arith.constant 0 : i32
        %parallel_loop3A_662 = arith.cmpi slt, %parallel_loop3A_658, %parallel_loop3A_661 : i32
        %parallel_loop3A_663 = arith.constant 0 : i32
        %parallel_loop3A_664 = arith.cmpi slt, %parallel_loop3A_657, %parallel_loop3A_663 : i32
        %parallel_loop3A_665 = arith.xori %parallel_loop3A_662, %parallel_loop3A_664 : i1
        %parallel_loop3A_666 = arith.andi %parallel_loop3A_665, %parallel_loop3A_660 : i1
        %parallel_loop3A_667 = arith.addi %parallel_loop3A_658, %parallel_loop3A_657 : i32
        %parallel_loop3A_668 = arith.select %parallel_loop3A_666, %parallel_loop3A_667, %parallel_loop3A_658 : i32
        %parallel_loop3A_669 = vector.broadcast %parallel_loop3A_668 : i32 to vector<16x1xi32>
        %parallel_loop3A_670 = vector.shape_cast %parallel_loop3A_669 : vector<16x1xi32> to vector<16xi32>
        %parallel_loop3A_671 = tpu.dynamic_gather %parallel_loop3A_652[%parallel_loop3A_670] in [0] : vector<16xf32>, vector<16xi32> -> vector<16xf32>
        %parallel_loop3A_672 = arith.index_cast %select_n3A_550 : i32 to index
        %parallel_loop3A_673 = arith.index_cast %parallel_loop3A_622 : i32 to index
        %parallel_loop3A_674 = arith.constant 0 : index
        %parallel_loop3A_675 = tpu.vector_load %arg17[%parallel_loop3A_672, %parallel_loop3A_673, %parallel_loop3A_674] {strides = array<i32>} : memref<2x128x128xf32, #tpu.memory_space<vmem>>, vector<1x1x16xf32>,
        %parallel_loop3A_676 = vector.shape_cast %parallel_loop3A_675 : vector<1x1x16xf32> to vector<16xf32>
        %parallel_loop3A_677 = arith.mulf %parallel_loop3A_676, %parallel_loop3A_671 : vector<16xf32>
        %parallel_loop3A_678 = arith.index_cast %select_n3A_550 : i32 to index
        %parallel_loop3A_679 = arith.index_cast %parallel_loop3A_622 : i32 to index
        %parallel_loop3A_680 = arith.constant 16 : index
        %parallel_loop3A_681 = tpu.vector_load %arg17[%parallel_loop3A_678, %parallel_loop3A_679, %parallel_loop3A_680] {strides = array<i32>} : memref<2x128x128xf32, #tpu.memory_space<vmem>>, vector<1x1x16xf32>,
        %parallel_loop3A_682 = vector.shape_cast %parallel_loop3A_681 : vector<1x1x16xf32> to vector<16xf32>
        %parallel_loop3A_683 = arith.mulf %parallel_loop3A_682, %parallel_loop3A_671 : vector<16xf32>
        %parallel_loop3A_684 = arith.index_cast %select_n3A_550 : i32 to index
        %parallel_loop3A_685 = arith.index_cast %parallel_loop3A_622 : i32 to index
        %parallel_loop3A_686 = arith.constant 32 : index
        %parallel_loop3A_687 = tpu.vector_load %arg17[%parallel_loop3A_684, %parallel_loop3A_685, %parallel_loop3A_686] {strides = array<i32>} : memref<2x128x128xf32, #tpu.memory_space<vmem>>, vector<1x1x16xf32>,
        %parallel_loop3A_688 = vector.shape_cast %parallel_loop3A_687 : vector<1x1x16xf32> to vector<16xf32>
        %parallel_loop3A_689 = arith.mulf %parallel_loop3A_688, %parallel_loop3A_671 : vector<16xf32>
        %parallel_loop3A_690 = arith.index_cast %select_n3A_550 : i32 to index
        %parallel_loop3A_691 = arith.index_cast %parallel_loop3A_622 : i32 to index
        %parallel_loop3A_692 = arith.constant 48 : index
        %parallel_loop3A_693 = tpu.vector_load %arg17[%parallel_loop3A_690, %parallel_loop3A_691, %parallel_loop3A_692] {strides = array<i32>} : memref<2x128x128xf32, #tpu.memory_space<vmem>>, vector<1x1x16xf32>,
        %parallel_loop3A_694 = vector.shape_cast %parallel_loop3A_693 : vector<1x1x16xf32> to vector<16xf32>
        %parallel_loop3A_695 = arith.mulf %parallel_loop3A_694, %parallel_loop3A_671 : vector<16xf32>
        %parallel_loop3A_696 = arith.index_cast %select_n3A_550 : i32 to index
        %parallel_loop3A_697 = arith.index_cast %parallel_loop3A_622 : i32 to index
        %parallel_loop3A_698 = arith.constant 64 : index
        %parallel_loop3A_699 = tpu.vector_load %arg17[%parallel_loop3A_696, %parallel_loop3A_697, %parallel_loop3A_698] {strides = array<i32>} : memref<2x128x128xf32, #tpu.memory_space<vmem>>, vector<1x1x16xf32>,
        %parallel_loop3A_700 = vector.shape_cast %parallel_loop3A_699 : vector<1x1x16xf32> to vector<16xf32>
        %parallel_loop3A_701 = arith.mulf %parallel_loop3A_700, %parallel_loop3A_671 : vector<16xf32>
        %parallel_loop3A_702 = arith.index_cast %select_n3A_550 : i32 to index
        %parallel_loop3A_703 = arith.index_cast %parallel_loop3A_622 : i32 to index
        %parallel_loop3A_704 = arith.constant 80 : index
        %parallel_loop3A_705 = tpu.vector_load %arg17[%parallel_loop3A_702, %parallel_loop3A_703, %parallel_loop3A_704] {strides = array<i32>} : memref<2x128x128xf32, #tpu.memory_space<vmem>>, vector<1x1x16xf32>,
        %parallel_loop3A_706 = vector.shape_cast %parallel_loop3A_705 : vector<1x1x16xf32> to vector<16xf32>
        %parallel_loop3A_707 = arith.mulf %parallel_loop3A_706, %parallel_loop3A_671 : vector<16xf32>
        %parallel_loop3A_708 = arith.index_cast %select_n3A_550 : i32 to index
        %parallel_loop3A_709 = arith.index_cast %parallel_loop3A_622 : i32 to index
        %parallel_loop3A_710 = arith.constant 96 : index
        %parallel_loop3A_711 = tpu.vector_load %arg17[%parallel_loop3A_708, %parallel_loop3A_709, %parallel_loop3A_710] {strides = array<i32>} : memref<2x128x128xf32, #tpu.memory_space<vmem>>, vector<1x1x16xf32>,
        %parallel_loop3A_712 = vector.shape_cast %parallel_loop3A_711 : vector<1x1x16xf32> to vector<16xf32>
        %parallel_loop3A_713 = arith.mulf %parallel_loop3A_712, %parallel_loop3A_671 : vector<16xf32>
        %parallel_loop3A_714 = arith.index_cast %select_n3A_550 : i32 to index
        %parallel_loop3A_715 = arith.index_cast %parallel_loop3A_622 : i32 to index
        %parallel_loop3A_716 = arith.constant 112 : index
        %parallel_loop3A_717 = tpu.vector_load %arg17[%parallel_loop3A_714, %parallel_loop3A_715, %parallel_loop3A_716] {strides = array<i32>} : memref<2x128x128xf32, #tpu.memory_space<vmem>>, vector<1x1x16xf32>,
        %parallel_loop3A_718 = vector.shape_cast %parallel_loop3A_717 : vector<1x1x16xf32> to vector<16xf32>
        %parallel_loop3A_719 = arith.mulf %parallel_loop3A_718, %parallel_loop3A_671 : vector<16xf32>
        %parallel_loop3A_720 = arith.index_cast %select_n3A_550 : i32 to index
        %parallel_loop3A_721 = arith.index_cast %parallel_loop3A_622 : i32 to index
        %parallel_loop3A_722 = arith.constant 0 : index
        %parallel_loop3A_723 = tpu.vector_load %arg17[%parallel_loop3A_720, %parallel_loop3A_721, %parallel_loop3A_722] {strides = array<i32>} : memref<2x128x128xf32, #tpu.memory_space<vmem>>, vector<1x1x16xf32>,
        %parallel_loop3A_724 = vector.shape_cast %parallel_loop3A_723 : vector<1x1x16xf32> to vector<16xf32>
        %parallel_loop3A_725 = vector.shape_cast %parallel_loop3A_677 : vector<16xf32> to vector<1x1x16xf32>
        tpu.vector_store %arg17[%parallel_loop3A_720, %parallel_loop3A_721, %parallel_loop3A_722], %parallel_loop3A_725 {strides = array<i32>} : memref<2x128x128xf32, #tpu.memory_space<vmem>>, vector<1x1x16xf32>,
        %parallel_loop3A_726 = arith.index_cast %select_n3A_550 : i32 to index
        %parallel_loop3A_727 = arith.index_cast %parallel_loop3A_622 : i32 to index
        %parallel_loop3A_728 = arith.constant 16 : index
        %parallel_loop3A_729 = tpu.vector_load %arg17[%parallel_loop3A_726, %parallel_loop3A_727, %parallel_loop3A_728] {strides = array<i32>} : memref<2x128x128xf32, #tpu.memory_space<vmem>>, vector<1x1x16xf32>,
        %parallel_loop3A_730 = vector.shape_cast %parallel_loop3A_729 : vector<1x1x16xf32> to vector<16xf32>
        %parallel_loop3A_731 = vector.shape_cast %parallel_loop3A_683 : vector<16xf32> to vector<1x1x16xf32>
        tpu.vector_store %arg17[%parallel_loop3A_726, %parallel_loop3A_727, %parallel_loop3A_728], %parallel_loop3A_731 {strides = array<i32>} : memref<2x128x128xf32, #tpu.memory_space<vmem>>, vector<1x1x16xf32>,
        %parallel_loop3A_732 = arith.index_cast %select_n3A_550 : i32 to index
        %parallel_loop3A_733 = arith.index_cast %parallel_loop3A_622 : i32 to index
        %parallel_loop3A_734 = arith.constant 32 : index
        %parallel_loop3A_735 = tpu.vector_load %arg17[%parallel_loop3A_732, %parallel_loop3A_733, %parallel_loop3A_734] {strides = array<i32>} : memref<2x128x128xf32, #tpu.memory_space<vmem>>, vector<1x1x16xf32>,
        %parallel_loop3A_736 = vector.shape_cast %parallel_loop3A_735 : vector<1x1x16xf32> to vector<16xf32>
        %parallel_loop3A_737 = vector.shape_cast %parallel_loop3A_689 : vector<16xf32> to vector<1x1x16xf32>
        tpu.vector_store %arg17[%parallel_loop3A_732, %parallel_loop3A_733, %parallel_loop3A_734], %parallel_loop3A_737 {strides = array<i32>} : memref<2x128x128xf32, #tpu.memory_space<vmem>>, vector<1x1x16xf32>,
        %parallel_loop3A_738 = arith.index_cast %select_n3A_550 : i32 to index
        %parallel_loop3A_739 = arith.index_cast %parallel_loop3A_622 : i32 to index
        %parallel_loop3A_740 = arith.constant 48 : index
        %parallel_loop3A_741 = tpu.vector_load %arg17[%parallel_loop3A_738, %parallel_loop3A_739, %parallel_loop3A_740] {strides = array<i32>} : memref<2x128x128xf32, #tpu.memory_space<vmem>>, vector<1x1x16xf32>,
        %parallel_loop3A_742 = vector.shape_cast %parallel_loop3A_741 : vector<1x1x16xf32> to vector<16xf32>
        %parallel_loop3A_743 = vector.shape_cast %parallel_loop3A_695 : vector<16xf32> to vector<1x1x16xf32>
        tpu.vector_store %arg17[%parallel_loop3A_738, %parallel_loop3A_739, %parallel_loop3A_740], %parallel_loop3A_743 {strides = array<i32>} : memref<2x128x128xf32, #tpu.memory_space<vmem>>, vector<1x1x16xf32>,
        %parallel_loop3A_744 = arith.index_cast %select_n3A_550 : i32 to index
        %parallel_loop3A_745 = arith.index_cast %parallel_loop3A_622 : i32 to index
        %parallel_loop3A_746 = arith.constant 64 : index
        %parallel_loop3A_747 = tpu.vector_load %arg17[%parallel_loop3A_744, %parallel_loop3A_745, %parallel_loop3A_746] {strides = array<i32>} : memref<2x128x128xf32, #tpu.memory_space<vmem>>, vector<1x1x16xf32>,
        %parallel_loop3A_748 = vector.shape_cast %parallel_loop3A_747 : vector<1x1x16xf32> to vector<16xf32>
        %parallel_loop3A_749 = vector.shape_cast %parallel_loop3A_701 : vector<16xf32> to vector<1x1x16xf32>
        tpu.vector_store %arg17[%parallel_loop3A_744, %parallel_loop3A_745, %parallel_loop3A_746], %parallel_loop3A_749 {strides = array<i32>} : memref<2x128x128xf32, #tpu.memory_space<vmem>>, vector<1x1x16xf32>,
        %parallel_loop3A_750 = arith.index_cast %select_n3A_550 : i32 to index
        %parallel_loop3A_751 = arith.index_cast %parallel_loop3A_622 : i32 to index
        %parallel_loop3A_752 = arith.constant 80 : index
        %parallel_loop3A_753 = tpu.vector_load %arg17[%parallel_loop3A_750, %parallel_loop3A_751, %parallel_loop3A_752] {strides = array<i32>} : memref<2x128x128xf32, #tpu.memory_space<vmem>>, vector<1x1x16xf32>,
        %parallel_loop3A_754 = vector.shape_cast %parallel_loop3A_753 : vector<1x1x16xf32> to vector<16xf32>
        %parallel_loop3A_755 = vector.shape_cast %parallel_loop3A_707 : vector<16xf32> to vector<1x1x16xf32>
        tpu.vector_store %arg17[%parallel_loop3A_750, %parallel_loop3A_751, %parallel_loop3A_752], %parallel_loop3A_755 {strides = array<i32>} : memref<2x128x128xf32, #tpu.memory_space<vmem>>, vector<1x1x16xf32>,
        %parallel_loop3A_756 = arith.index_cast %select_n3A_550 : i32 to index
        %parallel_loop3A_757 = arith.index_cast %parallel_loop3A_622 : i32 to index
        %parallel_loop3A_758 = arith.constant 96 : index
        %parallel_loop3A_759 = tpu.vector_load %arg17[%parallel_loop3A_756, %parallel_loop3A_757, %parallel_loop3A_758] {strides = array<i32>} : memref<2x128x128xf32, #tpu.memory_space<vmem>>, vector<1x1x16xf32>,
        %parallel_loop3A_760 = vector.shape_cast %parallel_loop3A_759 : vector<1x1x16xf32> to vector<16xf32>
        %parallel_loop3A_761 = vector.shape_cast %parallel_loop3A_713 : vector<16xf32> to vector<1x1x16xf32>
        tpu.vector_store %arg17[%parallel_loop3A_756, %parallel_loop3A_757, %parallel_loop3A_758], %parallel_loop3A_761 {strides = array<i32>} : memref<2x128x128xf32, #tpu.memory_space<vmem>>, vector<1x1x16xf32>,
        %parallel_loop3A_762 = arith.index_cast %select_n3A_550 : i32 to index
        %parallel_loop3A_763 = arith.index_cast %parallel_loop3A_622 : i32 to index
        %parallel_loop3A_764 = arith.constant 112 : index
        %parallel_loop3A_765 = tpu.vector_load %arg17[%parallel_loop3A_762, %parallel_loop3A_763, %parallel_loop3A_764] {strides = array<i32>} : memref<2x128x128xf32, #tpu.memory_space<vmem>>, vector<1x1x16xf32>,
        %parallel_loop3A_766 = vector.shape_cast %parallel_loop3A_765 : vector<1x1x16xf32> to vector<16xf32>
        %parallel_loop3A_767 = vector.shape_cast %parallel_loop3A_719 : vector<16xf32> to vector<1x1x16xf32>
        tpu.vector_store %arg17[%parallel_loop3A_762, %parallel_loop3A_763, %parallel_loop3A_764], %parallel_loop3A_767 {strides = array<i32>} : memref<2x128x128xf32, #tpu.memory_space<vmem>>, vector<1x1x16xf32>,
      } {sc.loop_unroll_factor = 8 : i64, sc.parallel_access}
      %dma_start3A_609 = arith.constant 0 : i32
      %dma_start3A_610 = arith.constant 0 : i32
      %dma_start3A_611 = tpu.memref_slice %arg17[%select_n3A_550, %dma_start3A_609, %dma_start3A_610] : memref<2x128x128xf32, #tpu.memory_space<vmem>> -> memref<1x128x128xf32, #tpu.memory_space<vmem>>
      %dma_start3A_612 = tpu.memref_squeeze %dma_start3A_611 : memref<1x128x128xf32, #tpu.memory_space<vmem>> -> memref<128x128xf32, #tpu.memory_space<vmem>>
      %dma_start3A_613 = arith.constant 0 : i32
      %dma_start3A_614 = tpu.memref_slice %arg11[%select_n3A_498, %dma_start3A_613] : memref<3x128xi32, #tpu.memory_space<vmem>> -> memref<1x128xi32, #tpu.memory_space<vmem>>
      %dma_start3A_615 = tpu.memref_squeeze %dma_start3A_614 : memref<1x128xi32, #tpu.memory_space<vmem>> -> memref<128xi32, #tpu.memory_space<vmem>>
      %dma_start3A_616 = arith.constant 0 : i32
      %dma_start3A_617 = arith.constant 0 : i32
      %dma_start3A_618 = tpu.memref_slice %arg7[%dma_start3A_616, %dma_start3A_617] : memref<10240x128xf32, #tpu.memory_space<vmem_shared>> -> memref<10240x128xf32, #tpu.memory_space<vmem_shared>>
      %dma_start3A_619 = tpu.memref_slice %arg21[%select_n3A_550] : memref<2x!tpu.dma_semaphore, #tpu.memory_space<semaphore_mem>> -> memref<1x!tpu.dma_semaphore, #tpu.memory_space<semaphore_mem>>
      %dma_start3A_620 = tpu.memref_squeeze %dma_start3A_619 : memref<1x!tpu.dma_semaphore, #tpu.memory_space<semaphore_mem>> -> memref<!tpu.dma_semaphore, #tpu.memory_space<semaphore_mem>>
      tpu.enqueue_indirect_dma source(%dma_start3A_612 : memref<128x128xf32, #tpu.memory_space<vmem>>) target(%dma_start3A_618 : memref<10240x128xf32, #tpu.memory_space<vmem_shared>>) offsets(%dma_start3A_615 : memref<128xi32, #tpu.memory_space<vmem>>) semaphore(%dma_start3A_620 : memref<!tpu.dma_semaphore, #tpu.memory_space<semaphore_mem>>) {add = true}
      %while3A_621 = arith.constant 0 : i32
      scf.yield %while3A_621 : i32
    }
    %add3A_416 = arith.constant 1 : i32
    %add3A_417 = arith.addi %add3A_278, %add3A_416 : i32
    %jit3A = arith.constant 2 : i32
    %eq3A = arith.constant 0 : i32
    %eq3A_418 = arith.cmpi eq, %jit3A, %eq3A : i32
    %jit3A_419 = arith.constant 1 : i32
    %select_n3A = arith.select %eq3A_418, %jit3A_419, %jit3A : i32
    %rem3A = arith.remsi %add3A_417, %select_n3A : i32
    %ne3A = arith.constant 0 : i32
    %ne3A_420 = arith.cmpi ne, %rem3A, %ne3A : i32
    %lt3A_421 = arith.constant 0 : i32
    %lt3A_422 = arith.cmpi slt, %rem3A, %lt3A_421 : i32
    %lt3A_423 = arith.constant 0 : i32
    %lt3A_424 = arith.cmpi slt, %select_n3A, %lt3A_423 : i32
    %ne3A_425 = arith.xori %lt3A_422, %lt3A_424 : i1
    %and3A = arith.andi %ne3A_425, %ne3A_420 : i1
    %add3A_426 = arith.addi %rem3A, %select_n3A : i32
    %select_n3A_427 = arith.select %and3A, %add3A_426, %rem3A : i32
    %add3A_428 = arith.constant 2 : i32
    %add3A_429 = arith.addi %add3A_278, %add3A_428 : i32
    %jit3A_430 = arith.constant 3 : i32
    %eq3A_431 = arith.constant 0 : i32
    %eq3A_432 = arith.cmpi eq, %jit3A_430, %eq3A_431 : i32
    %jit3A_433 = arith.constant 1 : i32
    %select_n3A_434 = arith.select %eq3A_432, %jit3A_433, %jit3A_430 : i32
    %rem3A_435 = arith.remsi %add3A_429, %select_n3A_434 : i32
    %ne3A_436 = arith.constant 0 : i32
    %ne3A_437 = arith.cmpi ne, %rem3A_435, %ne3A_436 : i32
    %lt3A_438 = arith.constant 0 : i32
    %lt3A_439 = arith.cmpi slt, %rem3A_435, %lt3A_438 : i32
    %lt3A_440 = arith.constant 0 : i32
    %lt3A_441 = arith.cmpi slt, %select_n3A_434, %lt3A_440 : i32
    %ne3A_442 = arith.xori %lt3A_439, %lt3A_441 : i1
    %and3A_443 = arith.andi %ne3A_442, %ne3A_437 : i1
    %add3A_444 = arith.addi %rem3A_435, %select_n3A_434 : i32
    %select_n3A_445 = arith.select %and3A_443, %add3A_444, %rem3A_435 : i32
    %add3A_446 = arith.constant 1 : i32
    %add3A_447 = arith.addi %add3A_278, %add3A_446 : i32
    %jit3A_448 = arith.constant 2 : i32
    %eq3A_449 = arith.constant 0 : i32
    %eq3A_450 = arith.cmpi eq, %jit3A_448, %eq3A_449 : i32
    %jit3A_451 = arith.constant 1 : i32
    %select_n3A_452 = arith.select %eq3A_450, %jit3A_451, %jit3A_448 : i32
    %rem3A_453 = arith.remsi %add3A_447, %select_n3A_452 : i32
    %ne3A_454 = arith.constant 0 : i32
    %ne3A_455 = arith.cmpi ne, %rem3A_453, %ne3A_454 : i32
    %lt3A_456 = arith.constant 0 : i32
    %lt3A_457 = arith.cmpi slt, %rem3A_453, %lt3A_456 : i32
    %lt3A_458 = arith.constant 0 : i32
    %lt3A_459 = arith.cmpi slt, %select_n3A_452, %lt3A_458 : i32
    %ne3A_460 = arith.xori %lt3A_457, %lt3A_459 : i1
    %and3A_461 = arith.andi %ne3A_460, %ne3A_455 : i1
    %add3A_462 = arith.addi %rem3A_453, %select_n3A_452 : i32
    %select_n3A_463 = arith.select %and3A_461, %add3A_462, %rem3A_453 : i32
    %dma_wait3A_464 = arith.constant 0 : i32
    %dma_wait3A_465 = arith.constant 0 : i32
    %dma_wait3A_466 = tpu.memref_slice %arg17[%select_n3A_427, %dma_wait3A_464, %dma_wait3A_465] : memref<2x128x128xf32, #tpu.memory_space<vmem>> -> memref<1x128x128xf32, #tpu.memory_space<vmem>>
    %dma_wait3A_467 = tpu.memref_squeeze %dma_wait3A_466 : memref<1x128x128xf32, #tpu.memory_space<vmem>> -> memref<128x128xf32, #tpu.memory_space<vmem>>
    %dma_wait3A_468 = arith.constant 0 : i32
    %dma_wait3A_469 = tpu.memref_slice %arg11[%select_n3A_445, %dma_wait3A_468] : memref<3x128xi32, #tpu.memory_space<vmem>> -> memref<1x128xi32, #tpu.memory_space<vmem>>
    %dma_wait3A_470 = tpu.memref_squeeze %dma_wait3A_469 : memref<1x128xi32, #tpu.memory_space<vmem>> -> memref<128xi32, #tpu.memory_space<vmem>>
    %dma_wait3A_471 = arith.constant 0 : i32
    %dma_wait3A_472 = arith.constant 0 : i32
    %dma_wait3A_473 = tpu.memref_slice %arg7[%dma_wait3A_471, %dma_wait3A_472] : memref<10240x128xf32, #tpu.memory_space<vmem_shared>> -> memref<10240x128xf32, #tpu.memory_space<vmem_shared>>
    %dma_wait3A_474 = tpu.memref_slice %arg21[%select_n3A_463] : memref<2x!tpu.dma_semaphore, #tpu.memory_space<semaphore_mem>> -> memref<1x!tpu.dma_semaphore, #tpu.memory_space<semaphore_mem>>
    %dma_wait3A_475 = tpu.memref_squeeze %dma_wait3A_474 : memref<1x!tpu.dma_semaphore, #tpu.memory_space<semaphore_mem>> -> memref<!tpu.dma_semaphore, #tpu.memory_space<semaphore_mem>>
    tpu.wait_indirect_dma semaphore(%dma_wait3A_475 : memref<!tpu.dma_semaphore, #tpu.memory_space<semaphore_mem>>) src(%dma_wait3A_467 : memref<128x128xf32, #tpu.memory_space<vmem>>) dst(%dma_wait3A_473 : memref<10240x128xf32, #tpu.memory_space<vmem_shared>>)
    %barrier3A_476 = arith.constant 0 : index
    tpu.barrier barrier_id(%barrier3A_476)
    %mul3A_477 = arith.constant 640 : i32
    %mul3A_478 = arith.muli %arg1, %mul3A_477 : i32
    %mul3A_479 = arith.constant 640 : i32
    %mul3A_480 = arith.muli %arg1, %mul3A_479 : i32
    "tpu.region"() ({
      %run_scoped3A = tpu.sem_alloc : memref<!tpu.dma_semaphore, #tpu.memory_space<semaphore_mem>>
      %dma_start3A_481 = arith.constant 0 : i32
      %dma_start3A_482 = tpu.memref_slice %arg6[%arg0, %mul3A_480, %dma_start3A_481] : memref<2x10240x128xf32, #tpu.memory_space<hbm>> -> memref<1x640x128xf32, #tpu.memory_space<hbm>>
      %dma_start3A_483 = tpu.memref_squeeze %dma_start3A_482 : memref<1x640x128xf32, #tpu.memory_space<hbm>> -> memref<640x128xf32, #tpu.memory_space<hbm>>
      %dma_start3A_484 = arith.constant 0 : i32
      %dma_start3A_485 = tpu.memref_slice %arg7[%mul3A_478, %dma_start3A_484] : memref<10240x128xf32, #tpu.memory_space<vmem_shared>> -> memref<640x128xf32, #tpu.memory_space<vmem_shared>>
      tpu.enqueue_dma source(%dma_start3A_485 : memref<640x128xf32, #tpu.memory_space<vmem_shared>>) target(%dma_start3A_483 : memref<640x128xf32, #tpu.memory_space<hbm>>) target_semaphore(%run_scoped3A : memref<!tpu.dma_semaphore, #tpu.memory_space<semaphore_mem>>)
      %dma_wait3A_486 = arith.constant 0 : i32
      %dma_wait3A_487 = tpu.memref_slice %arg6[%arg0, %mul3A_480, %dma_wait3A_486] : memref<2x10240x128xf32, #tpu.memory_space<hbm>> -> memref<1x640x128xf32, #tpu.memory_space<hbm>>
      %dma_wait3A_488 = tpu.memref_squeeze %dma_wait3A_487 : memref<1x640x128xf32, #tpu.memory_space<hbm>> -> memref<640x128xf32, #tpu.memory_space<hbm>>
      %dma_wait3A_489 = arith.constant 0 : i32
      %dma_wait3A_490 = tpu.memref_slice %arg7[%mul3A_478, %dma_wait3A_489] : memref<10240x128xf32, #tpu.memory_space<vmem_shared>> -> memref<640x128xf32, #tpu.memory_space<vmem_shared>>
      tpu.wait_dma2 semaphore(%run_scoped3A : memref<!tpu.dma_semaphore, #tpu.memory_space<semaphore_mem>>) src(%dma_wait3A_490 : memref<640x128xf32, #tpu.memory_space<vmem_shared>>) dst(%dma_wait3A_488 : memref<640x128xf32, #tpu.memory_space<hbm>>)
      tpu.yield
    }) : () -> ()
    return
  }
}

module attributes {stable_mosaic.version = 14 : i64} {
  func.func @body(%arg0: i32, %arg1: memref<1000x128xf32, #tpu.memory_space<vmem>>, %arg2: memref<9x128x128xf32, #tpu.memory_space<vmem>>, %arg3: memref<9x1000x128xf32, #tpu.memory_space<vmem>>) attributes {dimension_semantics = [#tpu.dimension_semantics<arbitrary>], iteration_bounds = array<i64: 10>, scalar_prefetch = 0 : i64, scratch_operands = 0 : i64, tpu.core_type = #tpu.core_type<tc>, window_params = [{transform_indices = @transform_0, window_bounds = array<i64: 1000, 128>}, {pipeline_mode = #tpu.pipeline_mode<synchronous>, transform_indices = @transform_1, window_bounds = array<i64: 9, 128, 128>}, {transform_indices = @transform_2, window_bounds = array<i64: 9, 1000, 128>}]} {
    %get3A = arith.constant 0 : index
    %get3A_0 = arith.constant 0 : index
    %get3A_1 = vector.load %arg1[%get3A, %get3A_0] : memref<1000x128xf32, #tpu.memory_space<vmem>>, vector<1000x128xf32>
    %get3A_2 = arith.constant 0 : index
    %get3A_3 = arith.constant 0 : index
    %get3A_4 = arith.constant 0 : index
    %get3A_5 = vector.load %arg2[%get3A_2, %get3A_3, %get3A_4] : memref<9x128x128xf32, #tpu.memory_space<vmem>>, vector<1x128x128xf32>
    %get3A_6 = vector.shape_cast %get3A_5 : vector<1x128x128xf32> to vector<128x128xf32>
    %dot_general3A = arith.constant dense<0.000000e+00> : vector<1000x128xf32>
    %dot_general3A_7 = tpu.matmul %get3A_1, %get3A_6, %dot_general3A {dimension_numbers = #tpu.dot_dimension_numbers<[1], [0], [0], [1], [0, 0, 1, 1], [], []>, transpose_lhs_hint = false} : vector<1000x128xf32>, vector<128x128xf32>, vector<1000x128xf32> -> vector<1000x128xf32>
    %swap3A = arith.constant 0 : index
    %swap3A_8 = arith.constant 0 : index
    %swap3A_9 = arith.constant 0 : index
    %swap3A_10 = vector.load %arg3[%swap3A, %swap3A_8, %swap3A_9] : memref<9x1000x128xf32, #tpu.memory_space<vmem>>, vector<1x1000x128xf32>
    %swap3A_11 = vector.shape_cast %swap3A_10 : vector<1x1000x128xf32> to vector<1000x128xf32>
    %swap3A_12 = vector.shape_cast %dot_general3A_7 : vector<1000x128xf32> to vector<1x1000x128xf32>
    tpu.vector_store %arg3[%swap3A, %swap3A_8, %swap3A_9], %swap3A_12 {strides = array<i32>} : memref<9x1000x128xf32, #tpu.memory_space<vmem>>, vector<1x1000x128xf32>,
    %get3A_13 = arith.constant 0 : index
    %get3A_14 = arith.constant 0 : index
    %get3A_15 = vector.load %arg1[%get3A_13, %get3A_14] : memref<1000x128xf32, #tpu.memory_space<vmem>>, vector<1000x128xf32>
    %get3A_16 = arith.constant 1 : index
    %get3A_17 = arith.constant 0 : index
    %get3A_18 = arith.constant 0 : index
    %get3A_19 = vector.load %arg2[%get3A_16, %get3A_17, %get3A_18] : memref<9x128x128xf32, #tpu.memory_space<vmem>>, vector<1x128x128xf32>
    %get3A_20 = vector.shape_cast %get3A_19 : vector<1x128x128xf32> to vector<128x128xf32>
    %dot_general3A_21 = arith.constant dense<0.000000e+00> : vector<1000x128xf32>
    %dot_general3A_22 = tpu.matmul %get3A_15, %get3A_20, %dot_general3A_21 {dimension_numbers = #tpu.dot_dimension_numbers<[1], [0], [0], [1], [0, 0, 1, 1], [], []>, transpose_lhs_hint = false} : vector<1000x128xf32>, vector<128x128xf32>, vector<1000x128xf32> -> vector<1000x128xf32>
    %swap3A_23 = arith.constant 1 : index
    %swap3A_24 = arith.constant 0 : index
    %swap3A_25 = arith.constant 0 : index
    %swap3A_26 = vector.load %arg3[%swap3A_23, %swap3A_24, %swap3A_25] : memref<9x1000x128xf32, #tpu.memory_space<vmem>>, vector<1x1000x128xf32>
    %swap3A_27 = vector.shape_cast %swap3A_26 : vector<1x1000x128xf32> to vector<1000x128xf32>
    %swap3A_28 = vector.shape_cast %dot_general3A_22 : vector<1000x128xf32> to vector<1x1000x128xf32>
    tpu.vector_store %arg3[%swap3A_23, %swap3A_24, %swap3A_25], %swap3A_28 {strides = array<i32>} : memref<9x1000x128xf32, #tpu.memory_space<vmem>>, vector<1x1000x128xf32>,
    %get3A_29 = arith.constant 0 : index
    %get3A_30 = arith.constant 0 : index
    %get3A_31 = vector.load %arg1[%get3A_29, %get3A_30] : memref<1000x128xf32, #tpu.memory_space<vmem>>, vector<1000x128xf32>
    %get3A_32 = arith.constant 2 : index
    %get3A_33 = arith.constant 0 : index
    %get3A_34 = arith.constant 0 : index
    %get3A_35 = vector.load %arg2[%get3A_32, %get3A_33, %get3A_34] : memref<9x128x128xf32, #tpu.memory_space<vmem>>, vector<1x128x128xf32>
    %get3A_36 = vector.shape_cast %get3A_35 : vector<1x128x128xf32> to vector<128x128xf32>
    %dot_general3A_37 = arith.constant dense<0.000000e+00> : vector<1000x128xf32>
    %dot_general3A_38 = tpu.matmul %get3A_31, %get3A_36, %dot_general3A_37 {dimension_numbers = #tpu.dot_dimension_numbers<[1], [0], [0], [1], [0, 0, 1, 1], [], []>, transpose_lhs_hint = false} : vector<1000x128xf32>, vector<128x128xf32>, vector<1000x128xf32> -> vector<1000x128xf32>
    %swap3A_39 = arith.constant 2 : index
    %swap3A_40 = arith.constant 0 : index
    %swap3A_41 = arith.constant 0 : index
    %swap3A_42 = vector.load %arg3[%swap3A_39, %swap3A_40, %swap3A_41] : memref<9x1000x128xf32, #tpu.memory_space<vmem>>, vector<1x1000x128xf32>
    %swap3A_43 = vector.shape_cast %swap3A_42 : vector<1x1000x128xf32> to vector<1000x128xf32>
    %swap3A_44 = vector.shape_cast %dot_general3A_38 : vector<1000x128xf32> to vector<1x1000x128xf32>
    tpu.vector_store %arg3[%swap3A_39, %swap3A_40, %swap3A_41], %swap3A_44 {strides = array<i32>} : memref<9x1000x128xf32, #tpu.memory_space<vmem>>, vector<1x1000x128xf32>,
    %get3A_45 = arith.constant 0 : index
    %get3A_46 = arith.constant 0 : index
    %get3A_47 = vector.load %arg1[%get3A_45, %get3A_46] : memref<1000x128xf32, #tpu.memory_space<vmem>>, vector<1000x128xf32>
    %get3A_48 = arith.constant 3 : index
    %get3A_49 = arith.constant 0 : index
    %get3A_50 = arith.constant 0 : index
    %get3A_51 = vector.load %arg2[%get3A_48, %get3A_49, %get3A_50] : memref<9x128x128xf32, #tpu.memory_space<vmem>>, vector<1x128x128xf32>
    %get3A_52 = vector.shape_cast %get3A_51 : vector<1x128x128xf32> to vector<128x128xf32>
    %dot_general3A_53 = arith.constant dense<0.000000e+00> : vector<1000x128xf32>
    %dot_general3A_54 = tpu.matmul %get3A_47, %get3A_52, %dot_general3A_53 {dimension_numbers = #tpu.dot_dimension_numbers<[1], [0], [0], [1], [0, 0, 1, 1], [], []>, transpose_lhs_hint = false} : vector<1000x128xf32>, vector<128x128xf32>, vector<1000x128xf32> -> vector<1000x128xf32>
    %swap3A_55 = arith.constant 3 : index
    %swap3A_56 = arith.constant 0 : index
    %swap3A_57 = arith.constant 0 : index
    %swap3A_58 = vector.load %arg3[%swap3A_55, %swap3A_56, %swap3A_57] : memref<9x1000x128xf32, #tpu.memory_space<vmem>>, vector<1x1000x128xf32>
    %swap3A_59 = vector.shape_cast %swap3A_58 : vector<1x1000x128xf32> to vector<1000x128xf32>
    %swap3A_60 = vector.shape_cast %dot_general3A_54 : vector<1000x128xf32> to vector<1x1000x128xf32>
    tpu.vector_store %arg3[%swap3A_55, %swap3A_56, %swap3A_57], %swap3A_60 {strides = array<i32>} : memref<9x1000x128xf32, #tpu.memory_space<vmem>>, vector<1x1000x128xf32>,
    %get3A_61 = arith.constant 0 : index
    %get3A_62 = arith.constant 0 : index
    %get3A_63 = vector.load %arg1[%get3A_61, %get3A_62] : memref<1000x128xf32, #tpu.memory_space<vmem>>, vector<1000x128xf32>
    %get3A_64 = arith.constant 4 : index
    %get3A_65 = arith.constant 0 : index
    %get3A_66 = arith.constant 0 : index
    %get3A_67 = vector.load %arg2[%get3A_64, %get3A_65, %get3A_66] : memref<9x128x128xf32, #tpu.memory_space<vmem>>, vector<1x128x128xf32>
    %get3A_68 = vector.shape_cast %get3A_67 : vector<1x128x128xf32> to vector<128x128xf32>
    %dot_general3A_69 = arith.constant dense<0.000000e+00> : vector<1000x128xf32>
    %dot_general3A_70 = tpu.matmul %get3A_63, %get3A_68, %dot_general3A_69 {dimension_numbers = #tpu.dot_dimension_numbers<[1], [0], [0], [1], [0, 0, 1, 1], [], []>, transpose_lhs_hint = false} : vector<1000x128xf32>, vector<128x128xf32>, vector<1000x128xf32> -> vector<1000x128xf32>
    %swap3A_71 = arith.constant 4 : index
    %swap3A_72 = arith.constant 0 : index
    %swap3A_73 = arith.constant 0 : index
    %swap3A_74 = vector.load %arg3[%swap3A_71, %swap3A_72, %swap3A_73] : memref<9x1000x128xf32, #tpu.memory_space<vmem>>, vector<1x1000x128xf32>
    %swap3A_75 = vector.shape_cast %swap3A_74 : vector<1x1000x128xf32> to vector<1000x128xf32>
    %swap3A_76 = vector.shape_cast %dot_general3A_70 : vector<1000x128xf32> to vector<1x1000x128xf32>
    tpu.vector_store %arg3[%swap3A_71, %swap3A_72, %swap3A_73], %swap3A_76 {strides = array<i32>} : memref<9x1000x128xf32, #tpu.memory_space<vmem>>, vector<1x1000x128xf32>,
    %get3A_77 = arith.constant 0 : index
    %get3A_78 = arith.constant 0 : index
    %get3A_79 = vector.load %arg1[%get3A_77, %get3A_78] : memref<1000x128xf32, #tpu.memory_space<vmem>>, vector<1000x128xf32>
    %get3A_80 = arith.constant 5 : index
    %get3A_81 = arith.constant 0 : index
    %get3A_82 = arith.constant 0 : index
    %get3A_83 = vector.load %arg2[%get3A_80, %get3A_81, %get3A_82] : memref<9x128x128xf32, #tpu.memory_space<vmem>>, vector<1x128x128xf32>
    %get3A_84 = vector.shape_cast %get3A_83 : vector<1x128x128xf32> to vector<128x128xf32>
    %dot_general3A_85 = arith.constant dense<0.000000e+00> : vector<1000x128xf32>
    %dot_general3A_86 = tpu.matmul %get3A_79, %get3A_84, %dot_general3A_85 {dimension_numbers = #tpu.dot_dimension_numbers<[1], [0], [0], [1], [0, 0, 1, 1], [], []>, transpose_lhs_hint = false} : vector<1000x128xf32>, vector<128x128xf32>, vector<1000x128xf32> -> vector<1000x128xf32>
    %swap3A_87 = arith.constant 5 : index
    %swap3A_88 = arith.constant 0 : index
    %swap3A_89 = arith.constant 0 : index
    %swap3A_90 = vector.load %arg3[%swap3A_87, %swap3A_88, %swap3A_89] : memref<9x1000x128xf32, #tpu.memory_space<vmem>>, vector<1x1000x128xf32>
    %swap3A_91 = vector.shape_cast %swap3A_90 : vector<1x1000x128xf32> to vector<1000x128xf32>
    %swap3A_92 = vector.shape_cast %dot_general3A_86 : vector<1000x128xf32> to vector<1x1000x128xf32>
    tpu.vector_store %arg3[%swap3A_87, %swap3A_88, %swap3A_89], %swap3A_92 {strides = array<i32>} : memref<9x1000x128xf32, #tpu.memory_space<vmem>>, vector<1x1000x128xf32>,
    %get3A_93 = arith.constant 0 : index
    %get3A_94 = arith.constant 0 : index
    %get3A_95 = vector.load %arg1[%get3A_93, %get3A_94] : memref<1000x128xf32, #tpu.memory_space<vmem>>, vector<1000x128xf32>
    %get3A_96 = arith.constant 6 : index
    %get3A_97 = arith.constant 0 : index
    %get3A_98 = arith.constant 0 : index
    %get3A_99 = vector.load %arg2[%get3A_96, %get3A_97, %get3A_98] : memref<9x128x128xf32, #tpu.memory_space<vmem>>, vector<1x128x128xf32>
    %get3A_100 = vector.shape_cast %get3A_99 : vector<1x128x128xf32> to vector<128x128xf32>
    %dot_general3A_101 = arith.constant dense<0.000000e+00> : vector<1000x128xf32>
    %dot_general3A_102 = tpu.matmul %get3A_95, %get3A_100, %dot_general3A_101 {dimension_numbers = #tpu.dot_dimension_numbers<[1], [0], [0], [1], [0, 0, 1, 1], [], []>, transpose_lhs_hint = false} : vector<1000x128xf32>, vector<128x128xf32>, vector<1000x128xf32> -> vector<1000x128xf32>
    %swap3A_103 = arith.constant 6 : index
    %swap3A_104 = arith.constant 0 : index
    %swap3A_105 = arith.constant 0 : index
    %swap3A_106 = vector.load %arg3[%swap3A_103, %swap3A_104, %swap3A_105] : memref<9x1000x128xf32, #tpu.memory_space<vmem>>, vector<1x1000x128xf32>
    %swap3A_107 = vector.shape_cast %swap3A_106 : vector<1x1000x128xf32> to vector<1000x128xf32>
    %swap3A_108 = vector.shape_cast %dot_general3A_102 : vector<1000x128xf32> to vector<1x1000x128xf32>
    tpu.vector_store %arg3[%swap3A_103, %swap3A_104, %swap3A_105], %swap3A_108 {strides = array<i32>} : memref<9x1000x128xf32, #tpu.memory_space<vmem>>, vector<1x1000x128xf32>,
    %get3A_109 = arith.constant 0 : index
    %get3A_110 = arith.constant 0 : index
    %get3A_111 = vector.load %arg1[%get3A_109, %get3A_110] : memref<1000x128xf32, #tpu.memory_space<vmem>>, vector<1000x128xf32>
    %get3A_112 = arith.constant 7 : index
    %get3A_113 = arith.constant 0 : index
    %get3A_114 = arith.constant 0 : index
    %get3A_115 = vector.load %arg2[%get3A_112, %get3A_113, %get3A_114] : memref<9x128x128xf32, #tpu.memory_space<vmem>>, vector<1x128x128xf32>
    %get3A_116 = vector.shape_cast %get3A_115 : vector<1x128x128xf32> to vector<128x128xf32>
    %dot_general3A_117 = arith.constant dense<0.000000e+00> : vector<1000x128xf32>
    %dot_general3A_118 = tpu.matmul %get3A_111, %get3A_116, %dot_general3A_117 {dimension_numbers = #tpu.dot_dimension_numbers<[1], [0], [0], [1], [0, 0, 1, 1], [], []>, transpose_lhs_hint = false} : vector<1000x128xf32>, vector<128x128xf32>, vector<1000x128xf32> -> vector<1000x128xf32>
    %swap3A_119 = arith.constant 7 : index
    %swap3A_120 = arith.constant 0 : index
    %swap3A_121 = arith.constant 0 : index
    %swap3A_122 = vector.load %arg3[%swap3A_119, %swap3A_120, %swap3A_121] : memref<9x1000x128xf32, #tpu.memory_space<vmem>>, vector<1x1000x128xf32>
    %swap3A_123 = vector.shape_cast %swap3A_122 : vector<1x1000x128xf32> to vector<1000x128xf32>
    %swap3A_124 = vector.shape_cast %dot_general3A_118 : vector<1000x128xf32> to vector<1x1000x128xf32>
    tpu.vector_store %arg3[%swap3A_119, %swap3A_120, %swap3A_121], %swap3A_124 {strides = array<i32>} : memref<9x1000x128xf32, #tpu.memory_space<vmem>>, vector<1x1000x128xf32>,
    %get3A_125 = arith.constant 0 : index
    %get3A_126 = arith.constant 0 : index
    %get3A_127 = vector.load %arg1[%get3A_125, %get3A_126] : memref<1000x128xf32, #tpu.memory_space<vmem>>, vector<1000x128xf32>
    %get3A_128 = arith.constant 8 : index
    %get3A_129 = arith.constant 0 : index
    %get3A_130 = arith.constant 0 : index
    %get3A_131 = vector.load %arg2[%get3A_128, %get3A_129, %get3A_130] : memref<9x128x128xf32, #tpu.memory_space<vmem>>, vector<1x128x128xf32>
    %get3A_132 = vector.shape_cast %get3A_131 : vector<1x128x128xf32> to vector<128x128xf32>
    %dot_general3A_133 = arith.constant dense<0.000000e+00> : vector<1000x128xf32>
    %dot_general3A_134 = tpu.matmul %get3A_127, %get3A_132, %dot_general3A_133 {dimension_numbers = #tpu.dot_dimension_numbers<[1], [0], [0], [1], [0, 0, 1, 1], [], []>, transpose_lhs_hint = false} : vector<1000x128xf32>, vector<128x128xf32>, vector<1000x128xf32> -> vector<1000x128xf32>
    %swap3A_135 = arith.constant 8 : index
    %swap3A_136 = arith.constant 0 : index
    %swap3A_137 = arith.constant 0 : index
    %swap3A_138 = vector.load %arg3[%swap3A_135, %swap3A_136, %swap3A_137] : memref<9x1000x128xf32, #tpu.memory_space<vmem>>, vector<1x1000x128xf32>
    %swap3A_139 = vector.shape_cast %swap3A_138 : vector<1x1000x128xf32> to vector<1000x128xf32>
    %swap3A_140 = vector.shape_cast %dot_general3A_134 : vector<1000x128xf32> to vector<1x1000x128xf32>
    tpu.vector_store %arg3[%swap3A_135, %swap3A_136, %swap3A_137], %swap3A_140 {strides = array<i32>} : memref<9x1000x128xf32, #tpu.memory_space<vmem>>, vector<1x1000x128xf32>,
    return
  }
  func.func @transform_0(%arg0: i32) -> (i32, i32) {
    %c0_i32 = arith.constant 0 : i32
    %c0_i32_0 = arith.constant 0 : i32
    return %arg0, %c0_i32 : i32, i32
  }
  func.func @transform_1(%arg0: i32) -> (i32, i32, i32) {
    %c0_i32 = arith.constant 0 : i32
    %c0_i32_0 = arith.constant 0 : i32
    %c0_i32_1 = arith.constant 0 : i32
    %c0_i32_2 = arith.constant 0 : i32
    return %c0_i32, %c0_i32_0, %c0_i32_1 : i32, i32, i32
  }
  func.func @transform_2(%arg0: i32) -> (i32, i32, i32) {
    %c0_i32 = arith.constant 0 : i32
    %c0_i32_0 = arith.constant 0 : i32
    %c0_i32_1 = arith.constant 0 : i32
    return %c0_i32, %arg0, %c0_i32_0 : i32, i32, i32
  }
}

module attributes {stable_mosaic.version = 14 : i64} {
  func.func @body(%arg0: i32, %arg1: memref<1x1000x128xf32, #tpu.memory_space<vmem>>, %arg2: memref<2x1000x128xf32, #tpu.memory_space<vmem>>, %arg3: memref<128xf32, #tpu.memory_space<vmem>>, %arg4: memref<1000x128xf32, #tpu.memory_space<vmem>>) attributes {dimension_semantics = [#tpu.dimension_semantics<arbitrary>], iteration_bounds = array<i64: 10>, scalar_prefetch = 0 : i64, scratch_operands = 0 : i64, tpu.core_type = #tpu.core_type<tc>, window_params = [{transform_indices = @transform_0, window_bounds = array<i64: 1, 1000, 128>}, {transform_indices = @transform_1, window_bounds = array<i64: 2, 1000, 128>}, {pipeline_mode = #tpu.pipeline_mode<synchronous>, transform_indices = @transform_2, window_bounds = array<i64: 128>}, {transform_indices = @transform_3, window_bounds = array<i64: 1000, 128>}]} {
    %get3A = arith.constant 0 : index
    %get3A_0 = arith.constant 0 : index
    %get3A_1 = arith.constant 0 : index
    %get3A_2 = vector.load %arg1[%get3A, %get3A_0, %get3A_1] : memref<1x1000x128xf32, #tpu.memory_space<vmem>>, vector<1x1000x128xf32>
    %get3A_3 = vector.shape_cast %get3A_2 : vector<1x1000x128xf32> to vector<1000x128xf32>
    %get3A_4 = arith.constant 0 : index
    %get3A_5 = arith.constant 0 : index
    %get3A_6 = arith.constant 0 : index
    %get3A_7 = vector.load %arg2[%get3A_4, %get3A_5, %get3A_6] : memref<2x1000x128xf32, #tpu.memory_space<vmem>>, vector<1x1000x128xf32>
    %get3A_8 = vector.shape_cast %get3A_7 : vector<1x1000x128xf32> to vector<1000x128xf32>
    %add3A = arith.addf %get3A_3, %get3A_8 : vector<1000x128xf32>
    %get3A_9 = arith.constant 1 : index
    %get3A_10 = arith.constant 0 : index
    %get3A_11 = arith.constant 0 : index
    %get3A_12 = vector.load %arg2[%get3A_9, %get3A_10, %get3A_11] : memref<2x1000x128xf32, #tpu.memory_space<vmem>>, vector<1x1000x128xf32>
    %get3A_13 = vector.shape_cast %get3A_12 : vector<1x1000x128xf32> to vector<1000x128xf32>
    %add3A_14 = arith.addf %add3A, %get3A_13 : vector<1000x128xf32>
    %get3A_15 = arith.constant 0 : index
    %get3A_16 = vector.load %arg3[%get3A_15] : memref<128xf32, #tpu.memory_space<vmem>>, vector<128xf32>
    %broadcast_in_dim3A = vector.shape_cast %get3A_16 : vector<128xf32> to vector<1x128xf32>
    %add3A_17 = vector.broadcast %broadcast_in_dim3A : vector<1x128xf32> to vector<1000x128xf32>
    %add3A_18 = arith.addf %add3A_14, %add3A_17 : vector<1000x128xf32>
    %ge3A = arith.constant 0.000000e+00 : f32
    %ge3A_19 = vector.broadcast %ge3A : f32 to vector<1000x128xf32>
    %ge3A_20 = arith.cmpf oge, %add3A_18, %ge3A_19 : vector<1000x128xf32>
    %mul3A = arith.constant 2.000000e-01 : f32
    %mul3A_21 = vector.broadcast %mul3A : f32 to vector<1000x128xf32>
    %mul3A_22 = arith.mulf %mul3A_21, %add3A_18 : vector<1000x128xf32>
    %select_n3A = arith.select %ge3A_20, %add3A_18, %mul3A_22 : vector<1000x128xi1>, vector<1000x128xf32>
    %swap3A = arith.constant 0 : index
    %swap3A_23 = arith.constant 0 : index
    %swap3A_24 = vector.load %arg4[%swap3A, %swap3A_23] : memref<1000x128xf32, #tpu.memory_space<vmem>>, vector<1000x128xf32>
    tpu.vector_store %arg4[%swap3A, %swap3A_23], %select_n3A {strides = array<i32>} : memref<1000x128xf32, #tpu.memory_space<vmem>>, vector<1000x128xf32>,
    return
  }
  func.func @transform_0(%arg0: i32) -> (i32, i32, i32) {
    %c8_i32 = arith.constant 8 : i32
    %c0_i32 = arith.constant 0 : i32
    %c0_i32_0 = arith.constant 0 : i32
    return %c8_i32, %arg0, %c0_i32 : i32, i32, i32
  }
  func.func @transform_1(%arg0: i32) -> (i32, i32, i32) {
    %c0_i32 = arith.constant 0 : i32
    %c0_i32_0 = arith.constant 0 : i32
    %c0_i32_1 = arith.constant 0 : i32
    return %c0_i32, %arg0, %c0_i32_0 : i32, i32, i32
  }
  func.func @transform_2(%arg0: i32) -> i32 {
    %c0_i32 = arith.constant 0 : i32
    %c0_i32_0 = arith.constant 0 : i32
    return %c0_i32 : i32
  }
  func.func @transform_3(%arg0: i32) -> (i32, i32) {
    %c0_i32 = arith.constant 0 : i32
    %c0_i32_0 = arith.constant 0 : i32
    return %arg0, %c0_i32 : i32, i32
  }
}

</mosaic_0001>

<sc_bundles>
// kernel: kernel.6.cloned.1.call-start
scs
__scs_entry_jumppad:
0x0: {  	(pc) =	sbr.rel $0x88, $3  }
0x1: {  	(tag) =	ssettag $0x0;
	lr =	simm.s32 $0x1  }
0x2: {  	[smem:$0x3F9B] =	sst lr;
	_ =	strace $0xD0000000  }
0x3: {  	_ = 	snop  }
0x4: {  	_ = 	snop  }
0x5: {  	_ = 	snop  }
0x6: {  	_ = 	snop  }
0x7: {  	_ = 	snop  }
__scs_overlays_trampoline_lowered:
0x8: {  	[smem:$0x3FAA] =	sst s0  }
0x9: {  	[smem:$0x3FAB] =	sst s1  }
0xa: {  	[smem:$0x3FAC] =	sst s2  }
0xb: {  	[smem:$0x3FAD] =	sst s3  }
0xc: {  	[smem:$0x3FAE] =	sst s4  }
0xd: {  	[smem:$0x3FAF] =	sst s5  }
0xe: {  	[smem:$0x3FB0] =	sst s6  }
0xf: {  	[smem:$0x3FB1] =	sst s7  }
0x10: {  	[smem:$0x3FB2] =	sst s8  }
0x11: {  	[smem:$0x3FB3] =	sst s9;
	s0 =	simm.s32 @!p0 $0x0  }
0x12: {  	s1 =	sld [smem:$0x3F99];
	s0 =	simm.s32 @p0 $0x1  }
0x13: {  	[smem:$0x3FB4] =	sst s0;
	s0 =	simm.s32 @!p1 $0x0  }
0x14: {  	s2 =	sld [smem:$0x3F98];
	s0 =	simm.s32 @p1 $0x1  }
0x15: {  	[smem:$0x3FB5] =	sst s0;
	s0 =	simm.s32 @!p2 $0x0  }
0x16: {  	s3 =	sld [smem:$0x3FDB];
	s0 =	simm.s32 @p2 $0x1  }
0x17: {  	s4 =	simm.s32 $0x1BF5;
	[smem:$0x3FB7] =	sst s0  }
0x18: {  	s0 =	sld [smem:$0x3F9A];
	_ =	swait.ge [sflag:s4], $0x0  }
0x19: {  	s7 =	sld [smem:$0x3F9B]  }
0x1a: {  	s8 =	sadd.s32 $0xFFFFE003, lr  }
0x1b: {  	s9 =	sadd.s32 $0xFFFFFEF7, lr;
	s5 =	simm.s32 $0xFFFFFFFF;
	p2 =	slt.u32 s8, $0xFFFFF086  }
0x1c: {  	p1 =	slt.u32 s9, $0xF7A;
	s5 =	simm.s32 @!p2 $0x0  }
0x1d: {  	s5 =	simm.s32 @p1 $0x1;
	p0 =	seq.s32 s7, s2  }
0x1e: {  	s7 =	smul.u32 @!p0 $0xF7A, s2;
	p2 =	seq.s32 @!p0 s5, $0x0  }
0x1f: {  	s9 =	smul.u32 $0xF7A, s1;
	s8 =	simm.s32 @!p0 $0x1BF5;
	p2 =	por !p2, p0  }
0x20: {  	[sflag:s8] =	ssyncset.s32 @!p0 $0xFFFFF086;
	s6 =	sadd.s32 @!p0 s3, s7;
	s7 =	simm.s32 @!p0 $0x108  }
0x21: {  	s3 =	sadd.s32 s3, s9;
	s6 =	sadd.s32 @!p0 $0x88, s6;
	s7 =	simm.s32 @p2 $0x1082  }
0x22: {  	[simem:s7], [sflag:s8] =	dma.local @!p0 [hbm:s6], $0xF7A  }
0x23: {  	s9 =	sor.u32 $0xD0000000, s2;
	s6 =	simm.s32 $0x108;
	_ =	swait.ge @!p0 [sflag:s8], $0x0  }
0x24: {  	s3 =	sadd.s32 $0x88, s3;
	s6 =	simm.s32 @!p1 $0x1082;
	[sflag:s4] =	ssyncset.s32 $0xFFFFF086  }
0x25: {  	[simem:s6], [sflag:s4] =	dma.local [hbm:s3], $0xF7A  }
0x26: {  	[smem:$0x3F9B] =	sst s1;
	(tag) =	ssettag s2;
	_ =	strace s9  }
0x27: {  	s1 =	sld [smem:$0x3FAB]  }
0x28: {  	s2 =	sld [smem:$0x3FAC]  }
0x29: {  	s4 =	sld [smem:$0x3FAE]  }
0x2a: {  	p0 =	seq.s32 s5, $0x0;
	s5 =	sld [smem:$0x3FAF]  }
0x2b: {  	s6 =	sld [smem:$0x3FB0]  }
0x2c: {  	s7 =	sld [smem:$0x3FB1]  }
0x2d: {  	s3 =	simm.s32 $0x108;
	s8 =	sld [smem:$0x3FB2]  }
0x2e: {  	s3 =	simm.s32 @!p0 $0x1082;
	s9 =	sld [smem:$0x3FB3]  }
0x2f: {  	lr =	sadd.s32 s0, s3;
	s0 =	sld [smem:$0x3FAA]  }
0x30: {  	s3 =	sld [smem:$0x3FAD]  }
0x31: {  	[smem:$0x3FB6] =	sst s10  }
0x32: {  	s10 =	sld [smem:$0x3FB4];
	_ =	sdelay $0x3  }
0x33: {  	p0 =	seq.s32 s10, $0x1;
	s10 =	sld [smem:$0x3FB6];
	_ =	sdelay $0x3  }
0x34: {  	[smem:$0x3FB6] =	sst s10  }
0x35: {  	s10 =	sld [smem:$0x3FB5];
	_ =	sdelay $0x3  }
0x36: {  	p1 =	seq.s32 s10, $0x1;
	s10 =	sld [smem:$0x3FB6];
	_ =	sdelay $0x3  }
0x37: {  	[smem:$0x3FB6] =	sst s10  }
0x38: {  	s10 =	sld [smem:$0x3FB7]  }
0x39: {  	_ = 	snop;
	(pc) =	sbr.ind lr, $3  }
0x3a: {  	_ = 	snop  }
0x3b: {  	_ = 	snop  }
0x3c: {  	p2 =	seq.s32 s10, $0x1;
	s10 =	sld [smem:$0x3FB6]  }
0x3d: {  	_ =	shalt  }
0x3e: {  	_ =	shalt  }
0x3f: {  	_ =	shalt  }
0x40: {  	_ =	shalt  }
0x41: {  	_ =	shalt  }
0x42: {  	_ =	shalt  }
0x43: {  	_ =	shalt  }
0x44: {  	_ =	shalt  }
0x45: {  	_ =	shalt  }
0x46: {  	_ =	shalt  }
0x47: {  	_ =	shalt  }
0x48: {  	_ =	shalt  }
0x49: {  	_ =	shalt  }
0x4a: {  	_ =	shalt  }
0x4b: {  	_ =	shalt  }
0x4c: {  	_ =	shalt  }
0x4d: {  	_ =	shalt  }
0x4e: {  	_ =	shalt  }
0x4f: {  	_ =	shalt  }
0x50: {  	_ =	shalt  }
0x51: {  	_ =	shalt  }
0x52: {  	_ =	shalt  }
0x53: {  	_ =	shalt  }
0x54: {  	_ =	shalt  }
0x55: {  	_ =	shalt  }
0x56: {  	_ =	shalt  }
0x57: {  	_ =	shalt  }
0x58: {  	_ =	shalt  }
0x59: {  	_ =	shalt  }
0x5a: {  	_ =	shalt  }
0x5b: {  	_ =	shalt  }
0x5c: {  	_ =	shalt  }
0x5d: {  	_ =	shalt  }
0x5e: {  	_ =	shalt  }
0x5f: {  	_ =	shalt  }
0x60: {  	_ =	shalt  }
0x61: {  	_ =	shalt  }
0x62: {  	_ =	shalt  }
0x63: {  	_ =	shalt  }
0x64: {  	_ =	shalt  }
0x65: {  	_ =	shalt  }
0x66: {  	_ =	shalt  }
0x67: {  	_ =	shalt  }
0x68: {  	_ =	shalt  }
0x69: {  	_ =	shalt  }
0x6a: {  	_ =	shalt  }
0x6b: {  	_ =	shalt  }
0x6c: {  	_ =	shalt  }
0x6d: {  	_ =	shalt  }
0x6e: {  	_ =	shalt  }
0x6f: {  	_ =	shalt  }
0x70: {  	_ =	shalt  }
0x71: {  	_ =	shalt  }
0x72: {  	_ =	shalt  }
0x73: {  	_ =	shalt  }
0x74: {  	_ =	shalt  }
0x75: {  	_ =	shalt  }
0x76: {  	_ =	shalt  }
0x77: {  	_ =	shalt  }
0x78: {  	_ =	shalt  }
0x79: {  	_ =	shalt  }
0x7a: {  	_ =	shalt  }
0x7b: {  	_ =	shalt  }
0x7c: {  	_ =	shalt  }
0x7d: {  	_ =	shalt  }
0x7e: {  	_ =	shalt  }
0x7f: {  	_ =	shalt  }
0x80: {  	_ =	shalt  }
0x81: {  	_ =	shalt  }
0x82: {  	_ =	shalt  }
0x83: {  	_ =	shalt  }
0x84: {  	_ =	shalt  }
0x85: {  	_ =	shalt  }
0x86: {  	_ =	shalt  }
0x87: {  	_ =	shalt  }
.Lfunc_end0:
.L_simem_size_0:
called_computation_lowered:
.L_overlay_start_0:
0x88: {  	s2 =	sld [smem:$0x3FD9]  }
0x89: {  	s3 =	sld [smem:$0x3FFE];
	_ =	sdelay $0x1  }
0x8a: {  	s1 =	srdreg.scid  }
0x8b: {  	s0 =	sand.u32 $0x1, s1  }
0x8c: {  	s18 =	sshll.u32 s0, $0xA;
	s2 =	sadd.s32 s3, s2  }
0x8d: {  	s2 =	sadd.s32 s2, s18  }
0x8e: {  	[smem:$0x3FC2] =	sst s2  }
0x8f: {  	_ = 	snop  }
0x90: {  	s2 =	sld [smem:$0x3FC8]  }
0x91: {  	s19 =	sld [smem:$0x3FC7]  }
0x92: {  	s4 =	sld [smem:$0x3FD0];
	(tm) =	ssettm $0x1  }
0x93: {  	s5 =	sld [smem:$0x3FFB];
	_ =	sdelay $0x3  }
0x94: {  	_ =	strace s5  }
0x95: {  	s5 =	sld [smem:$0x3FFC];
	_ =	sdelay $0x3  }
0x96: {  	_ =	strace s5  }
0x97: {  	s5 =	sld [smem:$0x3FFD];
	_ =	sdelay $0x3  }
0x98: {  	_ =	strace s5  }
0x99: {  	_ =	strace $0x8FFFFFFF  }
0x9a: {  	s20 =	sld [smem:$0x3FDB];
	_ =	sdelay $0x1  }
0x9b: {  	s6 =	simm.s32 $_scs_section_size  }
0x9c: {  	s7 =	simm.s32 $_size__tile_overlayer_lowered;
	s8 =	simm.s32 $_tile_overlayer_lowered  }
0x9d: {  	s23 =	simm.s32 $0x1BFF;
	s22 =	sshll.u32 s8, $0x1;
	s5 =	sadd.s32 s6, s20  }
0x9e: {  	s9 =	simm.s32 $0x0;
	s21 =	sshll.u32 s7, $0x1;
	s7 =	sadd.s32 s22, s5  }
0x9f: {  	[timem:s9], [sflag:s23] =	dma.local [hbm:s7], s21  }
0xa0: {  	_ =	swait.ge [sflag:s23], s21  }
0xa1: {  	s6 =	ssub.s32 $0x0, s21;
	[sflag:s23] =	ssyncset.done $0x0  }
0xa2: {  	[sflag:s23] =	ssyncadd.s32 s6;
	_ =	sdelay $0x1  }
0xa3: {  	s24 =	simm.s32 $0x1B8B  }
0xa4: {  	_ =	swait.ge [sflag:s24], $0x1  }
0xa5: {  	[sflag:s24] =	ssyncset.done $0x0  }
0xa6: {  	s25 =	simm.s32 $0x1B8E;
	[sflag:s24] =	ssyncadd.s32 $0xFFFFFFFF  }
0xa7: {  	s26 =	simm.s32 $execute0_lowered;
	[smem:$0x3FD2] =	sst s25  }
0xa8: {  	s6 =	sshll.u32 s26, $0x1;
	_ =	strace $0x80000046;
	[dreg:$0x1] =	wrdreg $0xFFFFFFFF  }
0xa9: {  	s28 =	simm.s32 $_size_execute0_lowered;
	s5 =	sadd.s32 s5, s6;
	[dreg:$0x0] =	wrdreg $0x0  }
0xaa: {  	s6 =	sshll.u32 s28, $0x1;
	[dreg:$0x2] =	wrdreg s5  }
0xab: {  	[dreg:$0x3] =	wrdreg s6  }
0xac: {  	[dreg:$0x4] =	wrdreg $0xC0  }
0xad: {  	_ =	task [dreg:s9], $0x5FFFF  }
0xae: {  	[dreg:$0x1] =	wrdreg $0xFFFFFFFF  }
0xaf: {  	[dreg:$0x0] =	wrdreg $0x60  }
0xb0: {  	[dreg:$0x2] =	wrdreg s2  }
0xb1: {  	[dreg:$0x3] =	wrdreg s19  }
0xb2: {  	[dreg:$0x4] =	wrdreg s4  }
0xb3: {  	[dreg:$0x5] =	wrdreg $0x0  }
0xb4: {  	[dreg:$0x6] =	wrdreg $0x9  }
0xb5: {  	_ =	task.clear_ibuf [dreg:s9], $0x7FFFF;
	_ =	strace $0x90000046  }
0xb6: {  	s29 =	simm.s32 $0x9;
	_ =	strace $0x80000048  }
0xb7: {  	_ =	swait.ge [sflag:s29], $0x1  }
0xb8: {  	[sflag:s29] =	ssyncadd.s32 $0xFFFFFFFF  }
0xb9: {  	_ =	strace $0x90000048  }
0xba: {  	_ =	sfence  }
0xbb: {  	s30 =	sld [smem:$0x0];
	_ =	sdelay $0x2  }
0xbc: {  	s31 =	sshll.u32 s1, $0xD;
	s1 =	sshrl.u32 s1, $0x2  }
0xbd: {  	s3 =	sand.u32 $0x4000, s31;
	s1 =	sadd.s32 s1, s30  }
0xbe: {  	s0 =	sor.u32 s3, s0;
	s1 =	sshll.u32 s1, $0x11  }
0xbf: {  	s0 =	sor.u32 s1, s0  }
0xc0: {  	s0 =	sadd.s32 $0x8F2B, s0  }
0xc1: {  	[sflag:s0] =	ssyncadd.remote.s32 $0x1  }
0xc2: {  	_ =	sfence.sel $0xFFFF  }
0xc3: {  	[dreg:$0x0] =	wrdreg $0xFFFFFFFF;
	(pc) =	sbr.abs _section_cstart, $3  }
0xc4: {  	[dreg:$0x1] =	wrdreg $0xFFFFFFFF  }
0xc5: {  	_ =	task.clear_ibuf [dreg:s9], $0x2FFFF;
	_ =	strace $0x9FFFFFFF  }
0xc6: {  	(tm) =	ssettm $0x7FFFFFFF  }
0xc7: {  	_ =	shalt  }
tec
execute0_lowered:
.L_overlay_start_1:
0x0: {  	(tag) =	ssettag $0x1  }
0x1: {  	s0 =	rddreg [dreg:$0x0]  }
0x2: {  	s2 =	rddreg [dreg:$0x1]  }
0x3: {  	s12 =	rddreg [dreg:$0x2]  }
0x4: {  	s1 =	rddreg [dreg:$0x3];
	s4 =	srdreg.scid  }
0x5: {  	s3 =	simm.s32 $0x0;
	s18 =	stileid.u32;
	s16 =	simm.s32 $0x1  }
0x6: {  	s17 =	simm.s32 $0x1B20;
	s13 =	sand.u32 $0x1, s4;
	[smem:$0x7FF] =	sst s3  }
0x7: {  	s10 =	smul.u32 $0x13A0, s18;
	s28 =	sshll.u32 s18, $0x5;
	s29 =	sshll.u32 s18, $0x4  }
0x8: {  	s4 =	ssub.s32 $0x2, s13;
	s6 =	sshll.u32 s13, $0x4;
	_ =	strace $0x80000047  }
0x9: {  	s15 =	smul.u32 $0x13A00, s13;
	s26 =	sshll.u32 s13, $0x8;
	s13 =	sshll.u32 s13, $0x9  }
0xa: {  	s5 =	sshrl.u32 s4, $0x1;
	s7 =	sor.u32 s18, s6;
	s18 =	simm.s32 $0x6  }
0xb: {  	s14 =	ssub.s32 s4, s5;
	s4 =	sadd.s32 s10, s1;
	p0 =	sgt.u32 s7, $0x3  }
0xc: {  	s5 =	simm.s32 $0x4E;
	s8 =	sshll.u32 s7, $0x5;
	s9 =	sshll.u32 s7, $0x4  }
0xd: {  	s11 =	sor.u32 $0x20, s7;
	s19 =	sadd.s32 s0, s8;
	[dreg:$0x5] =	wrdreg s4  }
0xe: {  	s10 =	sadd.s32 s10, s15;
	s20 =	sadd.s32 s2, s9;
	[dreg:$0x7] =	wrdreg s19  }
0xf: {  	s6 =	sadd.s32 $0x9D0, s4;
	s31 =	smax.u32 s14, $0x1;
	[dreg:$0x8] =	wrdreg s20  }
0x10: {  	s5 =	simm.s32 @!p0 $0x4F;
	s21 =	sshll.u32 s11, $0x5;
	[dreg:$0xe] =	wrdreg s31  }
0x11: {  	s11 =	sshll.u32 s11, $0x4;
	s22 =	sadd.s32 s0, s21;
	[dreg:$0x6] =	wrdreg s6  }
0x12: {  	s16 =	simm.s32 @!p0 $0x0;
	s23 =	sadd.s32 s2, s11;
	[dreg:$0x9] =	wrdreg s22  }
0x13: {  	s15 =	sshrl.u32 s10, $0x3;
	s24 =	sor.u32 $0x4, s16;
	[dreg:$0xa] =	wrdreg s23  }
.Ltmp0:
0x14: {  	s25 =	sadd.s32 s12, s15;
	[dreg:$0xb] =	wrdreg s24;
	(pc) =	sbr.rel .LBB2_1-.Ltmp0, $4  }
0x15: {  	s2 =	sadd.s32 s26, s2;
	s16 =	sor.u32 s28, s13;
	[dreg:$0xc] =	wrdreg s25  }
0x16: {  	s30 =	sadd.s32 $0x13A, s25;
	s2 =	sadd.s32 s29, s2;
	s0 =	sadd.s32 s16, s0  }
0x17: {  	s23 =	simm.s32 $0x80;
	s24 =	simm.s32 $0x1AA0;
	s25 =	simm.s32 $0x0  }
0x18: {  	v0 =	vimm.f32 $0.0e+00;
	v1 =	vimm.f32 $1.000000000e+00;
	[dreg:$0xd] =	wrdreg s30;
	s15 =	sadd.s32 $0x400, s2;
	s16 =	sadd.s32 $0x800, s0  }
.LBB2_7:
0x19: {  	s0 =	rddreg [dreg:$0xb]  }
0x1a: {  	_ =	swait.ge [sflag:s0], $0x80  }
0x1b: {  	[sflag:s0] =	ssyncset.done $0x0  }
0x1c: {  	[sflag:s0] =	ssyncadd.s32 $0xFFFFFF80  }
0x1d: {  	[bflag:$0x0] =	sbarrier.arrive $0xFFFF  }
0x1e: {  	s4 =	rddreg [dreg:$0x5]  }
0x1f: {  	[tilespmem:s17], [sflag:$0x6] =	stream.linear.gather [spmem:s4], $0x9D0, $0x38;
	[tilespmem:$0x2520] =	vst v63  }
0x20: {  	_ =	swait.ge [sflag:s18], $0x9D0  }
0x21: {  	[sflag:s18] =	ssyncset.done $0x0  }
0x22: {  	s29 =	simm.s32 $0x0;
	s2 =	rddreg [dreg:$0xc];
	[sflag:s18] =	ssyncadd.s32 $0xFFFFF630  }
0x23: {  	[hbm4b:s2+s29] =	stream.linear.scatter [tilespmem:s17], [sflag:$0x6], $0x9D0, $0x38;
	[tilespmem:$0x2520] =	vst v63  }
0x24: {  	_ =	swait.ge [sflag:s18], $0x9D0  }
0x25: {  	[sflag:s18] =	ssyncset.done $0x0  }
0x26: {  	s6 =	rddreg [dreg:$0x6];
	[sflag:s18] =	ssyncadd.s32 $0xFFFFF630  }
0x27: {  	[tilespmem:s17], [sflag:$0x6] =	stream.linear.gather [spmem:s6], $0x9D0, $0x38;
	[tilespmem:$0x2520] =	vst v63  }
0x28: {  	_ =	swait.ge [sflag:s18], $0x9D0  }
0x29: {  	[sflag:s18] =	ssyncset.done $0x0  }
0x2a: {  	s30 =	rddreg [dreg:$0xd];
	[sflag:s18] =	ssyncadd.s32 $0xFFFFF630  }
0x2b: {  	[hbm4b:s30+s29] =	stream.linear.scatter [tilespmem:s17], [sflag:$0x6], $0x9D0, $0x38;
	[tilespmem:$0x2520] =	vst v63  }
0x2c: {  	_ =	swait.ge [sflag:s18], $0x9D0  }
0x2d: {  	s25 =	sadd.s32 $0x1, s25;
	s31 =	rddreg [dreg:$0xe]  }
0x2e: {  	p0 =	sne.s32 s25, s31  }
.Ltmp1:
0x2f: {  	_ = 	snop;
	(pc) =	sbr.rel @!p0 .LBB2_8-.Ltmp1, $3  }
0x30: {  	_ =	sdelay $0x1  }
0x31: {  	[sflag:s18] =	ssyncset.done $0x0  }
0x32: {  	[sflag:s18] =	ssyncadd.s32 $0xFFFFF630  }
.LBB2_1:
0x33: {  	s0 =	simm.s32 $0x40;
	s2 =	simm.s32 $0x0  }
.LBB2_2:
0x34: {  	p0 =	sne.s32 s0, $0x2700;
	[tilespmem:s2+$0x1B20] =	vst v0;
	s2 =	smov.u32 s0;
	s0 =	sadd.s32 $0x40, s0  }
.Ltmp2:
0x35: {  	(pc) =	sbr.rel @p0 .LBB2_2-.Ltmp2, $2  }
0x36: {  	_ =	sdelay $0x2  }
0x37: {  	s2 =	sshra.s32 s2, $0x2  }
0x38: {  	[tilespmem:s2+$0x1B20] =	vst v0  }
0x39: {  	[tilespmem:$0x1AA0] =	vst v1  }
0x3a: {  	[tilespmem:$0x1AB0] =	vst v1  }
0x3b: {  	[tilespmem:$0x1AC0] =	vst v1  }
0x3c: {  	[tilespmem:$0x1AD0] =	vst v1  }
0x3d: {  	[tilespmem:$0x1AE0] =	vst v1  }
0x3e: {  	[tilespmem:$0x1AF0] =	vst v1  }
0x3f: {  	[tilespmem:$0x1B00] =	vst v1  }
0x40: {  	[tilespmem:$0x1B10] =	vst v1  }
0x41: {  	[spmem:s4] =	stream.linear.scatter [tilespmem:s17], [sflag:$0x6], $0x9D0, $0x38;
	[tilespmem:$0x2520] =	vst v63  }
0x42: {  	_ =	swait.ge [sflag:s18], $0x9D0  }
0x43: {  	[sflag:s18] =	ssyncset.done $0x0  }
0x44: {  	[sflag:s18] =	ssyncadd.s32 $0xFFFFF630  }
0x45: {  	[spmem:s6] =	stream.linear.scatter [tilespmem:s17], [sflag:$0x6], $0x9D0, $0x38;
	[tilespmem:$0x2520] =	vst v63  }
0x46: {  	_ =	swait.ge [sflag:s18], $0x9D0  }
0x47: {  	[sflag:s18] =	ssyncset.done $0x0  }
0x48: {  	[sflag:s18] =	ssyncadd.s32 $0xFFFFF630  }
0x49: {  	[bflag:$0x0] =	sbarrier.arrive $0xFFFF  }
0x4a: {  	s28 =	simm.s32 $0x0;
	s13 =	simm.s32 $0x13A0;
	s0 =	rddreg [dreg:$0x7]  }
0x4b: {  	[tilespmem:s13], [sflag:$0x1] =	stream.linear.gather [hbm4b:s0+s28], $0x100, $0x38;
	[tilespmem:$0x2520] =	vst v63  }
0x4c: {  	s19 =	simm.s32 $0x16A0;
	s14 =	rddreg [dreg:$0x8]  }
0x4d: {  	[tilespmem:s19], [sflag:$0x1] =	stream.linear.gather [hbm4b:s14+s28], $0x80, $0x38;
	[tilespmem:$0x2520] =	vst v63  }
0x4e: {  	s21 =	simm.s32 $0x14A0;
	s20 =	rddreg [dreg:$0x9]  }
0x4f: {  	[tilespmem:s21], [sflag:$0x2] =	stream.linear.gather [hbm4b:s20+s28], $0x100, $0x38;
	[tilespmem:$0x2520] =	vst v63  }
0x50: {  	s26 =	simm.s32 $0x1720;
	s22 =	rddreg [dreg:$0xa]  }
0x51: {  	[tilespmem:s26], [sflag:$0x2] =	stream.linear.gather [hbm4b:s22+s28], $0x80, $0x38;
	[tilespmem:$0x2520] =	vst v63  }
0x52: {  	s26 =	simm.s32 $0x1  }
0x53: {  	_ =	swait.ge [sflag:s26], $0x100  }
0x54: {  	[sflag:s26] =	ssyncset.done $0x0  }
0x55: {  	[sflag:s26] =	ssyncadd.s32 $0xFFFFFF00  }
0x56: {  	_ =	swait.ge [sflag:s26], $0x80  }
0x57: {  	[sflag:s26] =	ssyncset.done $0x0  }
0x58: {  	[sflag:s26] =	ssyncadd.s32 $0xFFFFFF80  }
0x59: {  	v2 =	vld [tilespmem:$0x16A0]  }
0x5a: {  	v3 =	vld [tilespmem:$0x1420]  }
0x5b: {  	v4 =	vld [tilespmem:$0x16B0]  }
0x5c: {  	v5 =	vld [tilespmem:$0x1430]  }
0x5d: {  	v6 =	vld [tilespmem:$0x16C0]  }
0x5e: {  	v7 =	vld [tilespmem:$0x1440]  }
0x5f: {  	v8 =	vld [tilespmem:$0x16D0]  }
0x60: {  	v9 =	vld [tilespmem:$0x1450]  }
0x61: {  	v10 =	vld [tilespmem:$0x16E0]  }
0x62: {  	v11 =	vld [tilespmem:$0x1460]  }
0x63: {  	v12 =	vld [tilespmem:$0x16F0]  }
0x64: {  	v13 =	vld [tilespmem:$0x1470];
	v2 =	vmul.u32 $0x2710, v2  }
0x65: {  	v14 =	vld [tilespmem:$0x1700];
	v4 =	vmul.u32 $0x2710, v4  }
0x66: {  	v58 =	vld [tilespmem:$0x1710];
	v2 =	vadd.s32 v3, v2;
	v3 =	vmul.u32 $0x2710, v6  }
0x67: {  	v60 =	vld [tilespmem:$0x1480];
	v59 =	vmul.u32 $0x2710, v8;
	[tilespmem:$0x18A0] =	vst v2;
	v2 =	vadd.s32 v5, v4  }
0x68: {  	v61 =	vld [tilespmem:$0x1490];
	[tilespmem:$0x18B0] =	vst v2;
	v2 =	vadd.s32 v7, v3;
	v3 =	vmul.u32 $0x2710, v10  }
0x69: {  	v62 =	vmul.u32 $0x2710, v12;
	[tilespmem:$0x18C0] =	vst v2;
	v2 =	vadd.s32 v9, v59  }
.Ltmp3:
0x6a: {  	[tilespmem:$0x18D0] =	vst v2;
	v2 =	vadd.s32 v11, v3;
	v3 =	vmul.u32 $0x2710, v14;
	(pc) =	sbr.rel .LBB2_4-.Ltmp3, $4  }
0x6b: {  	v63 =	vmul.u32 $0x2710, v58;
	[tilespmem:$0x18E0] =	vst v2;
	v2 =	vadd.s32 v13, v62  }
0x6c: {  	[tilespmem:$0x18F0] =	vst v2;
	v2 =	vadd.s32 v60, v3  }
0x6d: {  	s29 =	simm.s32 $0x3;
	s30 =	simm.s32 $0x2;
	[tilespmem:$0x1900] =	vst v2;
	v2 =	vadd.s32 v61, v63  }
0x6e: {  	s31 =	simm.s32 $0x2;
	s2 =	simm.s32 $0x0;
	s0 =	simm.s32 $0x0;
	[tilespmem:$0x1910] =	vst v2  }
.LBB2_6:
0x6f: {  	s3 =	smulhi.u32 $0xAAAAAAAB, s28;
	_ =	sdelay $0x1  }
0x70: {  	s4 =	sand.u32 $0x1, s28;
	s3 =	sshrl.u32 s3, $0x1  }
0x71: {  	s6 =	sshra.s32 s2, $0x2;
	p0 =	sne.s32 s19, s5;
	s3 =	smul.u32 $0xFFFFFA00, s3  }
.Ltmp4:
0x72: {  	s2 =	sadd.s32 $0x200, s2;
	s0 =	sadd.s32 $0x400, s0;
	(pc) =	sbr.rel @!p0 .LBB2_7-.Ltmp4, $4  }
0x73: {  	s29 =	sadd.s32 $0x1, s29;
	s31 =	sadd.s32 $0x1, s31;
	s3 =	sshra.s32 s3, $0x2  }
0x74: {  	s26 =	sadd.s32 $0x1, s26;
	s30 =	sadd.s32 $0x1, s30;
	s3 =	sadd.s32 $0x18A0, s3  }
0x75: {  	s28 =	smov.u32 s19;
	s4 =	sor.u32 $0x4, s4;
	s3 =	sadd.s32 s6, s3  }
0x76: {  	[spmem:s1] =	stream.indirect.scatter.add.f32 [tilespmem:s24], [sflag:s4], $0x1, s3, s23, $0xb8;
	[tilespmem:$0x2520] =	vst v63  }
.LBB2_4:
0x77: {  	s19 =	smulhi.u32 $0xAAAAAAAB, s31;
	_ =	sdelay $0x1  }
0x78: {  	s20 =	sshrl.u32 s19, $0x1  }
0x79: {  	p1 =	seq.s32 s2, $0x0;
	s19 =	sadd.s32 $0x1, s28;
	s21 =	smul.u32 $0xC00, s20  }
0x7a: {  	s7 =	sadd.s32 $0x2, s28;
	s22 =	sand.u32 @!p1 $0x1, s19;
	s3 =	smul.u32 $0xFFFFFFF4, s20  }
0x7b: {  	p0 =	sge.u32 s7, s5;
	s20 =	smul.u32 $0x600, s20;
	s22 =	sor.u32 @!p1 $0x4, s22  }
0x7c: {  	s21 =	ssub.s32 $0x800, s21;
	_ =	swait.ge @!p1 [sflag:s22], $0x80;
	s3 =	sshra.s32 s3, $0x2  }
0x7d: {  	s20 =	ssub.s32 $0x400, s20;
	[sflag:s22] =	ssyncset.done @!p1 $0x0;
	s7 =	sadd.s32 @!p0 s21, s0  }
0x7e: {  	s3 =	sadd.s32 s3, s29;
	s21 =	sadd.s32 @!p0 s0, s16;
	s7 =	sshra.s32 @!p0 s7, $0x2  }
0x7f: {  	[sflag:s22] =	ssyncadd.s32 @!p1 $0xFFFFFF80;
	s22 =	simm.s32 @!p0 $0x0;
	s7 =	sadd.s32 @!p0 $0x13A0, s7  }
0x80: {  	[tilespmem:s7], [sflag:s3] =	stream.linear.gather @!p0 [hbm4b:s21+s22], $0x100, $0x38;
	[tilespmem:$0x2520] =	vst v63  }
0x81: {  	s7 =	sadd.s32 @!p0 s20, s2  }
0x82: {  	s7 =	sshra.s32 @!p0 s7, $0x2  }
0x83: {  	s20 =	sadd.s32 @!p0 s2, s15;
	s7 =	sadd.s32 @!p0 $0x16A0, s7  }
0x84: {  	[tilespmem:s7], [sflag:s3] =	stream.linear.gather @!p0 [hbm4b:s20+s22], $0x80, $0x38;
	[tilespmem:$0x2520] =	vst v63  }
0x85: {  	p0 =	sge.u32 s19, s5  }
.Ltmp5:
0x86: {  	_ = 	snop;
	(pc) =	sbr.rel @p0 .LBB2_6-.Ltmp5, $1  }
0x87: {  	_ =	sdelay $0x3  }
0x88: {  	s3 =	smulhi.u32 $0xAAAAAAAB, s26;
	_ =	sdelay $0x1  }
0x89: {  	s3 =	sshrl.u32 s3, $0x1  }
0x8a: {  	s7 =	smul.u32 $0xFFFFFFF4, s3;
	_ =	sdelay $0x1  }
0x8b: {  	s7 =	sshra.s32 s7, $0x2  }
0x8c: {  	s22 =	smul.u32 $0xC00, s3;
	s7 =	sadd.s32 s7, s30  }
0x8d: {  	s21 =	sshra.s32 s2, $0x2;
	_ =	swait.ge [sflag:s7], $0x100  }
0x8e: {  	s9 =	smul.u32 $0x600, s3;
	s8 =	ssub.s32 $0x600, s22;
	[sflag:s7] =	ssyncset.done $0x0  }
0x8f: {  	s10 =	ssub.s32 $0x640, s22;
	s13 =	ssub.s32 $0x680, s22;
	[sflag:s7] =	ssyncadd.s32 $0xFFFFFF00  }
0x90: {  	s12 =	ssub.s32 $0x6C0, s22;
	s20 =	ssub.s32 $0x200, s9;
	_ =	swait.ge [sflag:s7], $0x80  }
0x91: {  	s14 =	ssub.s32 $0x240, s9;
	s6 =	sshra.s32 s20, $0x2;
	[sflag:s7] =	ssyncset.done $0x0  }
0x92: {  	s20 =	sshra.s32 s0, $0x2;
	[sflag:s7] =	ssyncadd.s32 $0xFFFFFF80;
	s7 =	sadd.s32 $0x16A0, s21  }
0x93: {  	s8 =	sshra.s32 s8, $0x2;
	s4 =	sadd.s32 $0x13A0, s20;
	s6 =	sadd.s32 s6, s7  }
0x94: {  	s11 =	ssub.s32 $0x700, s22;
	v2 =	vld [tilespmem:s6+$0x0];
	s6 =	sadd.s32 s8, s4;
	s8 =	sshra.s32 s14, $0x2  }
0x95: {  	s14 =	ssub.s32 $0x280, s9;
	v3 =	vld [tilespmem:s6+$0x0];
	s6 =	sadd.s32 s8, s7;
	s8 =	sshra.s32 s10, $0x2  }
0x96: {  	s10 =	ssub.s32 $0x740, s22;
	v4 =	vld [tilespmem:s6+$0x0];
	s6 =	sadd.s32 s8, s4;
	s8 =	sshra.s32 s14, $0x2  }
0x97: {  	s14 =	ssub.s32 $0x2C0, s9;
	v5 =	vld [tilespmem:s6+$0x0];
	s6 =	sadd.s32 s8, s7;
	s8 =	sshra.s32 s13, $0x2  }
0x98: {  	s13 =	ssub.s32 $0x780, s22;
	s22 =	sshra.s32 s14, $0x2;
	v6 =	vld [tilespmem:s6+$0x0];
	s8 =	sadd.s32 s8, s4  }
0x99: {  	s14 =	ssub.s32 $0x300, s9;
	v7 =	vld [tilespmem:s8+$0x0];
	s8 =	sadd.s32 s22, s7;
	s22 =	sshra.s32 s12, $0x2  }
0x9a: {  	s12 =	smul.u32 $0xFFFFF400, s3;
	v8 =	vld [tilespmem:s8+$0x0];
	s8 =	sadd.s32 s22, s4;
	s22 =	sshra.s32 s14, $0x2  }
0x9b: {  	s14 =	ssub.s32 $0x340, s9;
	v9 =	vld [tilespmem:s8+$0x0];
	s8 =	sadd.s32 s22, s7;
	s22 =	sshra.s32 s11, $0x2  }
0x9c: {  	s3 =	smul.u32 $0xFFFFFA00, s3;
	s11 =	sshra.s32 s14, $0x2;
	v10 =	vld [tilespmem:s8+$0x0];
	s8 =	sadd.s32 s22, s4  }
0x9d: {  	s9 =	ssub.s32 $0x380, s9;
	s14 =	sadd.s32 s11, s7;
	s22 =	sshra.s32 s10, $0x2;
	v11 =	vld [tilespmem:s8+$0x0]  }
0x9e: {  	s3 =	sshra.s32 s3, $0x2;
	s11 =	sshra.s32 s9, $0x2;
	v12 =	vld [tilespmem:s14+$0x0];
	s10 =	sadd.s32 s22, s4  }
0x9f: {  	v2 =	vmul.u32 $0x2710, v2;
	s14 =	sshra.s32 s12, $0x2;
	s22 =	sadd.s32 $0x16A0, s3;
	s11 =	sadd.s32 s11, s7;
	v13 =	vld [tilespmem:s10+$0x0]  }
0xa0: {  	v4 =	vmul.u32 $0x2710, v4;
	s3 =	sadd.s32 $0x18A0, s3;
	s12 =	sshra.s32 s13, $0x2;
	v14 =	vld [tilespmem:s11+$0x0];
	s13 =	sadd.s32 s21, s22  }
0xa1: {  	v2 =	vadd.s32 v3, v2;
	v3 =	vmul.u32 $0x2710, v6;
	s14 =	sadd.s32 $0x13A0, s14;
	s3 =	sadd.s32 s21, s3;
	s4 =	sadd.s32 s12, s4;
	v58 =	vld [tilespmem:s13+$0xF0]  }
0xa2: {  	[tilespmem:s3+$0x80] =	vst v2;
	v2 =	vadd.s32 v5, v4;
	v59 =	vmul.u32 $0x2710, v8;
	v60 =	vld [tilespmem:s4+$0x0];
	s22 =	sadd.s32 s20, s14  }
0xa3: {  	[tilespmem:s3+$0x90] =	vst v2;
	v2 =	vadd.s32 v7, v3;
	v61 =	vld [tilespmem:s22+$0x1F0];
	v3 =	vmul.u32 $0x2710, v10  }
0xa4: {  	[tilespmem:s3+$0xA0] =	vst v2;
	v2 =	vadd.s32 v9, v59;
	v62 =	vmul.u32 $0x2710, v12  }
.Ltmp6:
0xa5: {  	[tilespmem:s3+$0xB0] =	vst v2;
	v2 =	vadd.s32 v11, v3;
	v3 =	vmul.u32 $0x2710, v14;
	(pc) =	sbr.rel .LBB2_6-.Ltmp6, $4  }
0xa6: {  	[tilespmem:s3+$0xC0] =	vst v2;
	v2 =	vadd.s32 v13, v62;
	v63 =	vmul.u32 $0x2710, v58  }
0xa7: {  	[tilespmem:s3+$0xD0] =	vst v2;
	v2 =	vadd.s32 v60, v3  }
0xa8: {  	[tilespmem:s3+$0xE0] =	vst v2;
	v2 =	vadd.s32 v61, v63  }
0xa9: {  	[tilespmem:s3+$0xF0] =	vst v2  }
.LBB2_8:
0xaa: {  	_ =	sfence.sel $0x180000  }
0xab: {  	[bflag:$0x0] =	sbarrier.arrive $0xFFFF  }
0xac: {  	_ =	strace $0x90000047  }
0xad: {  	s0 =	stileid.u32;
	[bflag:$0x2] =	sbarrier.arrive $0xFFFF  }
0xae: {  	p0 =	sne.s32 s0, $0x0;
	s0 =	rddreg [dreg:$0x4]  }
0xaf: {  	s0 =	sadd.s32 @!p0 $0x100000, s0  }
0xb0: {  	[sflag:s0] =	ssyncadd.tile.s32 @!p0 $0x1;
	_ =	shalt  }
.Lfunc_end2:
_tile_overlayer_lowered:
.L_overlay_start_2:
0xb1: {  	(tag) =	ssettag $0x2  }
0xb2: {  	s0 =	rddreg [dreg:$0x0];
	s2 =	stileid.u32  }
0xb3: {  	s1 =	rddreg [dreg:$0x1];
	p0 =	sne.s32 s2, $0x0  }
0xb4: {  	s3 =	rddreg [dreg:$0x2];
	[bflag:$0x3] =	sbarrier.arrive $0xFFFF;
	s2 =	simm.s32 @!p0 $0x1C06  }
0xb5: {  	[timem:s3], [sflag:s2] =	dma.local @!p0 [hbm:s0], s1  }
0xb6: {  	s0 =	simm.s32 @!p0 $0x6  }
0xb7: {  	_ =	swait.ge @!p0 [sflag:s0], s1  }
0xb8: {  	s1 =	ssub.s32 @!p0 $0x0, s1;
	[sflag:s0] =	ssyncset.done @!p0 $0x0  }
0xb9: {  	[sflag:s0] =	ssyncadd.s32 @!p0 s1  }
0xba: {  	[bflag:$0x3] =	sbarrier.arrive $0xFFFF  }
0xbb: {  	_ =	shalt  }

// kernel: kernel.9.cloned.1.call-start
scs
__scs_entry_jumppad:
0x0: {  	(pc) =	sbr.rel $0x88, $3  }
0x1: {  	(tag) =	ssettag $0x0;
	lr =	simm.s32 $0x1  }
0x2: {  	[smem:$0x3F9B] =	sst lr;
	_ =	strace $0xD0000000  }
0x3: {  	_ = 	snop  }
0x4: {  	_ = 	snop  }
0x5: {  	_ = 	snop  }
0x6: {  	_ = 	snop  }
0x7: {  	_ = 	snop  }
__scs_overlays_trampoline_lowered:
0x8: {  	[smem:$0x3FAA] =	sst s0  }
0x9: {  	[smem:$0x3FAB] =	sst s1  }
0xa: {  	[smem:$0x3FAC] =	sst s2  }
0xb: {  	[smem:$0x3FAD] =	sst s3  }
0xc: {  	[smem:$0x3FAE] =	sst s4  }
0xd: {  	[smem:$0x3FAF] =	sst s5  }
0xe: {  	[smem:$0x3FB0] =	sst s6  }
0xf: {  	[smem:$0x3FB1] =	sst s7  }
0x10: {  	[smem:$0x3FB2] =	sst s8  }
0x11: {  	[smem:$0x3FB3] =	sst s9;
	s0 =	simm.s32 @!p0 $0x0  }
0x12: {  	s1 =	sld [smem:$0x3F99];
	s0 =	simm.s32 @p0 $0x1  }
0x13: {  	[smem:$0x3FB4] =	sst s0;
	s0 =	simm.s32 @!p1 $0x0  }
0x14: {  	s2 =	sld [smem:$0x3F98];
	s0 =	simm.s32 @p1 $0x1  }
0x15: {  	[smem:$0x3FB5] =	sst s0;
	s0 =	simm.s32 @!p2 $0x0  }
0x16: {  	s3 =	sld [smem:$0x3FDB];
	s0 =	simm.s32 @p2 $0x1  }
0x17: {  	s4 =	simm.s32 $0x1BF5;
	[smem:$0x3FB7] =	sst s0  }
0x18: {  	s0 =	sld [smem:$0x3F9A];
	_ =	swait.ge [sflag:s4], $0x0  }
0x19: {  	s7 =	sld [smem:$0x3F9B]  }
0x1a: {  	s8 =	sadd.s32 $0xFFFFE003, lr  }
0x1b: {  	s9 =	sadd.s32 $0xFFFFFEF7, lr;
	s5 =	simm.s32 $0xFFFFFFFF;
	p2 =	slt.u32 s8, $0xFFFFF086  }
0x1c: {  	p1 =	slt.u32 s9, $0xF7A;
	s5 =	simm.s32 @!p2 $0x0  }
0x1d: {  	s5 =	simm.s32 @p1 $0x1;
	p0 =	seq.s32 s7, s2  }
0x1e: {  	s7 =	smul.u32 @!p0 $0xF7A, s2;
	p2 =	seq.s32 @!p0 s5, $0x0  }
0x1f: {  	s9 =	smul.u32 $0xF7A, s1;
	s8 =	simm.s32 @!p0 $0x1BF5;
	p2 =	por !p2, p0  }
0x20: {  	[sflag:s8] =	ssyncset.s32 @!p0 $0xFFFFF086;
	s6 =	sadd.s32 @!p0 s3, s7;
	s7 =	simm.s32 @!p0 $0x108  }
0x21: {  	s3 =	sadd.s32 s3, s9;
	s6 =	sadd.s32 @!p0 $0x88, s6;
	s7 =	simm.s32 @p2 $0x1082  }
0x22: {  	[simem:s7], [sflag:s8] =	dma.local @!p0 [hbm:s6], $0xF7A  }
0x23: {  	s9 =	sor.u32 $0xD0000000, s2;
	s6 =	simm.s32 $0x108;
	_ =	swait.ge @!p0 [sflag:s8], $0x0  }
0x24: {  	s3 =	sadd.s32 $0x88, s3;
	s6 =	simm.s32 @!p1 $0x1082;
	[sflag:s4] =	ssyncset.s32 $0xFFFFF086  }
0x25: {  	[simem:s6], [sflag:s4] =	dma.local [hbm:s3], $0xF7A  }
0x26: {  	[smem:$0x3F9B] =	sst s1;
	(tag) =	ssettag s2;
	_ =	strace s9  }
0x27: {  	s1 =	sld [smem:$0x3FAB]  }
0x28: {  	s2 =	sld [smem:$0x3FAC]  }
0x29: {  	s4 =	sld [smem:$0x3FAE]  }
0x2a: {  	p0 =	seq.s32 s5, $0x0;
	s5 =	sld [smem:$0x3FAF]  }
0x2b: {  	s6 =	sld [smem:$0x3FB0]  }
0x2c: {  	s7 =	sld [smem:$0x3FB1]  }
0x2d: {  	s3 =	simm.s32 $0x108;
	s8 =	sld [smem:$0x3FB2]  }
0x2e: {  	s3 =	simm.s32 @!p0 $0x1082;
	s9 =	sld [smem:$0x3FB3]  }
0x2f: {  	lr =	sadd.s32 s0, s3;
	s0 =	sld [smem:$0x3FAA]  }
0x30: {  	s3 =	sld [smem:$0x3FAD]  }
0x31: {  	[smem:$0x3FB6] =	sst s10  }
0x32: {  	s10 =	sld [smem:$0x3FB4];
	_ =	sdelay $0x3  }
0x33: {  	p0 =	seq.s32 s10, $0x1;
	s10 =	sld [smem:$0x3FB6];
	_ =	sdelay $0x3  }
0x34: {  	[smem:$0x3FB6] =	sst s10  }
0x35: {  	s10 =	sld [smem:$0x3FB5];
	_ =	sdelay $0x3  }
0x36: {  	p1 =	seq.s32 s10, $0x1;
	s10 =	sld [smem:$0x3FB6];
	_ =	sdelay $0x3  }
0x37: {  	[smem:$0x3FB6] =	sst s10  }
0x38: {  	s10 =	sld [smem:$0x3FB7]  }
0x39: {  	_ = 	snop;
	(pc) =	sbr.ind lr, $3  }
0x3a: {  	_ = 	snop  }
0x3b: {  	_ = 	snop  }
0x3c: {  	p2 =	seq.s32 s10, $0x1;
	s10 =	sld [smem:$0x3FB6]  }
0x3d: {  	_ =	shalt  }
0x3e: {  	_ =	shalt  }
0x3f: {  	_ =	shalt  }
0x40: {  	_ =	shalt  }
0x41: {  	_ =	shalt  }
0x42: {  	_ =	shalt  }
0x43: {  	_ =	shalt  }
0x44: {  	_ =	shalt  }
0x45: {  	_ =	shalt  }
0x46: {  	_ =	shalt  }
0x47: {  	_ =	shalt  }
0x48: {  	_ =	shalt  }
0x49: {  	_ =	shalt  }
0x4a: {  	_ =	shalt  }
0x4b: {  	_ =	shalt  }
0x4c: {  	_ =	shalt  }
0x4d: {  	_ =	shalt  }
0x4e: {  	_ =	shalt  }
0x4f: {  	_ =	shalt  }
0x50: {  	_ =	shalt  }
0x51: {  	_ =	shalt  }
0x52: {  	_ =	shalt  }
0x53: {  	_ =	shalt  }
0x54: {  	_ =	shalt  }
0x55: {  	_ =	shalt  }
0x56: {  	_ =	shalt  }
0x57: {  	_ =	shalt  }
0x58: {  	_ =	shalt  }
0x59: {  	_ =	shalt  }
0x5a: {  	_ =	shalt  }
0x5b: {  	_ =	shalt  }
0x5c: {  	_ =	shalt  }
0x5d: {  	_ =	shalt  }
0x5e: {  	_ =	shalt  }
0x5f: {  	_ =	shalt  }
0x60: {  	_ =	shalt  }
0x61: {  	_ =	shalt  }
0x62: {  	_ =	shalt  }
0x63: {  	_ =	shalt  }
0x64: {  	_ =	shalt  }
0x65: {  	_ =	shalt  }
0x66: {  	_ =	shalt  }
0x67: {  	_ =	shalt  }
0x68: {  	_ =	shalt  }
0x69: {  	_ =	shalt  }
0x6a: {  	_ =	shalt  }
0x6b: {  	_ =	shalt  }
0x6c: {  	_ =	shalt  }
0x6d: {  	_ =	shalt  }
0x6e: {  	_ =	shalt  }
0x6f: {  	_ =	shalt  }
0x70: {  	_ =	shalt  }
0x71: {  	_ =	shalt  }
0x72: {  	_ =	shalt  }
0x73: {  	_ =	shalt  }
0x74: {  	_ =	shalt  }
0x75: {  	_ =	shalt  }
0x76: {  	_ =	shalt  }
0x77: {  	_ =	shalt  }
0x78: {  	_ =	shalt  }
0x79: {  	_ =	shalt  }
0x7a: {  	_ =	shalt  }
0x7b: {  	_ =	shalt  }
0x7c: {  	_ =	shalt  }
0x7d: {  	_ =	shalt  }
0x7e: {  	_ =	shalt  }
0x7f: {  	_ =	shalt  }
0x80: {  	_ =	shalt  }
0x81: {  	_ =	shalt  }
0x82: {  	_ =	shalt  }
0x83: {  	_ =	shalt  }
0x84: {  	_ =	shalt  }
0x85: {  	_ =	shalt  }
0x86: {  	_ =	shalt  }
0x87: {  	_ =	shalt  }
.Lfunc_end0:
.L_simem_size_0:
called_computation.1_lowered:
.L_overlay_start_0:
0x88: {  	s2 =	sld [smem:$0x3FD9]  }
0x89: {  	s3 =	sld [smem:$0x3FFE];
	_ =	sdelay $0x1  }
0x8a: {  	s1 =	srdreg.scid  }
0x8b: {  	s0 =	sand.u32 $0x1, s1  }
0x8c: {  	s17 =	sshll.u32 s0, $0xA;
	s2 =	sadd.s32 s3, s2  }
0x8d: {  	s2 =	sadd.s32 s2, s17  }
0x8e: {  	[smem:$0x3FC2] =	sst s2  }
0x8f: {  	_ = 	snop  }
0x90: {  	s2 =	sld [smem:$0x3FC8]  }
0x91: {  	s18 =	sld [smem:$0x3FC7]  }
0x92: {  	s4 =	sld [smem:$0x3FD0];
	(tm) =	ssettm $0x1  }
0x93: {  	s5 =	sld [smem:$0x3FFB];
	_ =	sdelay $0x3  }
0x94: {  	_ =	strace s5  }
0x95: {  	s5 =	sld [smem:$0x3FFC];
	_ =	sdelay $0x3  }
0x96: {  	_ =	strace s5  }
0x97: {  	s5 =	sld [smem:$0x3FFD];
	_ =	sdelay $0x3  }
0x98: {  	_ =	strace s5  }
0x99: {  	_ =	strace $0x8FFFFFFF  }
0x9a: {  	s19 =	sld [smem:$0x3FDB];
	_ =	sdelay $0x1  }
0x9b: {  	s6 =	simm.s32 $_scs_section_size  }
0x9c: {  	s7 =	simm.s32 $_size__tile_overlayer_lowered;
	s8 =	simm.s32 $_tile_overlayer_lowered  }
0x9d: {  	s22 =	simm.s32 $0x1BFF;
	s21 =	sshll.u32 s8, $0x1;
	s5 =	sadd.s32 s6, s19  }
0x9e: {  	s9 =	simm.s32 $0x0;
	s20 =	sshll.u32 s7, $0x1;
	s7 =	sadd.s32 s21, s5  }
0x9f: {  	[timem:s9], [sflag:s22] =	dma.local [hbm:s7], s20  }
0xa0: {  	_ =	swait.ge [sflag:s22], s20  }
0xa1: {  	s6 =	ssub.s32 $0x0, s20;
	[sflag:s22] =	ssyncset.done $0x0  }
0xa2: {  	[sflag:s22] =	ssyncadd.s32 s6;
	_ =	sdelay $0x1  }
0xa3: {  	s23 =	simm.s32 $0x1B8B  }
0xa4: {  	_ =	swait.ge [sflag:s23], $0x1  }
0xa5: {  	[sflag:s23] =	ssyncset.done $0x0  }
0xa6: {  	s25 =	simm.s32 $0x1B8E;
	s24 =	sld [smem:$0x3FFE];
	[sflag:s23] =	ssyncadd.s32 $0xFFFFFFFF  }
0xa7: {  	s26 =	simm.s32 $execute0_lowered;
	[smem:$0x3FD2] =	sst s25  }
0xa8: {  	s7 =	sshll.u32 s26, $0x1;
	_ =	strace $0x80000049;
	[dreg:$0x1] =	wrdreg $0xFFFFFFFF  }
0xa9: {  	s28 =	simm.s32 $_size_execute0_lowered;
	s5 =	sadd.s32 s5, s7;
	[dreg:$0x0] =	wrdreg $0x0  }
0xaa: {  	s7 =	sshll.u32 s28, $0x1;
	[dreg:$0x2] =	wrdreg s5  }
0xab: {  	[dreg:$0x3] =	wrdreg s7  }
0xac: {  	[dreg:$0x4] =	wrdreg $0xC0  }
0xad: {  	_ =	task [dreg:s9], $0x5FFFF  }
0xae: {  	[dreg:$0x1] =	wrdreg $0xFFFFFFFF  }
0xaf: {  	[dreg:$0x0] =	wrdreg $0x60  }
0xb0: {  	[dreg:$0x2] =	wrdreg s24  }
0xb1: {  	[dreg:$0x3] =	wrdreg s2  }
0xb2: {  	[dreg:$0x4] =	wrdreg s18  }
0xb3: {  	[dreg:$0x5] =	wrdreg s4  }
0xb4: {  	[dreg:$0x6] =	wrdreg $0x0  }
0xb5: {  	[dreg:$0x7] =	wrdreg $0x140000  }
0xb6: {  	[dreg:$0x8] =	wrdreg $0x9  }
0xb7: {  	_ =	task.clear_ibuf [dreg:s9], $0x9FFFF;
	_ =	strace $0x90000049  }
0xb8: {  	s29 =	simm.s32 $0x9;
	_ =	strace $0x8000004B  }
0xb9: {  	_ =	swait.ge [sflag:s29], $0x1  }
0xba: {  	[sflag:s29] =	ssyncadd.s32 $0xFFFFFFFF  }
0xbb: {  	_ =	strace $0x9000004B  }
0xbc: {  	_ =	sfence  }
0xbd: {  	s30 =	sld [smem:$0x0];
	_ =	sdelay $0x2  }
0xbe: {  	s31 =	sshll.u32 s1, $0xD;
	s1 =	sshrl.u32 s1, $0x2  }
0xbf: {  	s3 =	sand.u32 $0x4000, s31;
	s1 =	sadd.s32 s1, s30  }
0xc0: {  	s0 =	sor.u32 s3, s0;
	s1 =	sshll.u32 s1, $0x11  }
0xc1: {  	s0 =	sor.u32 s1, s0  }
0xc2: {  	s0 =	sadd.s32 $0x8F2B, s0  }
0xc3: {  	[sflag:s0] =	ssyncadd.remote.s32 $0x1  }
0xc4: {  	_ =	sfence.sel $0xFFFF  }
0xc5: {  	[dreg:$0x0] =	wrdreg $0xFFFFFFFF;
	(pc) =	sbr.abs _section_cstart, $3  }
0xc6: {  	[dreg:$0x1] =	wrdreg $0xFFFFFFFF  }
0xc7: {  	_ =	task.clear_ibuf [dreg:s9], $0x2FFFF;
	_ =	strace $0x9FFFFFFF  }
0xc8: {  	(tm) =	ssettm $0x7FFFFFFF  }
0xc9: {  	_ =	shalt  }
tec
execute0_lowered:
.L_overlay_start_1:
0x0: {  	(tag) =	ssettag $0x1  }
0x1: {  	s2 =	rddreg [dreg:$0x0]  }
0x2: {  	s0 =	rddreg [dreg:$0x1]  }
0x3: {  	s1 =	rddreg [dreg:$0x2]  }
0x4: {  	s3 =	rddreg [dreg:$0x3]  }
0x5: {  	s4 =	rddreg [dreg:$0x4];
	s13 =	stileid.u32  }
0x6: {  	s6 =	srdreg.scid;
	s9 =	smul.u32 $0x14000, s13  }
0x7: {  	s5 =	rddreg [dreg:$0x5];
	s29 =	simm.s32 $0x1;
	s10 =	smul.u32 $0x50000, s13  }
0x8: {  	s30 =	simm.s32 $0x173A0;
	s8 =	sand.u32 $0x1, s6;
	s26 =	smul.u32 $0x13A0, s13  }
0x9: {  	s31 =	simm.s32 $0x15FA0;
	s6 =	simm.s32 $0x0;
	s7 =	smul.u32 $0x140000, s8  }
0xa: {  	[smem:$0x7FF] =	sst s6;
	s11 =	ssub.s32 $0x2, s8;
	s12 =	sshll.u32 s8, $0x4  }
0xb: {  	_ =	strace $0x8000004A;
	s25 =	sshrl.u32 s11, $0x1;
	s10 =	sshrl.u32 s10, $0x2  }
0xc: {  	s16 =	sadd.s32 $0x9D0, s26;
	s18 =	sshrl.u32 s26, $0x3;
	s9 =	sadd.s32 s9, s7  }
0xd: {  	s7 =	sadd.s32 $0x1200, s2;
	s8 =	sadd.s32 s10, s4;
	s11 =	ssub.s32 s11, s25  }
0xe: {  	s10 =	sadd.s32 s26, s5;
	s19 =	sadd.s32 s16, s5;
	s9 =	sshrl.u32 s9, $0x3  }
0xf: {  	s14 =	sadd.s32 $0x8000, s8;
	s15 =	sadd.s32 $0xC000, s8;
	[dreg:$0xb] =	wrdreg s10  }
0x10: {  	s17 =	sadd.s32 $0x10000, s8;
	[dreg:$0xd] =	wrdreg s19;
	s25 =	smax.u32 s11, $0x1  }
0x11: {  	s11 =	simm.s32 $0xA;
	s2 =	sadd.s32 s9, s2;
	[dreg:$0x8] =	wrdreg s14  }
0x12: {  	s9 =	sor.u32 s13, s12;
	s13 =	sadd.s32 $0x4000, s8;
	[dreg:$0x9] =	wrdreg s15  }
0x13: {  	[dreg:$0xa] =	wrdreg s17;
	s15 =	sshrl.u32 s16, $0x3;
	s14 =	sadd.s32 s3, s18  }
0x14: {  	s18 =	simm.s32 $0x4E;
	s12 =	simm.s32 $0x1;
	[dreg:$0x13] =	wrdreg s25  }
0x15: {  	s17 =	simm.s32 $0x169A0;
	[dreg:$0x7] =	wrdreg s13;
	s3 =	sadd.s32 s3, s15  }
0x16: {  	p0 =	sgt.u32 s9, $0x3;
	s20 =	sshll.u32 s9, $0x5;
	s21 =	sshll.u32 s9, $0x4  }
0x17: {  	s23 =	sor.u32 $0x20, s9;
	s2 =	sadd.s32 $0x160C00, s2;
	[dreg:$0xc] =	wrdreg s3  }
0x18: {  	s26 =	sadd.s32 $0x2740, s14;
	s28 =	sadd.s32 $0x287A, s14;
	[dreg:$0x12] =	wrdreg s2  }
0x19: {  	s13 =	simm.s32 $0x80;
	s3 =	sadd.s32 s0, s20;
	[dreg:$0x14] =	wrdreg s26  }
0x1a: {  	s18 =	simm.s32 @!p0 $0x4F;
	s22 =	sadd.s32 s1, s21;
	[dreg:$0xe] =	wrdreg s3  }
0x1b: {  	s24 =	sshll.u32 s23, $0x5;
	s12 =	simm.s32 @!p0 $0x0;
	[dreg:$0xf] =	wrdreg s22  }
0x1c: {  	s3 =	sshll.u32 s23, $0x4;
	s10 =	sadd.s32 s0, s24;
	s23 =	sor.u32 $0x8, s12  }
0x1d: {  	s12 =	simm.s32 $0x8;
	[dreg:$0x10] =	wrdreg s10;
	s3 =	sadd.s32 s1, s3  }
0x1e: {  	v0 =	vimm.f32 $0.0e+00;
	s10 =	simm.s32 $0x5;
	[dreg:$0x11] =	wrdreg s3;
	s3 =	simm.s32 $0x4  }
.LBB2_1:
0x1f: {  	s2 =	simm.s32 $0x0;
	s15 =	simm.s32 $0x200  }
.LBB2_2:
0x20: {  	p0 =	sne.s32 s15, $0xFE00;
	[tilespmem:s2+$0x17410] =	vst v0  }
0x21: {  	[tilespmem:s2+$0x173A0] =	vst v0  }
0x22: {  	[tilespmem:s2+$0x173B0] =	vst v0  }
.Ltmp0:
0x23: {  	[tilespmem:s2+$0x173C0] =	vst v0;
	(pc) =	sbr.rel @p0 .LBB2_2-.Ltmp0, $4  }
0x24: {  	[tilespmem:s2+$0x173D0] =	vst v0  }
0x25: {  	[tilespmem:s2+$0x173E0] =	vst v0  }
0x26: {  	[tilespmem:s2+$0x173F0] =	vst v0  }
0x27: {  	[tilespmem:s2+$0x17400] =	vst v0;
	s2 =	sshra.s32 s15, $0x2;
	s15 =	sadd.s32 $0x200, s15  }
0x28: {  	[tilespmem:s2+$0x17410] =	vst v0  }
0x29: {  	[tilespmem:s2+$0x173A0] =	vst v0  }
0x2a: {  	[tilespmem:s2+$0x173B0] =	vst v0  }
0x2b: {  	[tilespmem:s2+$0x173C0] =	vst v0  }
0x2c: {  	[tilespmem:s2+$0x173D0] =	vst v0  }
0x2d: {  	[tilespmem:s2+$0x173E0] =	vst v0  }
0x2e: {  	[tilespmem:s2+$0x173F0] =	vst v0  }
0x2f: {  	[tilespmem:s2+$0x17400] =	vst v0  }
0x30: {  	[spmem:s8] =	stream.linear.scatter [tilespmem:s30], [sflag:$0x8], $0x4000, $0x38;
	[tilespmem:$0x1F3A0] =	vst v63  }
0x31: {  	s21 =	rddreg [dreg:$0x7]  }
0x32: {  	[spmem:s21] =	stream.linear.scatter [tilespmem:s30], [sflag:$0x8], $0x4000, $0x38;
	[tilespmem:$0x1F3A0] =	vst v63  }
0x33: {  	s22 =	rddreg [dreg:$0x8]  }
0x34: {  	[spmem:s22] =	stream.linear.scatter [tilespmem:s30], [sflag:$0x8], $0x4000, $0x38;
	[tilespmem:$0x1F3A0] =	vst v63  }
0x35: {  	s24 =	rddreg [dreg:$0x9]  }
0x36: {  	[spmem:s24] =	stream.linear.scatter [tilespmem:s30], [sflag:$0x8], $0x4000, $0x38;
	[tilespmem:$0x1F3A0] =	vst v63  }
0x37: {  	s25 =	rddreg [dreg:$0xa]  }
0x38: {  	[spmem:s25] =	stream.linear.scatter [tilespmem:s30], [sflag:$0x8], $0x4000, $0x38;
	[tilespmem:$0x1F3A0] =	vst v63  }
0x39: {  	s26 =	simm.s32 $0x0  }
0x3a: {  	[tilespmem:s31], [sflag:$0x4] =	stream.linear.gather [hbm4b:s14+s26], $0x9D0, $0x38;
	[tilespmem:$0x1F3A0] =	vst v63  }
0x3b: {  	s15 =	rddreg [dreg:$0x14]  }
0x3c: {  	[tilespmem:s17], [sflag:$0x5] =	stream.linear.gather [hbm4b:s15+s26], $0x9D0, $0x38;
	[tilespmem:$0x1F3A0] =	vst v63  }
0x3d: {  	_ =	swait.ge [sflag:s3], $0x9D0  }
0x3e: {  	[sflag:s3] =	ssyncset.done $0x0  }
0x3f: {  	[sflag:s3] =	ssyncadd.s32 $0xFFFFF630  }
0x40: {  	_ =	swait.ge [sflag:s10], $0x9D0  }
0x41: {  	[sflag:s10] =	ssyncset.done $0x0  }
0x42: {  	s2 =	simm.s32 $0x0;
	[sflag:s10] =	ssyncadd.s32 $0xFFFFF630  }
0x43: {  	s15 =	simm.s32 $0x40;
	v1 =	vld [tilespmem:s2+$0x169A0]  }
.LBB2_4:
0x44: {  	p0 =	sne.s32 s15, $0x2700;
	v2 =	vld [tilespmem:s2+$0x15FA0];
	_ =	sdelay $0x4  }
0x45: {  	v1 =	vadd.f32 v1, v2;
	_ =	sdelay $0x1  }
0x46: {  	v1 =	vmax.f32 v1, $1.000000000e+00  }
0x47: {  	(erf) = vrcp.f32 v1;
	_ =	sdelay $0x5  }
.Ltmp1:
0x48: {  	(pc) =	sbr.rel @p0 .LBB2_4-.Ltmp1, $3  }
0x49: {  	_ =	sdelay $0x1  }
0x4a: {  	s16 =	sshra.s32 s15, $0x2;
	v2 =	vpop (erf)  }
0x4b: {  	s15 =	sadd.s32 $0x40, s15;
	v1 =	vld [tilespmem:s16+$0x169A0];
	[tilespmem:s2+$0x15FA0] =	vst v2;
	s2 =	smov.u32 s16  }
0x4c: {  	v2 =	vld [tilespmem:s2+$0x15FA0];
	_ =	sdelay $0x4  }
0x4d: {  	v1 =	vadd.f32 v1, v2;
	_ =	sdelay $0x1  }
0x4e: {  	v1 =	vmax.f32 v1, $1.000000000e+00  }
0x4f: {  	(erf) = vrcp.f32 v1;
	_ =	sdelay $0x8  }
0x50: {  	v1 =	vpop (erf)  }
0x51: {  	s25 =	rddreg [dreg:$0xb];
	[tilespmem:s2+$0x15FA0] =	vst v1  }
0x52: {  	[spmem:s25] =	stream.linear.scatter [tilespmem:s31], [sflag:$0xA], $0x9D0, $0x38;
	[tilespmem:$0x1F3A0] =	vst v63  }
0x53: {  	_ =	swait.ge [sflag:s11], $0x9D0  }
0x54: {  	[sflag:s11] =	ssyncset.done $0x0  }
0x55: {  	s26 =	simm.s32 $0x0;
	s15 =	rddreg [dreg:$0xc];
	[sflag:s11] =	ssyncadd.s32 $0xFFFFF630  }
0x56: {  	[tilespmem:s31], [sflag:$0x4] =	stream.linear.gather [hbm4b:s15+s26], $0x9D0, $0x38;
	[tilespmem:$0x1F3A0] =	vst v63  }
0x57: {  	_ = 	snop  }
0x58: {  	[tilespmem:s17], [sflag:$0x5] =	stream.linear.gather [hbm4b:s28+s26], $0x9D0, $0x38;
	[tilespmem:$0x1F3A0] =	vst v63  }
0x59: {  	_ =	swait.ge [sflag:s3], $0x9D0  }
0x5a: {  	[sflag:s3] =	ssyncset.done $0x0  }
0x5b: {  	[sflag:s3] =	ssyncadd.s32 $0xFFFFF630  }
0x5c: {  	_ =	swait.ge [sflag:s10], $0x9D0  }
0x5d: {  	[sflag:s10] =	ssyncset.done $0x0  }
0x5e: {  	s2 =	simm.s32 $0x0;
	[sflag:s10] =	ssyncadd.s32 $0xFFFFF630  }
0x5f: {  	s15 =	simm.s32 $0x40;
	v1 =	vld [tilespmem:s2+$0x169A0]  }
.LBB2_6:
0x60: {  	p0 =	sne.s32 s15, $0x2700;
	v2 =	vld [tilespmem:s2+$0x15FA0];
	_ =	sdelay $0x4  }
0x61: {  	v1 =	vadd.f32 v1, v2;
	_ =	sdelay $0x1  }
0x62: {  	v1 =	vmax.f32 v1, $1.000000000e+00  }
0x63: {  	(erf) = vrcp.f32 v1;
	_ =	sdelay $0x5  }
.Ltmp2:
0x64: {  	(pc) =	sbr.rel @p0 .LBB2_6-.Ltmp2, $3  }
0x65: {  	_ =	sdelay $0x1  }
0x66: {  	s16 =	sshra.s32 s15, $0x2;
	v2 =	vpop (erf)  }
0x67: {  	s15 =	sadd.s32 $0x40, s15;
	v1 =	vld [tilespmem:s16+$0x169A0];
	[tilespmem:s2+$0x15FA0] =	vst v2;
	s2 =	smov.u32 s16  }
0x68: {  	v2 =	vld [tilespmem:s2+$0x15FA0];
	_ =	sdelay $0x4  }
0x69: {  	v1 =	vadd.f32 v1, v2;
	_ =	sdelay $0x1  }
0x6a: {  	v1 =	vmax.f32 v1, $1.000000000e+00  }
0x6b: {  	(erf) = vrcp.f32 v1;
	_ =	sdelay $0x8  }
0x6c: {  	v1 =	vpop (erf)  }
0x6d: {  	s25 =	rddreg [dreg:$0xd];
	[tilespmem:s2+$0x15FA0] =	vst v1  }
0x6e: {  	[spmem:s25] =	stream.linear.scatter [tilespmem:s31], [sflag:$0xA], $0x9D0, $0x38;
	[tilespmem:$0x1F3A0] =	vst v63  }
0x6f: {  	_ =	swait.ge [sflag:s11], $0x9D0  }
0x70: {  	[sflag:s11] =	ssyncset.done $0x0  }
0x71: {  	[sflag:s11] =	ssyncadd.s32 $0xFFFFF630  }
0x72: {  	_ =	swait.ge [sflag:s12], $0x4000  }
0x73: {  	[sflag:s12] =	ssyncset.done $0x0  }
0x74: {  	[sflag:s12] =	ssyncadd.s32 $0xFFFFC000  }
0x75: {  	_ =	swait.ge [sflag:s12], $0x4000  }
0x76: {  	[sflag:s12] =	ssyncset.done $0x0  }
0x77: {  	[sflag:s12] =	ssyncadd.s32 $0xFFFFC000  }
0x78: {  	_ =	swait.ge [sflag:s12], $0x4000  }
0x79: {  	[sflag:s12] =	ssyncset.done $0x0  }
0x7a: {  	[sflag:s12] =	ssyncadd.s32 $0xFFFFC000  }
0x7b: {  	_ =	swait.ge [sflag:s12], $0x4000  }
0x7c: {  	[sflag:s12] =	ssyncset.done $0x0  }
0x7d: {  	[sflag:s12] =	ssyncadd.s32 $0xFFFFC000  }
0x7e: {  	_ =	swait.ge [sflag:s12], $0x4000  }
0x7f: {  	[sflag:s12] =	ssyncset.done $0x0  }
0x80: {  	[sflag:s12] =	ssyncadd.s32 $0xFFFFC000  }
0x81: {  	[bflag:$0x0] =	sbarrier.arrive $0xFFFF  }
0x82: {  	s15 =	simm.s32 $0x0;
	s16 =	simm.s32 $0x153A0;
	s26 =	rddreg [dreg:$0xe]  }
0x83: {  	[tilespmem:s16], [sflag:$0x1] =	stream.linear.gather [hbm4b:s26+s15], $0x100, $0x38;
	[tilespmem:$0x1F3A0] =	vst v63  }
0x84: {  	s17 =	simm.s32 $0x156A0;
	s16 =	rddreg [dreg:$0xf]  }
0x85: {  	[tilespmem:s17], [sflag:$0x1] =	stream.linear.gather [hbm4b:s16+s15], $0x80, $0x38;
	[tilespmem:$0x1F3A0] =	vst v63  }
0x86: {  	s20 =	simm.s32 $0x154A0;
	s19 =	rddreg [dreg:$0x10]  }
0x87: {  	[tilespmem:s20], [sflag:$0x2] =	stream.linear.gather [hbm4b:s19+s15], $0x100, $0x38;
	[tilespmem:$0x1F3A0] =	vst v63  }
0x88: {  	s22 =	simm.s32 $0x15720;
	s21 =	rddreg [dreg:$0x11]  }
0x89: {  	[tilespmem:s22], [sflag:$0x2] =	stream.linear.gather [hbm4b:s21+s15], $0x80, $0x38;
	[tilespmem:$0x1F3A0] =	vst v63  }
0x8a: {  	_ =	swait.ge [sflag:s29], $0x100  }
0x8b: {  	[sflag:s29] =	ssyncset.done $0x0  }
0x8c: {  	[sflag:s29] =	ssyncadd.s32 $0xFFFFFF00  }
0x8d: {  	_ =	swait.ge [sflag:s29], $0x80  }
0x8e: {  	[sflag:s29] =	ssyncset.done $0x0  }
0x8f: {  	[sflag:s29] =	ssyncadd.s32 $0xFFFFFF80  }
0x90: {  	v1 =	vld [tilespmem:$0x156A0]  }
0x91: {  	v2 =	vld [tilespmem:$0x153A0]  }
0x92: {  	v3 =	vld [tilespmem:$0x15420]  }
0x93: {  	v4 =	vld [tilespmem:$0x15420]  }
0x94: {  	v5 =	vld [tilespmem:$0x156B0]  }
0x95: {  	v6 =	vld [tilespmem:$0x153B0]  }
0x96: {  	v7 =	vld [tilespmem:$0x15430]  }
0x97: {  	v8 =	vld [tilespmem:$0x15430]  }
0x98: {  	v9 =	vld [tilespmem:$0x156C0]  }
0x99: {  	v10 =	vld [tilespmem:$0x153C0]  }
0x9a: {  	v11 =	vld [tilespmem:$0x15440]  }
0x9b: {  	v12 =	vld [tilespmem:$0x15440]  }
0x9c: {  	v52 =	vld [tilespmem:$0x15460]  }
0x9d: {  	v58 =	vld [tilespmem:$0x15470]  }
0x9e: {  	v13 =	vld [tilespmem:$0x156D0];
	[tilespmem:$0x158A0] =	vst v4  }
0x9f: {  	v61 =	vld [tilespmem:$0x15480];
	[tilespmem:$0x158B0] =	vst v8  }
0xa0: {  	v14 =	vld [tilespmem:$0x153D0];
	v1 =	vmul.u32 $0x2710, v1;
	[tilespmem:$0x158C0] =	vst v12  }
0xa1: {  	v48 =	vld [tilespmem:$0x156E0];
	[tilespmem:$0x158E0] =	vst v52  }
0xa2: {  	v63 =	vld [tilespmem:$0x15490];
	[tilespmem:$0x158F0] =	vst v58;
	v2 =	vadd.s32 v2, v1  }
0xa3: {  	v1 =	vadd.s32 v1, v3;
	v3 =	vld [tilespmem:$0x15450];
	[tilespmem:$0x15AA0] =	vst v2;
	v2 =	vmul.u32 $0x2710, v5  }
0xa4: {  	v50 =	vld [tilespmem:$0x153E0];
	[tilespmem:$0x15900] =	vst v61  }
0xa5: {  	v49 =	vmul.u32 $0x2710, v9;
	[tilespmem:$0x15CA0] =	vst v1;
	v1 =	vld [tilespmem:$0x15450];
	v47 =	vadd.s32 v6, v2;
	v2 =	vadd.s32 v2, v7  }
0xa6: {  	v53 =	vmul.u32 $0x2710, v13;
	[tilespmem:$0x15CB0] =	vst v2;
	v2 =	vld [tilespmem:$0x15460]  }
0xa7: {  	v54 =	vld [tilespmem:$0x156F0];
	[tilespmem:$0x15910] =	vst v63;
	v51 =	vadd.s32 v10, v49  }
0xa8: {  	v55 =	vld [tilespmem:$0x153F0];
	[tilespmem:$0x15AC0] =	vst v51;
	v5 =	vmul.u32 $0x2710, v48;
	v3 =	vadd.s32 v53, v3  }
0xa9: {  	v57 =	vld [tilespmem:$0x15470];
	[tilespmem:$0x15CD0] =	vst v3  }
0xaa: {  	v3 =	vld [tilespmem:$0x15700];
	[tilespmem:$0x158D0] =	vst v1;
	v1 =	vadd.s32 v50, v5  }
0xab: {  	v59 =	vld [tilespmem:$0x15400];
	[tilespmem:$0x15AE0] =	vst v1;
	v1 =	vadd.s32 v5, v2  }
0xac: {  	v4 =	vadd.s32 v49, v11;
	v2 =	vmul.u32 $0x2710, v54;
	[tilespmem:$0x15CE0] =	vst v1;
	v1 =	vld [tilespmem:$0x15710]  }
0xad: {  	v60 =	vld [tilespmem:$0x15480];
	v56 =	vadd.s32 v14, v53;
	[tilespmem:$0x15CC0] =	vst v4  }
0xae: {  	v62 =	vld [tilespmem:$0x15410];
	[tilespmem:$0x15AD0] =	vst v56;
	v4 =	vadd.s32 v55, v2;
	v2 =	vadd.s32 v2, v57  }
0xaf: {  	v3 =	vmul.u32 $0x2710, v3;
	[tilespmem:$0x15CF0] =	vst v2;
	v2 =	vld [tilespmem:$0x15490]  }
0xb0: {  	[tilespmem:$0x15AB0] =	vst v47  }
0xb1: {  	[tilespmem:$0x15AF0] =	vst v4;
	v6 =	vadd.s32 v59, v3;
	v1 =	vmul.u32 $0x2710, v1  }
0xb2: {  	v3 =	vadd.s32 v3, v60;
	[tilespmem:$0x15B00] =	vst v6  }
0xb3: {  	[tilespmem:$0x15D00] =	vst v3;
	v3 =	vadd.s32 v62, v1  }
0xb4: {  	v1 =	vadd.s32 v1, v2;
	[tilespmem:$0x15B10] =	vst v3  }
0xb5: {  	s24 =	simm.s32 $0x15CA0;
	s25 =	simm.s32 $0x15EA0;
	[tilespmem:$0x15D10] =	vst v1  }
0xb6: {  	[tilespmem:s25], [sflag:$0x4] =	stream.indirect.gather [spmem:s5], $0x1, s24, s13, $0xb8;
	[tilespmem:$0x1F3A0] =	vst v63  }
0xb7: {  	p0 =	por $0x0, $0x0;
	s26 =	simm.s32 $0x15AA0  }
0xb8: {  	[tilespmem:s30], [sflag:$0x6] =	stream.indirect.gather [hbm4b:s7+s13], $0x80, s26, s13, $0xb8;
	[tilespmem:$0x1F3A0] =	vst v63  }
.LBB2_8:
0xb9: {  	s16 =	sadd.s32 $0x2, s15  }
0xba: {  	s2 =	smulhi.u32 $0xAAAAAAAB, s16  }
0xbb: {  	s20 =	sadd.s32 $0x1, s15  }
0xbc: {  	p2 =	seq.s32 s15, $0x0;
	s17 =	sshrl.u32 s2, $0x1;
	s2 =	sand.u32 $0x1, s20  }
0xbd: {  	p1 =	sge.u32 s16, s18;
	s17 =	smul.u32 $0x3, s17;
	s19 =	sor.u32 @!p2 $0x8, s2  }
0xbe: {  	s21 =	sshll.u32 @!p1 s16, $0x5;
	_ =	swait.ge @!p2 [sflag:s19], $0x4000  }
0xbf: {  	s24 =	simm.s32 @!p1 $0x0;
	s16 =	ssub.s32 s16, s17;
	[sflag:s19] =	ssyncset.done @!p2 $0x0  }
0xc0: {  	s17 =	sor.u32 @!p1 s9, s21;
	[sflag:s19] =	ssyncadd.s32 @!p2 $0xFFFFC000;
	s19 =	sshll.u32 @!p1 s16, $0x8  }
0xc1: {  	s21 =	sshll.u32 @!p1 s17, $0x5;
	s22 =	sadd.s32 @!p1 $0x1, s16;
	s16 =	sshll.u32 @!p1 s16, $0x7  }
0xc2: {  	s17 =	sshll.u32 @!p1 s17, $0x4;
	s19 =	sand.u32 @!p1 $0x3FFFFF00, s19;
	s21 =	sand.u32 @!p1 $0x1FFFFFE0, s21  }
0xc3: {  	s16 =	sand.u32 @!p1 $0x3FFFFF80, s16;
	s19 =	sadd.s32 @!p1 $0x153A0, s19;
	s21 =	sadd.s32 @!p1 s0, s21  }
0xc4: {  	[tilespmem:s19], [sflag:s22] =	stream.linear.gather @!p1 [hbm4b:s21+s24], $0x100, $0x38;
	[tilespmem:$0x1F3A0] =	vst v63  }
0xc5: {  	s17 =	sadd.s32 @!p1 s1, s17;
	s16 =	sadd.s32 @!p1 $0x156A0, s16  }
0xc6: {  	[tilespmem:s16], [sflag:s22] =	stream.linear.gather @!p1 [hbm4b:s17+s24], $0x80, $0x38;
	[tilespmem:$0x1F3A0] =	vst v63  }
0xc7: {  	p1 =	sge.u32 s20, s18  }
.Ltmp3:
0xc8: {  	_ = 	snop;
	(pc) =	sbr.rel @p1 .LBB2_10-.Ltmp3, $1  }
0xc9: {  	_ =	sdelay $0x3  }
0xca: {  	s16 =	smulhi.u32 $0xAAAAAAAB, s20;
	_ =	sdelay $0x1  }
0xcb: {  	s16 =	sshrl.u32 s16, $0x1  }
0xcc: {  	s16 =	smul.u32 $0x3, s16;
	_ =	sdelay $0x1  }
0xcd: {  	s17 =	ssub.s32 s20, s16  }
0xce: {  	s16 =	sadd.s32 $0x1, s17  }
0xcf: {  	_ =	swait.ge [sflag:s16], $0x100  }
0xd0: {  	[sflag:s16] =	ssyncset.done $0x0  }
0xd1: {  	[sflag:s16] =	ssyncadd.s32 $0xFFFFFF00  }
0xd2: {  	_ =	swait.ge [sflag:s16], $0x80  }
0xd3: {  	[sflag:s16] =	ssyncset.done $0x0  }
0xd4: {  	s22 =	sshll.u32 s17, $0x7;
	[sflag:s16] =	ssyncadd.s32 $0xFFFFFF80  }
0xd5: {  	s17 =	sshll.u32 s17, $0x8;
	v1 =	vld [tilespmem:s22+$0x156A0]  }
0xd6: {  	s17 =	sand.u32 $0x3FFFFF00, s17  }
0xd7: {  	v2 =	vld [tilespmem:s17+$0x153A0];
	_ =	sdelay $0x2  }
0xd8: {  	v1 =	vmul.u32 $0x2710, v1;
	_ =	sdelay $0x1  }
0xd9: {  	v4 =	vld [tilespmem:s17+$0x153B0];
	v2 =	vadd.s32 v2, v1  }
0xda: {  	[tilespmem:s22+$0x15AA0] =	vst v2;
	v2 =	vld [tilespmem:s22+$0x156B0]  }
0xdb: {  	v3 =	vld [tilespmem:s17+$0x15420]  }
0xdc: {  	v51 =	vld [tilespmem:s22+$0x156C0]  }
0xdd: {  	v5 =	vld [tilespmem:s17+$0x153C0]  }
0xde: {  	v6 =	vld [tilespmem:s22+$0x156D0]  }
0xdf: {  	v7 =	vld [tilespmem:s17+$0x153D0];
	v2 =	vmul.u32 $0x2710, v2  }
0xe0: {  	v8 =	vld [tilespmem:s22+$0x156E0];
	v1 =	vadd.s32 v1, v3  }
0xe1: {  	v9 =	vld [tilespmem:s17+$0x153E0];
	[tilespmem:s22+$0x15CA0] =	vst v1;
	v1 =	vadd.s32 v4, v2  }
0xe2: {  	v3 =	vld [tilespmem:s17+$0x15420];
	[tilespmem:s22+$0x15AB0] =	vst v1  }
0xe3: {  	v1 =	vld [tilespmem:s17+$0x15430]  }
0xe4: {  	v10 =	vld [tilespmem:s22+$0x156F0]  }
0xe5: {  	v11 =	vld [tilespmem:s17+$0x153F0]  }
0xe6: {  	v12 =	vld [tilespmem:s22+$0x15700]  }
0xe7: {  	v13 =	vld [tilespmem:s22+$0x15710];
	v4 =	vmul.u32 $0x2710, v51  }
0xe8: {  	[tilespmem:s22+$0x158A0] =	vst v3;
	v3 =	vld [tilespmem:s17+$0x15400];
	v1 =	vadd.s32 v2, v1;
	v2 =	vmul.u32 $0x2710, v6  }
0xe9: {  	v53 =	vld [tilespmem:s17+$0x15410];
	v52 =	vmul.u32 $0x2710, v8;
	[tilespmem:s22+$0x15CB0] =	vst v1;
	v1 =	vadd.s32 v5, v4  }
0xea: {  	v54 =	vmul.u32 $0x2710, v10;
	[tilespmem:s22+$0x15AC0] =	vst v1;
	v1 =	vld [tilespmem:s17+$0x15430];
	v7 =	vadd.s32 v7, v2  }
0xeb: {  	v56 =	vmul.u32 $0x2710, v12;
	v9 =	vadd.s32 v9, v52;
	[tilespmem:s22+$0x15AD0] =	vst v7;
	v55 =	vld [tilespmem:s17+$0x15440]  }
0xec: {  	v58 =	vmul.u32 $0x2710, v13;
	v11 =	vadd.s32 v11, v54;
	[tilespmem:s22+$0x15AE0] =	vst v9;
	v57 =	vld [tilespmem:s17+$0x15450]  }
0xed: {  	[tilespmem:s22+$0x15AF0] =	vst v11;
	v59 =	vld [tilespmem:s17+$0x15460];
	v3 =	vadd.s32 v3, v56  }
0xee: {  	v6 =	vadd.s32 v53, v58;
	[tilespmem:s22+$0x15B00] =	vst v3;
	v3 =	vld [tilespmem:s17+$0x15470]  }
0xef: {  	[tilespmem:s22+$0x15B10] =	vst v6;
	v60 =	vld [tilespmem:s17+$0x15480]  }
0xf0: {  	v61 =	vld [tilespmem:s17+$0x15490];
	[tilespmem:s22+$0x158B0] =	vst v1;
	v1 =	vadd.s32 v4, v55  }
0xf1: {  	[tilespmem:s22+$0x15CC0] =	vst v1;
	v1 =	vadd.s32 v2, v57  }
0xf2: {  	[tilespmem:s22+$0x15CD0] =	vst v1;
	v1 =	vadd.s32 v52, v59;
	v2 =	vld [tilespmem:s17+$0x15440]  }
0xf3: {  	[tilespmem:s22+$0x15CE0] =	vst v1;
	v1 =	vadd.s32 v54, v3;
	v3 =	vld [tilespmem:s17+$0x15450]  }
0xf4: {  	[tilespmem:s22+$0x15CF0] =	vst v1;
	v1 =	vadd.s32 v56, v60;
	v62 =	vld [tilespmem:s17+$0x15460]  }
0xf5: {  	[tilespmem:s22+$0x15D00] =	vst v1;
	v1 =	vadd.s32 v58, v61;
	v63 =	vld [tilespmem:s17+$0x15470]  }
0xf6: {  	[tilespmem:s22+$0x15D10] =	vst v1;
	v1 =	vld [tilespmem:s17+$0x15480]  }
0xf7: {  	[tilespmem:s22+$0x158C0] =	vst v2;
	v2 =	vld [tilespmem:s17+$0x15490]  }
0xf8: {  	[tilespmem:s22+$0x158D0] =	vst v3  }
0xf9: {  	[tilespmem:s22+$0x158E0] =	vst v62  }
0xfa: {  	[tilespmem:s22+$0x158F0] =	vst v63  }
0xfb: {  	s24 =	sshll.u32 s2, $0x7;
	s21 =	sor.u32 $0x4, s2;
	[tilespmem:s22+$0x15900] =	vst v1  }
0xfc: {  	s25 =	sshll.u32 s2, $0xE;
	s19 =	sadd.s32 $0x15CA0, s22;
	s17 =	sadd.s32 $0x15EA0, s24;
	[tilespmem:s22+$0x15910] =	vst v2  }
0xfd: {  	[tilespmem:s17], [sflag:s21] =	stream.indirect.gather [spmem:s5], $0x1, s19, s13, $0xb8;
	[tilespmem:$0x1F3A0] =	vst v63  }
0xfe: {  	s26 =	sor.u32 $0x6, s2;
	s16 =	sadd.s32 $0x15AA0, s22;
	s17 =	sadd.s32 $0x173A0, s25  }
0xff: {  	[tilespmem:s17], [sflag:s26] =	stream.indirect.gather [hbm4b:s7+s13], $0x80, s16, s13, $0xb8;
	[tilespmem:$0x1F3A0] =	vst v63  }
.LBB2_10:
0x100: {  	s16 =	sand.u32 $0x1, s15  }
0x101: {  	s2 =	sor.u32 $0x4, s16  }
0x102: {  	s17 =	sshll.u32 s16, $0x7;
	_ =	swait.ge [sflag:s2], $0x80  }
0x103: {  	s17 =	sadd.s32 $0x15EA0, s17;
	[sflag:s2] =	ssyncset.done $0x0  }
0x104: {  	s19 =	simm.s32 $0x1;
	s24 =	sor.u32 $0x6, s16;
	v1 =	vmov s17;
	[sflag:s2] =	ssyncadd.s32 $0xFFFFFF80  }
0x105: {  	s19 =	simm.s32 @!p0 $0x0;
	_ =	swait.ge [sflag:s24], $0x4000  }
0x106: {  	s25 =	sshll.u32 s19, $0xE;
	[sflag:s24] =	ssyncset.done $0x0  }
0x107: {  	s19 =	simm.s32 $0x0;
	s21 =	sadd.s32 $0x175A0, s25;
	[sflag:s24] =	ssyncadd.s32 $0xFFFFC000  }
0x108: {  	s26 =	sand.u32 $0x70, s19;
	v3 =	vld [tilespmem:s21+$0x1F0]  }
0x109: {  	v2 =	vld.idx.msk [tilespmem:v1+s26+$0x0 ss:$0x1], $0xffff  }
0x10a: {  	v4 =	vld [tilespmem:s21+$0x1E0]  }
0x10b: {  	v5 =	vld [tilespmem:s21+$0x1D0]  }
0x10c: {  	v6 =	vld [tilespmem:s21+$0x1C0]  }
0x10d: {  	v7 =	vld [tilespmem:s21+$0x1B0]  }
0x10e: {  	v9 =	vld [tilespmem:s21+$0x190]  }
0x10f: {  	s17 =	simm.s32 $0x7;
	v10 =	vld [tilespmem:s21+$0x180]  }
0x110: {  	v12 =	vmov s17;
	v8 =	vld [tilespmem:s21+$0x1A0]  }
0x111: {  	s22 =	simm.s32 $0x6;
	v13 =	vld [tilespmem:s21+$0x160];
	v12 =	vperm.xlane v2, v12  }
0x112: {  	s2 =	sand.u32 $0xE, s22;
	v14 =	vld [tilespmem:s21+$0x150]  }
0x113: {  	v15 =	vmov s2;
	v16 =	vld [tilespmem:s21+$0x140];
	v9 =	vmul.f32 v9, v12  }
0x114: {  	v17 =	vld [tilespmem:s21+$0x130];
	v15 =	vperm.xlane v2, v15;
	v10 =	vmul.f32 v10, v12  }
0x115: {  	v18 =	vld [tilespmem:s21+$0x120];
	v7 =	vmul.f32 v7, v12;
	[tilespmem:s21+$0x190] =	vst v9  }
0x116: {  	v11 =	vld [tilespmem:s21+$0x170];
	v13 =	vmul.f32 v13, v15;
	[tilespmem:s21+$0x180] =	vst v10  }
0x117: {  	v35 =	vld [tilespmem:s21+$0xE0];
	v14 =	vmul.f32 v14, v15;
	[tilespmem:s21+$0x1B0] =	vst v7  }
0x118: {  	v36 =	vld [tilespmem:s21+$0xD0];
	v16 =	vmul.f32 v16, v15;
	[tilespmem:s21+$0x160] =	vst v13  }
0x119: {  	v38 =	vld [tilespmem:s21+$0xC0];
	v17 =	vmul.f32 v17, v15;
	[tilespmem:s21+$0x150] =	vst v14  }
0x11a: {  	v39 =	vld [tilespmem:s21+$0xB0];
	v18 =	vmul.f32 v18, v15;
	[tilespmem:s21+$0x140] =	vst v16  }
0x11b: {  	v40 =	vld [tilespmem:s21+$0xA0];
	v11 =	vmul.f32 v11, v15;
	[tilespmem:s21+$0x130] =	vst v17  }
0x11c: {  	s24 =	simm.s32 $0x5;
	v41 =	vld [tilespmem:s21+$0x60];
	v6 =	vmul.f32 v6, v12;
	[tilespmem:s21+$0x120] =	vst v18  }
0x11d: {  	s2 =	sand.u32 $0xD, s24;
	v42 =	vld [tilespmem:s21+$0x50];
	v4 =	vmul.f32 v4, v12;
	[tilespmem:s21+$0x170] =	vst v11  }
0x11e: {  	v43 =	vld [tilespmem:s21+$0x40];
	v37 =	vmov s2;
	v3 =	vmul.f32 v3, v12;
	[tilespmem:s21+$0x1C0] =	vst v6  }
0x11f: {  	v5 =	vmul.f32 v5, v12;
	v9 =	vld [tilespmem:s21+$0x110];
	v16 =	vperm.xlane v2, v37;
	[tilespmem:s21+$0x1E0] =	vst v4  }
0x120: {  	v10 =	vld [tilespmem:s21+$0x100];
	v4 =	vmul.f32 v8, v12;
	[tilespmem:s21+$0x1F0] =	vst v3  }
0x121: {  	v44 =	vld [tilespmem:s21+$0x30];
	[tilespmem:s21+$0x1D0] =	vst v5;
	v13 =	vmul.f32 v35, v16  }
0x122: {  	v47 =	vld [tilespmem:s21+$0xFFFFFFC0];
	v14 =	vmul.f32 v36, v16;
	[tilespmem:s21+$0x1A0] =	vst v4  }
0x123: {  	s25 =	simm.s32 $0x4;
	v7 =	vld [tilespmem:s21+$0xF0];
	v17 =	vmul.f32 v38, v16;
	[tilespmem:s21+$0xE0] =	vst v13  }
0x124: {  	s26 =	simm.s32 $0x3;
	s2 =	sand.u32 $0xC, s25;
	v6 =	vld [tilespmem:s21+$0xFFFFFFE0];
	[tilespmem:s21+$0xD0] =	vst v14;
	v9 =	vmul.f32 v9, v15  }
0x125: {  	v46 =	vmov s2;
	s2 =	sand.u32 $0xB, s26;
	v8 =	vld [tilespmem:s21+$0xFFFFFFD0];
	[tilespmem:s21+$0xC0] =	vst v17;
	v10 =	vmul.f32 v10, v15  }
0x126: {  	v3 =	vmov s2;
	v18 =	vmul.f32 v39, v16;
	[tilespmem:s21+$0x110] =	vst v9;
	v9 =	vld [tilespmem:s21+$0x90]  }
0x127: {  	v3 =	vperm.xlane v2, v3;
	v15 =	vmul.f32 v40, v16;
	[tilespmem:s21+$0x100] =	vst v10;
	v10 =	vld [tilespmem:s21+$0x80]  }
0x128: {  	v45 =	vld [tilespmem:s21+$0x20];
	[tilespmem:s21+$0xB0] =	vst v18;
	v7 =	vmul.f32 v7, v16  }
0x129: {  	v48 =	vld [tilespmem:s21+$0xFFFFFFA0];
	v6 =	vmul.f32 v6, v3;
	[tilespmem:s21+$0xA0] =	vst v15  }
0x12a: {  	v49 =	vld [tilespmem:s21+$0xFFFFFF80];
	v8 =	vmul.f32 v8, v3;
	[tilespmem:s21+$0xF0] =	vst v7  }
0x12b: {  	v50 =	vld [tilespmem:s21+$0xFFFFFF40];
	[tilespmem:s21+$0xFFFFFFE0] =	vst v6;
	v6 =	vmul.f32 v47, v3;
	v9 =	vmul.f32 v9, v16  }
0x12c: {  	v7 =	vld [tilespmem:s21+$0xFFFFFFF0];
	[tilespmem:s21+$0xFFFFFFD0] =	vst v8;
	v10 =	vmul.f32 v10, v16;
	v16 =	vperm.xlane v2, v46  }
0x12d: {  	v11 =	vld [tilespmem:s21+$0x70];
	[tilespmem:s21+$0xFFFFFFC0] =	vst v6  }
0x12e: {  	[tilespmem:s21+$0x90] =	vst v9;
	v9 =	vld [tilespmem:s21+$0x10];
	v4 =	vmul.f32 v45, v16  }
0x12f: {  	v8 =	vmul.f32 v48, v3;
	[tilespmem:s21+$0x80] =	vst v10;
	v10 =	vld [tilespmem:s21+$0x0]  }
0x130: {  	v5 =	vld [tilespmem:s21+$0xFFFFFFB0];
	[tilespmem:s21+$0x20] =	vst v4;
	v4 =	vmul.f32 v42, v16  }
0x131: {  	v51 =	vld [tilespmem:s21+$0xFFFFFF30];
	[tilespmem:s21+$0xFFFFFFA0] =	vst v8;
	v7 =	vmul.f32 v7, v3  }
0x132: {  	v52 =	vld [tilespmem:s21+$0xFFFFFF10];
	[tilespmem:s21+$0x50] =	vst v4;
	v4 =	vmul.f32 v11, v16  }
0x133: {  	v53 =	vld [tilespmem:s21+$0xFFFFFF00];
	[tilespmem:s21+$0xFFFFFFF0] =	vst v7;
	v9 =	vmul.f32 v9, v16  }
0x134: {  	s17 =	simm.s32 $0x2;
	v11 =	vld [tilespmem:s21+$0xFFFFFF50];
	v10 =	vmul.f32 v10, v16;
	[tilespmem:s21+$0x70] =	vst v4  }
0x135: {  	s2 =	sand.u32 $0xA, s17;
	v4 =	vmul.f32 v5, v3;
	v5 =	vld [tilespmem:s21+$0xFFFFFF20];
	[tilespmem:s21+$0x10] =	vst v9  }
0x136: {  	v6 =	vmov s2;
	v9 =	vld [tilespmem:s21+$0xFFFFFF90];
	[tilespmem:s21+$0x0] =	vst v10;
	v10 =	vmul.f32 v44, v16  }
0x137: {  	v54 =	vld [tilespmem:s21+$0xFFFFFEF0];
	v6 =	vperm.xlane v2, v6;
	[tilespmem:s21+$0xFFFFFFB0] =	vst v4;
	v4 =	vmul.f32 v43, v16  }
0x138: {  	v13 =	vmul.f32 v41, v16;
	[tilespmem:s21+$0x30] =	vst v10;
	v10 =	vld [tilespmem:s21+$0xFFFFFF60]  }
0x139: {  	v55 =	vld [tilespmem:s21+$0xFFFFFEB0];
	[tilespmem:s21+$0x40] =	vst v4;
	v4 =	vmul.f32 v11, v6  }
0x13a: {  	s22 =	simm.s32 $0x1;
	v56 =	vld [tilespmem:s21+$0xFFFFFEA0];
	[tilespmem:s21+$0x60] =	vst v13;
	v5 =	vmul.f32 v5, v6  }
0x13b: {  	v57 =	vld [tilespmem:s21+$0xFFFFFE90];
	s2 =	sand.u32 $0x9, s22;
	v9 =	vmul.f32 v9, v3;
	[tilespmem:s21+$0xFFFFFF50] =	vst v4  }
0x13c: {  	v58 =	vld [tilespmem:s21+$0xFFFFFE70];
	v3 =	vmul.f32 v49, v3;
	v4 =	vmov s2;
	[tilespmem:s21+$0xFFFFFF20] =	vst v5  }
0x13d: {  	v7 =	vld [tilespmem:s21+$0xFFFFFF70];
	v4 =	vperm.xlane v2, v4;
	[tilespmem:s21+$0xFFFFFF90] =	vst v9;
	v9 =	vmul.f32 v10, v6  }
0x13e: {  	v59 =	vld [tilespmem:s21+$0xFFFFFE60];
	[tilespmem:s21+$0xFFFFFF80] =	vst v3;
	v3 =	vmul.f32 v50, v6  }
0x13f: {  	v8 =	vld [tilespmem:s21+$0xFFFFFEE0];
	v5 =	vmul.f32 v54, v4;
	[tilespmem:s21+$0xFFFFFF60] =	vst v9  }
0x140: {  	v10 =	vld [tilespmem:s21+$0xFFFFFED0];
	v12 =	vmul.f32 v56, v4;
	[tilespmem:s21+$0xFFFFFF40] =	vst v3  }
0x141: {  	v11 =	vld [tilespmem:s21+$0xFFFFFEC0];
	v9 =	vmul.f32 v51, v6;
	[tilespmem:s21+$0xFFFFFEF0] =	vst v5  }
0x142: {  	v60 =	vld [tilespmem:s21+$0xFFFFFE20];
	v3 =	vmul.f32 v7, v6;
	[tilespmem:s21+$0xFFFFFEA0] =	vst v12  }
0x143: {  	v61 =	vld [tilespmem:s21+$0xFFFFFE10];
	[tilespmem:s21+$0xFFFFFF30] =	vst v9;
	v9 =	vmul.f32 v53, v6  }
0x144: {  	v7 =	vld [tilespmem:s21+$0xFFFFFE80];
	[tilespmem:s21+$0xFFFFFF70] =	vst v3;
	v3 =	vmul.f32 v8, v4  }
0x145: {  	v8 =	vld [tilespmem:s21+$0xFFFFFE50];
	[tilespmem:s21+$0xFFFFFF00] =	vst v9;
	v9 =	vmul.f32 v10, v4  }
0x146: {  	s24 =	sand.u32 $0x8, s19;
	v5 =	vmul.f32 v11, v4;
	v10 =	vld [tilespmem:s21+$0xFFFFFE40];
	[tilespmem:s21+$0xFFFFFEE0] =	vst v3  }
0x147: {  	v11 =	vld [tilespmem:s21+$0xFFFFFE30];
	v3 =	vmul.f32 v55, v4;
	[tilespmem:s21+$0xFFFFFED0] =	vst v9;
	v9 =	vmov s24  }
0x148: {  	v62 =	vld [tilespmem:s21+$0xFFFFFE00];
	s25 =	smulhi.u32 $0xAAAAAAAB, s15;
	[tilespmem:s21+$0xFFFFFEC0] =	vst v5;
	v9 =	vperm.xlane v2, v9;
	v2 =	vmul.f32 v57, v4  }
0x149: {  	[tilespmem:s21+$0xFFFFFEB0] =	vst v3;
	v3 =	vmul.f32 v52, v6;
	v4 =	vmul.f32 v7, v4  }
0x14a: {  	s2 =	sshrl.u32 s25, $0x1;
	v6 =	vmul.f32 v58, v9;
	v63 =	vmul.f32 v59, v9;
	[tilespmem:s21+$0xFFFFFE90] =	vst v2  }
0x14b: {  	s2 =	smul.u32 $0x3, s2;
	v8 =	vmul.f32 v8, v9;
	v2 =	vmul.f32 v10, v9;
	[tilespmem:s21+$0xFFFFFE80] =	vst v4  }
0x14c: {  	s26 =	sshll.u32 s16, $0xE;
	v4 =	vmul.f32 v11, v9;
	v5 =	vmul.f32 v60, v9;
	[tilespmem:s21+$0xFFFFFE70] =	vst v6  }
0x14d: {  	s17 =	smov.u32 s21;
	s2 =	ssub.s32 s15, s2;
	s15 =	sadd.s32 $0x173A0, s26;
	v7 =	vmul.f32 v61, v9;
	v6 =	vmul.f32 v62, v9;
	[tilespmem:s21+$0xFFFFFE60] =	vst v63  }
.LBB2_11:
0x14e: {  	s25 =	sadd.s32 $0xD, s19  }
0x14f: {  	[tilespmem:s21+$0xFFFFFE50] =	vst v8;
	s17 =	sadd.s32 $0x400, s17;
	s24 =	smov.u32 s19;
	s19 =	sadd.s32 $0x8, s19  }
0x150: {  	s26 =	sand.u32 $0x70, s19;
	s22 =	sand.u32 $0x8, s19;
	s25 =	sand.u32 $0xD, s25;
	v8 =	vld [tilespmem:s17+$0x1F0];
	[tilespmem:s21+$0xFFFFFE40] =	vst v2  }
0x151: {  	p1 =	slt.u32 s19, $0x78;
	v2 =	vld.idx.msk [tilespmem:v1+s26+$0x0 ss:$0x1], $0xffff;
	[tilespmem:s21+$0xFFFFFE30] =	vst v4  }
0x152: {  	v4 =	vld [tilespmem:s17+$0x1E0];
	[tilespmem:s21+$0xFFFFFE20] =	vst v5  }
0x153: {  	v5 =	vld [tilespmem:s17+$0x1D0];
	[tilespmem:s21+$0xFFFFFE10] =	vst v7  }
0x154: {  	v7 =	vld [tilespmem:s17+$0x1C0];
	[tilespmem:s21+$0xFFFFFE00] =	vst v6  }
0x155: {  	v6 =	vld [tilespmem:s17+$0x1B0];
	[tilespmem:s21+$0xFFFFFF10] =	vst v3;
	s21 =	smov.u32 s17  }
0x156: {  	v3 =	vld [tilespmem:s17+$0x1A0]  }
0x157: {  	v9 =	vld [tilespmem:s17+$0x190]  }
0x158: {  	s26 =	sadd.s32 $0xF, s24;
	v10 =	vld [tilespmem:s17+$0x180]  }
0x159: {  	v12 =	vmov s26;
	v11 =	vld [tilespmem:s17+$0x170]  }
0x15a: {  	s26 =	sadd.s32 $0xE, s24;
	v12 =	vperm.xlane v2, v12;
	v13 =	vld [tilespmem:s17+$0x160]  }
0x15b: {  	s26 =	sand.u32 $0xE, s26;
	v14 =	vld [tilespmem:s17+$0x150]  }
0x15c: {  	v15 =	vmov s26;
	v6 =	vmul.f32 v6, v12;
	v16 =	vld [tilespmem:s17+$0x140];
	v9 =	vmul.f32 v9, v12  }
0x15d: {  	v15 =	vperm.xlane v2, v15;
	v17 =	vld [tilespmem:s17+$0x130];
	v10 =	vmul.f32 v10, v12  }
0x15e: {  	v5 =	vmul.f32 v5, v12;
	v7 =	vmul.f32 v7, v12;
	v18 =	vld [tilespmem:s17+$0x120];
	[tilespmem:s17+$0x190] =	vst v9  }
0x15f: {  	v11 =	vmul.f32 v11, v15;
	v9 =	vld [tilespmem:s17+$0x110];
	v13 =	vmul.f32 v13, v15;
	[tilespmem:s17+$0x180] =	vst v10  }
0x160: {  	v8 =	vmul.f32 v8, v12;
	v10 =	vld [tilespmem:s17+$0x100];
	v14 =	vmul.f32 v14, v15;
	[tilespmem:s17+$0x1B0] =	vst v6  }
0x161: {  	v4 =	vmul.f32 v4, v12;
	v6 =	vld [tilespmem:s17+$0xF0];
	v16 =	vmul.f32 v16, v15;
	[tilespmem:s17+$0x160] =	vst v13  }
0x162: {  	v3 =	vmul.f32 v3, v12;
	v13 =	vld [tilespmem:s17+$0xE0];
	v17 =	vmul.f32 v17, v15;
	[tilespmem:s17+$0x150] =	vst v14  }
0x163: {  	v12 =	vld [tilespmem:s17+$0xD0];
	v14 =	vmul.f32 v18, v15;
	[tilespmem:s17+$0x140] =	vst v16  }
0x164: {  	v16 =	vmov s25;
	v18 =	vld [tilespmem:s17+$0xC0];
	v9 =	vmul.f32 v9, v15;
	[tilespmem:s17+$0x130] =	vst v17  }
0x165: {  	v16 =	vperm.xlane v2, v16;
	v17 =	vld [tilespmem:s17+$0xB0];
	v10 =	vmul.f32 v10, v15;
	[tilespmem:s17+$0x120] =	vst v14  }
0x166: {  	v14 =	vld [tilespmem:s17+$0xA0];
	[tilespmem:s17+$0x110] =	vst v9  }
0x167: {  	v6 =	vmul.f32 v6, v16;
	v9 =	vld [tilespmem:s17+$0x90];
	v13 =	vmul.f32 v13, v16;
	[tilespmem:s17+$0x100] =	vst v10  }
0x168: {  	v10 =	vld [tilespmem:s17+$0x80];
	v12 =	vmul.f32 v12, v16;
	[tilespmem:s17+$0x170] =	vst v11  }
0x169: {  	v11 =	vld [tilespmem:s17+$0x70];
	v15 =	vmul.f32 v18, v16;
	[tilespmem:s17+$0xE0] =	vst v13  }
0x16a: {  	v13 =	vld [tilespmem:s17+$0x60];
	v17 =	vmul.f32 v17, v16;
	[tilespmem:s17+$0xD0] =	vst v12  }
0x16b: {  	v12 =	vld [tilespmem:s17+$0x50];
	v14 =	vmul.f32 v14, v16;
	[tilespmem:s17+$0xC0] =	vst v15  }
0x16c: {  	v15 =	vld [tilespmem:s17+$0x40];
	v9 =	vmul.f32 v9, v16;
	[tilespmem:s17+$0xB0] =	vst v17  }
0x16d: {  	v17 =	vld [tilespmem:s17+$0x30];
	v10 =	vmul.f32 v10, v16;
	[tilespmem:s17+$0xA0] =	vst v14  }
0x16e: {  	v14 =	vld [tilespmem:s17+$0x20];
	[tilespmem:s17+$0x90] =	vst v9  }
0x16f: {  	s25 =	sadd.s32 $0xC, s24;
	v9 =	vld [tilespmem:s17+$0x10];
	[tilespmem:s17+$0x80] =	vst v10  }
0x170: {  	s25 =	sand.u32 $0xC, s25;
	v10 =	vld [tilespmem:s17+$0x0];
	[tilespmem:s17+$0xF0] =	vst v6  }
0x171: {  	s26 =	sadd.s32 $0xB, s24;
	v16 =	vmov s25;
	v6 =	vld [tilespmem:s17+$0xFFFFFFF0];
	[tilespmem:s17+$0x1C0] =	vst v7  }
0x172: {  	s25 =	sand.u32 $0xB, s26;
	v16 =	vperm.xlane v2, v16;
	v7 =	vld [tilespmem:s17+$0xFFFFFFE0];
	[tilespmem:s17+$0x1E0] =	vst v4  }
0x173: {  	v4 =	vmov s25;
	v18 =	vld [tilespmem:s17+$0xFFFFFFD0];
	[tilespmem:s17+$0x1F0] =	vst v8  }
0x174: {  	v4 =	vperm.xlane v2, v4;
	v8 =	vld [tilespmem:s17+$0xFFFFFFC0];
	v9 =	vmul.f32 v9, v16;
	[tilespmem:s17+$0x1D0] =	vst v5  }
0x175: {  	v14 =	vmul.f32 v14, v16;
	v5 =	vld [tilespmem:s17+$0xFFFFFFB0];
	v10 =	vmul.f32 v10, v16;
	[tilespmem:s17+$0x1A0] =	vst v3  }
0x176: {  	v17 =	vmul.f32 v17, v16;
	v3 =	vld [tilespmem:s17+$0xFFFFFFA0];
	v6 =	vmul.f32 v6, v4;
	[tilespmem:s17+$0x10] =	vst v9  }
0x177: {  	v15 =	vmul.f32 v15, v16;
	v9 =	vld [tilespmem:s17+$0xFFFFFF90];
	v7 =	vmul.f32 v7, v4;
	[tilespmem:s17+$0x0] =	vst v10  }
0x178: {  	v12 =	vmul.f32 v12, v16;
	v10 =	vld [tilespmem:s17+$0xFFFFFF80];
	v18 =	vmul.f32 v18, v4;
	[tilespmem:s17+$0x20] =	vst v14  }
0x179: {  	s25 =	sadd.s32 $0xA, s24;
	v14 =	vld [tilespmem:s17+$0xFFFFFF70];
	v8 =	vmul.f32 v8, v4;
	[tilespmem:s17+$0xFFFFFFF0] =	vst v6;
	v6 =	vmul.f32 v13, v16  }
0x17a: {  	v11 =	vmul.f32 v11, v16;
	s25 =	sand.u32 $0xA, s25;
	v13 =	vld [tilespmem:s17+$0xFFFFFF60];
	v5 =	vmul.f32 v5, v4;
	[tilespmem:s17+$0x30] =	vst v17  }
0x17b: {  	v16 =	vmov s25;
	v17 =	vld [tilespmem:s17+$0xFFFFFF50];
	v3 =	vmul.f32 v3, v4;
	[tilespmem:s17+$0x50] =	vst v12  }
0x17c: {  	v12 =	vperm.xlane v2, v16;
	v16 =	vld [tilespmem:s17+$0xFFFFFF40];
	v9 =	vmul.f32 v9, v4;
	[tilespmem:s17+$0x60] =	vst v6  }
0x17d: {  	v6 =	vld [tilespmem:s17+$0xFFFFFF30];
	v4 =	vmul.f32 v10, v4;
	[tilespmem:s17+$0xFFFFFFE0] =	vst v7  }
0x17e: {  	v7 =	vld [tilespmem:s17+$0xFFFFFF20];
	v10 =	vmul.f32 v14, v12;
	[tilespmem:s17+$0x70] =	vst v11  }
0x17f: {  	v11 =	vld [tilespmem:s17+$0xFFFFFF10];
	v13 =	vmul.f32 v13, v12;
	[tilespmem:s17+$0xFFFFFFD0] =	vst v18  }
0x180: {  	v14 =	vld [tilespmem:s17+$0xFFFFFF00];
	v17 =	vmul.f32 v17, v12;
	[tilespmem:s17+$0xFFFFFFC0] =	vst v8  }
0x181: {  	s24 =	sadd.s32 $0x9, s24;
	v8 =	vld [tilespmem:s17+$0xFFFFFEF0];
	v16 =	vmul.f32 v16, v12;
	[tilespmem:s17+$0xFFFFFFB0] =	vst v5  }
0x182: {  	s24 =	sand.u32 $0x9, s24;
	v5 =	vld [tilespmem:s17+$0xFFFFFEE0];
	v6 =	vmul.f32 v6, v12;
	[tilespmem:s17+$0xFFFFFFA0] =	vst v3  }
0x183: {  	v3 =	vmov s24;
	v18 =	vld [tilespmem:s17+$0xFFFFFED0];
	v7 =	vmul.f32 v7, v12;
	[tilespmem:s17+$0xFFFFFF90] =	vst v9  }
0x184: {  	v9 =	vperm.xlane v2, v3;
	v19 =	vld [tilespmem:s17+$0xFFFFFEC0];
	v3 =	vmul.f32 v11, v12;
	[tilespmem:s17+$0x40] =	vst v15  }
0x185: {  	v11 =	vld [tilespmem:s17+$0xFFFFFEB0];
	v12 =	vmul.f32 v14, v12;
	[tilespmem:s17+$0xFFFFFF80] =	vst v4  }
0x186: {  	v4 =	vld [tilespmem:s17+$0xFFFFFEA0];
	v8 =	vmul.f32 v8, v9;
	[tilespmem:s17+$0xFFFFFF60] =	vst v13  }
0x187: {  	v13 =	vld [tilespmem:s17+$0xFFFFFE90];
	v5 =	vmul.f32 v5, v9;
	[tilespmem:s17+$0xFFFFFF50] =	vst v17  }
0x188: {  	v14 =	vld [tilespmem:s17+$0xFFFFFE80];
	v15 =	vmul.f32 v18, v9;
	[tilespmem:s17+$0xFFFFFF40] =	vst v16  }
0x189: {  	v16 =	vld [tilespmem:s17+$0xFFFFFE70];
	v17 =	vmul.f32 v19, v9;
	[tilespmem:s17+$0xFFFFFF30] =	vst v6  }
0x18a: {  	v6 =	vld [tilespmem:s17+$0xFFFFFE60];
	v11 =	vmul.f32 v11, v9;
	[tilespmem:s17+$0xFFFFFF20] =	vst v7  }
0x18b: {  	v7 =	vmov s22;
	v18 =	vld [tilespmem:s17+$0xFFFFFE50];
	v19 =	vmul.f32 v4, v9;
	[tilespmem:s17+$0xFFFFFF70] =	vst v10  }
0x18c: {  	v10 =	vperm.xlane v2, v7;
	v2 =	vld [tilespmem:s17+$0xFFFFFE40];
	v7 =	vmul.f32 v13, v9;
	[tilespmem:s17+$0xFFFFFF00] =	vst v12  }
0x18d: {  	v4 =	vld [tilespmem:s17+$0xFFFFFE30];
	v9 =	vmul.f32 v14, v9;
	[tilespmem:s17+$0xFFFFFEF0] =	vst v8  }
0x18e: {  	v12 =	vld [tilespmem:s17+$0xFFFFFE20];
	v13 =	vmul.f32 v16, v10;
	[tilespmem:s17+$0xFFFFFEE0] =	vst v5  }
0x18f: {  	v14 =	vld [tilespmem:s17+$0xFFFFFE10];
	v16 =	vmul.f32 v6, v10;
	[tilespmem:s17+$0xFFFFFED0] =	vst v15  }
0x190: {  	v6 =	vld [tilespmem:s17+$0xFFFFFE00];
	v8 =	vmul.f32 v18, v10;
	[tilespmem:s17+$0xFFFFFEC0] =	vst v17  }
0x191: {  	v2 =	vmul.f32 v2, v10;
	[tilespmem:s17+$0xFFFFFEB0] =	vst v11  }
.Ltmp4:
0x192: {  	v4 =	vmul.f32 v4, v10;
	[tilespmem:s17+$0xFFFFFEA0] =	vst v19;
	(pc) =	sbr.rel @p1 .LBB2_11-.Ltmp4, $4  }
0x193: {  	v5 =	vmul.f32 v12, v10;
	[tilespmem:s17+$0xFFFFFE90] =	vst v7  }
0x194: {  	v7 =	vmul.f32 v14, v10;
	[tilespmem:s17+$0xFFFFFE80] =	vst v9  }
0x195: {  	v6 =	vmul.f32 v6, v10;
	[tilespmem:s17+$0xFFFFFE70] =	vst v13  }
0x196: {  	[tilespmem:s17+$0xFFFFFE60] =	vst v16  }
0x197: {  	[tilespmem:s21+$0xFFFFFE50] =	vst v8  }
0x198: {  	[tilespmem:s21+$0xFFFFFE40] =	vst v2  }
0x199: {  	[tilespmem:s21+$0xFFFFFE30] =	vst v4  }
0x19a: {  	[tilespmem:s21+$0xFFFFFE20] =	vst v5;
	p1 =	sne.s32 s20, s18  }
.Ltmp5:
0x19b: {  	[tilespmem:s21+$0xFFFFFE10] =	vst v7;
	s2 =	sshll.u32 s2, $0x7;
	(pc) =	sbr.rel @p1 .LBB2_8-.Ltmp5, $4  }
0x19c: {  	[tilespmem:s21+$0xFFFFFE00] =	vst v6;
	s2 =	sand.u32 $0x3FFFFF80, s2  }
0x19d: {  	[tilespmem:s21+$0xFFFFFF10] =	vst v3;
	s16 =	sor.u32 $0x8, s16;
	s2 =	sadd.s32 $0x158A0, s2  }
0x19e: {  	[spmem:s4] =	stream.indirect.scatter.add.f32 [tilespmem:s15], [sflag:s16], $0x80, s2, s13, $0xb8;
	[tilespmem:$0x1F3A0] =	vst v63  }
0x19f: {  	p0 =	por !p0, !p0;
	s15 =	smov.u32 s20  }
0x1a0: {  	_ =	swait.ge [sflag:s23], $0x4000  }
0x1a1: {  	[sflag:s23] =	ssyncset.done $0x0  }
0x1a2: {  	s2 =	stileid.u32;
	[sflag:s23] =	ssyncadd.s32 $0xFFFFC000  }
0x1a3: {  	s2 =	sshll.u32 s2, $0x6;
	[bflag:$0x0] =	sbarrier.arrive $0xFFFF  }
0x1a4: {  	s15 =	sshrl.u32 s8, $0x3;
	s2 =	sor.u32 $0x1C0A, s2;
	s16 =	rddreg [dreg:$0x12]  }
0x1a5: {  	[hbm:s16], [sflag:s2] =	dma.local [spmem:s15], $0x2800  }
0x1a6: {  	_ =	swait.ge [sflag:s11], $0x2800  }
0x1a7: {  	s6 =	sadd.s32 $0x1, s6;
	s26 =	rddreg [dreg:$0x13]  }
0x1a8: {  	p0 =	sne.s32 s6, s26  }
.Ltmp6:
0x1a9: {  	_ = 	snop;
	(pc) =	sbr.rel @p0 .LBB2_1-.Ltmp6, $3  }
0x1aa: {  	_ =	sdelay $0x1  }
0x1ab: {  	[sflag:s11] =	ssyncset.done $0x0  }
0x1ac: {  	s17 =	simm.s32 $0x169A0;
	[sflag:s11] =	ssyncadd.s32 $0xFFFFD800  }
0x1ad: {  	_ =	sfence.sel $0x180000  }
0x1ae: {  	[bflag:$0x0] =	sbarrier.arrive $0xFFFF  }
0x1af: {  	_ =	strace $0x9000004A  }
0x1b0: {  	s0 =	stileid.u32;
	[bflag:$0x2] =	sbarrier.arrive $0xFFFF  }
0x1b1: {  	p0 =	sne.s32 s0, $0x0;
	s0 =	rddreg [dreg:$0x6]  }
0x1b2: {  	s0 =	sadd.s32 @!p0 $0x100000, s0  }
0x1b3: {  	[sflag:s0] =	ssyncadd.tile.s32 @!p0 $0x1;
	_ =	shalt  }
.Lfunc_end2:
_tile_overlayer_lowered:
.L_overlay_start_2:
0x1b4: {  	(tag) =	ssettag $0x2  }
0x1b5: {  	s0 =	rddreg [dreg:$0x0];
	s2 =	stileid.u32  }
0x1b6: {  	s1 =	rddreg [dreg:$0x1];
	p0 =	sne.s32 s2, $0x0  }
0x1b7: {  	s3 =	rddreg [dreg:$0x2];
	[bflag:$0x3] =	sbarrier.arrive $0xFFFF;
	s2 =	simm.s32 @!p0 $0x1C0A  }
0x1b8: {  	[timem:s3], [sflag:s2] =	dma.local @!p0 [hbm:s0], s1  }
0x1b9: {  	s0 =	simm.s32 @!p0 $0xA  }
0x1ba: {  	_ =	swait.ge @!p0 [sflag:s0], s1  }
0x1bb: {  	s1 =	ssub.s32 @!p0 $0x0, s1;
	[sflag:s0] =	ssyncset.done @!p0 $0x0  }
0x1bc: {  	[sflag:s0] =	ssyncadd.s32 @!p0 s1  }
0x1bd: {  	[bflag:$0x3] =	sbarrier.arrive $0xFFFF  }
0x1be: {  	_ =	shalt  }

</sc_bundles>
